<compile_context>
chip_gen: v7x
topology: tpu7x:2x2x1
jax: 0.10.2.dev20260603
libtpu: 0.0.44.dev20260713+nightly
codegen_flags: <defaults>
</compile_context>

<pallas_src>
import functools

import jax
import jax.numpy as jnp
from jax import lax
from jax.experimental import pallas as pl
from jax.experimental.pallas import tpu as pltpu
from jax.experimental.pallas import tpu_sc as plsc

_STEPS = 128
_X_MIN = 0.0
_X_MAX = 1.0
_L = 16
_CH = 32
_NSLOT = 16


def _make_sc_kernel(n: int, c: int):
    info = plsc.get_sparse_core_info()
    nc, ns = info.num_cores, info.num_subcores
    nw = nc * ns
    assert n % (nw * _CH) == 0
    n_per_w = n // nw
    ch_per_j = n_per_w // _CH
    n_chunks = c * ch_per_j
    groups = _CH // _L

    mesh = plsc.VectorSubcoreMesh(core_axis_name="c", subcore_axis_name="s")

    @functools.partial(
        pl.kernel,
        mesh=mesh,
        out_type=jax.ShapeDtypeStruct((c, n, _STEPS), jnp.float32),
        compiler_params=pltpu.CompilerParams(needs_layout_passes=False),
        scratch_types=(
            [pltpu.VMEM((c * n_per_w,), jnp.float32)]
            + [pltpu.VMEM((_CH, _STEPS), jnp.float32)] * _NSLOT
            + [pltpu.VMEM((_CH,), jnp.int32)] * _NSLOT
            + [pltpu.SemaphoreType.DMA] * (_NSLOT + 1)
        ),
    )
    def k(xt_hbm, out_hbm, *refs):
        x_v = refs[0]
        bufs = refs[1:1 + _NSLOT]
        poss = refs[1 + _NSLOT:1 + 2 * _NSLOT]
        sems = refs[1 + 2 * _NSLOT:1 + 3 * _NSLOT]
        xsem = refs[1 + 3 * _NSLOT]

        wid = lax.axis_index("s") * nc + lax.axis_index("c")
        i_base = wid * n_per_w

        xcopies = [
            pltpu.make_async_copy(xt_hbm.at[j, pl.ds(i_base, n_per_w)],
                                  x_v.at[pl.ds(j * n_per_w, n_per_w)], xsem)
            for j in range(c)
        ]
        for cp in xcopies:
            cp.start()

        lane = lax.iota(jnp.int32, _L)
        ones = jnp.full((_L,), 1.0, jnp.float32)
        zeros = jnp.zeros((_L,), jnp.float32)
        ivs = [g * _L + lane for g in range(groups)]

        def _zero(t, _):
            rr = t // (_STEPS // _L)
            kk = (t % (_STEPS // _L)) * _L
            rv = jnp.full((_L,), rr, jnp.int32)
            kv = kk + lane
            for s in range(_NSLOT):
                plsc.store_scatter(bufs[s], [rv, kv], zeros)
            return 0
        lax.fori_loop(0, _CH * (_STEPS // _L), _zero, 0)

        for cp in xcopies:
            cp.wait()

        def _chunk(t, buf, posv, sem):
            jj = t // ch_per_j
            io = (t % ch_per_j) * _CH

            @pl.when(t >= _NSLOT)
            def _():
                pltpu.make_async_copy(
                    buf, out_hbm.at[jj, pl.ds(i_base + io, _CH)], sem).wait()
                for g in range(groups):
                    pv = posv[pl.ds(g * _L, _L)]
                    plsc.store_scatter(buf, [ivs[g], pv], zeros)

            for g in range(groups):
                xv = x_v[pl.ds(jj * n_per_w + io + g * _L, _L)]
                xs = (xv - _X_MIN) * ((_STEPS - 1) / (_X_MAX - _X_MIN))
                kv = jnp.clip(xs, 0.0, float(_STEPS - 1)).astype(jnp.int32)
                posv[pl.ds(g * _L, _L)] = kv
                plsc.store_scatter(buf, [ivs[g], kv], ones)

            pltpu.make_async_copy(
                buf, out_hbm.at[jj, pl.ds(i_base + io, _CH)], sem).start()

        def _step(t, _):
            for s in range(_NSLOT):
                _chunk(t * _NSLOT + s, bufs[s], poss[s], sems[s])
            return 0
        lax.fori_loop(0, n_chunks // _NSLOT, _step, 0)

        for s in range(_NSLOT):
            pltpu.make_async_copy(
                bufs[s], out_hbm.at[0, pl.ds(i_base, _CH)], sems[s]).wait()

    return k


def kernel(x, eye):
    del eye
    n, c = x.shape
    out_t = _make_sc_kernel(n, c)(x.T)
    return jnp.transpose(out_t, (1, 0, 2))

# --- scband reference (transcript-rebuilt; emitter-appended) ---
"""Pipeline reference for scband-hard-one-hot-38379827757423 (READ-ONLY COPY).

The authoritative reference and input builder live on the scoring server;
editing this copy changes nothing except your own understanding.
"""

import jax, jax.numpy as jnp
import numpy as np

X_MIN = 0.0
X_MAX = 1.0
STEPS = 128

def setup_inputs(seed: int = 0) -> dict:
    key = jax.random.key(seed)
    x = jax.random.uniform(key, (16384, 26), dtype=jnp.float32)
    eye = jnp.eye(STEPS, dtype=jnp.float32)
    return {"x": x, "eye": eye}

def reference(x, eye):
    # x = (x - x_min) * (steps - 1) / (x_max - x_min)
    xs = (x - X_MIN) * (STEPS - 1) / (X_MAX - X_MIN)
    idx = jnp.clip(xs, 0, STEPS - 1).astype(jnp.int32)
    # gather one-hot rows from identity table (embedding lookup)
    c = jnp.take(eye, idx, axis=0)
    return c

if __name__ == "__main__":
    import jax
    _d = setup_inputs()
    print(jax.jit(kernel)(*tuple(_d.values())))

</pallas_src>

<mosaic_0001>
#map = affine_map<(d0, d1) -> (0, 0)>
#map1 = affine_map<(d0, d1) -> (0, 0, 0)>
module attributes {stable_mosaic.version = 14 : i64} {
  func.func @k(%arg0: i32, %arg1: i32, %arg2: memref<26x16384xf32, #tpu.memory_space<hbm>>, %arg3: memref<26x16384x128xf32, #tpu.memory_space<hbm>>, %arg4: memref<13312xf32, #tpu.memory_space<vmem>>, %arg5: memref<32x128xf32, #tpu.memory_space<vmem>>, %arg6: memref<32x128xf32, #tpu.memory_space<vmem>>, %arg7: memref<32x128xf32, #tpu.memory_space<vmem>>, %arg8: memref<32x128xf32, #tpu.memory_space<vmem>>, %arg9: memref<32x128xf32, #tpu.memory_space<vmem>>, %arg10: memref<32x128xf32, #tpu.memory_space<vmem>>, %arg11: memref<32x128xf32, #tpu.memory_space<vmem>>, %arg12: memref<32x128xf32, #tpu.memory_space<vmem>>, %arg13: memref<32x128xf32, #tpu.memory_space<vmem>>, %arg14: memref<32x128xf32, #tpu.memory_space<vmem>>, %arg15: memref<32x128xf32, #tpu.memory_space<vmem>>, %arg16: memref<32x128xf32, #tpu.memory_space<vmem>>, %arg17: memref<32x128xf32, #tpu.memory_space<vmem>>, %arg18: memref<32x128xf32, #tpu.memory_space<vmem>>, %arg19: memref<32x128xf32, #tpu.memory_space<vmem>>, %arg20: memref<32x128xf32, #tpu.memory_space<vmem>>, %arg21: memref<32xi32, #tpu.memory_space<vmem>>, %arg22: memref<32xi32, #tpu.memory_space<vmem>>, %arg23: memref<32xi32, #tpu.memory_space<vmem>>, %arg24: memref<32xi32, #tpu.memory_space<vmem>>, %arg25: memref<32xi32, #tpu.memory_space<vmem>>, %arg26: memref<32xi32, #tpu.memory_space<vmem>>, %arg27: memref<32xi32, #tpu.memory_space<vmem>>, %arg28: memref<32xi32, #tpu.memory_space<vmem>>, %arg29: memref<32xi32, #tpu.memory_space<vmem>>, %arg30: memref<32xi32, #tpu.memory_space<vmem>>, %arg31: memref<32xi32, #tpu.memory_space<vmem>>, %arg32: memref<32xi32, #tpu.memory_space<vmem>>, %arg33: memref<32xi32, #tpu.memory_space<vmem>>, %arg34: memref<32xi32, #tpu.memory_space<vmem>>, %arg35: memref<32xi32, #tpu.memory_space<vmem>>, %arg36: memref<32xi32, #tpu.memory_space<vmem>>, %arg37: memref<!tpu.dma_semaphore, #tpu.memory_space<semaphore_mem>>, %arg38: memref<!tpu.dma_semaphore, #tpu.memory_space<semaphore_mem>>, %arg39: memref<!tpu.dma_semaphore, #tpu.memory_space<semaphore_mem>>, %arg40: memref<!tpu.dma_semaphore, #tpu.memory_space<semaphore_mem>>, %arg41: memref<!tpu.dma_semaphore, #tpu.memory_space<semaphore_mem>>, %arg42: memref<!tpu.dma_semaphore, #tpu.memory_space<semaphore_mem>>, %arg43: memref<!tpu.dma_semaphore, #tpu.memory_space<semaphore_mem>>, %arg44: memref<!tpu.dma_semaphore, #tpu.memory_space<semaphore_mem>>, %arg45: memref<!tpu.dma_semaphore, #tpu.memory_space<semaphore_mem>>, %arg46: memref<!tpu.dma_semaphore, #tpu.memory_space<semaphore_mem>>, %arg47: memref<!tpu.dma_semaphore, #tpu.memory_space<semaphore_mem>>, %arg48: memref<!tpu.dma_semaphore, #tpu.memory_space<semaphore_mem>>, %arg49: memref<!tpu.dma_semaphore, #tpu.memory_space<semaphore_mem>>, %arg50: memref<!tpu.dma_semaphore, #tpu.memory_space<semaphore_mem>>, %arg51: memref<!tpu.dma_semaphore, #tpu.memory_space<semaphore_mem>>, %arg52: memref<!tpu.dma_semaphore, #tpu.memory_space<semaphore_mem>>, %arg53: memref<!tpu.dma_semaphore, #tpu.memory_space<semaphore_mem>>) attributes {dimension_semantics = [#tpu.dimension_semantics<core_parallel>, #tpu.dimension_semantics<subcore_parallel>], iteration_bounds = array<i64: 2, 16>, scalar_prefetch = 0 : i64, scratch_operands = 50 : i64, tpu.core_type = #tpu.core_type<sc_vector_subcore>, window_params = [{transform_indices = #map}, {transform_indices = #map1}]} {
    %mul3A = arith.constant 2 : i32
    %mul3A_0 = arith.muli %arg1, %mul3A : i32
    %add3A = arith.addi %mul3A_0, %arg0 : i32
    %mul3A_1 = arith.constant 512 : i32
    %mul3A_2 = arith.muli %add3A, %mul3A_1 : i32
    %dma_start3A = arith.constant 0 : i32
    %dma_start3A_3 = arith.constant 0 : i32
    %dma_start3A_4 = tpu.memref_slice %arg4[%dma_start3A_3] : memref<13312xf32, #tpu.memory_space<vmem>> -> memref<512xf32, #tpu.memory_space<vmem>>
    %dma_start3A_5 = tpu.memref_slice %arg2[%dma_start3A, %mul3A_2] : memref<26x16384xf32, #tpu.memory_space<hbm>> -> memref<1x512xf32, #tpu.memory_space<hbm>>
    %dma_start3A_6 = tpu.memref_squeeze %dma_start3A_5 : memref<1x512xf32, #tpu.memory_space<hbm>> -> memref<512xf32, #tpu.memory_space<hbm>>
    %dma_start3A_7 = arith.constant 0 : i32
    %dma_start3A_8 = tpu.memref_slice %arg4[%dma_start3A_7] : memref<13312xf32, #tpu.memory_space<vmem>> -> memref<512xf32, #tpu.memory_space<vmem>>
    %dma_start3A_9 = tpu.memref_slice %arg2[%dma_start3A, %mul3A_2] : memref<26x16384xf32, #tpu.memory_space<hbm>> -> memref<1x512xf32, #tpu.memory_space<hbm>>
    %dma_start3A_10 = tpu.memref_squeeze %dma_start3A_9 : memref<1x512xf32, #tpu.memory_space<hbm>> -> memref<512xf32, #tpu.memory_space<hbm>>
    tpu.enqueue_dma source(%dma_start3A_10 : memref<512xf32, #tpu.memory_space<hbm>>) target(%dma_start3A_8 : memref<512xf32, #tpu.memory_space<vmem>>) target_semaphore(%arg53 : memref<!tpu.dma_semaphore, #tpu.memory_space<semaphore_mem>>)
    %dma_start3A_11 = arith.constant 1 : i32
    %dma_start3A_12 = arith.constant 512 : i32
    %dma_start3A_13 = tpu.memref_slice %arg4[%dma_start3A_12] : memref<13312xf32, #tpu.memory_space<vmem>> -> memref<512xf32, #tpu.memory_space<vmem>>
    %dma_start3A_14 = tpu.memref_slice %arg2[%dma_start3A_11, %mul3A_2] : memref<26x16384xf32, #tpu.memory_space<hbm>> -> memref<1x512xf32, #tpu.memory_space<hbm>>
    %dma_start3A_15 = tpu.memref_squeeze %dma_start3A_14 : memref<1x512xf32, #tpu.memory_space<hbm>> -> memref<512xf32, #tpu.memory_space<hbm>>
    %dma_start3A_16 = arith.constant 512 : i32
    %dma_start3A_17 = tpu.memref_slice %arg4[%dma_start3A_16] : memref<13312xf32, #tpu.memory_space<vmem>> -> memref<512xf32, #tpu.memory_space<vmem>>
    %dma_start3A_18 = tpu.memref_slice %arg2[%dma_start3A_11, %mul3A_2] : memref<26x16384xf32, #tpu.memory_space<hbm>> -> memref<1x512xf32, #tpu.memory_space<hbm>>
    %dma_start3A_19 = tpu.memref_squeeze %dma_start3A_18 : memref<1x512xf32, #tpu.memory_space<hbm>> -> memref<512xf32, #tpu.memory_space<hbm>>
    tpu.enqueue_dma source(%dma_start3A_19 : memref<512xf32, #tpu.memory_space<hbm>>) target(%dma_start3A_17 : memref<512xf32, #tpu.memory_space<vmem>>) target_semaphore(%arg53 : memref<!tpu.dma_semaphore, #tpu.memory_space<semaphore_mem>>)
    %dma_start3A_20 = arith.constant 2 : i32
    %dma_start3A_21 = arith.constant 1024 : i32
    %dma_start3A_22 = tpu.memref_slice %arg4[%dma_start3A_21] : memref<13312xf32, #tpu.memory_space<vmem>> -> memref<512xf32, #tpu.memory_space<vmem>>
    %dma_start3A_23 = tpu.memref_slice %arg2[%dma_start3A_20, %mul3A_2] : memref<26x16384xf32, #tpu.memory_space<hbm>> -> memref<1x512xf32, #tpu.memory_space<hbm>>
    %dma_start3A_24 = tpu.memref_squeeze %dma_start3A_23 : memref<1x512xf32, #tpu.memory_space<hbm>> -> memref<512xf32, #tpu.memory_space<hbm>>
    %dma_start3A_25 = arith.constant 1024 : i32
    %dma_start3A_26 = tpu.memref_slice %arg4[%dma_start3A_25] : memref<13312xf32, #tpu.memory_space<vmem>> -> memref<512xf32, #tpu.memory_space<vmem>>
    %dma_start3A_27 = tpu.memref_slice %arg2[%dma_start3A_20, %mul3A_2] : memref<26x16384xf32, #tpu.memory_space<hbm>> -> memref<1x512xf32, #tpu.memory_space<hbm>>
    %dma_start3A_28 = tpu.memref_squeeze %dma_start3A_27 : memref<1x512xf32, #tpu.memory_space<hbm>> -> memref<512xf32, #tpu.memory_space<hbm>>
    tpu.enqueue_dma source(%dma_start3A_28 : memref<512xf32, #tpu.memory_space<hbm>>) target(%dma_start3A_26 : memref<512xf32, #tpu.memory_space<vmem>>) target_semaphore(%arg53 : memref<!tpu.dma_semaphore, #tpu.memory_space<semaphore_mem>>)
    %dma_start3A_29 = arith.constant 3 : i32
    %dma_start3A_30 = arith.constant 1536 : i32
    %dma_start3A_31 = tpu.memref_slice %arg4[%dma_start3A_30] : memref<13312xf32, #tpu.memory_space<vmem>> -> memref<512xf32, #tpu.memory_space<vmem>>
    %dma_start3A_32 = tpu.memref_slice %arg2[%dma_start3A_29, %mul3A_2] : memref<26x16384xf32, #tpu.memory_space<hbm>> -> memref<1x512xf32, #tpu.memory_space<hbm>>
    %dma_start3A_33 = tpu.memref_squeeze %dma_start3A_32 : memref<1x512xf32, #tpu.memory_space<hbm>> -> memref<512xf32, #tpu.memory_space<hbm>>
    %dma_start3A_34 = arith.constant 1536 : i32
    %dma_start3A_35 = tpu.memref_slice %arg4[%dma_start3A_34] : memref<13312xf32, #tpu.memory_space<vmem>> -> memref<512xf32, #tpu.memory_space<vmem>>
    %dma_start3A_36 = tpu.memref_slice %arg2[%dma_start3A_29, %mul3A_2] : memref<26x16384xf32, #tpu.memory_space<hbm>> -> memref<1x512xf32, #tpu.memory_space<hbm>>
    %dma_start3A_37 = tpu.memref_squeeze %dma_start3A_36 : memref<1x512xf32, #tpu.memory_space<hbm>> -> memref<512xf32, #tpu.memory_space<hbm>>
    tpu.enqueue_dma source(%dma_start3A_37 : memref<512xf32, #tpu.memory_space<hbm>>) target(%dma_start3A_35 : memref<512xf32, #tpu.memory_space<vmem>>) target_semaphore(%arg53 : memref<!tpu.dma_semaphore, #tpu.memory_space<semaphore_mem>>)
    %dma_start3A_38 = arith.constant 4 : i32
    %dma_start3A_39 = arith.constant 2048 : i32
    %dma_start3A_40 = tpu.memref_slice %arg4[%dma_start3A_39] : memref<13312xf32, #tpu.memory_space<vmem>> -> memref<512xf32, #tpu.memory_space<vmem>>
    %dma_start3A_41 = tpu.memref_slice %arg2[%dma_start3A_38, %mul3A_2] : memref<26x16384xf32, #tpu.memory_space<hbm>> -> memref<1x512xf32, #tpu.memory_space<hbm>>
    %dma_start3A_42 = tpu.memref_squeeze %dma_start3A_41 : memref<1x512xf32, #tpu.memory_space<hbm>> -> memref<512xf32, #tpu.memory_space<hbm>>
    %dma_start3A_43 = arith.constant 2048 : i32
    %dma_start3A_44 = tpu.memref_slice %arg4[%dma_start3A_43] : memref<13312xf32, #tpu.memory_space<vmem>> -> memref<512xf32, #tpu.memory_space<vmem>>
    %dma_start3A_45 = tpu.memref_slice %arg2[%dma_start3A_38, %mul3A_2] : memref<26x16384xf32, #tpu.memory_space<hbm>> -> memref<1x512xf32, #tpu.memory_space<hbm>>
    %dma_start3A_46 = tpu.memref_squeeze %dma_start3A_45 : memref<1x512xf32, #tpu.memory_space<hbm>> -> memref<512xf32, #tpu.memory_space<hbm>>
    tpu.enqueue_dma source(%dma_start3A_46 : memref<512xf32, #tpu.memory_space<hbm>>) target(%dma_start3A_44 : memref<512xf32, #tpu.memory_space<vmem>>) target_semaphore(%arg53 : memref<!tpu.dma_semaphore, #tpu.memory_space<semaphore_mem>>)
    %dma_start3A_47 = arith.constant 5 : i32
    %dma_start3A_48 = arith.constant 2560 : i32
    %dma_start3A_49 = tpu.memref_slice %arg4[%dma_start3A_48] : memref<13312xf32, #tpu.memory_space<vmem>> -> memref<512xf32, #tpu.memory_space<vmem>>
    %dma_start3A_50 = tpu.memref_slice %arg2[%dma_start3A_47, %mul3A_2] : memref<26x16384xf32, #tpu.memory_space<hbm>> -> memref<1x512xf32, #tpu.memory_space<hbm>>
    %dma_start3A_51 = tpu.memref_squeeze %dma_start3A_50 : memref<1x512xf32, #tpu.memory_space<hbm>> -> memref<512xf32, #tpu.memory_space<hbm>>
    %dma_start3A_52 = arith.constant 2560 : i32
    %dma_start3A_53 = tpu.memref_slice %arg4[%dma_start3A_52] : memref<13312xf32, #tpu.memory_space<vmem>> -> memref<512xf32, #tpu.memory_space<vmem>>
    %dma_start3A_54 = tpu.memref_slice %arg2[%dma_start3A_47, %mul3A_2] : memref<26x16384xf32, #tpu.memory_space<hbm>> -> memref<1x512xf32, #tpu.memory_space<hbm>>
    %dma_start3A_55 = tpu.memref_squeeze %dma_start3A_54 : memref<1x512xf32, #tpu.memory_space<hbm>> -> memref<512xf32, #tpu.memory_space<hbm>>
    tpu.enqueue_dma source(%dma_start3A_55 : memref<512xf32, #tpu.memory_space<hbm>>) target(%dma_start3A_53 : memref<512xf32, #tpu.memory_space<vmem>>) target_semaphore(%arg53 : memref<!tpu.dma_semaphore, #tpu.memory_space<semaphore_mem>>)
    %dma_start3A_56 = arith.constant 6 : i32
    %dma_start3A_57 = arith.constant 3072 : i32
    %dma_start3A_58 = tpu.memref_slice %arg4[%dma_start3A_57] : memref<13312xf32, #tpu.memory_space<vmem>> -> memref<512xf32, #tpu.memory_space<vmem>>
    %dma_start3A_59 = tpu.memref_slice %arg2[%dma_start3A_56, %mul3A_2] : memref<26x16384xf32, #tpu.memory_space<hbm>> -> memref<1x512xf32, #tpu.memory_space<hbm>>
    %dma_start3A_60 = tpu.memref_squeeze %dma_start3A_59 : memref<1x512xf32, #tpu.memory_space<hbm>> -> memref<512xf32, #tpu.memory_space<hbm>>
    %dma_start3A_61 = arith.constant 3072 : i32
    %dma_start3A_62 = tpu.memref_slice %arg4[%dma_start3A_61] : memref<13312xf32, #tpu.memory_space<vmem>> -> memref<512xf32, #tpu.memory_space<vmem>>
    %dma_start3A_63 = tpu.memref_slice %arg2[%dma_start3A_56, %mul3A_2] : memref<26x16384xf32, #tpu.memory_space<hbm>> -> memref<1x512xf32, #tpu.memory_space<hbm>>
    %dma_start3A_64 = tpu.memref_squeeze %dma_start3A_63 : memref<1x512xf32, #tpu.memory_space<hbm>> -> memref<512xf32, #tpu.memory_space<hbm>>
    tpu.enqueue_dma source(%dma_start3A_64 : memref<512xf32, #tpu.memory_space<hbm>>) target(%dma_start3A_62 : memref<512xf32, #tpu.memory_space<vmem>>) target_semaphore(%arg53 : memref<!tpu.dma_semaphore, #tpu.memory_space<semaphore_mem>>)
    %dma_start3A_65 = arith.constant 7 : i32
    %dma_start3A_66 = arith.constant 3584 : i32
    %dma_start3A_67 = tpu.memref_slice %arg4[%dma_start3A_66] : memref<13312xf32, #tpu.memory_space<vmem>> -> memref<512xf32, #tpu.memory_space<vmem>>
    %dma_start3A_68 = tpu.memref_slice %arg2[%dma_start3A_65, %mul3A_2] : memref<26x16384xf32, #tpu.memory_space<hbm>> -> memref<1x512xf32, #tpu.memory_space<hbm>>
    %dma_start3A_69 = tpu.memref_squeeze %dma_start3A_68 : memref<1x512xf32, #tpu.memory_space<hbm>> -> memref<512xf32, #tpu.memory_space<hbm>>
    %dma_start3A_70 = arith.constant 3584 : i32
    %dma_start3A_71 = tpu.memref_slice %arg4[%dma_start3A_70] : memref<13312xf32, #tpu.memory_space<vmem>> -> memref<512xf32, #tpu.memory_space<vmem>>
    %dma_start3A_72 = tpu.memref_slice %arg2[%dma_start3A_65, %mul3A_2] : memref<26x16384xf32, #tpu.memory_space<hbm>> -> memref<1x512xf32, #tpu.memory_space<hbm>>
    %dma_start3A_73 = tpu.memref_squeeze %dma_start3A_72 : memref<1x512xf32, #tpu.memory_space<hbm>> -> memref<512xf32, #tpu.memory_space<hbm>>
    tpu.enqueue_dma source(%dma_start3A_73 : memref<512xf32, #tpu.memory_space<hbm>>) target(%dma_start3A_71 : memref<512xf32, #tpu.memory_space<vmem>>) target_semaphore(%arg53 : memref<!tpu.dma_semaphore, #tpu.memory_space<semaphore_mem>>)
    %dma_start3A_74 = arith.constant 8 : i32
    %dma_start3A_75 = arith.constant 4096 : i32
    %dma_start3A_76 = tpu.memref_slice %arg4[%dma_start3A_75] : memref<13312xf32, #tpu.memory_space<vmem>> -> memref<512xf32, #tpu.memory_space<vmem>>
    %dma_start3A_77 = tpu.memref_slice %arg2[%dma_start3A_74, %mul3A_2] : memref<26x16384xf32, #tpu.memory_space<hbm>> -> memref<1x512xf32, #tpu.memory_space<hbm>>
    %dma_start3A_78 = tpu.memref_squeeze %dma_start3A_77 : memref<1x512xf32, #tpu.memory_space<hbm>> -> memref<512xf32, #tpu.memory_space<hbm>>
    %dma_start3A_79 = arith.constant 4096 : i32
    %dma_start3A_80 = tpu.memref_slice %arg4[%dma_start3A_79] : memref<13312xf32, #tpu.memory_space<vmem>> -> memref<512xf32, #tpu.memory_space<vmem>>
    %dma_start3A_81 = tpu.memref_slice %arg2[%dma_start3A_74, %mul3A_2] : memref<26x16384xf32, #tpu.memory_space<hbm>> -> memref<1x512xf32, #tpu.memory_space<hbm>>
    %dma_start3A_82 = tpu.memref_squeeze %dma_start3A_81 : memref<1x512xf32, #tpu.memory_space<hbm>> -> memref<512xf32, #tpu.memory_space<hbm>>
    tpu.enqueue_dma source(%dma_start3A_82 : memref<512xf32, #tpu.memory_space<hbm>>) target(%dma_start3A_80 : memref<512xf32, #tpu.memory_space<vmem>>) target_semaphore(%arg53 : memref<!tpu.dma_semaphore, #tpu.memory_space<semaphore_mem>>)
    %dma_start3A_83 = arith.constant 9 : i32
    %dma_start3A_84 = arith.constant 4608 : i32
    %dma_start3A_85 = tpu.memref_slice %arg4[%dma_start3A_84] : memref<13312xf32, #tpu.memory_space<vmem>> -> memref<512xf32, #tpu.memory_space<vmem>>
    %dma_start3A_86 = tpu.memref_slice %arg2[%dma_start3A_83, %mul3A_2] : memref<26x16384xf32, #tpu.memory_space<hbm>> -> memref<1x512xf32, #tpu.memory_space<hbm>>
    %dma_start3A_87 = tpu.memref_squeeze %dma_start3A_86 : memref<1x512xf32, #tpu.memory_space<hbm>> -> memref<512xf32, #tpu.memory_space<hbm>>
    %dma_start3A_88 = arith.constant 4608 : i32
    %dma_start3A_89 = tpu.memref_slice %arg4[%dma_start3A_88] : memref<13312xf32, #tpu.memory_space<vmem>> -> memref<512xf32, #tpu.memory_space<vmem>>
    %dma_start3A_90 = tpu.memref_slice %arg2[%dma_start3A_83, %mul3A_2] : memref<26x16384xf32, #tpu.memory_space<hbm>> -> memref<1x512xf32, #tpu.memory_space<hbm>>
    %dma_start3A_91 = tpu.memref_squeeze %dma_start3A_90 : memref<1x512xf32, #tpu.memory_space<hbm>> -> memref<512xf32, #tpu.memory_space<hbm>>
    tpu.enqueue_dma source(%dma_start3A_91 : memref<512xf32, #tpu.memory_space<hbm>>) target(%dma_start3A_89 : memref<512xf32, #tpu.memory_space<vmem>>) target_semaphore(%arg53 : memref<!tpu.dma_semaphore, #tpu.memory_space<semaphore_mem>>)
    %dma_start3A_92 = arith.constant 10 : i32
    %dma_start3A_93 = arith.constant 5120 : i32
    %dma_start3A_94 = tpu.memref_slice %arg4[%dma_start3A_93] : memref<13312xf32, #tpu.memory_space<vmem>> -> memref<512xf32, #tpu.memory_space<vmem>>
    %dma_start3A_95 = tpu.memref_slice %arg2[%dma_start3A_92, %mul3A_2] : memref<26x16384xf32, #tpu.memory_space<hbm>> -> memref<1x512xf32, #tpu.memory_space<hbm>>
    %dma_start3A_96 = tpu.memref_squeeze %dma_start3A_95 : memref<1x512xf32, #tpu.memory_space<hbm>> -> memref<512xf32, #tpu.memory_space<hbm>>
    %dma_start3A_97 = arith.constant 5120 : i32
    %dma_start3A_98 = tpu.memref_slice %arg4[%dma_start3A_97] : memref<13312xf32, #tpu.memory_space<vmem>> -> memref<512xf32, #tpu.memory_space<vmem>>
    %dma_start3A_99 = tpu.memref_slice %arg2[%dma_start3A_92, %mul3A_2] : memref<26x16384xf32, #tpu.memory_space<hbm>> -> memref<1x512xf32, #tpu.memory_space<hbm>>
    %dma_start3A_100 = tpu.memref_squeeze %dma_start3A_99 : memref<1x512xf32, #tpu.memory_space<hbm>> -> memref<512xf32, #tpu.memory_space<hbm>>
    tpu.enqueue_dma source(%dma_start3A_100 : memref<512xf32, #tpu.memory_space<hbm>>) target(%dma_start3A_98 : memref<512xf32, #tpu.memory_space<vmem>>) target_semaphore(%arg53 : memref<!tpu.dma_semaphore, #tpu.memory_space<semaphore_mem>>)
    %dma_start3A_101 = arith.constant 11 : i32
    %dma_start3A_102 = arith.constant 5632 : i32
    %dma_start3A_103 = tpu.memref_slice %arg4[%dma_start3A_102] : memref<13312xf32, #tpu.memory_space<vmem>> -> memref<512xf32, #tpu.memory_space<vmem>>
    %dma_start3A_104 = tpu.memref_slice %arg2[%dma_start3A_101, %mul3A_2] : memref<26x16384xf32, #tpu.memory_space<hbm>> -> memref<1x512xf32, #tpu.memory_space<hbm>>
    %dma_start3A_105 = tpu.memref_squeeze %dma_start3A_104 : memref<1x512xf32, #tpu.memory_space<hbm>> -> memref<512xf32, #tpu.memory_space<hbm>>
    %dma_start3A_106 = arith.constant 5632 : i32
    %dma_start3A_107 = tpu.memref_slice %arg4[%dma_start3A_106] : memref<13312xf32, #tpu.memory_space<vmem>> -> memref<512xf32, #tpu.memory_space<vmem>>
    %dma_start3A_108 = tpu.memref_slice %arg2[%dma_start3A_101, %mul3A_2] : memref<26x16384xf32, #tpu.memory_space<hbm>> -> memref<1x512xf32, #tpu.memory_space<hbm>>
    %dma_start3A_109 = tpu.memref_squeeze %dma_start3A_108 : memref<1x512xf32, #tpu.memory_space<hbm>> -> memref<512xf32, #tpu.memory_space<hbm>>
    tpu.enqueue_dma source(%dma_start3A_109 : memref<512xf32, #tpu.memory_space<hbm>>) target(%dma_start3A_107 : memref<512xf32, #tpu.memory_space<vmem>>) target_semaphore(%arg53 : memref<!tpu.dma_semaphore, #tpu.memory_space<semaphore_mem>>)
    %dma_start3A_110 = arith.constant 12 : i32
    %dma_start3A_111 = arith.constant 6144 : i32
    %dma_start3A_112 = tpu.memref_slice %arg4[%dma_start3A_111] : memref<13312xf32, #tpu.memory_space<vmem>> -> memref<512xf32, #tpu.memory_space<vmem>>
    %dma_start3A_113 = tpu.memref_slice %arg2[%dma_start3A_110, %mul3A_2] : memref<26x16384xf32, #tpu.memory_space<hbm>> -> memref<1x512xf32, #tpu.memory_space<hbm>>
    %dma_start3A_114 = tpu.memref_squeeze %dma_start3A_113 : memref<1x512xf32, #tpu.memory_space<hbm>> -> memref<512xf32, #tpu.memory_space<hbm>>
    %dma_start3A_115 = arith.constant 6144 : i32
    %dma_start3A_116 = tpu.memref_slice %arg4[%dma_start3A_115] : memref<13312xf32, #tpu.memory_space<vmem>> -> memref<512xf32, #tpu.memory_space<vmem>>
    %dma_start3A_117 = tpu.memref_slice %arg2[%dma_start3A_110, %mul3A_2] : memref<26x16384xf32, #tpu.memory_space<hbm>> -> memref<1x512xf32, #tpu.memory_space<hbm>>
    %dma_start3A_118 = tpu.memref_squeeze %dma_start3A_117 : memref<1x512xf32, #tpu.memory_space<hbm>> -> memref<512xf32, #tpu.memory_space<hbm>>
    tpu.enqueue_dma source(%dma_start3A_118 : memref<512xf32, #tpu.memory_space<hbm>>) target(%dma_start3A_116 : memref<512xf32, #tpu.memory_space<vmem>>) target_semaphore(%arg53 : memref<!tpu.dma_semaphore, #tpu.memory_space<semaphore_mem>>)
    %dma_start3A_119 = arith.constant 13 : i32
    %dma_start3A_120 = arith.constant 6656 : i32
    %dma_start3A_121 = tpu.memref_slice %arg4[%dma_start3A_120] : memref<13312xf32, #tpu.memory_space<vmem>> -> memref<512xf32, #tpu.memory_space<vmem>>
    %dma_start3A_122 = tpu.memref_slice %arg2[%dma_start3A_119, %mul3A_2] : memref<26x16384xf32, #tpu.memory_space<hbm>> -> memref<1x512xf32, #tpu.memory_space<hbm>>
    %dma_start3A_123 = tpu.memref_squeeze %dma_start3A_122 : memref<1x512xf32, #tpu.memory_space<hbm>> -> memref<512xf32, #tpu.memory_space<hbm>>
    %dma_start3A_124 = arith.constant 6656 : i32
    %dma_start3A_125 = tpu.memref_slice %arg4[%dma_start3A_124] : memref<13312xf32, #tpu.memory_space<vmem>> -> memref<512xf32, #tpu.memory_space<vmem>>
    %dma_start3A_126 = tpu.memref_slice %arg2[%dma_start3A_119, %mul3A_2] : memref<26x16384xf32, #tpu.memory_space<hbm>> -> memref<1x512xf32, #tpu.memory_space<hbm>>
    %dma_start3A_127 = tpu.memref_squeeze %dma_start3A_126 : memref<1x512xf32, #tpu.memory_space<hbm>> -> memref<512xf32, #tpu.memory_space<hbm>>
    tpu.enqueue_dma source(%dma_start3A_127 : memref<512xf32, #tpu.memory_space<hbm>>) target(%dma_start3A_125 : memref<512xf32, #tpu.memory_space<vmem>>) target_semaphore(%arg53 : memref<!tpu.dma_semaphore, #tpu.memory_space<semaphore_mem>>)
    %dma_start3A_128 = arith.constant 14 : i32
    %dma_start3A_129 = arith.constant 7168 : i32
    %dma_start3A_130 = tpu.memref_slice %arg4[%dma_start3A_129] : memref<13312xf32, #tpu.memory_space<vmem>> -> memref<512xf32, #tpu.memory_space<vmem>>
    %dma_start3A_131 = tpu.memref_slice %arg2[%dma_start3A_128, %mul3A_2] : memref<26x16384xf32, #tpu.memory_space<hbm>> -> memref<1x512xf32, #tpu.memory_space<hbm>>
    %dma_start3A_132 = tpu.memref_squeeze %dma_start3A_131 : memref<1x512xf32, #tpu.memory_space<hbm>> -> memref<512xf32, #tpu.memory_space<hbm>>
    %dma_start3A_133 = arith.constant 7168 : i32
    %dma_start3A_134 = tpu.memref_slice %arg4[%dma_start3A_133] : memref<13312xf32, #tpu.memory_space<vmem>> -> memref<512xf32, #tpu.memory_space<vmem>>
    %dma_start3A_135 = tpu.memref_slice %arg2[%dma_start3A_128, %mul3A_2] : memref<26x16384xf32, #tpu.memory_space<hbm>> -> memref<1x512xf32, #tpu.memory_space<hbm>>
    %dma_start3A_136 = tpu.memref_squeeze %dma_start3A_135 : memref<1x512xf32, #tpu.memory_space<hbm>> -> memref<512xf32, #tpu.memory_space<hbm>>
    tpu.enqueue_dma source(%dma_start3A_136 : memref<512xf32, #tpu.memory_space<hbm>>) target(%dma_start3A_134 : memref<512xf32, #tpu.memory_space<vmem>>) target_semaphore(%arg53 : memref<!tpu.dma_semaphore, #tpu.memory_space<semaphore_mem>>)
    %dma_start3A_137 = arith.constant 15 : i32
    %dma_start3A_138 = arith.constant 7680 : i32
    %dma_start3A_139 = tpu.memref_slice %arg4[%dma_start3A_138] : memref<13312xf32, #tpu.memory_space<vmem>> -> memref<512xf32, #tpu.memory_space<vmem>>
    %dma_start3A_140 = tpu.memref_slice %arg2[%dma_start3A_137, %mul3A_2] : memref<26x16384xf32, #tpu.memory_space<hbm>> -> memref<1x512xf32, #tpu.memory_space<hbm>>
    %dma_start3A_141 = tpu.memref_squeeze %dma_start3A_140 : memref<1x512xf32, #tpu.memory_space<hbm>> -> memref<512xf32, #tpu.memory_space<hbm>>
    %dma_start3A_142 = arith.constant 7680 : i32
    %dma_start3A_143 = tpu.memref_slice %arg4[%dma_start3A_142] : memref<13312xf32, #tpu.memory_space<vmem>> -> memref<512xf32, #tpu.memory_space<vmem>>
    %dma_start3A_144 = tpu.memref_slice %arg2[%dma_start3A_137, %mul3A_2] : memref<26x16384xf32, #tpu.memory_space<hbm>> -> memref<1x512xf32, #tpu.memory_space<hbm>>
    %dma_start3A_145 = tpu.memref_squeeze %dma_start3A_144 : memref<1x512xf32, #tpu.memory_space<hbm>> -> memref<512xf32, #tpu.memory_space<hbm>>
    tpu.enqueue_dma source(%dma_start3A_145 : memref<512xf32, #tpu.memory_space<hbm>>) target(%dma_start3A_143 : memref<512xf32, #tpu.memory_space<vmem>>) target_semaphore(%arg53 : memref<!tpu.dma_semaphore, #tpu.memory_space<semaphore_mem>>)
    %dma_start3A_146 = arith.constant 16 : i32
    %dma_start3A_147 = arith.constant 8192 : i32
    %dma_start3A_148 = tpu.memref_slice %arg4[%dma_start3A_147] : memref<13312xf32, #tpu.memory_space<vmem>> -> memref<512xf32, #tpu.memory_space<vmem>>
    %dma_start3A_149 = tpu.memref_slice %arg2[%dma_start3A_146, %mul3A_2] : memref<26x16384xf32, #tpu.memory_space<hbm>> -> memref<1x512xf32, #tpu.memory_space<hbm>>
    %dma_start3A_150 = tpu.memref_squeeze %dma_start3A_149 : memref<1x512xf32, #tpu.memory_space<hbm>> -> memref<512xf32, #tpu.memory_space<hbm>>
    %dma_start3A_151 = arith.constant 8192 : i32
    %dma_start3A_152 = tpu.memref_slice %arg4[%dma_start3A_151] : memref<13312xf32, #tpu.memory_space<vmem>> -> memref<512xf32, #tpu.memory_space<vmem>>
    %dma_start3A_153 = tpu.memref_slice %arg2[%dma_start3A_146, %mul3A_2] : memref<26x16384xf32, #tpu.memory_space<hbm>> -> memref<1x512xf32, #tpu.memory_space<hbm>>
    %dma_start3A_154 = tpu.memref_squeeze %dma_start3A_153 : memref<1x512xf32, #tpu.memory_space<hbm>> -> memref<512xf32, #tpu.memory_space<hbm>>
    tpu.enqueue_dma source(%dma_start3A_154 : memref<512xf32, #tpu.memory_space<hbm>>) target(%dma_start3A_152 : memref<512xf32, #tpu.memory_space<vmem>>) target_semaphore(%arg53 : memref<!tpu.dma_semaphore, #tpu.memory_space<semaphore_mem>>)
    %dma_start3A_155 = arith.constant 17 : i32
    %dma_start3A_156 = arith.constant 8704 : i32
    %dma_start3A_157 = tpu.memref_slice %arg4[%dma_start3A_156] : memref<13312xf32, #tpu.memory_space<vmem>> -> memref<512xf32, #tpu.memory_space<vmem>>
    %dma_start3A_158 = tpu.memref_slice %arg2[%dma_start3A_155, %mul3A_2] : memref<26x16384xf32, #tpu.memory_space<hbm>> -> memref<1x512xf32, #tpu.memory_space<hbm>>
    %dma_start3A_159 = tpu.memref_squeeze %dma_start3A_158 : memref<1x512xf32, #tpu.memory_space<hbm>> -> memref<512xf32, #tpu.memory_space<hbm>>
    %dma_start3A_160 = arith.constant 8704 : i32
    %dma_start3A_161 = tpu.memref_slice %arg4[%dma_start3A_160] : memref<13312xf32, #tpu.memory_space<vmem>> -> memref<512xf32, #tpu.memory_space<vmem>>
    %dma_start3A_162 = tpu.memref_slice %arg2[%dma_start3A_155, %mul3A_2] : memref<26x16384xf32, #tpu.memory_space<hbm>> -> memref<1x512xf32, #tpu.memory_space<hbm>>
    %dma_start3A_163 = tpu.memref_squeeze %dma_start3A_162 : memref<1x512xf32, #tpu.memory_space<hbm>> -> memref<512xf32, #tpu.memory_space<hbm>>
    tpu.enqueue_dma source(%dma_start3A_163 : memref<512xf32, #tpu.memory_space<hbm>>) target(%dma_start3A_161 : memref<512xf32, #tpu.memory_space<vmem>>) target_semaphore(%arg53 : memref<!tpu.dma_semaphore, #tpu.memory_space<semaphore_mem>>)
    %dma_start3A_164 = arith.constant 18 : i32
    %dma_start3A_165 = arith.constant 9216 : i32
    %dma_start3A_166 = tpu.memref_slice %arg4[%dma_start3A_165] : memref<13312xf32, #tpu.memory_space<vmem>> -> memref<512xf32, #tpu.memory_space<vmem>>
    %dma_start3A_167 = tpu.memref_slice %arg2[%dma_start3A_164, %mul3A_2] : memref<26x16384xf32, #tpu.memory_space<hbm>> -> memref<1x512xf32, #tpu.memory_space<hbm>>
    %dma_start3A_168 = tpu.memref_squeeze %dma_start3A_167 : memref<1x512xf32, #tpu.memory_space<hbm>> -> memref<512xf32, #tpu.memory_space<hbm>>
    %dma_start3A_169 = arith.constant 9216 : i32
    %dma_start3A_170 = tpu.memref_slice %arg4[%dma_start3A_169] : memref<13312xf32, #tpu.memory_space<vmem>> -> memref<512xf32, #tpu.memory_space<vmem>>
    %dma_start3A_171 = tpu.memref_slice %arg2[%dma_start3A_164, %mul3A_2] : memref<26x16384xf32, #tpu.memory_space<hbm>> -> memref<1x512xf32, #tpu.memory_space<hbm>>
    %dma_start3A_172 = tpu.memref_squeeze %dma_start3A_171 : memref<1x512xf32, #tpu.memory_space<hbm>> -> memref<512xf32, #tpu.memory_space<hbm>>
    tpu.enqueue_dma source(%dma_start3A_172 : memref<512xf32, #tpu.memory_space<hbm>>) target(%dma_start3A_170 : memref<512xf32, #tpu.memory_space<vmem>>) target_semaphore(%arg53 : memref<!tpu.dma_semaphore, #tpu.memory_space<semaphore_mem>>)
    %dma_start3A_173 = arith.constant 19 : i32
    %dma_start3A_174 = arith.constant 9728 : i32
    %dma_start3A_175 = tpu.memref_slice %arg4[%dma_start3A_174] : memref<13312xf32, #tpu.memory_space<vmem>> -> memref<512xf32, #tpu.memory_space<vmem>>
    %dma_start3A_176 = tpu.memref_slice %arg2[%dma_start3A_173, %mul3A_2] : memref<26x16384xf32, #tpu.memory_space<hbm>> -> memref<1x512xf32, #tpu.memory_space<hbm>>
    %dma_start3A_177 = tpu.memref_squeeze %dma_start3A_176 : memref<1x512xf32, #tpu.memory_space<hbm>> -> memref<512xf32, #tpu.memory_space<hbm>>
    %dma_start3A_178 = arith.constant 9728 : i32
    %dma_start3A_179 = tpu.memref_slice %arg4[%dma_start3A_178] : memref<13312xf32, #tpu.memory_space<vmem>> -> memref<512xf32, #tpu.memory_space<vmem>>
    %dma_start3A_180 = tpu.memref_slice %arg2[%dma_start3A_173, %mul3A_2] : memref<26x16384xf32, #tpu.memory_space<hbm>> -> memref<1x512xf32, #tpu.memory_space<hbm>>
    %dma_start3A_181 = tpu.memref_squeeze %dma_start3A_180 : memref<1x512xf32, #tpu.memory_space<hbm>> -> memref<512xf32, #tpu.memory_space<hbm>>
    tpu.enqueue_dma source(%dma_start3A_181 : memref<512xf32, #tpu.memory_space<hbm>>) target(%dma_start3A_179 : memref<512xf32, #tpu.memory_space<vmem>>) target_semaphore(%arg53 : memref<!tpu.dma_semaphore, #tpu.memory_space<semaphore_mem>>)
    %dma_start3A_182 = arith.constant 20 : i32
    %dma_start3A_183 = arith.constant 10240 : i32
    %dma_start3A_184 = tpu.memref_slice %arg4[%dma_start3A_183] : memref<13312xf32, #tpu.memory_space<vmem>> -> memref<512xf32, #tpu.memory_space<vmem>>
    %dma_start3A_185 = tpu.memref_slice %arg2[%dma_start3A_182, %mul3A_2] : memref<26x16384xf32, #tpu.memory_space<hbm>> -> memref<1x512xf32, #tpu.memory_space<hbm>>
    %dma_start3A_186 = tpu.memref_squeeze %dma_start3A_185 : memref<1x512xf32, #tpu.memory_space<hbm>> -> memref<512xf32, #tpu.memory_space<hbm>>
    %dma_start3A_187 = arith.constant 10240 : i32
    %dma_start3A_188 = tpu.memref_slice %arg4[%dma_start3A_187] : memref<13312xf32, #tpu.memory_space<vmem>> -> memref<512xf32, #tpu.memory_space<vmem>>
    %dma_start3A_189 = tpu.memref_slice %arg2[%dma_start3A_182, %mul3A_2] : memref<26x16384xf32, #tpu.memory_space<hbm>> -> memref<1x512xf32, #tpu.memory_space<hbm>>
    %dma_start3A_190 = tpu.memref_squeeze %dma_start3A_189 : memref<1x512xf32, #tpu.memory_space<hbm>> -> memref<512xf32, #tpu.memory_space<hbm>>
    tpu.enqueue_dma source(%dma_start3A_190 : memref<512xf32, #tpu.memory_space<hbm>>) target(%dma_start3A_188 : memref<512xf32, #tpu.memory_space<vmem>>) target_semaphore(%arg53 : memref<!tpu.dma_semaphore, #tpu.memory_space<semaphore_mem>>)
    %dma_start3A_191 = arith.constant 21 : i32
    %dma_start3A_192 = arith.constant 10752 : i32
    %dma_start3A_193 = tpu.memref_slice %arg4[%dma_start3A_192] : memref<13312xf32, #tpu.memory_space<vmem>> -> memref<512xf32, #tpu.memory_space<vmem>>
    %dma_start3A_194 = tpu.memref_slice %arg2[%dma_start3A_191, %mul3A_2] : memref<26x16384xf32, #tpu.memory_space<hbm>> -> memref<1x512xf32, #tpu.memory_space<hbm>>
    %dma_start3A_195 = tpu.memref_squeeze %dma_start3A_194 : memref<1x512xf32, #tpu.memory_space<hbm>> -> memref<512xf32, #tpu.memory_space<hbm>>
    %dma_start3A_196 = arith.constant 10752 : i32
    %dma_start3A_197 = tpu.memref_slice %arg4[%dma_start3A_196] : memref<13312xf32, #tpu.memory_space<vmem>> -> memref<512xf32, #tpu.memory_space<vmem>>
    %dma_start3A_198 = tpu.memref_slice %arg2[%dma_start3A_191, %mul3A_2] : memref<26x16384xf32, #tpu.memory_space<hbm>> -> memref<1x512xf32, #tpu.memory_space<hbm>>
    %dma_start3A_199 = tpu.memref_squeeze %dma_start3A_198 : memref<1x512xf32, #tpu.memory_space<hbm>> -> memref<512xf32, #tpu.memory_space<hbm>>
    tpu.enqueue_dma source(%dma_start3A_199 : memref<512xf32, #tpu.memory_space<hbm>>) target(%dma_start3A_197 : memref<512xf32, #tpu.memory_space<vmem>>) target_semaphore(%arg53 : memref<!tpu.dma_semaphore, #tpu.memory_space<semaphore_mem>>)
    %dma_start3A_200 = arith.constant 22 : i32
    %dma_start3A_201 = arith.constant 11264 : i32
    %dma_start3A_202 = tpu.memref_slice %arg4[%dma_start3A_201] : memref<13312xf32, #tpu.memory_space<vmem>> -> memref<512xf32, #tpu.memory_space<vmem>>
    %dma_start3A_203 = tpu.memref_slice %arg2[%dma_start3A_200, %mul3A_2] : memref<26x16384xf32, #tpu.memory_space<hbm>> -> memref<1x512xf32, #tpu.memory_space<hbm>>
    %dma_start3A_204 = tpu.memref_squeeze %dma_start3A_203 : memref<1x512xf32, #tpu.memory_space<hbm>> -> memref<512xf32, #tpu.memory_space<hbm>>
    %dma_start3A_205 = arith.constant 11264 : i32
    %dma_start3A_206 = tpu.memref_slice %arg4[%dma_start3A_205] : memref<13312xf32, #tpu.memory_space<vmem>> -> memref<512xf32, #tpu.memory_space<vmem>>
    %dma_start3A_207 = tpu.memref_slice %arg2[%dma_start3A_200, %mul3A_2] : memref<26x16384xf32, #tpu.memory_space<hbm>> -> memref<1x512xf32, #tpu.memory_space<hbm>>
    %dma_start3A_208 = tpu.memref_squeeze %dma_start3A_207 : memref<1x512xf32, #tpu.memory_space<hbm>> -> memref<512xf32, #tpu.memory_space<hbm>>
    tpu.enqueue_dma source(%dma_start3A_208 : memref<512xf32, #tpu.memory_space<hbm>>) target(%dma_start3A_206 : memref<512xf32, #tpu.memory_space<vmem>>) target_semaphore(%arg53 : memref<!tpu.dma_semaphore, #tpu.memory_space<semaphore_mem>>)
    %dma_start3A_209 = arith.constant 23 : i32
    %dma_start3A_210 = arith.constant 11776 : i32
    %dma_start3A_211 = tpu.memref_slice %arg4[%dma_start3A_210] : memref<13312xf32, #tpu.memory_space<vmem>> -> memref<512xf32, #tpu.memory_space<vmem>>
    %dma_start3A_212 = tpu.memref_slice %arg2[%dma_start3A_209, %mul3A_2] : memref<26x16384xf32, #tpu.memory_space<hbm>> -> memref<1x512xf32, #tpu.memory_space<hbm>>
    %dma_start3A_213 = tpu.memref_squeeze %dma_start3A_212 : memref<1x512xf32, #tpu.memory_space<hbm>> -> memref<512xf32, #tpu.memory_space<hbm>>
    %dma_start3A_214 = arith.constant 11776 : i32
    %dma_start3A_215 = tpu.memref_slice %arg4[%dma_start3A_214] : memref<13312xf32, #tpu.memory_space<vmem>> -> memref<512xf32, #tpu.memory_space<vmem>>
    %dma_start3A_216 = tpu.memref_slice %arg2[%dma_start3A_209, %mul3A_2] : memref<26x16384xf32, #tpu.memory_space<hbm>> -> memref<1x512xf32, #tpu.memory_space<hbm>>
    %dma_start3A_217 = tpu.memref_squeeze %dma_start3A_216 : memref<1x512xf32, #tpu.memory_space<hbm>> -> memref<512xf32, #tpu.memory_space<hbm>>
    tpu.enqueue_dma source(%dma_start3A_217 : memref<512xf32, #tpu.memory_space<hbm>>) target(%dma_start3A_215 : memref<512xf32, #tpu.memory_space<vmem>>) target_semaphore(%arg53 : memref<!tpu.dma_semaphore, #tpu.memory_space<semaphore_mem>>)
    %dma_start3A_218 = arith.constant 24 : i32
    %dma_start3A_219 = arith.constant 12288 : i32
    %dma_start3A_220 = tpu.memref_slice %arg4[%dma_start3A_219] : memref<13312xf32, #tpu.memory_space<vmem>> -> memref<512xf32, #tpu.memory_space<vmem>>
    %dma_start3A_221 = tpu.memref_slice %arg2[%dma_start3A_218, %mul3A_2] : memref<26x16384xf32, #tpu.memory_space<hbm>> -> memref<1x512xf32, #tpu.memory_space<hbm>>
    %dma_start3A_222 = tpu.memref_squeeze %dma_start3A_221 : memref<1x512xf32, #tpu.memory_space<hbm>> -> memref<512xf32, #tpu.memory_space<hbm>>
    %dma_start3A_223 = arith.constant 12288 : i32
    %dma_start3A_224 = tpu.memref_slice %arg4[%dma_start3A_223] : memref<13312xf32, #tpu.memory_space<vmem>> -> memref<512xf32, #tpu.memory_space<vmem>>
    %dma_start3A_225 = tpu.memref_slice %arg2[%dma_start3A_218, %mul3A_2] : memref<26x16384xf32, #tpu.memory_space<hbm>> -> memref<1x512xf32, #tpu.memory_space<hbm>>
    %dma_start3A_226 = tpu.memref_squeeze %dma_start3A_225 : memref<1x512xf32, #tpu.memory_space<hbm>> -> memref<512xf32, #tpu.memory_space<hbm>>
    tpu.enqueue_dma source(%dma_start3A_226 : memref<512xf32, #tpu.memory_space<hbm>>) target(%dma_start3A_224 : memref<512xf32, #tpu.memory_space<vmem>>) target_semaphore(%arg53 : memref<!tpu.dma_semaphore, #tpu.memory_space<semaphore_mem>>)
    %dma_start3A_227 = arith.constant 25 : i32
    %dma_start3A_228 = arith.constant 12800 : i32
    %dma_start3A_229 = tpu.memref_slice %arg4[%dma_start3A_228] : memref<13312xf32, #tpu.memory_space<vmem>> -> memref<512xf32, #tpu.memory_space<vmem>>
    %dma_start3A_230 = tpu.memref_slice %arg2[%dma_start3A_227, %mul3A_2] : memref<26x16384xf32, #tpu.memory_space<hbm>> -> memref<1x512xf32, #tpu.memory_space<hbm>>
    %dma_start3A_231 = tpu.memref_squeeze %dma_start3A_230 : memref<1x512xf32, #tpu.memory_space<hbm>> -> memref<512xf32, #tpu.memory_space<hbm>>
    %dma_start3A_232 = arith.constant 12800 : i32
    %dma_start3A_233 = tpu.memref_slice %arg4[%dma_start3A_232] : memref<13312xf32, #tpu.memory_space<vmem>> -> memref<512xf32, #tpu.memory_space<vmem>>
    %dma_start3A_234 = tpu.memref_slice %arg2[%dma_start3A_227, %mul3A_2] : memref<26x16384xf32, #tpu.memory_space<hbm>> -> memref<1x512xf32, #tpu.memory_space<hbm>>
    %dma_start3A_235 = tpu.memref_squeeze %dma_start3A_234 : memref<1x512xf32, #tpu.memory_space<hbm>> -> memref<512xf32, #tpu.memory_space<hbm>>
    tpu.enqueue_dma source(%dma_start3A_235 : memref<512xf32, #tpu.memory_space<hbm>>) target(%dma_start3A_233 : memref<512xf32, #tpu.memory_space<vmem>>) target_semaphore(%arg53 : memref<!tpu.dma_semaphore, #tpu.memory_space<semaphore_mem>>)
    %iota3A = tpu.iota {dimensions = array<i32: 0>} : vector<16xi32>
    %broadcast_in_dim3A = arith.constant 1.000000e+00 : f32
    %broadcast_in_dim3A_236 = vector.broadcast %broadcast_in_dim3A : f32 to vector<16xf32>
    %broadcast_in_dim3A_237 = arith.constant 0.000000e+00 : f32
    %broadcast_in_dim3A_238 = vector.broadcast %broadcast_in_dim3A_237 : f32 to vector<16xf32>
    %add3A_239 = arith.constant 0 : i32
    %add3A_240 = vector.broadcast %add3A_239 : i32 to vector<16xi32>
    %add3A_241 = arith.addi %add3A_240, %iota3A : vector<16xi32>
    %add3A_242 = arith.constant 16 : i32
    %add3A_243 = vector.broadcast %add3A_242 : i32 to vector<16xi32>
    %add3A_244 = arith.addi %add3A_243, %iota3A : vector<16xi32>
    %scan3A = arith.constant 0 : i32
    %scan3A_245 = arith.constant 0 : i32
    %scan3A_246 = arith.constant 256 : i32
    %scan3A_247 = arith.addi %scan3A_245, %scan3A_246 : i32
    %scan3A_248 = arith.constant 1 : i32
    %scan3A_249 = scf.for %scan3A_603 = %scan3A_245 to %scan3A_247 step %scan3A_248 iter_args(%scan3A_604 = %scan3A) -> (i32)  : i32 {
      %jit3A = arith.constant 8 : i32
      %div3A = arith.divsi %scan3A_603, %jit3A : i32
      %sign3A = arith.constant 0 : i32
      %sign3A_605 = arith.cmpi sgt, %scan3A_603, %sign3A : i32
      %sign3A_606 = arith.extui %sign3A_605 : i1 to i32
      %sign3A_607 = arith.constant 0 : i32
      %sign3A_608 = arith.cmpi slt, %scan3A_603, %sign3A_607 : i32
      %sign3A_609 = arith.extui %sign3A_608 : i1 to i32
      %sign3A_610 = arith.subi %sign3A_606, %sign3A_609 : i32
      %sign3A_611 = arith.constant 0 : i32
      %sign3A_612 = arith.cmpi sgt, %jit3A, %sign3A_611 : i32
      %sign3A_613 = arith.extui %sign3A_612 : i1 to i32
      %sign3A_614 = arith.constant 0 : i32
      %sign3A_615 = arith.cmpi slt, %jit3A, %sign3A_614 : i32
      %sign3A_616 = arith.extui %sign3A_615 : i1 to i32
      %sign3A_617 = arith.subi %sign3A_613, %sign3A_616 : i32
      %ne3A = arith.cmpi ne, %sign3A_610, %sign3A_617 : i32
      %rem3A = arith.remsi %scan3A_603, %jit3A : i32
      %ne3A_618 = arith.constant 0 : i32
      %ne3A_619 = arith.cmpi ne, %rem3A, %ne3A_618 : i32
      %and3A = arith.andi %ne3A, %ne3A_619 : i1
      %sub3A = arith.constant 1 : i32
      %sub3A_620 = arith.subi %div3A, %sub3A : i32
      %select_n3A = arith.select %and3A, %sub3A_620, %div3A : i32
      %jit3A_621 = arith.constant 8 : i32
      %eq3A = arith.constant 0 : i32
      %eq3A_622 = arith.cmpi eq, %jit3A_621, %eq3A : i32
      %jit3A_623 = arith.constant 1 : i32
      %select_n3A_624 = arith.select %eq3A_622, %jit3A_623, %jit3A_621 : i32
      %rem3A_625 = arith.remsi %scan3A_603, %select_n3A_624 : i32
      %ne3A_626 = arith.constant 0 : i32
      %ne3A_627 = arith.cmpi ne, %rem3A_625, %ne3A_626 : i32
      %lt3A = arith.constant 0 : i32
      %lt3A_628 = arith.cmpi slt, %rem3A_625, %lt3A : i32
      %lt3A_629 = arith.constant 0 : i32
      %lt3A_630 = arith.cmpi slt, %select_n3A_624, %lt3A_629 : i32
      %ne3A_631 = arith.xori %lt3A_628, %lt3A_630 : i1
      %and3A_632 = arith.andi %ne3A_631, %ne3A_627 : i1
      %add3A_633 = arith.addi %rem3A_625, %select_n3A_624 : i32
      %select_n3A_634 = arith.select %and3A_632, %add3A_633, %rem3A_625 : i32
      %mul3A_635 = arith.constant 16 : i32
      %mul3A_636 = arith.muli %select_n3A_634, %mul3A_635 : i32
      %broadcast_in_dim3A_637 = vector.broadcast %select_n3A : i32 to vector<16xi32>
      %add3A_638 = vector.broadcast %mul3A_636 : i32 to vector<16xi32>
      %add3A_639 = arith.addi %add3A_638, %iota3A : vector<16xi32>
      tpu.vector_store_idx %arg5[%broadcast_in_dim3A_637, %add3A_639], %broadcast_in_dim3A_238 : memref<32x128xf32, #tpu.memory_space<vmem>>[vector<16xi32>, vector<16xi32>], vector<16xf32>,
      tpu.vector_store_idx %arg6[%broadcast_in_dim3A_637, %add3A_639], %broadcast_in_dim3A_238 : memref<32x128xf32, #tpu.memory_space<vmem>>[vector<16xi32>, vector<16xi32>], vector<16xf32>,
      tpu.vector_store_idx %arg7[%broadcast_in_dim3A_637, %add3A_639], %broadcast_in_dim3A_238 : memref<32x128xf32, #tpu.memory_space<vmem>>[vector<16xi32>, vector<16xi32>], vector<16xf32>,
      tpu.vector_store_idx %arg8[%broadcast_in_dim3A_637, %add3A_639], %broadcast_in_dim3A_238 : memref<32x128xf32, #tpu.memory_space<vmem>>[vector<16xi32>, vector<16xi32>], vector<16xf32>,
      tpu.vector_store_idx %arg9[%broadcast_in_dim3A_637, %add3A_639], %broadcast_in_dim3A_238 : memref<32x128xf32, #tpu.memory_space<vmem>>[vector<16xi32>, vector<16xi32>], vector<16xf32>,
      tpu.vector_store_idx %arg10[%broadcast_in_dim3A_637, %add3A_639], %broadcast_in_dim3A_238 : memref<32x128xf32, #tpu.memory_space<vmem>>[vector<16xi32>, vector<16xi32>], vector<16xf32>,
      tpu.vector_store_idx %arg11[%broadcast_in_dim3A_637, %add3A_639], %broadcast_in_dim3A_238 : memref<32x128xf32, #tpu.memory_space<vmem>>[vector<16xi32>, vector<16xi32>], vector<16xf32>,
      tpu.vector_store_idx %arg12[%broadcast_in_dim3A_637, %add3A_639], %broadcast_in_dim3A_238 : memref<32x128xf32, #tpu.memory_space<vmem>>[vector<16xi32>, vector<16xi32>], vector<16xf32>,
      tpu.vector_store_idx %arg13[%broadcast_in_dim3A_637, %add3A_639], %broadcast_in_dim3A_238 : memref<32x128xf32, #tpu.memory_space<vmem>>[vector<16xi32>, vector<16xi32>], vector<16xf32>,
      tpu.vector_store_idx %arg14[%broadcast_in_dim3A_637, %add3A_639], %broadcast_in_dim3A_238 : memref<32x128xf32, #tpu.memory_space<vmem>>[vector<16xi32>, vector<16xi32>], vector<16xf32>,
      tpu.vector_store_idx %arg15[%broadcast_in_dim3A_637, %add3A_639], %broadcast_in_dim3A_238 : memref<32x128xf32, #tpu.memory_space<vmem>>[vector<16xi32>, vector<16xi32>], vector<16xf32>,
      tpu.vector_store_idx %arg16[%broadcast_in_dim3A_637, %add3A_639], %broadcast_in_dim3A_238 : memref<32x128xf32, #tpu.memory_space<vmem>>[vector<16xi32>, vector<16xi32>], vector<16xf32>,
      tpu.vector_store_idx %arg17[%broadcast_in_dim3A_637, %add3A_639], %broadcast_in_dim3A_238 : memref<32x128xf32, #tpu.memory_space<vmem>>[vector<16xi32>, vector<16xi32>], vector<16xf32>,
      tpu.vector_store_idx %arg18[%broadcast_in_dim3A_637, %add3A_639], %broadcast_in_dim3A_238 : memref<32x128xf32, #tpu.memory_space<vmem>>[vector<16xi32>, vector<16xi32>], vector<16xf32>,
      tpu.vector_store_idx %arg19[%broadcast_in_dim3A_637, %add3A_639], %broadcast_in_dim3A_238 : memref<32x128xf32, #tpu.memory_space<vmem>>[vector<16xi32>, vector<16xi32>], vector<16xf32>,
      tpu.vector_store_idx %arg20[%broadcast_in_dim3A_637, %add3A_639], %broadcast_in_dim3A_238 : memref<32x128xf32, #tpu.memory_space<vmem>>[vector<16xi32>, vector<16xi32>], vector<16xf32>,
      %scan3A_640 = arith.constant 0 : i32
      scf.yield %scan3A_640 : i32
    }
    %scan3A_250 = arith.constant 256 : i32
    %dma_wait3A = arith.constant 0 : i32
    %dma_wait3A_251 = arith.constant 0 : i32
    %dma_wait3A_252 = tpu.memref_slice %arg4[%dma_wait3A_251] : memref<13312xf32, #tpu.memory_space<vmem>> -> memref<512xf32, #tpu.memory_space<vmem>>
    %dma_wait3A_253 = tpu.memref_slice %arg2[%dma_wait3A, %mul3A_2] : memref<26x16384xf32, #tpu.memory_space<hbm>> -> memref<1x512xf32, #tpu.memory_space<hbm>>
    %dma_wait3A_254 = tpu.memref_squeeze %dma_wait3A_253 : memref<1x512xf32, #tpu.memory_space<hbm>> -> memref<512xf32, #tpu.memory_space<hbm>>
    %dma_wait3A_255 = arith.constant 0 : i32
    %dma_wait3A_256 = tpu.memref_slice %arg4[%dma_wait3A_255] : memref<13312xf32, #tpu.memory_space<vmem>> -> memref<512xf32, #tpu.memory_space<vmem>>
    %dma_wait3A_257 = tpu.memref_slice %arg2[%dma_wait3A, %mul3A_2] : memref<26x16384xf32, #tpu.memory_space<hbm>> -> memref<1x512xf32, #tpu.memory_space<hbm>>
    %dma_wait3A_258 = tpu.memref_squeeze %dma_wait3A_257 : memref<1x512xf32, #tpu.memory_space<hbm>> -> memref<512xf32, #tpu.memory_space<hbm>>
    tpu.wait_dma2 semaphore(%arg53 : memref<!tpu.dma_semaphore, #tpu.memory_space<semaphore_mem>>) src(%dma_wait3A_258 : memref<512xf32, #tpu.memory_space<hbm>>) dst(%dma_wait3A_256 : memref<512xf32, #tpu.memory_space<vmem>>)
    %dma_wait3A_259 = arith.constant 1 : i32
    %dma_wait3A_260 = arith.constant 512 : i32
    %dma_wait3A_261 = tpu.memref_slice %arg4[%dma_wait3A_260] : memref<13312xf32, #tpu.memory_space<vmem>> -> memref<512xf32, #tpu.memory_space<vmem>>
    %dma_wait3A_262 = tpu.memref_slice %arg2[%dma_wait3A_259, %mul3A_2] : memref<26x16384xf32, #tpu.memory_space<hbm>> -> memref<1x512xf32, #tpu.memory_space<hbm>>
    %dma_wait3A_263 = tpu.memref_squeeze %dma_wait3A_262 : memref<1x512xf32, #tpu.memory_space<hbm>> -> memref<512xf32, #tpu.memory_space<hbm>>
    %dma_wait3A_264 = arith.constant 512 : i32
    %dma_wait3A_265 = tpu.memref_slice %arg4[%dma_wait3A_264] : memref<13312xf32, #tpu.memory_space<vmem>> -> memref<512xf32, #tpu.memory_space<vmem>>
    %dma_wait3A_266 = tpu.memref_slice %arg2[%dma_wait3A_259, %mul3A_2] : memref<26x16384xf32, #tpu.memory_space<hbm>> -> memref<1x512xf32, #tpu.memory_space<hbm>>
    %dma_wait3A_267 = tpu.memref_squeeze %dma_wait3A_266 : memref<1x512xf32, #tpu.memory_space<hbm>> -> memref<512xf32, #tpu.memory_space<hbm>>
    tpu.wait_dma2 semaphore(%arg53 : memref<!tpu.dma_semaphore, #tpu.memory_space<semaphore_mem>>) src(%dma_wait3A_267 : memref<512xf32, #tpu.memory_space<hbm>>) dst(%dma_wait3A_265 : memref<512xf32, #tpu.memory_space<vmem>>)
    %dma_wait3A_268 = arith.constant 2 : i32
    %dma_wait3A_269 = arith.constant 1024 : i32
    %dma_wait3A_270 = tpu.memref_slice %arg4[%dma_wait3A_269] : memref<13312xf32, #tpu.memory_space<vmem>> -> memref<512xf32, #tpu.memory_space<vmem>>
    %dma_wait3A_271 = tpu.memref_slice %arg2[%dma_wait3A_268, %mul3A_2] : memref<26x16384xf32, #tpu.memory_space<hbm>> -> memref<1x512xf32, #tpu.memory_space<hbm>>
    %dma_wait3A_272 = tpu.memref_squeeze %dma_wait3A_271 : memref<1x512xf32, #tpu.memory_space<hbm>> -> memref<512xf32, #tpu.memory_space<hbm>>
    %dma_wait3A_273 = arith.constant 1024 : i32
    %dma_wait3A_274 = tpu.memref_slice %arg4[%dma_wait3A_273] : memref<13312xf32, #tpu.memory_space<vmem>> -> memref<512xf32, #tpu.memory_space<vmem>>
    %dma_wait3A_275 = tpu.memref_slice %arg2[%dma_wait3A_268, %mul3A_2] : memref<26x16384xf32, #tpu.memory_space<hbm>> -> memref<1x512xf32, #tpu.memory_space<hbm>>
    %dma_wait3A_276 = tpu.memref_squeeze %dma_wait3A_275 : memref<1x512xf32, #tpu.memory_space<hbm>> -> memref<512xf32, #tpu.memory_space<hbm>>
    tpu.wait_dma2 semaphore(%arg53 : memref<!tpu.dma_semaphore, #tpu.memory_space<semaphore_mem>>) src(%dma_wait3A_276 : memref<512xf32, #tpu.memory_space<hbm>>) dst(%dma_wait3A_274 : memref<512xf32, #tpu.memory_space<vmem>>)
    %dma_wait3A_277 = arith.constant 3 : i32
    %dma_wait3A_278 = arith.constant 1536 : i32
    %dma_wait3A_279 = tpu.memref_slice %arg4[%dma_wait3A_278] : memref<13312xf32, #tpu.memory_space<vmem>> -> memref<512xf32, #tpu.memory_space<vmem>>
    %dma_wait3A_280 = tpu.memref_slice %arg2[%dma_wait3A_277, %mul3A_2] : memref<26x16384xf32, #tpu.memory_space<hbm>> -> memref<1x512xf32, #tpu.memory_space<hbm>>
    %dma_wait3A_281 = tpu.memref_squeeze %dma_wait3A_280 : memref<1x512xf32, #tpu.memory_space<hbm>> -> memref<512xf32, #tpu.memory_space<hbm>>
    %dma_wait3A_282 = arith.constant 1536 : i32
    %dma_wait3A_283 = tpu.memref_slice %arg4[%dma_wait3A_282] : memref<13312xf32, #tpu.memory_space<vmem>> -> memref<512xf32, #tpu.memory_space<vmem>>
    %dma_wait3A_284 = tpu.memref_slice %arg2[%dma_wait3A_277, %mul3A_2] : memref<26x16384xf32, #tpu.memory_space<hbm>> -> memref<1x512xf32, #tpu.memory_space<hbm>>
    %dma_wait3A_285 = tpu.memref_squeeze %dma_wait3A_284 : memref<1x512xf32, #tpu.memory_space<hbm>> -> memref<512xf32, #tpu.memory_space<hbm>>
    tpu.wait_dma2 semaphore(%arg53 : memref<!tpu.dma_semaphore, #tpu.memory_space<semaphore_mem>>) src(%dma_wait3A_285 : memref<512xf32, #tpu.memory_space<hbm>>) dst(%dma_wait3A_283 : memref<512xf32, #tpu.memory_space<vmem>>)
    %dma_wait3A_286 = arith.constant 4 : i32
    %dma_wait3A_287 = arith.constant 2048 : i32
    %dma_wait3A_288 = tpu.memref_slice %arg4[%dma_wait3A_287] : memref<13312xf32, #tpu.memory_space<vmem>> -> memref<512xf32, #tpu.memory_space<vmem>>
    %dma_wait3A_289 = tpu.memref_slice %arg2[%dma_wait3A_286, %mul3A_2] : memref<26x16384xf32, #tpu.memory_space<hbm>> -> memref<1x512xf32, #tpu.memory_space<hbm>>
    %dma_wait3A_290 = tpu.memref_squeeze %dma_wait3A_289 : memref<1x512xf32, #tpu.memory_space<hbm>> -> memref<512xf32, #tpu.memory_space<hbm>>
    %dma_wait3A_291 = arith.constant 2048 : i32
    %dma_wait3A_292 = tpu.memref_slice %arg4[%dma_wait3A_291] : memref<13312xf32, #tpu.memory_space<vmem>> -> memref<512xf32, #tpu.memory_space<vmem>>
    %dma_wait3A_293 = tpu.memref_slice %arg2[%dma_wait3A_286, %mul3A_2] : memref<26x16384xf32, #tpu.memory_space<hbm>> -> memref<1x512xf32, #tpu.memory_space<hbm>>
    %dma_wait3A_294 = tpu.memref_squeeze %dma_wait3A_293 : memref<1x512xf32, #tpu.memory_space<hbm>> -> memref<512xf32, #tpu.memory_space<hbm>>
    tpu.wait_dma2 semaphore(%arg53 : memref<!tpu.dma_semaphore, #tpu.memory_space<semaphore_mem>>) src(%dma_wait3A_294 : memref<512xf32, #tpu.memory_space<hbm>>) dst(%dma_wait3A_292 : memref<512xf32, #tpu.memory_space<vmem>>)
    %dma_wait3A_295 = arith.constant 5 : i32
    %dma_wait3A_296 = arith.constant 2560 : i32
    %dma_wait3A_297 = tpu.memref_slice %arg4[%dma_wait3A_296] : memref<13312xf32, #tpu.memory_space<vmem>> -> memref<512xf32, #tpu.memory_space<vmem>>
    %dma_wait3A_298 = tpu.memref_slice %arg2[%dma_wait3A_295, %mul3A_2] : memref<26x16384xf32, #tpu.memory_space<hbm>> -> memref<1x512xf32, #tpu.memory_space<hbm>>
    %dma_wait3A_299 = tpu.memref_squeeze %dma_wait3A_298 : memref<1x512xf32, #tpu.memory_space<hbm>> -> memref<512xf32, #tpu.memory_space<hbm>>
    %dma_wait3A_300 = arith.constant 2560 : i32
    %dma_wait3A_301 = tpu.memref_slice %arg4[%dma_wait3A_300] : memref<13312xf32, #tpu.memory_space<vmem>> -> memref<512xf32, #tpu.memory_space<vmem>>
    %dma_wait3A_302 = tpu.memref_slice %arg2[%dma_wait3A_295, %mul3A_2] : memref<26x16384xf32, #tpu.memory_space<hbm>> -> memref<1x512xf32, #tpu.memory_space<hbm>>
    %dma_wait3A_303 = tpu.memref_squeeze %dma_wait3A_302 : memref<1x512xf32, #tpu.memory_space<hbm>> -> memref<512xf32, #tpu.memory_space<hbm>>
    tpu.wait_dma2 semaphore(%arg53 : memref<!tpu.dma_semaphore, #tpu.memory_space<semaphore_mem>>) src(%dma_wait3A_303 : memref<512xf32, #tpu.memory_space<hbm>>) dst(%dma_wait3A_301 : memref<512xf32, #tpu.memory_space<vmem>>)
    %dma_wait3A_304 = arith.constant 6 : i32
    %dma_wait3A_305 = arith.constant 3072 : i32
    %dma_wait3A_306 = tpu.memref_slice %arg4[%dma_wait3A_305] : memref<13312xf32, #tpu.memory_space<vmem>> -> memref<512xf32, #tpu.memory_space<vmem>>
    %dma_wait3A_307 = tpu.memref_slice %arg2[%dma_wait3A_304, %mul3A_2] : memref<26x16384xf32, #tpu.memory_space<hbm>> -> memref<1x512xf32, #tpu.memory_space<hbm>>
    %dma_wait3A_308 = tpu.memref_squeeze %dma_wait3A_307 : memref<1x512xf32, #tpu.memory_space<hbm>> -> memref<512xf32, #tpu.memory_space<hbm>>
    %dma_wait3A_309 = arith.constant 3072 : i32
    %dma_wait3A_310 = tpu.memref_slice %arg4[%dma_wait3A_309] : memref<13312xf32, #tpu.memory_space<vmem>> -> memref<512xf32, #tpu.memory_space<vmem>>
    %dma_wait3A_311 = tpu.memref_slice %arg2[%dma_wait3A_304, %mul3A_2] : memref<26x16384xf32, #tpu.memory_space<hbm>> -> memref<1x512xf32, #tpu.memory_space<hbm>>
    %dma_wait3A_312 = tpu.memref_squeeze %dma_wait3A_311 : memref<1x512xf32, #tpu.memory_space<hbm>> -> memref<512xf32, #tpu.memory_space<hbm>>
    tpu.wait_dma2 semaphore(%arg53 : memref<!tpu.dma_semaphore, #tpu.memory_space<semaphore_mem>>) src(%dma_wait3A_312 : memref<512xf32, #tpu.memory_space<hbm>>) dst(%dma_wait3A_310 : memref<512xf32, #tpu.memory_space<vmem>>)
    %dma_wait3A_313 = arith.constant 7 : i32
    %dma_wait3A_314 = arith.constant 3584 : i32
    %dma_wait3A_315 = tpu.memref_slice %arg4[%dma_wait3A_314] : memref<13312xf32, #tpu.memory_space<vmem>> -> memref<512xf32, #tpu.memory_space<vmem>>
    %dma_wait3A_316 = tpu.memref_slice %arg2[%dma_wait3A_313, %mul3A_2] : memref<26x16384xf32, #tpu.memory_space<hbm>> -> memref<1x512xf32, #tpu.memory_space<hbm>>
    %dma_wait3A_317 = tpu.memref_squeeze %dma_wait3A_316 : memref<1x512xf32, #tpu.memory_space<hbm>> -> memref<512xf32, #tpu.memory_space<hbm>>
    %dma_wait3A_318 = arith.constant 3584 : i32
    %dma_wait3A_319 = tpu.memref_slice %arg4[%dma_wait3A_318] : memref<13312xf32, #tpu.memory_space<vmem>> -> memref<512xf32, #tpu.memory_space<vmem>>
    %dma_wait3A_320 = tpu.memref_slice %arg2[%dma_wait3A_313, %mul3A_2] : memref<26x16384xf32, #tpu.memory_space<hbm>> -> memref<1x512xf32, #tpu.memory_space<hbm>>
    %dma_wait3A_321 = tpu.memref_squeeze %dma_wait3A_320 : memref<1x512xf32, #tpu.memory_space<hbm>> -> memref<512xf32, #tpu.memory_space<hbm>>
    tpu.wait_dma2 semaphore(%arg53 : memref<!tpu.dma_semaphore, #tpu.memory_space<semaphore_mem>>) src(%dma_wait3A_321 : memref<512xf32, #tpu.memory_space<hbm>>) dst(%dma_wait3A_319 : memref<512xf32, #tpu.memory_space<vmem>>)
    %dma_wait3A_322 = arith.constant 8 : i32
    %dma_wait3A_323 = arith.constant 4096 : i32
    %dma_wait3A_324 = tpu.memref_slice %arg4[%dma_wait3A_323] : memref<13312xf32, #tpu.memory_space<vmem>> -> memref<512xf32, #tpu.memory_space<vmem>>
    %dma_wait3A_325 = tpu.memref_slice %arg2[%dma_wait3A_322, %mul3A_2] : memref<26x16384xf32, #tpu.memory_space<hbm>> -> memref<1x512xf32, #tpu.memory_space<hbm>>
    %dma_wait3A_326 = tpu.memref_squeeze %dma_wait3A_325 : memref<1x512xf32, #tpu.memory_space<hbm>> -> memref<512xf32, #tpu.memory_space<hbm>>
    %dma_wait3A_327 = arith.constant 4096 : i32
    %dma_wait3A_328 = tpu.memref_slice %arg4[%dma_wait3A_327] : memref<13312xf32, #tpu.memory_space<vmem>> -> memref<512xf32, #tpu.memory_space<vmem>>
    %dma_wait3A_329 = tpu.memref_slice %arg2[%dma_wait3A_322, %mul3A_2] : memref<26x16384xf32, #tpu.memory_space<hbm>> -> memref<1x512xf32, #tpu.memory_space<hbm>>
    %dma_wait3A_330 = tpu.memref_squeeze %dma_wait3A_329 : memref<1x512xf32, #tpu.memory_space<hbm>> -> memref<512xf32, #tpu.memory_space<hbm>>
    tpu.wait_dma2 semaphore(%arg53 : memref<!tpu.dma_semaphore, #tpu.memory_space<semaphore_mem>>) src(%dma_wait3A_330 : memref<512xf32, #tpu.memory_space<hbm>>) dst(%dma_wait3A_328 : memref<512xf32, #tpu.memory_space<vmem>>)
    %dma_wait3A_331 = arith.constant 9 : i32
    %dma_wait3A_332 = arith.constant 4608 : i32
    %dma_wait3A_333 = tpu.memref_slice %arg4[%dma_wait3A_332] : memref<13312xf32, #tpu.memory_space<vmem>> -> memref<512xf32, #tpu.memory_space<vmem>>
    %dma_wait3A_334 = tpu.memref_slice %arg2[%dma_wait3A_331, %mul3A_2] : memref<26x16384xf32, #tpu.memory_space<hbm>> -> memref<1x512xf32, #tpu.memory_space<hbm>>
    %dma_wait3A_335 = tpu.memref_squeeze %dma_wait3A_334 : memref<1x512xf32, #tpu.memory_space<hbm>> -> memref<512xf32, #tpu.memory_space<hbm>>
    %dma_wait3A_336 = arith.constant 4608 : i32
    %dma_wait3A_337 = tpu.memref_slice %arg4[%dma_wait3A_336] : memref<13312xf32, #tpu.memory_space<vmem>> -> memref<512xf32, #tpu.memory_space<vmem>>
    %dma_wait3A_338 = tpu.memref_slice %arg2[%dma_wait3A_331, %mul3A_2] : memref<26x16384xf32, #tpu.memory_space<hbm>> -> memref<1x512xf32, #tpu.memory_space<hbm>>
    %dma_wait3A_339 = tpu.memref_squeeze %dma_wait3A_338 : memref<1x512xf32, #tpu.memory_space<hbm>> -> memref<512xf32, #tpu.memory_space<hbm>>
    tpu.wait_dma2 semaphore(%arg53 : memref<!tpu.dma_semaphore, #tpu.memory_space<semaphore_mem>>) src(%dma_wait3A_339 : memref<512xf32, #tpu.memory_space<hbm>>) dst(%dma_wait3A_337 : memref<512xf32, #tpu.memory_space<vmem>>)
    %dma_wait3A_340 = arith.constant 10 : i32
    %dma_wait3A_341 = arith.constant 5120 : i32
    %dma_wait3A_342 = tpu.memref_slice %arg4[%dma_wait3A_341] : memref<13312xf32, #tpu.memory_space<vmem>> -> memref<512xf32, #tpu.memory_space<vmem>>
    %dma_wait3A_343 = tpu.memref_slice %arg2[%dma_wait3A_340, %mul3A_2] : memref<26x16384xf32, #tpu.memory_space<hbm>> -> memref<1x512xf32, #tpu.memory_space<hbm>>
    %dma_wait3A_344 = tpu.memref_squeeze %dma_wait3A_343 : memref<1x512xf32, #tpu.memory_space<hbm>> -> memref<512xf32, #tpu.memory_space<hbm>>
    %dma_wait3A_345 = arith.constant 5120 : i32
    %dma_wait3A_346 = tpu.memref_slice %arg4[%dma_wait3A_345] : memref<13312xf32, #tpu.memory_space<vmem>> -> memref<512xf32, #tpu.memory_space<vmem>>
    %dma_wait3A_347 = tpu.memref_slice %arg2[%dma_wait3A_340, %mul3A_2] : memref<26x16384xf32, #tpu.memory_space<hbm>> -> memref<1x512xf32, #tpu.memory_space<hbm>>
    %dma_wait3A_348 = tpu.memref_squeeze %dma_wait3A_347 : memref<1x512xf32, #tpu.memory_space<hbm>> -> memref<512xf32, #tpu.memory_space<hbm>>
    tpu.wait_dma2 semaphore(%arg53 : memref<!tpu.dma_semaphore, #tpu.memory_space<semaphore_mem>>) src(%dma_wait3A_348 : memref<512xf32, #tpu.memory_space<hbm>>) dst(%dma_wait3A_346 : memref<512xf32, #tpu.memory_space<vmem>>)
    %dma_wait3A_349 = arith.constant 11 : i32
    %dma_wait3A_350 = arith.constant 5632 : i32
    %dma_wait3A_351 = tpu.memref_slice %arg4[%dma_wait3A_350] : memref<13312xf32, #tpu.memory_space<vmem>> -> memref<512xf32, #tpu.memory_space<vmem>>
    %dma_wait3A_352 = tpu.memref_slice %arg2[%dma_wait3A_349, %mul3A_2] : memref<26x16384xf32, #tpu.memory_space<hbm>> -> memref<1x512xf32, #tpu.memory_space<hbm>>
    %dma_wait3A_353 = tpu.memref_squeeze %dma_wait3A_352 : memref<1x512xf32, #tpu.memory_space<hbm>> -> memref<512xf32, #tpu.memory_space<hbm>>
    %dma_wait3A_354 = arith.constant 5632 : i32
    %dma_wait3A_355 = tpu.memref_slice %arg4[%dma_wait3A_354] : memref<13312xf32, #tpu.memory_space<vmem>> -> memref<512xf32, #tpu.memory_space<vmem>>
    %dma_wait3A_356 = tpu.memref_slice %arg2[%dma_wait3A_349, %mul3A_2] : memref<26x16384xf32, #tpu.memory_space<hbm>> -> memref<1x512xf32, #tpu.memory_space<hbm>>
    %dma_wait3A_357 = tpu.memref_squeeze %dma_wait3A_356 : memref<1x512xf32, #tpu.memory_space<hbm>> -> memref<512xf32, #tpu.memory_space<hbm>>
    tpu.wait_dma2 semaphore(%arg53 : memref<!tpu.dma_semaphore, #tpu.memory_space<semaphore_mem>>) src(%dma_wait3A_357 : memref<512xf32, #tpu.memory_space<hbm>>) dst(%dma_wait3A_355 : memref<512xf32, #tpu.memory_space<vmem>>)
    %dma_wait3A_358 = arith.constant 12 : i32
    %dma_wait3A_359 = arith.constant 6144 : i32
    %dma_wait3A_360 = tpu.memref_slice %arg4[%dma_wait3A_359] : memref<13312xf32, #tpu.memory_space<vmem>> -> memref<512xf32, #tpu.memory_space<vmem>>
    %dma_wait3A_361 = tpu.memref_slice %arg2[%dma_wait3A_358, %mul3A_2] : memref<26x16384xf32, #tpu.memory_space<hbm>> -> memref<1x512xf32, #tpu.memory_space<hbm>>
    %dma_wait3A_362 = tpu.memref_squeeze %dma_wait3A_361 : memref<1x512xf32, #tpu.memory_space<hbm>> -> memref<512xf32, #tpu.memory_space<hbm>>
    %dma_wait3A_363 = arith.constant 6144 : i32
    %dma_wait3A_364 = tpu.memref_slice %arg4[%dma_wait3A_363] : memref<13312xf32, #tpu.memory_space<vmem>> -> memref<512xf32, #tpu.memory_space<vmem>>
    %dma_wait3A_365 = tpu.memref_slice %arg2[%dma_wait3A_358, %mul3A_2] : memref<26x16384xf32, #tpu.memory_space<hbm>> -> memref<1x512xf32, #tpu.memory_space<hbm>>
    %dma_wait3A_366 = tpu.memref_squeeze %dma_wait3A_365 : memref<1x512xf32, #tpu.memory_space<hbm>> -> memref<512xf32, #tpu.memory_space<hbm>>
    tpu.wait_dma2 semaphore(%arg53 : memref<!tpu.dma_semaphore, #tpu.memory_space<semaphore_mem>>) src(%dma_wait3A_366 : memref<512xf32, #tpu.memory_space<hbm>>) dst(%dma_wait3A_364 : memref<512xf32, #tpu.memory_space<vmem>>)
    %dma_wait3A_367 = arith.constant 13 : i32
    %dma_wait3A_368 = arith.constant 6656 : i32
    %dma_wait3A_369 = tpu.memref_slice %arg4[%dma_wait3A_368] : memref<13312xf32, #tpu.memory_space<vmem>> -> memref<512xf32, #tpu.memory_space<vmem>>
    %dma_wait3A_370 = tpu.memref_slice %arg2[%dma_wait3A_367, %mul3A_2] : memref<26x16384xf32, #tpu.memory_space<hbm>> -> memref<1x512xf32, #tpu.memory_space<hbm>>
    %dma_wait3A_371 = tpu.memref_squeeze %dma_wait3A_370 : memref<1x512xf32, #tpu.memory_space<hbm>> -> memref<512xf32, #tpu.memory_space<hbm>>
    %dma_wait3A_372 = arith.constant 6656 : i32
    %dma_wait3A_373 = tpu.memref_slice %arg4[%dma_wait3A_372] : memref<13312xf32, #tpu.memory_space<vmem>> -> memref<512xf32, #tpu.memory_space<vmem>>
    %dma_wait3A_374 = tpu.memref_slice %arg2[%dma_wait3A_367, %mul3A_2] : memref<26x16384xf32, #tpu.memory_space<hbm>> -> memref<1x512xf32, #tpu.memory_space<hbm>>
    %dma_wait3A_375 = tpu.memref_squeeze %dma_wait3A_374 : memref<1x512xf32, #tpu.memory_space<hbm>> -> memref<512xf32, #tpu.memory_space<hbm>>
    tpu.wait_dma2 semaphore(%arg53 : memref<!tpu.dma_semaphore, #tpu.memory_space<semaphore_mem>>) src(%dma_wait3A_375 : memref<512xf32, #tpu.memory_space<hbm>>) dst(%dma_wait3A_373 : memref<512xf32, #tpu.memory_space<vmem>>)
    %dma_wait3A_376 = arith.constant 14 : i32
    %dma_wait3A_377 = arith.constant 7168 : i32
    %dma_wait3A_378 = tpu.memref_slice %arg4[%dma_wait3A_377] : memref<13312xf32, #tpu.memory_space<vmem>> -> memref<512xf32, #tpu.memory_space<vmem>>
    %dma_wait3A_379 = tpu.memref_slice %arg2[%dma_wait3A_376, %mul3A_2] : memref<26x16384xf32, #tpu.memory_space<hbm>> -> memref<1x512xf32, #tpu.memory_space<hbm>>
    %dma_wait3A_380 = tpu.memref_squeeze %dma_wait3A_379 : memref<1x512xf32, #tpu.memory_space<hbm>> -> memref<512xf32, #tpu.memory_space<hbm>>
    %dma_wait3A_381 = arith.constant 7168 : i32
    %dma_wait3A_382 = tpu.memref_slice %arg4[%dma_wait3A_381] : memref<13312xf32, #tpu.memory_space<vmem>> -> memref<512xf32, #tpu.memory_space<vmem>>
    %dma_wait3A_383 = tpu.memref_slice %arg2[%dma_wait3A_376, %mul3A_2] : memref<26x16384xf32, #tpu.memory_space<hbm>> -> memref<1x512xf32, #tpu.memory_space<hbm>>
    %dma_wait3A_384 = tpu.memref_squeeze %dma_wait3A_383 : memref<1x512xf32, #tpu.memory_space<hbm>> -> memref<512xf32, #tpu.memory_space<hbm>>
    tpu.wait_dma2 semaphore(%arg53 : memref<!tpu.dma_semaphore, #tpu.memory_space<semaphore_mem>>) src(%dma_wait3A_384 : memref<512xf32, #tpu.memory_space<hbm>>) dst(%dma_wait3A_382 : memref<512xf32, #tpu.memory_space<vmem>>)
    %dma_wait3A_385 = arith.constant 15 : i32
    %dma_wait3A_386 = arith.constant 7680 : i32
    %dma_wait3A_387 = tpu.memref_slice %arg4[%dma_wait3A_386] : memref<13312xf32, #tpu.memory_space<vmem>> -> memref<512xf32, #tpu.memory_space<vmem>>
    %dma_wait3A_388 = tpu.memref_slice %arg2[%dma_wait3A_385, %mul3A_2] : memref<26x16384xf32, #tpu.memory_space<hbm>> -> memref<1x512xf32, #tpu.memory_space<hbm>>
    %dma_wait3A_389 = tpu.memref_squeeze %dma_wait3A_388 : memref<1x512xf32, #tpu.memory_space<hbm>> -> memref<512xf32, #tpu.memory_space<hbm>>
    %dma_wait3A_390 = arith.constant 7680 : i32
    %dma_wait3A_391 = tpu.memref_slice %arg4[%dma_wait3A_390] : memref<13312xf32, #tpu.memory_space<vmem>> -> memref<512xf32, #tpu.memory_space<vmem>>
    %dma_wait3A_392 = tpu.memref_slice %arg2[%dma_wait3A_385, %mul3A_2] : memref<26x16384xf32, #tpu.memory_space<hbm>> -> memref<1x512xf32, #tpu.memory_space<hbm>>
    %dma_wait3A_393 = tpu.memref_squeeze %dma_wait3A_392 : memref<1x512xf32, #tpu.memory_space<hbm>> -> memref<512xf32, #tpu.memory_space<hbm>>
    tpu.wait_dma2 semaphore(%arg53 : memref<!tpu.dma_semaphore, #tpu.memory_space<semaphore_mem>>) src(%dma_wait3A_393 : memref<512xf32, #tpu.memory_space<hbm>>) dst(%dma_wait3A_391 : memref<512xf32, #tpu.memory_space<vmem>>)
    %dma_wait3A_394 = arith.constant 16 : i32
    %dma_wait3A_395 = arith.constant 8192 : i32
    %dma_wait3A_396 = tpu.memref_slice %arg4[%dma_wait3A_395] : memref<13312xf32, #tpu.memory_space<vmem>> -> memref<512xf32, #tpu.memory_space<vmem>>
    %dma_wait3A_397 = tpu.memref_slice %arg2[%dma_wait3A_394, %mul3A_2] : memref<26x16384xf32, #tpu.memory_space<hbm>> -> memref<1x512xf32, #tpu.memory_space<hbm>>
    %dma_wait3A_398 = tpu.memref_squeeze %dma_wait3A_397 : memref<1x512xf32, #tpu.memory_space<hbm>> -> memref<512xf32, #tpu.memory_space<hbm>>
    %dma_wait3A_399 = arith.constant 8192 : i32
    %dma_wait3A_400 = tpu.memref_slice %arg4[%dma_wait3A_399] : memref<13312xf32, #tpu.memory_space<vmem>> -> memref<512xf32, #tpu.memory_space<vmem>>
    %dma_wait3A_401 = tpu.memref_slice %arg2[%dma_wait3A_394, %mul3A_2] : memref<26x16384xf32, #tpu.memory_space<hbm>> -> memref<1x512xf32, #tpu.memory_space<hbm>>
    %dma_wait3A_402 = tpu.memref_squeeze %dma_wait3A_401 : memref<1x512xf32, #tpu.memory_space<hbm>> -> memref<512xf32, #tpu.memory_space<hbm>>
    tpu.wait_dma2 semaphore(%arg53 : memref<!tpu.dma_semaphore, #tpu.memory_space<semaphore_mem>>) src(%dma_wait3A_402 : memref<512xf32, #tpu.memory_space<hbm>>) dst(%dma_wait3A_400 : memref<512xf32, #tpu.memory_space<vmem>>)
    %dma_wait3A_403 = arith.constant 17 : i32
    %dma_wait3A_404 = arith.constant 8704 : i32
    %dma_wait3A_405 = tpu.memref_slice %arg4[%dma_wait3A_404] : memref<13312xf32, #tpu.memory_space<vmem>> -> memref<512xf32, #tpu.memory_space<vmem>>
    %dma_wait3A_406 = tpu.memref_slice %arg2[%dma_wait3A_403, %mul3A_2] : memref<26x16384xf32, #tpu.memory_space<hbm>> -> memref<1x512xf32, #tpu.memory_space<hbm>>
    %dma_wait3A_407 = tpu.memref_squeeze %dma_wait3A_406 : memref<1x512xf32, #tpu.memory_space<hbm>> -> memref<512xf32, #tpu.memory_space<hbm>>
    %dma_wait3A_408 = arith.constant 8704 : i32
    %dma_wait3A_409 = tpu.memref_slice %arg4[%dma_wait3A_408] : memref<13312xf32, #tpu.memory_space<vmem>> -> memref<512xf32, #tpu.memory_space<vmem>>
    %dma_wait3A_410 = tpu.memref_slice %arg2[%dma_wait3A_403, %mul3A_2] : memref<26x16384xf32, #tpu.memory_space<hbm>> -> memref<1x512xf32, #tpu.memory_space<hbm>>
    %dma_wait3A_411 = tpu.memref_squeeze %dma_wait3A_410 : memref<1x512xf32, #tpu.memory_space<hbm>> -> memref<512xf32, #tpu.memory_space<hbm>>
    tpu.wait_dma2 semaphore(%arg53 : memref<!tpu.dma_semaphore, #tpu.memory_space<semaphore_mem>>) src(%dma_wait3A_411 : memref<512xf32, #tpu.memory_space<hbm>>) dst(%dma_wait3A_409 : memref<512xf32, #tpu.memory_space<vmem>>)
    %dma_wait3A_412 = arith.constant 18 : i32
    %dma_wait3A_413 = arith.constant 9216 : i32
    %dma_wait3A_414 = tpu.memref_slice %arg4[%dma_wait3A_413] : memref<13312xf32, #tpu.memory_space<vmem>> -> memref<512xf32, #tpu.memory_space<vmem>>
    %dma_wait3A_415 = tpu.memref_slice %arg2[%dma_wait3A_412, %mul3A_2] : memref<26x16384xf32, #tpu.memory_space<hbm>> -> memref<1x512xf32, #tpu.memory_space<hbm>>
    %dma_wait3A_416 = tpu.memref_squeeze %dma_wait3A_415 : memref<1x512xf32, #tpu.memory_space<hbm>> -> memref<512xf32, #tpu.memory_space<hbm>>
    %dma_wait3A_417 = arith.constant 9216 : i32
    %dma_wait3A_418 = tpu.memref_slice %arg4[%dma_wait3A_417] : memref<13312xf32, #tpu.memory_space<vmem>> -> memref<512xf32, #tpu.memory_space<vmem>>
    %dma_wait3A_419 = tpu.memref_slice %arg2[%dma_wait3A_412, %mul3A_2] : memref<26x16384xf32, #tpu.memory_space<hbm>> -> memref<1x512xf32, #tpu.memory_space<hbm>>
    %dma_wait3A_420 = tpu.memref_squeeze %dma_wait3A_419 : memref<1x512xf32, #tpu.memory_space<hbm>> -> memref<512xf32, #tpu.memory_space<hbm>>
    tpu.wait_dma2 semaphore(%arg53 : memref<!tpu.dma_semaphore, #tpu.memory_space<semaphore_mem>>) src(%dma_wait3A_420 : memref<512xf32, #tpu.memory_space<hbm>>) dst(%dma_wait3A_418 : memref<512xf32, #tpu.memory_space<vmem>>)
    %dma_wait3A_421 = arith.constant 19 : i32
    %dma_wait3A_422 = arith.constant 9728 : i32
    %dma_wait3A_423 = tpu.memref_slice %arg4[%dma_wait3A_422] : memref<13312xf32, #tpu.memory_space<vmem>> -> memref<512xf32, #tpu.memory_space<vmem>>
    %dma_wait3A_424 = tpu.memref_slice %arg2[%dma_wait3A_421, %mul3A_2] : memref<26x16384xf32, #tpu.memory_space<hbm>> -> memref<1x512xf32, #tpu.memory_space<hbm>>
    %dma_wait3A_425 = tpu.memref_squeeze %dma_wait3A_424 : memref<1x512xf32, #tpu.memory_space<hbm>> -> memref<512xf32, #tpu.memory_space<hbm>>
    %dma_wait3A_426 = arith.constant 9728 : i32
    %dma_wait3A_427 = tpu.memref_slice %arg4[%dma_wait3A_426] : memref<13312xf32, #tpu.memory_space<vmem>> -> memref<512xf32, #tpu.memory_space<vmem>>
    %dma_wait3A_428 = tpu.memref_slice %arg2[%dma_wait3A_421, %mul3A_2] : memref<26x16384xf32, #tpu.memory_space<hbm>> -> memref<1x512xf32, #tpu.memory_space<hbm>>
    %dma_wait3A_429 = tpu.memref_squeeze %dma_wait3A_428 : memref<1x512xf32, #tpu.memory_space<hbm>> -> memref<512xf32, #tpu.memory_space<hbm>>
    tpu.wait_dma2 semaphore(%arg53 : memref<!tpu.dma_semaphore, #tpu.memory_space<semaphore_mem>>) src(%dma_wait3A_429 : memref<512xf32, #tpu.memory_space<hbm>>) dst(%dma_wait3A_427 : memref<512xf32, #tpu.memory_space<vmem>>)
    %dma_wait3A_430 = arith.constant 20 : i32
    %dma_wait3A_431 = arith.constant 10240 : i32
    %dma_wait3A_432 = tpu.memref_slice %arg4[%dma_wait3A_431] : memref<13312xf32, #tpu.memory_space<vmem>> -> memref<512xf32, #tpu.memory_space<vmem>>
    %dma_wait3A_433 = tpu.memref_slice %arg2[%dma_wait3A_430, %mul3A_2] : memref<26x16384xf32, #tpu.memory_space<hbm>> -> memref<1x512xf32, #tpu.memory_space<hbm>>
    %dma_wait3A_434 = tpu.memref_squeeze %dma_wait3A_433 : memref<1x512xf32, #tpu.memory_space<hbm>> -> memref<512xf32, #tpu.memory_space<hbm>>
    %dma_wait3A_435 = arith.constant 10240 : i32
    %dma_wait3A_436 = tpu.memref_slice %arg4[%dma_wait3A_435] : memref<13312xf32, #tpu.memory_space<vmem>> -> memref<512xf32, #tpu.memory_space<vmem>>
    %dma_wait3A_437 = tpu.memref_slice %arg2[%dma_wait3A_430, %mul3A_2] : memref<26x16384xf32, #tpu.memory_space<hbm>> -> memref<1x512xf32, #tpu.memory_space<hbm>>
    %dma_wait3A_438 = tpu.memref_squeeze %dma_wait3A_437 : memref<1x512xf32, #tpu.memory_space<hbm>> -> memref<512xf32, #tpu.memory_space<hbm>>
    tpu.wait_dma2 semaphore(%arg53 : memref<!tpu.dma_semaphore, #tpu.memory_space<semaphore_mem>>) src(%dma_wait3A_438 : memref<512xf32, #tpu.memory_space<hbm>>) dst(%dma_wait3A_436 : memref<512xf32, #tpu.memory_space<vmem>>)
    %dma_wait3A_439 = arith.constant 21 : i32
    %dma_wait3A_440 = arith.constant 10752 : i32
    %dma_wait3A_441 = tpu.memref_slice %arg4[%dma_wait3A_440] : memref<13312xf32, #tpu.memory_space<vmem>> -> memref<512xf32, #tpu.memory_space<vmem>>
    %dma_wait3A_442 = tpu.memref_slice %arg2[%dma_wait3A_439, %mul3A_2] : memref<26x16384xf32, #tpu.memory_space<hbm>> -> memref<1x512xf32, #tpu.memory_space<hbm>>
    %dma_wait3A_443 = tpu.memref_squeeze %dma_wait3A_442 : memref<1x512xf32, #tpu.memory_space<hbm>> -> memref<512xf32, #tpu.memory_space<hbm>>
    %dma_wait3A_444 = arith.constant 10752 : i32
    %dma_wait3A_445 = tpu.memref_slice %arg4[%dma_wait3A_444] : memref<13312xf32, #tpu.memory_space<vmem>> -> memref<512xf32, #tpu.memory_space<vmem>>
    %dma_wait3A_446 = tpu.memref_slice %arg2[%dma_wait3A_439, %mul3A_2] : memref<26x16384xf32, #tpu.memory_space<hbm>> -> memref<1x512xf32, #tpu.memory_space<hbm>>
    %dma_wait3A_447 = tpu.memref_squeeze %dma_wait3A_446 : memref<1x512xf32, #tpu.memory_space<hbm>> -> memref<512xf32, #tpu.memory_space<hbm>>
    tpu.wait_dma2 semaphore(%arg53 : memref<!tpu.dma_semaphore, #tpu.memory_space<semaphore_mem>>) src(%dma_wait3A_447 : memref<512xf32, #tpu.memory_space<hbm>>) dst(%dma_wait3A_445 : memref<512xf32, #tpu.memory_space<vmem>>)
    %dma_wait3A_448 = arith.constant 22 : i32
    %dma_wait3A_449 = arith.constant 11264 : i32
    %dma_wait3A_450 = tpu.memref_slice %arg4[%dma_wait3A_449] : memref<13312xf32, #tpu.memory_space<vmem>> -> memref<512xf32, #tpu.memory_space<vmem>>
    %dma_wait3A_451 = tpu.memref_slice %arg2[%dma_wait3A_448, %mul3A_2] : memref<26x16384xf32, #tpu.memory_space<hbm>> -> memref<1x512xf32, #tpu.memory_space<hbm>>
    %dma_wait3A_452 = tpu.memref_squeeze %dma_wait3A_451 : memref<1x512xf32, #tpu.memory_space<hbm>> -> memref<512xf32, #tpu.memory_space<hbm>>
    %dma_wait3A_453 = arith.constant 11264 : i32
    %dma_wait3A_454 = tpu.memref_slice %arg4[%dma_wait3A_453] : memref<13312xf32, #tpu.memory_space<vmem>> -> memref<512xf32, #tpu.memory_space<vmem>>
    %dma_wait3A_455 = tpu.memref_slice %arg2[%dma_wait3A_448, %mul3A_2] : memref<26x16384xf32, #tpu.memory_space<hbm>> -> memref<1x512xf32, #tpu.memory_space<hbm>>
    %dma_wait3A_456 = tpu.memref_squeeze %dma_wait3A_455 : memref<1x512xf32, #tpu.memory_space<hbm>> -> memref<512xf32, #tpu.memory_space<hbm>>
    tpu.wait_dma2 semaphore(%arg53 : memref<!tpu.dma_semaphore, #tpu.memory_space<semaphore_mem>>) src(%dma_wait3A_456 : memref<512xf32, #tpu.memory_space<hbm>>) dst(%dma_wait3A_454 : memref<512xf32, #tpu.memory_space<vmem>>)
    %dma_wait3A_457 = arith.constant 23 : i32
    %dma_wait3A_458 = arith.constant 11776 : i32
    %dma_wait3A_459 = tpu.memref_slice %arg4[%dma_wait3A_458] : memref<13312xf32, #tpu.memory_space<vmem>> -> memref<512xf32, #tpu.memory_space<vmem>>
    %dma_wait3A_460 = tpu.memref_slice %arg2[%dma_wait3A_457, %mul3A_2] : memref<26x16384xf32, #tpu.memory_space<hbm>> -> memref<1x512xf32, #tpu.memory_space<hbm>>
    %dma_wait3A_461 = tpu.memref_squeeze %dma_wait3A_460 : memref<1x512xf32, #tpu.memory_space<hbm>> -> memref<512xf32, #tpu.memory_space<hbm>>
    %dma_wait3A_462 = arith.constant 11776 : i32
    %dma_wait3A_463 = tpu.memref_slice %arg4[%dma_wait3A_462] : memref<13312xf32, #tpu.memory_space<vmem>> -> memref<512xf32, #tpu.memory_space<vmem>>
    %dma_wait3A_464 = tpu.memref_slice %arg2[%dma_wait3A_457, %mul3A_2] : memref<26x16384xf32, #tpu.memory_space<hbm>> -> memref<1x512xf32, #tpu.memory_space<hbm>>
    %dma_wait3A_465 = tpu.memref_squeeze %dma_wait3A_464 : memref<1x512xf32, #tpu.memory_space<hbm>> -> memref<512xf32, #tpu.memory_space<hbm>>
    tpu.wait_dma2 semaphore(%arg53 : memref<!tpu.dma_semaphore, #tpu.memory_space<semaphore_mem>>) src(%dma_wait3A_465 : memref<512xf32, #tpu.memory_space<hbm>>) dst(%dma_wait3A_463 : memref<512xf32, #tpu.memory_space<vmem>>)
    %dma_wait3A_466 = arith.constant 24 : i32
    %dma_wait3A_467 = arith.constant 12288 : i32
    %dma_wait3A_468 = tpu.memref_slice %arg4[%dma_wait3A_467] : memref<13312xf32, #tpu.memory_space<vmem>> -> memref<512xf32, #tpu.memory_space<vmem>>
    %dma_wait3A_469 = tpu.memref_slice %arg2[%dma_wait3A_466, %mul3A_2] : memref<26x16384xf32, #tpu.memory_space<hbm>> -> memref<1x512xf32, #tpu.memory_space<hbm>>
    %dma_wait3A_470 = tpu.memref_squeeze %dma_wait3A_469 : memref<1x512xf32, #tpu.memory_space<hbm>> -> memref<512xf32, #tpu.memory_space<hbm>>
    %dma_wait3A_471 = arith.constant 12288 : i32
    %dma_wait3A_472 = tpu.memref_slice %arg4[%dma_wait3A_471] : memref<13312xf32, #tpu.memory_space<vmem>> -> memref<512xf32, #tpu.memory_space<vmem>>
    %dma_wait3A_473 = tpu.memref_slice %arg2[%dma_wait3A_466, %mul3A_2] : memref<26x16384xf32, #tpu.memory_space<hbm>> -> memref<1x512xf32, #tpu.memory_space<hbm>>
    %dma_wait3A_474 = tpu.memref_squeeze %dma_wait3A_473 : memref<1x512xf32, #tpu.memory_space<hbm>> -> memref<512xf32, #tpu.memory_space<hbm>>
    tpu.wait_dma2 semaphore(%arg53 : memref<!tpu.dma_semaphore, #tpu.memory_space<semaphore_mem>>) src(%dma_wait3A_474 : memref<512xf32, #tpu.memory_space<hbm>>) dst(%dma_wait3A_472 : memref<512xf32, #tpu.memory_space<vmem>>)
    %dma_wait3A_475 = arith.constant 25 : i32
    %dma_wait3A_476 = arith.constant 12800 : i32
    %dma_wait3A_477 = tpu.memref_slice %arg4[%dma_wait3A_476] : memref<13312xf32, #tpu.memory_space<vmem>> -> memref<512xf32, #tpu.memory_space<vmem>>
    %dma_wait3A_478 = tpu.memref_slice %arg2[%dma_wait3A_475, %mul3A_2] : memref<26x16384xf32, #tpu.memory_space<hbm>> -> memref<1x512xf32, #tpu.memory_space<hbm>>
    %dma_wait3A_479 = tpu.memref_squeeze %dma_wait3A_478 : memref<1x512xf32, #tpu.memory_space<hbm>> -> memref<512xf32, #tpu.memory_space<hbm>>
    %dma_wait3A_480 = arith.constant 12800 : i32
    %dma_wait3A_481 = tpu.memref_slice %arg4[%dma_wait3A_480] : memref<13312xf32, #tpu.memory_space<vmem>> -> memref<512xf32, #tpu.memory_space<vmem>>
    %dma_wait3A_482 = tpu.memref_slice %arg2[%dma_wait3A_475, %mul3A_2] : memref<26x16384xf32, #tpu.memory_space<hbm>> -> memref<1x512xf32, #tpu.memory_space<hbm>>
    %dma_wait3A_483 = tpu.memref_squeeze %dma_wait3A_482 : memref<1x512xf32, #tpu.memory_space<hbm>> -> memref<512xf32, #tpu.memory_space<hbm>>
    tpu.wait_dma2 semaphore(%arg53 : memref<!tpu.dma_semaphore, #tpu.memory_space<semaphore_mem>>) src(%dma_wait3A_483 : memref<512xf32, #tpu.memory_space<hbm>>) dst(%dma_wait3A_481 : memref<512xf32, #tpu.memory_space<vmem>>)
    %scan3A_484 = arith.constant 0 : i32
    %scan3A_485 = arith.constant 0 : i32
    %scan3A_486 = arith.constant 26 : i32
    %scan3A_487 = arith.addi %scan3A_485, %scan3A_486 : i32
    %scan3A_488 = arith.constant 1 : i32
    %scan3A_489 = scf.for %scan3A_603 = %scan3A_485 to %scan3A_487 step %scan3A_488 iter_args(%scan3A_604 = %scan3A_484) -> (i32)  : i32 {
      %mul3A_605 = arith.constant 16 : i32
      %mul3A_606 = arith.muli %scan3A_603, %mul3A_605 : i32
      %add3A_607 = arith.constant 0 : i32
      %add3A_608 = arith.addi %mul3A_606, %add3A_607 : i32
      %jit3A = arith.constant 16 : i32
      %div3A = arith.divsi %add3A_608, %jit3A : i32
      %sign3A = arith.constant 0 : i32
      %sign3A_609 = arith.cmpi sgt, %add3A_608, %sign3A : i32
      %sign3A_610 = arith.extui %sign3A_609 : i1 to i32
      %sign3A_611 = arith.constant 0 : i32
      %sign3A_612 = arith.cmpi slt, %add3A_608, %sign3A_611 : i32
      %sign3A_613 = arith.extui %sign3A_612 : i1 to i32
      %sign3A_614 = arith.subi %sign3A_610, %sign3A_613 : i32
      %sign3A_615 = arith.constant 0 : i32
      %sign3A_616 = arith.cmpi sgt, %jit3A, %sign3A_615 : i32
      %sign3A_617 = arith.extui %sign3A_616 : i1 to i32
      %sign3A_618 = arith.constant 0 : i32
      %sign3A_619 = arith.cmpi slt, %jit3A, %sign3A_618 : i32
      %sign3A_620 = arith.extui %sign3A_619 : i1 to i32
      %sign3A_621 = arith.subi %sign3A_617, %sign3A_620 : i32
      %ne3A = arith.cmpi ne, %sign3A_614, %sign3A_621 : i32
      %rem3A = arith.remsi %add3A_608, %jit3A : i32
      %ne3A_622 = arith.constant 0 : i32
      %ne3A_623 = arith.cmpi ne, %rem3A, %ne3A_622 : i32
      %and3A = arith.andi %ne3A, %ne3A_623 : i1
      %sub3A = arith.constant 1 : i32
      %sub3A_624 = arith.subi %div3A, %sub3A : i32
      %select_n3A = arith.select %and3A, %sub3A_624, %div3A : i32
      %jit3A_625 = arith.constant 16 : i32
      %eq3A = arith.constant 0 : i32
      %eq3A_626 = arith.cmpi eq, %jit3A_625, %eq3A : i32
      %jit3A_627 = arith.constant 1 : i32
      %select_n3A_628 = arith.select %eq3A_626, %jit3A_627, %jit3A_625 : i32
      %rem3A_629 = arith.remsi %add3A_608, %select_n3A_628 : i32
      %ne3A_630 = arith.constant 0 : i32
      %ne3A_631 = arith.cmpi ne, %rem3A_629, %ne3A_630 : i32
      %lt3A = arith.constant 0 : i32
      %lt3A_632 = arith.cmpi slt, %rem3A_629, %lt3A : i32
      %lt3A_633 = arith.constant 0 : i32
      %lt3A_634 = arith.cmpi slt, %select_n3A_628, %lt3A_633 : i32
      %ne3A_635 = arith.xori %lt3A_632, %lt3A_634 : i1
      %and3A_636 = arith.andi %ne3A_635, %ne3A_631 : i1
      %add3A_637 = arith.addi %rem3A_629, %select_n3A_628 : i32
      %select_n3A_638 = arith.select %and3A_636, %add3A_637, %rem3A_629 : i32
      %mul3A_639 = arith.constant 32 : i32
      %mul3A_640 = arith.muli %select_n3A_638, %mul3A_639 : i32
      %ge3A = arith.constant 16 : i32
      %ge3A_641 = arith.cmpi sge, %add3A_608, %ge3A : i32
      %convert_element_type3A = arith.extui %ge3A_641 : i1 to i32
      %cond3A = arith.constant 0 : i32
      %cond3A_642 = arith.cmpi ne, %convert_element_type3A, %cond3A : i32
      scf.if %cond3A_642 {
        %add3A_2221 = arith.addi %mul3A_2, %mul3A_640 : i32
        %dma_wait3A_2222 = arith.constant 0 : i32
        %dma_wait3A_2223 = tpu.memref_slice %arg3[%select_n3A, %add3A_2221, %dma_wait3A_2222] : memref<26x16384x128xf32, #tpu.memory_space<hbm>> -> memref<1x32x128xf32, #tpu.memory_space<hbm>>
        %dma_wait3A_2224 = tpu.memref_squeeze %dma_wait3A_2223 : memref<1x32x128xf32, #tpu.memory_space<hbm>> -> memref<32x128xf32, #tpu.memory_space<hbm>>
        %dma_wait3A_2225 = arith.constant 0 : i32
        %dma_wait3A_2226 = tpu.memref_slice %arg3[%select_n3A, %add3A_2221, %dma_wait3A_2225] : memref<26x16384x128xf32, #tpu.memory_space<hbm>> -> memref<1x32x128xf32, #tpu.memory_space<hbm>>
        %dma_wait3A_2227 = tpu.memref_squeeze %dma_wait3A_2226 : memref<1x32x128xf32, #tpu.memory_space<hbm>> -> memref<32x128xf32, #tpu.memory_space<hbm>>
        tpu.wait_dma2 semaphore(%arg37 : memref<!tpu.dma_semaphore, #tpu.memory_space<semaphore_mem>>) src(%arg5 : memref<32x128xf32, #tpu.memory_space<vmem>>) dst(%dma_wait3A_2227 : memref<32x128xf32, #tpu.memory_space<hbm>>)
        %get3A_2228 = arith.constant 0 : index
        %get3A_2229 = tpu.vector_load %arg21[%get3A_2228] {strides = array<i32>} : memref<32xi32, #tpu.memory_space<vmem>>, vector<16xi32>,
        tpu.vector_store_idx %arg5[%add3A_241, %get3A_2229], %broadcast_in_dim3A_238 : memref<32x128xf32, #tpu.memory_space<vmem>>[vector<16xi32>, vector<16xi32>], vector<16xf32>,
        %get3A_2230 = arith.constant 16 : index
        %get3A_2231 = tpu.vector_load %arg21[%get3A_2230] {strides = array<i32>} : memref<32xi32, #tpu.memory_space<vmem>>, vector<16xi32>,
        tpu.vector_store_idx %arg5[%add3A_244, %get3A_2231], %broadcast_in_dim3A_238 : memref<32x128xf32, #tpu.memory_space<vmem>>[vector<16xi32>, vector<16xi32>], vector<16xf32>,
      } else {
      }
      %mul3A_643 = arith.constant 512 : i32
      %mul3A_644 = arith.muli %select_n3A, %mul3A_643 : i32
      %add3A_645 = arith.addi %mul3A_644, %mul3A_640 : i32
      %add3A_646 = arith.constant 0 : i32
      %add3A_647 = arith.addi %add3A_645, %add3A_646 : i32
      %get3A = arith.index_cast %add3A_647 : i32 to index
      %get3A_648 = tpu.vector_load %arg4[%get3A] {strides = array<i32>} : memref<13312xf32, #tpu.memory_space<vmem>>, vector<16xf32>,
      %sub3A_649 = arith.constant 0.000000e+00 : f32
      %sub3A_650 = vector.broadcast %sub3A_649 : f32 to vector<16xf32>
      %sub3A_651 = arith.subf %get3A_648, %sub3A_650 : vector<16xf32>
      %mul3A_652 = arith.constant 1.270000e+02 : f32
      %mul3A_653 = vector.broadcast %mul3A_652 : f32 to vector<16xf32>
      %mul3A_654 = arith.mulf %sub3A_651, %mul3A_653 : vector<16xf32>
      %jit3A_655 = arith.constant 0.000000e+00 : f32
      %jit3A_656 = arith.constant 1.270000e+02 : f32
      %max3A = vector.broadcast %jit3A_655 : f32 to vector<16xf32>
      %max3A_657 = arith.maximumf %max3A, %mul3A_654 : vector<16xf32>
      %min3A = vector.broadcast %jit3A_656 : f32 to vector<16xf32>
      %min3A_658 = arith.minimumf %min3A, %max3A_657 : vector<16xf32>
      %convert_element_type3A_659 = arith.fptosi %min3A_658 : vector<16xf32> to vector<16xi32>
      %swap3A = arith.constant 0 : index
      %swap3A_660 = tpu.vector_load %arg21[%swap3A] {strides = array<i32>} : memref<32xi32, #tpu.memory_space<vmem>>, vector<16xi32>,
      tpu.vector_store %arg21[%swap3A], %convert_element_type3A_659 {strides = array<i32>} : memref<32xi32, #tpu.memory_space<vmem>>, vector<16xi32>,
      tpu.vector_store_idx %arg5[%add3A_241, %convert_element_type3A_659], %broadcast_in_dim3A_236 : memref<32x128xf32, #tpu.memory_space<vmem>>[vector<16xi32>, vector<16xi32>], vector<16xf32>,
      %mul3A_661 = arith.constant 512 : i32
      %mul3A_662 = arith.muli %select_n3A, %mul3A_661 : i32
      %add3A_663 = arith.addi %mul3A_662, %mul3A_640 : i32
      %add3A_664 = arith.constant 16 : i32
      %add3A_665 = arith.addi %add3A_663, %add3A_664 : i32
      %get3A_666 = arith.index_cast %add3A_665 : i32 to index
      %get3A_667 = tpu.vector_load %arg4[%get3A_666] {strides = array<i32>} : memref<13312xf32, #tpu.memory_space<vmem>>, vector<16xf32>,
      %sub3A_668 = arith.constant 0.000000e+00 : f32
      %sub3A_669 = vector.broadcast %sub3A_668 : f32 to vector<16xf32>
      %sub3A_670 = arith.subf %get3A_667, %sub3A_669 : vector<16xf32>
      %mul3A_671 = arith.constant 1.270000e+02 : f32
      %mul3A_672 = vector.broadcast %mul3A_671 : f32 to vector<16xf32>
      %mul3A_673 = arith.mulf %sub3A_670, %mul3A_672 : vector<16xf32>
      %jit3A_674 = arith.constant 0.000000e+00 : f32
      %jit3A_675 = arith.constant 1.270000e+02 : f32
      %max3A_676 = vector.broadcast %jit3A_674 : f32 to vector<16xf32>
      %max3A_677 = arith.maximumf %max3A_676, %mul3A_673 : vector<16xf32>
      %min3A_678 = vector.broadcast %jit3A_675 : f32 to vector<16xf32>
      %min3A_679 = arith.minimumf %min3A_678, %max3A_677 : vector<16xf32>
      %convert_element_type3A_680 = arith.fptosi %min3A_679 : vector<16xf32> to vector<16xi32>
      %swap3A_681 = arith.constant 16 : index
      %swap3A_682 = tpu.vector_load %arg21[%swap3A_681] {strides = array<i32>} : memref<32xi32, #tpu.memory_space<vmem>>, vector<16xi32>,
      tpu.vector_store %arg21[%swap3A_681], %convert_element_type3A_680 {strides = array<i32>} : memref<32xi32, #tpu.memory_space<vmem>>, vector<16xi32>,
      tpu.vector_store_idx %arg5[%add3A_244, %convert_element_type3A_680], %broadcast_in_dim3A_236 : memref<32x128xf32, #tpu.memory_space<vmem>>[vector<16xi32>, vector<16xi32>], vector<16xf32>,
      %add3A_683 = arith.addi %mul3A_2, %mul3A_640 : i32
      %dma_start3A_684 = arith.constant 0 : i32
      %dma_start3A_685 = tpu.memref_slice %arg3[%select_n3A, %add3A_683, %dma_start3A_684] : memref<26x16384x128xf32, #tpu.memory_space<hbm>> -> memref<1x32x128xf32, #tpu.memory_space<hbm>>
      %dma_start3A_686 = tpu.memref_squeeze %dma_start3A_685 : memref<1x32x128xf32, #tpu.memory_space<hbm>> -> memref<32x128xf32, #tpu.memory_space<hbm>>
      %dma_start3A_687 = arith.constant 0 : i32
      %dma_start3A_688 = tpu.memref_slice %arg3[%select_n3A, %add3A_683, %dma_start3A_687] : memref<26x16384x128xf32, #tpu.memory_space<hbm>> -> memref<1x32x128xf32, #tpu.memory_space<hbm>>
      %dma_start3A_689 = tpu.memref_squeeze %dma_start3A_688 : memref<1x32x128xf32, #tpu.memory_space<hbm>> -> memref<32x128xf32, #tpu.memory_space<hbm>>
      tpu.enqueue_dma source(%arg5 : memref<32x128xf32, #tpu.memory_space<vmem>>) target(%dma_start3A_689 : memref<32x128xf32, #tpu.memory_space<hbm>>) target_semaphore(%arg37 : memref<!tpu.dma_semaphore, #tpu.memory_space<semaphore_mem>>)
      %mul3A_690 = arith.constant 16 : i32
      %mul3A_691 = arith.muli %scan3A_603, %mul3A_690 : i32
      %add3A_692 = arith.constant 1 : i32
      %add3A_693 = arith.addi %mul3A_691, %add3A_692 : i32
      %jit3A_694 = arith.constant 16 : i32
      %div3A_695 = arith.divsi %add3A_693, %jit3A_694 : i32
      %sign3A_696 = arith.constant 0 : i32
      %sign3A_697 = arith.cmpi sgt, %add3A_693, %sign3A_696 : i32
      %sign3A_698 = arith.extui %sign3A_697 : i1 to i32
      %sign3A_699 = arith.constant 0 : i32
      %sign3A_700 = arith.cmpi slt, %add3A_693, %sign3A_699 : i32
      %sign3A_701 = arith.extui %sign3A_700 : i1 to i32
      %sign3A_702 = arith.subi %sign3A_698, %sign3A_701 : i32
      %sign3A_703 = arith.constant 0 : i32
      %sign3A_704 = arith.cmpi sgt, %jit3A_694, %sign3A_703 : i32
      %sign3A_705 = arith.extui %sign3A_704 : i1 to i32
      %sign3A_706 = arith.constant 0 : i32
      %sign3A_707 = arith.cmpi slt, %jit3A_694, %sign3A_706 : i32
      %sign3A_708 = arith.extui %sign3A_707 : i1 to i32
      %sign3A_709 = arith.subi %sign3A_705, %sign3A_708 : i32
      %ne3A_710 = arith.cmpi ne, %sign3A_702, %sign3A_709 : i32
      %rem3A_711 = arith.remsi %add3A_693, %jit3A_694 : i32
      %ne3A_712 = arith.constant 0 : i32
      %ne3A_713 = arith.cmpi ne, %rem3A_711, %ne3A_712 : i32
      %and3A_714 = arith.andi %ne3A_710, %ne3A_713 : i1
      %sub3A_715 = arith.constant 1 : i32
      %sub3A_716 = arith.subi %div3A_695, %sub3A_715 : i32
      %select_n3A_717 = arith.select %and3A_714, %sub3A_716, %div3A_695 : i32
      %jit3A_718 = arith.constant 16 : i32
      %eq3A_719 = arith.constant 0 : i32
      %eq3A_720 = arith.cmpi eq, %jit3A_718, %eq3A_719 : i32
      %jit3A_721 = arith.constant 1 : i32
      %select_n3A_722 = arith.select %eq3A_720, %jit3A_721, %jit3A_718 : i32
      %rem3A_723 = arith.remsi %add3A_693, %select_n3A_722 : i32
      %ne3A_724 = arith.constant 0 : i32
      %ne3A_725 = arith.cmpi ne, %rem3A_723, %ne3A_724 : i32
      %lt3A_726 = arith.constant 0 : i32
      %lt3A_727 = arith.cmpi slt, %rem3A_723, %lt3A_726 : i32
      %lt3A_728 = arith.constant 0 : i32
      %lt3A_729 = arith.cmpi slt, %select_n3A_722, %lt3A_728 : i32
      %ne3A_730 = arith.xori %lt3A_727, %lt3A_729 : i1
      %and3A_731 = arith.andi %ne3A_730, %ne3A_725 : i1
      %add3A_732 = arith.addi %rem3A_723, %select_n3A_722 : i32
      %select_n3A_733 = arith.select %and3A_731, %add3A_732, %rem3A_723 : i32
      %mul3A_734 = arith.constant 32 : i32
      %mul3A_735 = arith.muli %select_n3A_733, %mul3A_734 : i32
      %ge3A_736 = arith.constant 16 : i32
      %ge3A_737 = arith.cmpi sge, %add3A_693, %ge3A_736 : i32
      %convert_element_type3A_738 = arith.extui %ge3A_737 : i1 to i32
      %cond3A_739 = arith.constant 0 : i32
      %cond3A_740 = arith.cmpi ne, %convert_element_type3A_738, %cond3A_739 : i32
      scf.if %cond3A_740 {
        %add3A_2221 = arith.addi %mul3A_2, %mul3A_735 : i32
        %dma_wait3A_2222 = arith.constant 0 : i32
        %dma_wait3A_2223 = tpu.memref_slice %arg3[%select_n3A_717, %add3A_2221, %dma_wait3A_2222] : memref<26x16384x128xf32, #tpu.memory_space<hbm>> -> memref<1x32x128xf32, #tpu.memory_space<hbm>>
        %dma_wait3A_2224 = tpu.memref_squeeze %dma_wait3A_2223 : memref<1x32x128xf32, #tpu.memory_space<hbm>> -> memref<32x128xf32, #tpu.memory_space<hbm>>
        %dma_wait3A_2225 = arith.constant 0 : i32
        %dma_wait3A_2226 = tpu.memref_slice %arg3[%select_n3A_717, %add3A_2221, %dma_wait3A_2225] : memref<26x16384x128xf32, #tpu.memory_space<hbm>> -> memref<1x32x128xf32, #tpu.memory_space<hbm>>
        %dma_wait3A_2227 = tpu.memref_squeeze %dma_wait3A_2226 : memref<1x32x128xf32, #tpu.memory_space<hbm>> -> memref<32x128xf32, #tpu.memory_space<hbm>>
        tpu.wait_dma2 semaphore(%arg38 : memref<!tpu.dma_semaphore, #tpu.memory_space<semaphore_mem>>) src(%arg6 : memref<32x128xf32, #tpu.memory_space<vmem>>) dst(%dma_wait3A_2227 : memref<32x128xf32, #tpu.memory_space<hbm>>)
        %get3A_2228 = arith.constant 0 : index
        %get3A_2229 = tpu.vector_load %arg22[%get3A_2228] {strides = array<i32>} : memref<32xi32, #tpu.memory_space<vmem>>, vector<16xi32>,
        tpu.vector_store_idx %arg6[%add3A_241, %get3A_2229], %broadcast_in_dim3A_238 : memref<32x128xf32, #tpu.memory_space<vmem>>[vector<16xi32>, vector<16xi32>], vector<16xf32>,
        %get3A_2230 = arith.constant 16 : index
        %get3A_2231 = tpu.vector_load %arg22[%get3A_2230] {strides = array<i32>} : memref<32xi32, #tpu.memory_space<vmem>>, vector<16xi32>,
        tpu.vector_store_idx %arg6[%add3A_244, %get3A_2231], %broadcast_in_dim3A_238 : memref<32x128xf32, #tpu.memory_space<vmem>>[vector<16xi32>, vector<16xi32>], vector<16xf32>,
      } else {
      }
      %mul3A_741 = arith.constant 512 : i32
      %mul3A_742 = arith.muli %select_n3A_717, %mul3A_741 : i32
      %add3A_743 = arith.addi %mul3A_742, %mul3A_735 : i32
      %add3A_744 = arith.constant 0 : i32
      %add3A_745 = arith.addi %add3A_743, %add3A_744 : i32
      %get3A_746 = arith.index_cast %add3A_745 : i32 to index
      %get3A_747 = tpu.vector_load %arg4[%get3A_746] {strides = array<i32>} : memref<13312xf32, #tpu.memory_space<vmem>>, vector<16xf32>,
      %sub3A_748 = arith.constant 0.000000e+00 : f32
      %sub3A_749 = vector.broadcast %sub3A_748 : f32 to vector<16xf32>
      %sub3A_750 = arith.subf %get3A_747, %sub3A_749 : vector<16xf32>
      %mul3A_751 = arith.constant 1.270000e+02 : f32
      %mul3A_752 = vector.broadcast %mul3A_751 : f32 to vector<16xf32>
      %mul3A_753 = arith.mulf %sub3A_750, %mul3A_752 : vector<16xf32>
      %jit3A_754 = arith.constant 0.000000e+00 : f32
      %jit3A_755 = arith.constant 1.270000e+02 : f32
      %max3A_756 = vector.broadcast %jit3A_754 : f32 to vector<16xf32>
      %max3A_757 = arith.maximumf %max3A_756, %mul3A_753 : vector<16xf32>
      %min3A_758 = vector.broadcast %jit3A_755 : f32 to vector<16xf32>
      %min3A_759 = arith.minimumf %min3A_758, %max3A_757 : vector<16xf32>
      %convert_element_type3A_760 = arith.fptosi %min3A_759 : vector<16xf32> to vector<16xi32>
      %swap3A_761 = arith.constant 0 : index
      %swap3A_762 = tpu.vector_load %arg22[%swap3A_761] {strides = array<i32>} : memref<32xi32, #tpu.memory_space<vmem>>, vector<16xi32>,
      tpu.vector_store %arg22[%swap3A_761], %convert_element_type3A_760 {strides = array<i32>} : memref<32xi32, #tpu.memory_space<vmem>>, vector<16xi32>,
      tpu.vector_store_idx %arg6[%add3A_241, %convert_element_type3A_760], %broadcast_in_dim3A_236 : memref<32x128xf32, #tpu.memory_space<vmem>>[vector<16xi32>, vector<16xi32>], vector<16xf32>,
      %mul3A_763 = arith.constant 512 : i32
      %mul3A_764 = arith.muli %select_n3A_717, %mul3A_763 : i32
      %add3A_765 = arith.addi %mul3A_764, %mul3A_735 : i32
      %add3A_766 = arith.constant 16 : i32
      %add3A_767 = arith.addi %add3A_765, %add3A_766 : i32
      %get3A_768 = arith.index_cast %add3A_767 : i32 to index
      %get3A_769 = tpu.vector_load %arg4[%get3A_768] {strides = array<i32>} : memref<13312xf32, #tpu.memory_space<vmem>>, vector<16xf32>,
      %sub3A_770 = arith.constant 0.000000e+00 : f32
      %sub3A_771 = vector.broadcast %sub3A_770 : f32 to vector<16xf32>
      %sub3A_772 = arith.subf %get3A_769, %sub3A_771 : vector<16xf32>
      %mul3A_773 = arith.constant 1.270000e+02 : f32
      %mul3A_774 = vector.broadcast %mul3A_773 : f32 to vector<16xf32>
      %mul3A_775 = arith.mulf %sub3A_772, %mul3A_774 : vector<16xf32>
      %jit3A_776 = arith.constant 0.000000e+00 : f32
      %jit3A_777 = arith.constant 1.270000e+02 : f32
      %max3A_778 = vector.broadcast %jit3A_776 : f32 to vector<16xf32>
      %max3A_779 = arith.maximumf %max3A_778, %mul3A_775 : vector<16xf32>
      %min3A_780 = vector.broadcast %jit3A_777 : f32 to vector<16xf32>
      %min3A_781 = arith.minimumf %min3A_780, %max3A_779 : vector<16xf32>
      %convert_element_type3A_782 = arith.fptosi %min3A_781 : vector<16xf32> to vector<16xi32>
      %swap3A_783 = arith.constant 16 : index
      %swap3A_784 = tpu.vector_load %arg22[%swap3A_783] {strides = array<i32>} : memref<32xi32, #tpu.memory_space<vmem>>, vector<16xi32>,
      tpu.vector_store %arg22[%swap3A_783], %convert_element_type3A_782 {strides = array<i32>} : memref<32xi32, #tpu.memory_space<vmem>>, vector<16xi32>,
      tpu.vector_store_idx %arg6[%add3A_244, %convert_element_type3A_782], %broadcast_in_dim3A_236 : memref<32x128xf32, #tpu.memory_space<vmem>>[vector<16xi32>, vector<16xi32>], vector<16xf32>,
      %add3A_785 = arith.addi %mul3A_2, %mul3A_735 : i32
      %dma_start3A_786 = arith.constant 0 : i32
      %dma_start3A_787 = tpu.memref_slice %arg3[%select_n3A_717, %add3A_785, %dma_start3A_786] : memref<26x16384x128xf32, #tpu.memory_space<hbm>> -> memref<1x32x128xf32, #tpu.memory_space<hbm>>
      %dma_start3A_788 = tpu.memref_squeeze %dma_start3A_787 : memref<1x32x128xf32, #tpu.memory_space<hbm>> -> memref<32x128xf32, #tpu.memory_space<hbm>>
      %dma_start3A_789 = arith.constant 0 : i32
      %dma_start3A_790 = tpu.memref_slice %arg3[%select_n3A_717, %add3A_785, %dma_start3A_789] : memref<26x16384x128xf32, #tpu.memory_space<hbm>> -> memref<1x32x128xf32, #tpu.memory_space<hbm>>
      %dma_start3A_791 = tpu.memref_squeeze %dma_start3A_790 : memref<1x32x128xf32, #tpu.memory_space<hbm>> -> memref<32x128xf32, #tpu.memory_space<hbm>>
      tpu.enqueue_dma source(%arg6 : memref<32x128xf32, #tpu.memory_space<vmem>>) target(%dma_start3A_791 : memref<32x128xf32, #tpu.memory_space<hbm>>) target_semaphore(%arg38 : memref<!tpu.dma_semaphore, #tpu.memory_space<semaphore_mem>>)
      %mul3A_792 = arith.constant 16 : i32
      %mul3A_793 = arith.muli %scan3A_603, %mul3A_792 : i32
      %add3A_794 = arith.constant 2 : i32
      %add3A_795 = arith.addi %mul3A_793, %add3A_794 : i32
      %jit3A_796 = arith.constant 16 : i32
      %div3A_797 = arith.divsi %add3A_795, %jit3A_796 : i32
      %sign3A_798 = arith.constant 0 : i32
      %sign3A_799 = arith.cmpi sgt, %add3A_795, %sign3A_798 : i32
      %sign3A_800 = arith.extui %sign3A_799 : i1 to i32
      %sign3A_801 = arith.constant 0 : i32
      %sign3A_802 = arith.cmpi slt, %add3A_795, %sign3A_801 : i32
      %sign3A_803 = arith.extui %sign3A_802 : i1 to i32
      %sign3A_804 = arith.subi %sign3A_800, %sign3A_803 : i32
      %sign3A_805 = arith.constant 0 : i32
      %sign3A_806 = arith.cmpi sgt, %jit3A_796, %sign3A_805 : i32
      %sign3A_807 = arith.extui %sign3A_806 : i1 to i32
      %sign3A_808 = arith.constant 0 : i32
      %sign3A_809 = arith.cmpi slt, %jit3A_796, %sign3A_808 : i32
      %sign3A_810 = arith.extui %sign3A_809 : i1 to i32
      %sign3A_811 = arith.subi %sign3A_807, %sign3A_810 : i32
      %ne3A_812 = arith.cmpi ne, %sign3A_804, %sign3A_811 : i32
      %rem3A_813 = arith.remsi %add3A_795, %jit3A_796 : i32
      %ne3A_814 = arith.constant 0 : i32
      %ne3A_815 = arith.cmpi ne, %rem3A_813, %ne3A_814 : i32
      %and3A_816 = arith.andi %ne3A_812, %ne3A_815 : i1
      %sub3A_817 = arith.constant 1 : i32
      %sub3A_818 = arith.subi %div3A_797, %sub3A_817 : i32
      %select_n3A_819 = arith.select %and3A_816, %sub3A_818, %div3A_797 : i32
      %jit3A_820 = arith.constant 16 : i32
      %eq3A_821 = arith.constant 0 : i32
      %eq3A_822 = arith.cmpi eq, %jit3A_820, %eq3A_821 : i32
      %jit3A_823 = arith.constant 1 : i32
      %select_n3A_824 = arith.select %eq3A_822, %jit3A_823, %jit3A_820 : i32
      %rem3A_825 = arith.remsi %add3A_795, %select_n3A_824 : i32
      %ne3A_826 = arith.constant 0 : i32
      %ne3A_827 = arith.cmpi ne, %rem3A_825, %ne3A_826 : i32
      %lt3A_828 = arith.constant 0 : i32
      %lt3A_829 = arith.cmpi slt, %rem3A_825, %lt3A_828 : i32
      %lt3A_830 = arith.constant 0 : i32
      %lt3A_831 = arith.cmpi slt, %select_n3A_824, %lt3A_830 : i32
      %ne3A_832 = arith.xori %lt3A_829, %lt3A_831 : i1
      %and3A_833 = arith.andi %ne3A_832, %ne3A_827 : i1
      %add3A_834 = arith.addi %rem3A_825, %select_n3A_824 : i32
      %select_n3A_835 = arith.select %and3A_833, %add3A_834, %rem3A_825 : i32
      %mul3A_836 = arith.constant 32 : i32
      %mul3A_837 = arith.muli %select_n3A_835, %mul3A_836 : i32
      %ge3A_838 = arith.constant 16 : i32
      %ge3A_839 = arith.cmpi sge, %add3A_795, %ge3A_838 : i32
      %convert_element_type3A_840 = arith.extui %ge3A_839 : i1 to i32
      %cond3A_841 = arith.constant 0 : i32
      %cond3A_842 = arith.cmpi ne, %convert_element_type3A_840, %cond3A_841 : i32
      scf.if %cond3A_842 {
        %add3A_2221 = arith.addi %mul3A_2, %mul3A_837 : i32
        %dma_wait3A_2222 = arith.constant 0 : i32
        %dma_wait3A_2223 = tpu.memref_slice %arg3[%select_n3A_819, %add3A_2221, %dma_wait3A_2222] : memref<26x16384x128xf32, #tpu.memory_space<hbm>> -> memref<1x32x128xf32, #tpu.memory_space<hbm>>
        %dma_wait3A_2224 = tpu.memref_squeeze %dma_wait3A_2223 : memref<1x32x128xf32, #tpu.memory_space<hbm>> -> memref<32x128xf32, #tpu.memory_space<hbm>>
        %dma_wait3A_2225 = arith.constant 0 : i32
        %dma_wait3A_2226 = tpu.memref_slice %arg3[%select_n3A_819, %add3A_2221, %dma_wait3A_2225] : memref<26x16384x128xf32, #tpu.memory_space<hbm>> -> memref<1x32x128xf32, #tpu.memory_space<hbm>>
        %dma_wait3A_2227 = tpu.memref_squeeze %dma_wait3A_2226 : memref<1x32x128xf32, #tpu.memory_space<hbm>> -> memref<32x128xf32, #tpu.memory_space<hbm>>
        tpu.wait_dma2 semaphore(%arg39 : memref<!tpu.dma_semaphore, #tpu.memory_space<semaphore_mem>>) src(%arg7 : memref<32x128xf32, #tpu.memory_space<vmem>>) dst(%dma_wait3A_2227 : memref<32x128xf32, #tpu.memory_space<hbm>>)
        %get3A_2228 = arith.constant 0 : index
        %get3A_2229 = tpu.vector_load %arg23[%get3A_2228] {strides = array<i32>} : memref<32xi32, #tpu.memory_space<vmem>>, vector<16xi32>,
        tpu.vector_store_idx %arg7[%add3A_241, %get3A_2229], %broadcast_in_dim3A_238 : memref<32x128xf32, #tpu.memory_space<vmem>>[vector<16xi32>, vector<16xi32>], vector<16xf32>,
        %get3A_2230 = arith.constant 16 : index
        %get3A_2231 = tpu.vector_load %arg23[%get3A_2230] {strides = array<i32>} : memref<32xi32, #tpu.memory_space<vmem>>, vector<16xi32>,
        tpu.vector_store_idx %arg7[%add3A_244, %get3A_2231], %broadcast_in_dim3A_238 : memref<32x128xf32, #tpu.memory_space<vmem>>[vector<16xi32>, vector<16xi32>], vector<16xf32>,
      } else {
      }
      %mul3A_843 = arith.constant 512 : i32
      %mul3A_844 = arith.muli %select_n3A_819, %mul3A_843 : i32
      %add3A_845 = arith.addi %mul3A_844, %mul3A_837 : i32
      %add3A_846 = arith.constant 0 : i32
      %add3A_847 = arith.addi %add3A_845, %add3A_846 : i32
      %get3A_848 = arith.index_cast %add3A_847 : i32 to index
      %get3A_849 = tpu.vector_load %arg4[%get3A_848] {strides = array<i32>} : memref<13312xf32, #tpu.memory_space<vmem>>, vector<16xf32>,
      %sub3A_850 = arith.constant 0.000000e+00 : f32
      %sub3A_851 = vector.broadcast %sub3A_850 : f32 to vector<16xf32>
      %sub3A_852 = arith.subf %get3A_849, %sub3A_851 : vector<16xf32>
      %mul3A_853 = arith.constant 1.270000e+02 : f32
      %mul3A_854 = vector.broadcast %mul3A_853 : f32 to vector<16xf32>
      %mul3A_855 = arith.mulf %sub3A_852, %mul3A_854 : vector<16xf32>
      %jit3A_856 = arith.constant 0.000000e+00 : f32
      %jit3A_857 = arith.constant 1.270000e+02 : f32
      %max3A_858 = vector.broadcast %jit3A_856 : f32 to vector<16xf32>
      %max3A_859 = arith.maximumf %max3A_858, %mul3A_855 : vector<16xf32>
      %min3A_860 = vector.broadcast %jit3A_857 : f32 to vector<16xf32>
      %min3A_861 = arith.minimumf %min3A_860, %max3A_859 : vector<16xf32>
      %convert_element_type3A_862 = arith.fptosi %min3A_861 : vector<16xf32> to vector<16xi32>
      %swap3A_863 = arith.constant 0 : index
      %swap3A_864 = tpu.vector_load %arg23[%swap3A_863] {strides = array<i32>} : memref<32xi32, #tpu.memory_space<vmem>>, vector<16xi32>,
      tpu.vector_store %arg23[%swap3A_863], %convert_element_type3A_862 {strides = array<i32>} : memref<32xi32, #tpu.memory_space<vmem>>, vector<16xi32>,
      tpu.vector_store_idx %arg7[%add3A_241, %convert_element_type3A_862], %broadcast_in_dim3A_236 : memref<32x128xf32, #tpu.memory_space<vmem>>[vector<16xi32>, vector<16xi32>], vector<16xf32>,
      %mul3A_865 = arith.constant 512 : i32
      %mul3A_866 = arith.muli %select_n3A_819, %mul3A_865 : i32
      %add3A_867 = arith.addi %mul3A_866, %mul3A_837 : i32
      %add3A_868 = arith.constant 16 : i32
      %add3A_869 = arith.addi %add3A_867, %add3A_868 : i32
      %get3A_870 = arith.index_cast %add3A_869 : i32 to index
      %get3A_871 = tpu.vector_load %arg4[%get3A_870] {strides = array<i32>} : memref<13312xf32, #tpu.memory_space<vmem>>, vector<16xf32>,
      %sub3A_872 = arith.constant 0.000000e+00 : f32
      %sub3A_873 = vector.broadcast %sub3A_872 : f32 to vector<16xf32>
      %sub3A_874 = arith.subf %get3A_871, %sub3A_873 : vector<16xf32>
      %mul3A_875 = arith.constant 1.270000e+02 : f32
      %mul3A_876 = vector.broadcast %mul3A_875 : f32 to vector<16xf32>
      %mul3A_877 = arith.mulf %sub3A_874, %mul3A_876 : vector<16xf32>
      %jit3A_878 = arith.constant 0.000000e+00 : f32
      %jit3A_879 = arith.constant 1.270000e+02 : f32
      %max3A_880 = vector.broadcast %jit3A_878 : f32 to vector<16xf32>
      %max3A_881 = arith.maximumf %max3A_880, %mul3A_877 : vector<16xf32>
      %min3A_882 = vector.broadcast %jit3A_879 : f32 to vector<16xf32>
      %min3A_883 = arith.minimumf %min3A_882, %max3A_881 : vector<16xf32>
      %convert_element_type3A_884 = arith.fptosi %min3A_883 : vector<16xf32> to vector<16xi32>
      %swap3A_885 = arith.constant 16 : index
      %swap3A_886 = tpu.vector_load %arg23[%swap3A_885] {strides = array<i32>} : memref<32xi32, #tpu.memory_space<vmem>>, vector<16xi32>,
      tpu.vector_store %arg23[%swap3A_885], %convert_element_type3A_884 {strides = array<i32>} : memref<32xi32, #tpu.memory_space<vmem>>, vector<16xi32>,
      tpu.vector_store_idx %arg7[%add3A_244, %convert_element_type3A_884], %broadcast_in_dim3A_236 : memref<32x128xf32, #tpu.memory_space<vmem>>[vector<16xi32>, vector<16xi32>], vector<16xf32>,
      %add3A_887 = arith.addi %mul3A_2, %mul3A_837 : i32
      %dma_start3A_888 = arith.constant 0 : i32
      %dma_start3A_889 = tpu.memref_slice %arg3[%select_n3A_819, %add3A_887, %dma_start3A_888] : memref<26x16384x128xf32, #tpu.memory_space<hbm>> -> memref<1x32x128xf32, #tpu.memory_space<hbm>>
      %dma_start3A_890 = tpu.memref_squeeze %dma_start3A_889 : memref<1x32x128xf32, #tpu.memory_space<hbm>> -> memref<32x128xf32, #tpu.memory_space<hbm>>
      %dma_start3A_891 = arith.constant 0 : i32
      %dma_start3A_892 = tpu.memref_slice %arg3[%select_n3A_819, %add3A_887, %dma_start3A_891] : memref<26x16384x128xf32, #tpu.memory_space<hbm>> -> memref<1x32x128xf32, #tpu.memory_space<hbm>>
      %dma_start3A_893 = tpu.memref_squeeze %dma_start3A_892 : memref<1x32x128xf32, #tpu.memory_space<hbm>> -> memref<32x128xf32, #tpu.memory_space<hbm>>
      tpu.enqueue_dma source(%arg7 : memref<32x128xf32, #tpu.memory_space<vmem>>) target(%dma_start3A_893 : memref<32x128xf32, #tpu.memory_space<hbm>>) target_semaphore(%arg39 : memref<!tpu.dma_semaphore, #tpu.memory_space<semaphore_mem>>)
      %mul3A_894 = arith.constant 16 : i32
      %mul3A_895 = arith.muli %scan3A_603, %mul3A_894 : i32
      %add3A_896 = arith.constant 3 : i32
      %add3A_897 = arith.addi %mul3A_895, %add3A_896 : i32
      %jit3A_898 = arith.constant 16 : i32
      %div3A_899 = arith.divsi %add3A_897, %jit3A_898 : i32
      %sign3A_900 = arith.constant 0 : i32
      %sign3A_901 = arith.cmpi sgt, %add3A_897, %sign3A_900 : i32
      %sign3A_902 = arith.extui %sign3A_901 : i1 to i32
      %sign3A_903 = arith.constant 0 : i32
      %sign3A_904 = arith.cmpi slt, %add3A_897, %sign3A_903 : i32
      %sign3A_905 = arith.extui %sign3A_904 : i1 to i32
      %sign3A_906 = arith.subi %sign3A_902, %sign3A_905 : i32
      %sign3A_907 = arith.constant 0 : i32
      %sign3A_908 = arith.cmpi sgt, %jit3A_898, %sign3A_907 : i32
      %sign3A_909 = arith.extui %sign3A_908 : i1 to i32
      %sign3A_910 = arith.constant 0 : i32
      %sign3A_911 = arith.cmpi slt, %jit3A_898, %sign3A_910 : i32
      %sign3A_912 = arith.extui %sign3A_911 : i1 to i32
      %sign3A_913 = arith.subi %sign3A_909, %sign3A_912 : i32
      %ne3A_914 = arith.cmpi ne, %sign3A_906, %sign3A_913 : i32
      %rem3A_915 = arith.remsi %add3A_897, %jit3A_898 : i32
      %ne3A_916 = arith.constant 0 : i32
      %ne3A_917 = arith.cmpi ne, %rem3A_915, %ne3A_916 : i32
      %and3A_918 = arith.andi %ne3A_914, %ne3A_917 : i1
      %sub3A_919 = arith.constant 1 : i32
      %sub3A_920 = arith.subi %div3A_899, %sub3A_919 : i32
      %select_n3A_921 = arith.select %and3A_918, %sub3A_920, %div3A_899 : i32
      %jit3A_922 = arith.constant 16 : i32
      %eq3A_923 = arith.constant 0 : i32
      %eq3A_924 = arith.cmpi eq, %jit3A_922, %eq3A_923 : i32
      %jit3A_925 = arith.constant 1 : i32
      %select_n3A_926 = arith.select %eq3A_924, %jit3A_925, %jit3A_922 : i32
      %rem3A_927 = arith.remsi %add3A_897, %select_n3A_926 : i32
      %ne3A_928 = arith.constant 0 : i32
      %ne3A_929 = arith.cmpi ne, %rem3A_927, %ne3A_928 : i32
      %lt3A_930 = arith.constant 0 : i32
      %lt3A_931 = arith.cmpi slt, %rem3A_927, %lt3A_930 : i32
      %lt3A_932 = arith.constant 0 : i32
      %lt3A_933 = arith.cmpi slt, %select_n3A_926, %lt3A_932 : i32
      %ne3A_934 = arith.xori %lt3A_931, %lt3A_933 : i1
      %and3A_935 = arith.andi %ne3A_934, %ne3A_929 : i1
      %add3A_936 = arith.addi %rem3A_927, %select_n3A_926 : i32
      %select_n3A_937 = arith.select %and3A_935, %add3A_936, %rem3A_927 : i32
      %mul3A_938 = arith.constant 32 : i32
      %mul3A_939 = arith.muli %select_n3A_937, %mul3A_938 : i32
      %ge3A_940 = arith.constant 16 : i32
      %ge3A_941 = arith.cmpi sge, %add3A_897, %ge3A_940 : i32
      %convert_element_type3A_942 = arith.extui %ge3A_941 : i1 to i32
      %cond3A_943 = arith.constant 0 : i32
      %cond3A_944 = arith.cmpi ne, %convert_element_type3A_942, %cond3A_943 : i32
      scf.if %cond3A_944 {
        %add3A_2221 = arith.addi %mul3A_2, %mul3A_939 : i32
        %dma_wait3A_2222 = arith.constant 0 : i32
        %dma_wait3A_2223 = tpu.memref_slice %arg3[%select_n3A_921, %add3A_2221, %dma_wait3A_2222] : memref<26x16384x128xf32, #tpu.memory_space<hbm>> -> memref<1x32x128xf32, #tpu.memory_space<hbm>>
        %dma_wait3A_2224 = tpu.memref_squeeze %dma_wait3A_2223 : memref<1x32x128xf32, #tpu.memory_space<hbm>> -> memref<32x128xf32, #tpu.memory_space<hbm>>
        %dma_wait3A_2225 = arith.constant 0 : i32
        %dma_wait3A_2226 = tpu.memref_slice %arg3[%select_n3A_921, %add3A_2221, %dma_wait3A_2225] : memref<26x16384x128xf32, #tpu.memory_space<hbm>> -> memref<1x32x128xf32, #tpu.memory_space<hbm>>
        %dma_wait3A_2227 = tpu.memref_squeeze %dma_wait3A_2226 : memref<1x32x128xf32, #tpu.memory_space<hbm>> -> memref<32x128xf32, #tpu.memory_space<hbm>>
        tpu.wait_dma2 semaphore(%arg40 : memref<!tpu.dma_semaphore, #tpu.memory_space<semaphore_mem>>) src(%arg8 : memref<32x128xf32, #tpu.memory_space<vmem>>) dst(%dma_wait3A_2227 : memref<32x128xf32, #tpu.memory_space<hbm>>)
        %get3A_2228 = arith.constant 0 : index
        %get3A_2229 = tpu.vector_load %arg24[%get3A_2228] {strides = array<i32>} : memref<32xi32, #tpu.memory_space<vmem>>, vector<16xi32>,
        tpu.vector_store_idx %arg8[%add3A_241, %get3A_2229], %broadcast_in_dim3A_238 : memref<32x128xf32, #tpu.memory_space<vmem>>[vector<16xi32>, vector<16xi32>], vector<16xf32>,
        %get3A_2230 = arith.constant 16 : index
        %get3A_2231 = tpu.vector_load %arg24[%get3A_2230] {strides = array<i32>} : memref<32xi32, #tpu.memory_space<vmem>>, vector<16xi32>,
        tpu.vector_store_idx %arg8[%add3A_244, %get3A_2231], %broadcast_in_dim3A_238 : memref<32x128xf32, #tpu.memory_space<vmem>>[vector<16xi32>, vector<16xi32>], vector<16xf32>,
      } else {
      }
      %mul3A_945 = arith.constant 512 : i32
      %mul3A_946 = arith.muli %select_n3A_921, %mul3A_945 : i32
      %add3A_947 = arith.addi %mul3A_946, %mul3A_939 : i32
      %add3A_948 = arith.constant 0 : i32
      %add3A_949 = arith.addi %add3A_947, %add3A_948 : i32
      %get3A_950 = arith.index_cast %add3A_949 : i32 to index
      %get3A_951 = tpu.vector_load %arg4[%get3A_950] {strides = array<i32>} : memref<13312xf32, #tpu.memory_space<vmem>>, vector<16xf32>,
      %sub3A_952 = arith.constant 0.000000e+00 : f32
      %sub3A_953 = vector.broadcast %sub3A_952 : f32 to vector<16xf32>
      %sub3A_954 = arith.subf %get3A_951, %sub3A_953 : vector<16xf32>
      %mul3A_955 = arith.constant 1.270000e+02 : f32
      %mul3A_956 = vector.broadcast %mul3A_955 : f32 to vector<16xf32>
      %mul3A_957 = arith.mulf %sub3A_954, %mul3A_956 : vector<16xf32>
      %jit3A_958 = arith.constant 0.000000e+00 : f32
      %jit3A_959 = arith.constant 1.270000e+02 : f32
      %max3A_960 = vector.broadcast %jit3A_958 : f32 to vector<16xf32>
      %max3A_961 = arith.maximumf %max3A_960, %mul3A_957 : vector<16xf32>
      %min3A_962 = vector.broadcast %jit3A_959 : f32 to vector<16xf32>
      %min3A_963 = arith.minimumf %min3A_962, %max3A_961 : vector<16xf32>
      %convert_element_type3A_964 = arith.fptosi %min3A_963 : vector<16xf32> to vector<16xi32>
      %swap3A_965 = arith.constant 0 : index
      %swap3A_966 = tpu.vector_load %arg24[%swap3A_965] {strides = array<i32>} : memref<32xi32, #tpu.memory_space<vmem>>, vector<16xi32>,
      tpu.vector_store %arg24[%swap3A_965], %convert_element_type3A_964 {strides = array<i32>} : memref<32xi32, #tpu.memory_space<vmem>>, vector<16xi32>,
      tpu.vector_store_idx %arg8[%add3A_241, %convert_element_type3A_964], %broadcast_in_dim3A_236 : memref<32x128xf32, #tpu.memory_space<vmem>>[vector<16xi32>, vector<16xi32>], vector<16xf32>,
      %mul3A_967 = arith.constant 512 : i32
      %mul3A_968 = arith.muli %select_n3A_921, %mul3A_967 : i32
      %add3A_969 = arith.addi %mul3A_968, %mul3A_939 : i32
      %add3A_970 = arith.constant 16 : i32
      %add3A_971 = arith.addi %add3A_969, %add3A_970 : i32
      %get3A_972 = arith.index_cast %add3A_971 : i32 to index
      %get3A_973 = tpu.vector_load %arg4[%get3A_972] {strides = array<i32>} : memref<13312xf32, #tpu.memory_space<vmem>>, vector<16xf32>,
      %sub3A_974 = arith.constant 0.000000e+00 : f32
      %sub3A_975 = vector.broadcast %sub3A_974 : f32 to vector<16xf32>
      %sub3A_976 = arith.subf %get3A_973, %sub3A_975 : vector<16xf32>
      %mul3A_977 = arith.constant 1.270000e+02 : f32
      %mul3A_978 = vector.broadcast %mul3A_977 : f32 to vector<16xf32>
      %mul3A_979 = arith.mulf %sub3A_976, %mul3A_978 : vector<16xf32>
      %jit3A_980 = arith.constant 0.000000e+00 : f32
      %jit3A_981 = arith.constant 1.270000e+02 : f32
      %max3A_982 = vector.broadcast %jit3A_980 : f32 to vector<16xf32>
      %max3A_983 = arith.maximumf %max3A_982, %mul3A_979 : vector<16xf32>
      %min3A_984 = vector.broadcast %jit3A_981 : f32 to vector<16xf32>
      %min3A_985 = arith.minimumf %min3A_984, %max3A_983 : vector<16xf32>
      %convert_element_type3A_986 = arith.fptosi %min3A_985 : vector<16xf32> to vector<16xi32>
      %swap3A_987 = arith.constant 16 : index
      %swap3A_988 = tpu.vector_load %arg24[%swap3A_987] {strides = array<i32>} : memref<32xi32, #tpu.memory_space<vmem>>, vector<16xi32>,
      tpu.vector_store %arg24[%swap3A_987], %convert_element_type3A_986 {strides = array<i32>} : memref<32xi32, #tpu.memory_space<vmem>>, vector<16xi32>,
      tpu.vector_store_idx %arg8[%add3A_244, %convert_element_type3A_986], %broadcast_in_dim3A_236 : memref<32x128xf32, #tpu.memory_space<vmem>>[vector<16xi32>, vector<16xi32>], vector<16xf32>,
      %add3A_989 = arith.addi %mul3A_2, %mul3A_939 : i32
      %dma_start3A_990 = arith.constant 0 : i32
      %dma_start3A_991 = tpu.memref_slice %arg3[%select_n3A_921, %add3A_989, %dma_start3A_990] : memref<26x16384x128xf32, #tpu.memory_space<hbm>> -> memref<1x32x128xf32, #tpu.memory_space<hbm>>
      %dma_start3A_992 = tpu.memref_squeeze %dma_start3A_991 : memref<1x32x128xf32, #tpu.memory_space<hbm>> -> memref<32x128xf32, #tpu.memory_space<hbm>>
      %dma_start3A_993 = arith.constant 0 : i32
      %dma_start3A_994 = tpu.memref_slice %arg3[%select_n3A_921, %add3A_989, %dma_start3A_993] : memref<26x16384x128xf32, #tpu.memory_space<hbm>> -> memref<1x32x128xf32, #tpu.memory_space<hbm>>
      %dma_start3A_995 = tpu.memref_squeeze %dma_start3A_994 : memref<1x32x128xf32, #tpu.memory_space<hbm>> -> memref<32x128xf32, #tpu.memory_space<hbm>>
      tpu.enqueue_dma source(%arg8 : memref<32x128xf32, #tpu.memory_space<vmem>>) target(%dma_start3A_995 : memref<32x128xf32, #tpu.memory_space<hbm>>) target_semaphore(%arg40 : memref<!tpu.dma_semaphore, #tpu.memory_space<semaphore_mem>>)
      %mul3A_996 = arith.constant 16 : i32
      %mul3A_997 = arith.muli %scan3A_603, %mul3A_996 : i32
      %add3A_998 = arith.constant 4 : i32
      %add3A_999 = arith.addi %mul3A_997, %add3A_998 : i32
      %jit3A_1000 = arith.constant 16 : i32
      %div3A_1001 = arith.divsi %add3A_999, %jit3A_1000 : i32
      %sign3A_1002 = arith.constant 0 : i32
      %sign3A_1003 = arith.cmpi sgt, %add3A_999, %sign3A_1002 : i32
      %sign3A_1004 = arith.extui %sign3A_1003 : i1 to i32
      %sign3A_1005 = arith.constant 0 : i32
      %sign3A_1006 = arith.cmpi slt, %add3A_999, %sign3A_1005 : i32
      %sign3A_1007 = arith.extui %sign3A_1006 : i1 to i32
      %sign3A_1008 = arith.subi %sign3A_1004, %sign3A_1007 : i32
      %sign3A_1009 = arith.constant 0 : i32
      %sign3A_1010 = arith.cmpi sgt, %jit3A_1000, %sign3A_1009 : i32
      %sign3A_1011 = arith.extui %sign3A_1010 : i1 to i32
      %sign3A_1012 = arith.constant 0 : i32
      %sign3A_1013 = arith.cmpi slt, %jit3A_1000, %sign3A_1012 : i32
      %sign3A_1014 = arith.extui %sign3A_1013 : i1 to i32
      %sign3A_1015 = arith.subi %sign3A_1011, %sign3A_1014 : i32
      %ne3A_1016 = arith.cmpi ne, %sign3A_1008, %sign3A_1015 : i32
      %rem3A_1017 = arith.remsi %add3A_999, %jit3A_1000 : i32
      %ne3A_1018 = arith.constant 0 : i32
      %ne3A_1019 = arith.cmpi ne, %rem3A_1017, %ne3A_1018 : i32
      %and3A_1020 = arith.andi %ne3A_1016, %ne3A_1019 : i1
      %sub3A_1021 = arith.constant 1 : i32
      %sub3A_1022 = arith.subi %div3A_1001, %sub3A_1021 : i32
      %select_n3A_1023 = arith.select %and3A_1020, %sub3A_1022, %div3A_1001 : i32
      %jit3A_1024 = arith.constant 16 : i32
      %eq3A_1025 = arith.constant 0 : i32
      %eq3A_1026 = arith.cmpi eq, %jit3A_1024, %eq3A_1025 : i32
      %jit3A_1027 = arith.constant 1 : i32
      %select_n3A_1028 = arith.select %eq3A_1026, %jit3A_1027, %jit3A_1024 : i32
      %rem3A_1029 = arith.remsi %add3A_999, %select_n3A_1028 : i32
      %ne3A_1030 = arith.constant 0 : i32
      %ne3A_1031 = arith.cmpi ne, %rem3A_1029, %ne3A_1030 : i32
      %lt3A_1032 = arith.constant 0 : i32
      %lt3A_1033 = arith.cmpi slt, %rem3A_1029, %lt3A_1032 : i32
      %lt3A_1034 = arith.constant 0 : i32
      %lt3A_1035 = arith.cmpi slt, %select_n3A_1028, %lt3A_1034 : i32
      %ne3A_1036 = arith.xori %lt3A_1033, %lt3A_1035 : i1
      %and3A_1037 = arith.andi %ne3A_1036, %ne3A_1031 : i1
      %add3A_1038 = arith.addi %rem3A_1029, %select_n3A_1028 : i32
      %select_n3A_1039 = arith.select %and3A_1037, %add3A_1038, %rem3A_1029 : i32
      %mul3A_1040 = arith.constant 32 : i32
      %mul3A_1041 = arith.muli %select_n3A_1039, %mul3A_1040 : i32
      %ge3A_1042 = arith.constant 16 : i32
      %ge3A_1043 = arith.cmpi sge, %add3A_999, %ge3A_1042 : i32
      %convert_element_type3A_1044 = arith.extui %ge3A_1043 : i1 to i32
      %cond3A_1045 = arith.constant 0 : i32
      %cond3A_1046 = arith.cmpi ne, %convert_element_type3A_1044, %cond3A_1045 : i32
      scf.if %cond3A_1046 {
        %add3A_2221 = arith.addi %mul3A_2, %mul3A_1041 : i32
        %dma_wait3A_2222 = arith.constant 0 : i32
        %dma_wait3A_2223 = tpu.memref_slice %arg3[%select_n3A_1023, %add3A_2221, %dma_wait3A_2222] : memref<26x16384x128xf32, #tpu.memory_space<hbm>> -> memref<1x32x128xf32, #tpu.memory_space<hbm>>
        %dma_wait3A_2224 = tpu.memref_squeeze %dma_wait3A_2223 : memref<1x32x128xf32, #tpu.memory_space<hbm>> -> memref<32x128xf32, #tpu.memory_space<hbm>>
        %dma_wait3A_2225 = arith.constant 0 : i32
        %dma_wait3A_2226 = tpu.memref_slice %arg3[%select_n3A_1023, %add3A_2221, %dma_wait3A_2225] : memref<26x16384x128xf32, #tpu.memory_space<hbm>> -> memref<1x32x128xf32, #tpu.memory_space<hbm>>
        %dma_wait3A_2227 = tpu.memref_squeeze %dma_wait3A_2226 : memref<1x32x128xf32, #tpu.memory_space<hbm>> -> memref<32x128xf32, #tpu.memory_space<hbm>>
        tpu.wait_dma2 semaphore(%arg41 : memref<!tpu.dma_semaphore, #tpu.memory_space<semaphore_mem>>) src(%arg9 : memref<32x128xf32, #tpu.memory_space<vmem>>) dst(%dma_wait3A_2227 : memref<32x128xf32, #tpu.memory_space<hbm>>)
        %get3A_2228 = arith.constant 0 : index
        %get3A_2229 = tpu.vector_load %arg25[%get3A_2228] {strides = array<i32>} : memref<32xi32, #tpu.memory_space<vmem>>, vector<16xi32>,
        tpu.vector_store_idx %arg9[%add3A_241, %get3A_2229], %broadcast_in_dim3A_238 : memref<32x128xf32, #tpu.memory_space<vmem>>[vector<16xi32>, vector<16xi32>], vector<16xf32>,
        %get3A_2230 = arith.constant 16 : index
        %get3A_2231 = tpu.vector_load %arg25[%get3A_2230] {strides = array<i32>} : memref<32xi32, #tpu.memory_space<vmem>>, vector<16xi32>,
        tpu.vector_store_idx %arg9[%add3A_244, %get3A_2231], %broadcast_in_dim3A_238 : memref<32x128xf32, #tpu.memory_space<vmem>>[vector<16xi32>, vector<16xi32>], vector<16xf32>,
      } else {
      }
      %mul3A_1047 = arith.constant 512 : i32
      %mul3A_1048 = arith.muli %select_n3A_1023, %mul3A_1047 : i32
      %add3A_1049 = arith.addi %mul3A_1048, %mul3A_1041 : i32
      %add3A_1050 = arith.constant 0 : i32
      %add3A_1051 = arith.addi %add3A_1049, %add3A_1050 : i32
      %get3A_1052 = arith.index_cast %add3A_1051 : i32 to index
      %get3A_1053 = tpu.vector_load %arg4[%get3A_1052] {strides = array<i32>} : memref<13312xf32, #tpu.memory_space<vmem>>, vector<16xf32>,
      %sub3A_1054 = arith.constant 0.000000e+00 : f32
      %sub3A_1055 = vector.broadcast %sub3A_1054 : f32 to vector<16xf32>
      %sub3A_1056 = arith.subf %get3A_1053, %sub3A_1055 : vector<16xf32>
      %mul3A_1057 = arith.constant 1.270000e+02 : f32
      %mul3A_1058 = vector.broadcast %mul3A_1057 : f32 to vector<16xf32>
      %mul3A_1059 = arith.mulf %sub3A_1056, %mul3A_1058 : vector<16xf32>
      %jit3A_1060 = arith.constant 0.000000e+00 : f32
      %jit3A_1061 = arith.constant 1.270000e+02 : f32
      %max3A_1062 = vector.broadcast %jit3A_1060 : f32 to vector<16xf32>
      %max3A_1063 = arith.maximumf %max3A_1062, %mul3A_1059 : vector<16xf32>
      %min3A_1064 = vector.broadcast %jit3A_1061 : f32 to vector<16xf32>
      %min3A_1065 = arith.minimumf %min3A_1064, %max3A_1063 : vector<16xf32>
      %convert_element_type3A_1066 = arith.fptosi %min3A_1065 : vector<16xf32> to vector<16xi32>
      %swap3A_1067 = arith.constant 0 : index
      %swap3A_1068 = tpu.vector_load %arg25[%swap3A_1067] {strides = array<i32>} : memref<32xi32, #tpu.memory_space<vmem>>, vector<16xi32>,
      tpu.vector_store %arg25[%swap3A_1067], %convert_element_type3A_1066 {strides = array<i32>} : memref<32xi32, #tpu.memory_space<vmem>>, vector<16xi32>,
      tpu.vector_store_idx %arg9[%add3A_241, %convert_element_type3A_1066], %broadcast_in_dim3A_236 : memref<32x128xf32, #tpu.memory_space<vmem>>[vector<16xi32>, vector<16xi32>], vector<16xf32>,
      %mul3A_1069 = arith.constant 512 : i32
      %mul3A_1070 = arith.muli %select_n3A_1023, %mul3A_1069 : i32
      %add3A_1071 = arith.addi %mul3A_1070, %mul3A_1041 : i32
      %add3A_1072 = arith.constant 16 : i32
      %add3A_1073 = arith.addi %add3A_1071, %add3A_1072 : i32
      %get3A_1074 = arith.index_cast %add3A_1073 : i32 to index
      %get3A_1075 = tpu.vector_load %arg4[%get3A_1074] {strides = array<i32>} : memref<13312xf32, #tpu.memory_space<vmem>>, vector<16xf32>,
      %sub3A_1076 = arith.constant 0.000000e+00 : f32
      %sub3A_1077 = vector.broadcast %sub3A_1076 : f32 to vector<16xf32>
      %sub3A_1078 = arith.subf %get3A_1075, %sub3A_1077 : vector<16xf32>
      %mul3A_1079 = arith.constant 1.270000e+02 : f32
      %mul3A_1080 = vector.broadcast %mul3A_1079 : f32 to vector<16xf32>
      %mul3A_1081 = arith.mulf %sub3A_1078, %mul3A_1080 : vector<16xf32>
      %jit3A_1082 = arith.constant 0.000000e+00 : f32
      %jit3A_1083 = arith.constant 1.270000e+02 : f32
      %max3A_1084 = vector.broadcast %jit3A_1082 : f32 to vector<16xf32>
      %max3A_1085 = arith.maximumf %max3A_1084, %mul3A_1081 : vector<16xf32>
      %min3A_1086 = vector.broadcast %jit3A_1083 : f32 to vector<16xf32>
      %min3A_1087 = arith.minimumf %min3A_1086, %max3A_1085 : vector<16xf32>
      %convert_element_type3A_1088 = arith.fptosi %min3A_1087 : vector<16xf32> to vector<16xi32>
      %swap3A_1089 = arith.constant 16 : index
      %swap3A_1090 = tpu.vector_load %arg25[%swap3A_1089] {strides = array<i32>} : memref<32xi32, #tpu.memory_space<vmem>>, vector<16xi32>,
      tpu.vector_store %arg25[%swap3A_1089], %convert_element_type3A_1088 {strides = array<i32>} : memref<32xi32, #tpu.memory_space<vmem>>, vector<16xi32>,
      tpu.vector_store_idx %arg9[%add3A_244, %convert_element_type3A_1088], %broadcast_in_dim3A_236 : memref<32x128xf32, #tpu.memory_space<vmem>>[vector<16xi32>, vector<16xi32>], vector<16xf32>,
      %add3A_1091 = arith.addi %mul3A_2, %mul3A_1041 : i32
      %dma_start3A_1092 = arith.constant 0 : i32
      %dma_start3A_1093 = tpu.memref_slice %arg3[%select_n3A_1023, %add3A_1091, %dma_start3A_1092] : memref<26x16384x128xf32, #tpu.memory_space<hbm>> -> memref<1x32x128xf32, #tpu.memory_space<hbm>>
      %dma_start3A_1094 = tpu.memref_squeeze %dma_start3A_1093 : memref<1x32x128xf32, #tpu.memory_space<hbm>> -> memref<32x128xf32, #tpu.memory_space<hbm>>
      %dma_start3A_1095 = arith.constant 0 : i32
      %dma_start3A_1096 = tpu.memref_slice %arg3[%select_n3A_1023, %add3A_1091, %dma_start3A_1095] : memref<26x16384x128xf32, #tpu.memory_space<hbm>> -> memref<1x32x128xf32, #tpu.memory_space<hbm>>
      %dma_start3A_1097 = tpu.memref_squeeze %dma_start3A_1096 : memref<1x32x128xf32, #tpu.memory_space<hbm>> -> memref<32x128xf32, #tpu.memory_space<hbm>>
      tpu.enqueue_dma source(%arg9 : memref<32x128xf32, #tpu.memory_space<vmem>>) target(%dma_start3A_1097 : memref<32x128xf32, #tpu.memory_space<hbm>>) target_semaphore(%arg41 : memref<!tpu.dma_semaphore, #tpu.memory_space<semaphore_mem>>)
      %mul3A_1098 = arith.constant 16 : i32
      %mul3A_1099 = arith.muli %scan3A_603, %mul3A_1098 : i32
      %add3A_1100 = arith.constant 5 : i32
      %add3A_1101 = arith.addi %mul3A_1099, %add3A_1100 : i32
      %jit3A_1102 = arith.constant 16 : i32
      %div3A_1103 = arith.divsi %add3A_1101, %jit3A_1102 : i32
      %sign3A_1104 = arith.constant 0 : i32
      %sign3A_1105 = arith.cmpi sgt, %add3A_1101, %sign3A_1104 : i32
      %sign3A_1106 = arith.extui %sign3A_1105 : i1 to i32
      %sign3A_1107 = arith.constant 0 : i32
      %sign3A_1108 = arith.cmpi slt, %add3A_1101, %sign3A_1107 : i32
      %sign3A_1109 = arith.extui %sign3A_1108 : i1 to i32
      %sign3A_1110 = arith.subi %sign3A_1106, %sign3A_1109 : i32
      %sign3A_1111 = arith.constant 0 : i32
      %sign3A_1112 = arith.cmpi sgt, %jit3A_1102, %sign3A_1111 : i32
      %sign3A_1113 = arith.extui %sign3A_1112 : i1 to i32
      %sign3A_1114 = arith.constant 0 : i32
      %sign3A_1115 = arith.cmpi slt, %jit3A_1102, %sign3A_1114 : i32
      %sign3A_1116 = arith.extui %sign3A_1115 : i1 to i32
      %sign3A_1117 = arith.subi %sign3A_1113, %sign3A_1116 : i32
      %ne3A_1118 = arith.cmpi ne, %sign3A_1110, %sign3A_1117 : i32
      %rem3A_1119 = arith.remsi %add3A_1101, %jit3A_1102 : i32
      %ne3A_1120 = arith.constant 0 : i32
      %ne3A_1121 = arith.cmpi ne, %rem3A_1119, %ne3A_1120 : i32
      %and3A_1122 = arith.andi %ne3A_1118, %ne3A_1121 : i1
      %sub3A_1123 = arith.constant 1 : i32
      %sub3A_1124 = arith.subi %div3A_1103, %sub3A_1123 : i32
      %select_n3A_1125 = arith.select %and3A_1122, %sub3A_1124, %div3A_1103 : i32
      %jit3A_1126 = arith.constant 16 : i32
      %eq3A_1127 = arith.constant 0 : i32
      %eq3A_1128 = arith.cmpi eq, %jit3A_1126, %eq3A_1127 : i32
      %jit3A_1129 = arith.constant 1 : i32
      %select_n3A_1130 = arith.select %eq3A_1128, %jit3A_1129, %jit3A_1126 : i32
      %rem3A_1131 = arith.remsi %add3A_1101, %select_n3A_1130 : i32
      %ne3A_1132 = arith.constant 0 : i32
      %ne3A_1133 = arith.cmpi ne, %rem3A_1131, %ne3A_1132 : i32
      %lt3A_1134 = arith.constant 0 : i32
      %lt3A_1135 = arith.cmpi slt, %rem3A_1131, %lt3A_1134 : i32
      %lt3A_1136 = arith.constant 0 : i32
      %lt3A_1137 = arith.cmpi slt, %select_n3A_1130, %lt3A_1136 : i32
      %ne3A_1138 = arith.xori %lt3A_1135, %lt3A_1137 : i1
      %and3A_1139 = arith.andi %ne3A_1138, %ne3A_1133 : i1
      %add3A_1140 = arith.addi %rem3A_1131, %select_n3A_1130 : i32
      %select_n3A_1141 = arith.select %and3A_1139, %add3A_1140, %rem3A_1131 : i32
      %mul3A_1142 = arith.constant 32 : i32
      %mul3A_1143 = arith.muli %select_n3A_1141, %mul3A_1142 : i32
      %ge3A_1144 = arith.constant 16 : i32
      %ge3A_1145 = arith.cmpi sge, %add3A_1101, %ge3A_1144 : i32
      %convert_element_type3A_1146 = arith.extui %ge3A_1145 : i1 to i32
      %cond3A_1147 = arith.constant 0 : i32
      %cond3A_1148 = arith.cmpi ne, %convert_element_type3A_1146, %cond3A_1147 : i32
      scf.if %cond3A_1148 {
        %add3A_2221 = arith.addi %mul3A_2, %mul3A_1143 : i32
        %dma_wait3A_2222 = arith.constant 0 : i32
        %dma_wait3A_2223 = tpu.memref_slice %arg3[%select_n3A_1125, %add3A_2221, %dma_wait3A_2222] : memref<26x16384x128xf32, #tpu.memory_space<hbm>> -> memref<1x32x128xf32, #tpu.memory_space<hbm>>
        %dma_wait3A_2224 = tpu.memref_squeeze %dma_wait3A_2223 : memref<1x32x128xf32, #tpu.memory_space<hbm>> -> memref<32x128xf32, #tpu.memory_space<hbm>>
        %dma_wait3A_2225 = arith.constant 0 : i32
        %dma_wait3A_2226 = tpu.memref_slice %arg3[%select_n3A_1125, %add3A_2221, %dma_wait3A_2225] : memref<26x16384x128xf32, #tpu.memory_space<hbm>> -> memref<1x32x128xf32, #tpu.memory_space<hbm>>
        %dma_wait3A_2227 = tpu.memref_squeeze %dma_wait3A_2226 : memref<1x32x128xf32, #tpu.memory_space<hbm>> -> memref<32x128xf32, #tpu.memory_space<hbm>>
        tpu.wait_dma2 semaphore(%arg42 : memref<!tpu.dma_semaphore, #tpu.memory_space<semaphore_mem>>) src(%arg10 : memref<32x128xf32, #tpu.memory_space<vmem>>) dst(%dma_wait3A_2227 : memref<32x128xf32, #tpu.memory_space<hbm>>)
        %get3A_2228 = arith.constant 0 : index
        %get3A_2229 = tpu.vector_load %arg26[%get3A_2228] {strides = array<i32>} : memref<32xi32, #tpu.memory_space<vmem>>, vector<16xi32>,
        tpu.vector_store_idx %arg10[%add3A_241, %get3A_2229], %broadcast_in_dim3A_238 : memref<32x128xf32, #tpu.memory_space<vmem>>[vector<16xi32>, vector<16xi32>], vector<16xf32>,
        %get3A_2230 = arith.constant 16 : index
        %get3A_2231 = tpu.vector_load %arg26[%get3A_2230] {strides = array<i32>} : memref<32xi32, #tpu.memory_space<vmem>>, vector<16xi32>,
        tpu.vector_store_idx %arg10[%add3A_244, %get3A_2231], %broadcast_in_dim3A_238 : memref<32x128xf32, #tpu.memory_space<vmem>>[vector<16xi32>, vector<16xi32>], vector<16xf32>,
      } else {
      }
      %mul3A_1149 = arith.constant 512 : i32
      %mul3A_1150 = arith.muli %select_n3A_1125, %mul3A_1149 : i32
      %add3A_1151 = arith.addi %mul3A_1150, %mul3A_1143 : i32
      %add3A_1152 = arith.constant 0 : i32
      %add3A_1153 = arith.addi %add3A_1151, %add3A_1152 : i32
      %get3A_1154 = arith.index_cast %add3A_1153 : i32 to index
      %get3A_1155 = tpu.vector_load %arg4[%get3A_1154] {strides = array<i32>} : memref<13312xf32, #tpu.memory_space<vmem>>, vector<16xf32>,
      %sub3A_1156 = arith.constant 0.000000e+00 : f32
      %sub3A_1157 = vector.broadcast %sub3A_1156 : f32 to vector<16xf32>
      %sub3A_1158 = arith.subf %get3A_1155, %sub3A_1157 : vector<16xf32>
      %mul3A_1159 = arith.constant 1.270000e+02 : f32
      %mul3A_1160 = vector.broadcast %mul3A_1159 : f32 to vector<16xf32>
      %mul3A_1161 = arith.mulf %sub3A_1158, %mul3A_1160 : vector<16xf32>
      %jit3A_1162 = arith.constant 0.000000e+00 : f32
      %jit3A_1163 = arith.constant 1.270000e+02 : f32
      %max3A_1164 = vector.broadcast %jit3A_1162 : f32 to vector<16xf32>
      %max3A_1165 = arith.maximumf %max3A_1164, %mul3A_1161 : vector<16xf32>
      %min3A_1166 = vector.broadcast %jit3A_1163 : f32 to vector<16xf32>
      %min3A_1167 = arith.minimumf %min3A_1166, %max3A_1165 : vector<16xf32>
      %convert_element_type3A_1168 = arith.fptosi %min3A_1167 : vector<16xf32> to vector<16xi32>
      %swap3A_1169 = arith.constant 0 : index
      %swap3A_1170 = tpu.vector_load %arg26[%swap3A_1169] {strides = array<i32>} : memref<32xi32, #tpu.memory_space<vmem>>, vector<16xi32>,
      tpu.vector_store %arg26[%swap3A_1169], %convert_element_type3A_1168 {strides = array<i32>} : memref<32xi32, #tpu.memory_space<vmem>>, vector<16xi32>,
      tpu.vector_store_idx %arg10[%add3A_241, %convert_element_type3A_1168], %broadcast_in_dim3A_236 : memref<32x128xf32, #tpu.memory_space<vmem>>[vector<16xi32>, vector<16xi32>], vector<16xf32>,
      %mul3A_1171 = arith.constant 512 : i32
      %mul3A_1172 = arith.muli %select_n3A_1125, %mul3A_1171 : i32
      %add3A_1173 = arith.addi %mul3A_1172, %mul3A_1143 : i32
      %add3A_1174 = arith.constant 16 : i32
      %add3A_1175 = arith.addi %add3A_1173, %add3A_1174 : i32
      %get3A_1176 = arith.index_cast %add3A_1175 : i32 to index
      %get3A_1177 = tpu.vector_load %arg4[%get3A_1176] {strides = array<i32>} : memref<13312xf32, #tpu.memory_space<vmem>>, vector<16xf32>,
      %sub3A_1178 = arith.constant 0.000000e+00 : f32
      %sub3A_1179 = vector.broadcast %sub3A_1178 : f32 to vector<16xf32>
      %sub3A_1180 = arith.subf %get3A_1177, %sub3A_1179 : vector<16xf32>
      %mul3A_1181 = arith.constant 1.270000e+02 : f32
      %mul3A_1182 = vector.broadcast %mul3A_1181 : f32 to vector<16xf32>
      %mul3A_1183 = arith.mulf %sub3A_1180, %mul3A_1182 : vector<16xf32>
      %jit3A_1184 = arith.constant 0.000000e+00 : f32
      %jit3A_1185 = arith.constant 1.270000e+02 : f32
      %max3A_1186 = vector.broadcast %jit3A_1184 : f32 to vector<16xf32>
      %max3A_1187 = arith.maximumf %max3A_1186, %mul3A_1183 : vector<16xf32>
      %min3A_1188 = vector.broadcast %jit3A_1185 : f32 to vector<16xf32>
      %min3A_1189 = arith.minimumf %min3A_1188, %max3A_1187 : vector<16xf32>
      %convert_element_type3A_1190 = arith.fptosi %min3A_1189 : vector<16xf32> to vector<16xi32>
      %swap3A_1191 = arith.constant 16 : index
      %swap3A_1192 = tpu.vector_load %arg26[%swap3A_1191] {strides = array<i32>} : memref<32xi32, #tpu.memory_space<vmem>>, vector<16xi32>,
      tpu.vector_store %arg26[%swap3A_1191], %convert_element_type3A_1190 {strides = array<i32>} : memref<32xi32, #tpu.memory_space<vmem>>, vector<16xi32>,
      tpu.vector_store_idx %arg10[%add3A_244, %convert_element_type3A_1190], %broadcast_in_dim3A_236 : memref<32x128xf32, #tpu.memory_space<vmem>>[vector<16xi32>, vector<16xi32>], vector<16xf32>,
      %add3A_1193 = arith.addi %mul3A_2, %mul3A_1143 : i32
      %dma_start3A_1194 = arith.constant 0 : i32
      %dma_start3A_1195 = tpu.memref_slice %arg3[%select_n3A_1125, %add3A_1193, %dma_start3A_1194] : memref<26x16384x128xf32, #tpu.memory_space<hbm>> -> memref<1x32x128xf32, #tpu.memory_space<hbm>>
      %dma_start3A_1196 = tpu.memref_squeeze %dma_start3A_1195 : memref<1x32x128xf32, #tpu.memory_space<hbm>> -> memref<32x128xf32, #tpu.memory_space<hbm>>
      %dma_start3A_1197 = arith.constant 0 : i32
      %dma_start3A_1198 = tpu.memref_slice %arg3[%select_n3A_1125, %add3A_1193, %dma_start3A_1197] : memref<26x16384x128xf32, #tpu.memory_space<hbm>> -> memref<1x32x128xf32, #tpu.memory_space<hbm>>
      %dma_start3A_1199 = tpu.memref_squeeze %dma_start3A_1198 : memref<1x32x128xf32, #tpu.memory_space<hbm>> -> memref<32x128xf32, #tpu.memory_space<hbm>>
      tpu.enqueue_dma source(%arg10 : memref<32x128xf32, #tpu.memory_space<vmem>>) target(%dma_start3A_1199 : memref<32x128xf32, #tpu.memory_space<hbm>>) target_semaphore(%arg42 : memref<!tpu.dma_semaphore, #tpu.memory_space<semaphore_mem>>)
      %mul3A_1200 = arith.constant 16 : i32
      %mul3A_1201 = arith.muli %scan3A_603, %mul3A_1200 : i32
      %add3A_1202 = arith.constant 6 : i32
      %add3A_1203 = arith.addi %mul3A_1201, %add3A_1202 : i32
      %jit3A_1204 = arith.constant 16 : i32
      %div3A_1205 = arith.divsi %add3A_1203, %jit3A_1204 : i32
      %sign3A_1206 = arith.constant 0 : i32
      %sign3A_1207 = arith.cmpi sgt, %add3A_1203, %sign3A_1206 : i32
      %sign3A_1208 = arith.extui %sign3A_1207 : i1 to i32
      %sign3A_1209 = arith.constant 0 : i32
      %sign3A_1210 = arith.cmpi slt, %add3A_1203, %sign3A_1209 : i32
      %sign3A_1211 = arith.extui %sign3A_1210 : i1 to i32
      %sign3A_1212 = arith.subi %sign3A_1208, %sign3A_1211 : i32
      %sign3A_1213 = arith.constant 0 : i32
      %sign3A_1214 = arith.cmpi sgt, %jit3A_1204, %sign3A_1213 : i32
      %sign3A_1215 = arith.extui %sign3A_1214 : i1 to i32
      %sign3A_1216 = arith.constant 0 : i32
      %sign3A_1217 = arith.cmpi slt, %jit3A_1204, %sign3A_1216 : i32
      %sign3A_1218 = arith.extui %sign3A_1217 : i1 to i32
      %sign3A_1219 = arith.subi %sign3A_1215, %sign3A_1218 : i32
      %ne3A_1220 = arith.cmpi ne, %sign3A_1212, %sign3A_1219 : i32
      %rem3A_1221 = arith.remsi %add3A_1203, %jit3A_1204 : i32
      %ne3A_1222 = arith.constant 0 : i32
      %ne3A_1223 = arith.cmpi ne, %rem3A_1221, %ne3A_1222 : i32
      %and3A_1224 = arith.andi %ne3A_1220, %ne3A_1223 : i1
      %sub3A_1225 = arith.constant 1 : i32
      %sub3A_1226 = arith.subi %div3A_1205, %sub3A_1225 : i32
      %select_n3A_1227 = arith.select %and3A_1224, %sub3A_1226, %div3A_1205 : i32
      %jit3A_1228 = arith.constant 16 : i32
      %eq3A_1229 = arith.constant 0 : i32
      %eq3A_1230 = arith.cmpi eq, %jit3A_1228, %eq3A_1229 : i32
      %jit3A_1231 = arith.constant 1 : i32
      %select_n3A_1232 = arith.select %eq3A_1230, %jit3A_1231, %jit3A_1228 : i32
      %rem3A_1233 = arith.remsi %add3A_1203, %select_n3A_1232 : i32
      %ne3A_1234 = arith.constant 0 : i32
      %ne3A_1235 = arith.cmpi ne, %rem3A_1233, %ne3A_1234 : i32
      %lt3A_1236 = arith.constant 0 : i32
      %lt3A_1237 = arith.cmpi slt, %rem3A_1233, %lt3A_1236 : i32
      %lt3A_1238 = arith.constant 0 : i32
      %lt3A_1239 = arith.cmpi slt, %select_n3A_1232, %lt3A_1238 : i32
      %ne3A_1240 = arith.xori %lt3A_1237, %lt3A_1239 : i1
      %and3A_1241 = arith.andi %ne3A_1240, %ne3A_1235 : i1
      %add3A_1242 = arith.addi %rem3A_1233, %select_n3A_1232 : i32
      %select_n3A_1243 = arith.select %and3A_1241, %add3A_1242, %rem3A_1233 : i32
      %mul3A_1244 = arith.constant 32 : i32
      %mul3A_1245 = arith.muli %select_n3A_1243, %mul3A_1244 : i32
      %ge3A_1246 = arith.constant 16 : i32
      %ge3A_1247 = arith.cmpi sge, %add3A_1203, %ge3A_1246 : i32
      %convert_element_type3A_1248 = arith.extui %ge3A_1247 : i1 to i32
      %cond3A_1249 = arith.constant 0 : i32
      %cond3A_1250 = arith.cmpi ne, %convert_element_type3A_1248, %cond3A_1249 : i32
      scf.if %cond3A_1250 {
        %add3A_2221 = arith.addi %mul3A_2, %mul3A_1245 : i32
        %dma_wait3A_2222 = arith.constant 0 : i32
        %dma_wait3A_2223 = tpu.memref_slice %arg3[%select_n3A_1227, %add3A_2221, %dma_wait3A_2222] : memref<26x16384x128xf32, #tpu.memory_space<hbm>> -> memref<1x32x128xf32, #tpu.memory_space<hbm>>
        %dma_wait3A_2224 = tpu.memref_squeeze %dma_wait3A_2223 : memref<1x32x128xf32, #tpu.memory_space<hbm>> -> memref<32x128xf32, #tpu.memory_space<hbm>>
        %dma_wait3A_2225 = arith.constant 0 : i32
        %dma_wait3A_2226 = tpu.memref_slice %arg3[%select_n3A_1227, %add3A_2221, %dma_wait3A_2225] : memref<26x16384x128xf32, #tpu.memory_space<hbm>> -> memref<1x32x128xf32, #tpu.memory_space<hbm>>
        %dma_wait3A_2227 = tpu.memref_squeeze %dma_wait3A_2226 : memref<1x32x128xf32, #tpu.memory_space<hbm>> -> memref<32x128xf32, #tpu.memory_space<hbm>>
        tpu.wait_dma2 semaphore(%arg43 : memref<!tpu.dma_semaphore, #tpu.memory_space<semaphore_mem>>) src(%arg11 : memref<32x128xf32, #tpu.memory_space<vmem>>) dst(%dma_wait3A_2227 : memref<32x128xf32, #tpu.memory_space<hbm>>)
        %get3A_2228 = arith.constant 0 : index
        %get3A_2229 = tpu.vector_load %arg27[%get3A_2228] {strides = array<i32>} : memref<32xi32, #tpu.memory_space<vmem>>, vector<16xi32>,
        tpu.vector_store_idx %arg11[%add3A_241, %get3A_2229], %broadcast_in_dim3A_238 : memref<32x128xf32, #tpu.memory_space<vmem>>[vector<16xi32>, vector<16xi32>], vector<16xf32>,
        %get3A_2230 = arith.constant 16 : index
        %get3A_2231 = tpu.vector_load %arg27[%get3A_2230] {strides = array<i32>} : memref<32xi32, #tpu.memory_space<vmem>>, vector<16xi32>,
        tpu.vector_store_idx %arg11[%add3A_244, %get3A_2231], %broadcast_in_dim3A_238 : memref<32x128xf32, #tpu.memory_space<vmem>>[vector<16xi32>, vector<16xi32>], vector<16xf32>,
      } else {
      }
      %mul3A_1251 = arith.constant 512 : i32
      %mul3A_1252 = arith.muli %select_n3A_1227, %mul3A_1251 : i32
      %add3A_1253 = arith.addi %mul3A_1252, %mul3A_1245 : i32
      %add3A_1254 = arith.constant 0 : i32
      %add3A_1255 = arith.addi %add3A_1253, %add3A_1254 : i32
      %get3A_1256 = arith.index_cast %add3A_1255 : i32 to index
      %get3A_1257 = tpu.vector_load %arg4[%get3A_1256] {strides = array<i32>} : memref<13312xf32, #tpu.memory_space<vmem>>, vector<16xf32>,
      %sub3A_1258 = arith.constant 0.000000e+00 : f32
      %sub3A_1259 = vector.broadcast %sub3A_1258 : f32 to vector<16xf32>
      %sub3A_1260 = arith.subf %get3A_1257, %sub3A_1259 : vector<16xf32>
      %mul3A_1261 = arith.constant 1.270000e+02 : f32
      %mul3A_1262 = vector.broadcast %mul3A_1261 : f32 to vector<16xf32>
      %mul3A_1263 = arith.mulf %sub3A_1260, %mul3A_1262 : vector<16xf32>
      %jit3A_1264 = arith.constant 0.000000e+00 : f32
      %jit3A_1265 = arith.constant 1.270000e+02 : f32
      %max3A_1266 = vector.broadcast %jit3A_1264 : f32 to vector<16xf32>
      %max3A_1267 = arith.maximumf %max3A_1266, %mul3A_1263 : vector<16xf32>
      %min3A_1268 = vector.broadcast %jit3A_1265 : f32 to vector<16xf32>
      %min3A_1269 = arith.minimumf %min3A_1268, %max3A_1267 : vector<16xf32>
      %convert_element_type3A_1270 = arith.fptosi %min3A_1269 : vector<16xf32> to vector<16xi32>
      %swap3A_1271 = arith.constant 0 : index
      %swap3A_1272 = tpu.vector_load %arg27[%swap3A_1271] {strides = array<i32>} : memref<32xi32, #tpu.memory_space<vmem>>, vector<16xi32>,
      tpu.vector_store %arg27[%swap3A_1271], %convert_element_type3A_1270 {strides = array<i32>} : memref<32xi32, #tpu.memory_space<vmem>>, vector<16xi32>,
      tpu.vector_store_idx %arg11[%add3A_241, %convert_element_type3A_1270], %broadcast_in_dim3A_236 : memref<32x128xf32, #tpu.memory_space<vmem>>[vector<16xi32>, vector<16xi32>], vector<16xf32>,
      %mul3A_1273 = arith.constant 512 : i32
      %mul3A_1274 = arith.muli %select_n3A_1227, %mul3A_1273 : i32
      %add3A_1275 = arith.addi %mul3A_1274, %mul3A_1245 : i32
      %add3A_1276 = arith.constant 16 : i32
      %add3A_1277 = arith.addi %add3A_1275, %add3A_1276 : i32
      %get3A_1278 = arith.index_cast %add3A_1277 : i32 to index
      %get3A_1279 = tpu.vector_load %arg4[%get3A_1278] {strides = array<i32>} : memref<13312xf32, #tpu.memory_space<vmem>>, vector<16xf32>,
      %sub3A_1280 = arith.constant 0.000000e+00 : f32
      %sub3A_1281 = vector.broadcast %sub3A_1280 : f32 to vector<16xf32>
      %sub3A_1282 = arith.subf %get3A_1279, %sub3A_1281 : vector<16xf32>
      %mul3A_1283 = arith.constant 1.270000e+02 : f32
      %mul3A_1284 = vector.broadcast %mul3A_1283 : f32 to vector<16xf32>
      %mul3A_1285 = arith.mulf %sub3A_1282, %mul3A_1284 : vector<16xf32>
      %jit3A_1286 = arith.constant 0.000000e+00 : f32
      %jit3A_1287 = arith.constant 1.270000e+02 : f32
      %max3A_1288 = vector.broadcast %jit3A_1286 : f32 to vector<16xf32>
      %max3A_1289 = arith.maximumf %max3A_1288, %mul3A_1285 : vector<16xf32>
      %min3A_1290 = vector.broadcast %jit3A_1287 : f32 to vector<16xf32>
      %min3A_1291 = arith.minimumf %min3A_1290, %max3A_1289 : vector<16xf32>
      %convert_element_type3A_1292 = arith.fptosi %min3A_1291 : vector<16xf32> to vector<16xi32>
      %swap3A_1293 = arith.constant 16 : index
      %swap3A_1294 = tpu.vector_load %arg27[%swap3A_1293] {strides = array<i32>} : memref<32xi32, #tpu.memory_space<vmem>>, vector<16xi32>,
      tpu.vector_store %arg27[%swap3A_1293], %convert_element_type3A_1292 {strides = array<i32>} : memref<32xi32, #tpu.memory_space<vmem>>, vector<16xi32>,
      tpu.vector_store_idx %arg11[%add3A_244, %convert_element_type3A_1292], %broadcast_in_dim3A_236 : memref<32x128xf32, #tpu.memory_space<vmem>>[vector<16xi32>, vector<16xi32>], vector<16xf32>,
      %add3A_1295 = arith.addi %mul3A_2, %mul3A_1245 : i32
      %dma_start3A_1296 = arith.constant 0 : i32
      %dma_start3A_1297 = tpu.memref_slice %arg3[%select_n3A_1227, %add3A_1295, %dma_start3A_1296] : memref<26x16384x128xf32, #tpu.memory_space<hbm>> -> memref<1x32x128xf32, #tpu.memory_space<hbm>>
      %dma_start3A_1298 = tpu.memref_squeeze %dma_start3A_1297 : memref<1x32x128xf32, #tpu.memory_space<hbm>> -> memref<32x128xf32, #tpu.memory_space<hbm>>
      %dma_start3A_1299 = arith.constant 0 : i32
      %dma_start3A_1300 = tpu.memref_slice %arg3[%select_n3A_1227, %add3A_1295, %dma_start3A_1299] : memref<26x16384x128xf32, #tpu.memory_space<hbm>> -> memref<1x32x128xf32, #tpu.memory_space<hbm>>
      %dma_start3A_1301 = tpu.memref_squeeze %dma_start3A_1300 : memref<1x32x128xf32, #tpu.memory_space<hbm>> -> memref<32x128xf32, #tpu.memory_space<hbm>>
      tpu.enqueue_dma source(%arg11 : memref<32x128xf32, #tpu.memory_space<vmem>>) target(%dma_start3A_1301 : memref<32x128xf32, #tpu.memory_space<hbm>>) target_semaphore(%arg43 : memref<!tpu.dma_semaphore, #tpu.memory_space<semaphore_mem>>)
      %mul3A_1302 = arith.constant 16 : i32
      %mul3A_1303 = arith.muli %scan3A_603, %mul3A_1302 : i32
      %add3A_1304 = arith.constant 7 : i32
      %add3A_1305 = arith.addi %mul3A_1303, %add3A_1304 : i32
      %jit3A_1306 = arith.constant 16 : i32
      %div3A_1307 = arith.divsi %add3A_1305, %jit3A_1306 : i32
      %sign3A_1308 = arith.constant 0 : i32
      %sign3A_1309 = arith.cmpi sgt, %add3A_1305, %sign3A_1308 : i32
      %sign3A_1310 = arith.extui %sign3A_1309 : i1 to i32
      %sign3A_1311 = arith.constant 0 : i32
      %sign3A_1312 = arith.cmpi slt, %add3A_1305, %sign3A_1311 : i32
      %sign3A_1313 = arith.extui %sign3A_1312 : i1 to i32
      %sign3A_1314 = arith.subi %sign3A_1310, %sign3A_1313 : i32
      %sign3A_1315 = arith.constant 0 : i32
      %sign3A_1316 = arith.cmpi sgt, %jit3A_1306, %sign3A_1315 : i32
      %sign3A_1317 = arith.extui %sign3A_1316 : i1 to i32
      %sign3A_1318 = arith.constant 0 : i32
      %sign3A_1319 = arith.cmpi slt, %jit3A_1306, %sign3A_1318 : i32
      %sign3A_1320 = arith.extui %sign3A_1319 : i1 to i32
      %sign3A_1321 = arith.subi %sign3A_1317, %sign3A_1320 : i32
      %ne3A_1322 = arith.cmpi ne, %sign3A_1314, %sign3A_1321 : i32
      %rem3A_1323 = arith.remsi %add3A_1305, %jit3A_1306 : i32
      %ne3A_1324 = arith.constant 0 : i32
      %ne3A_1325 = arith.cmpi ne, %rem3A_1323, %ne3A_1324 : i32
      %and3A_1326 = arith.andi %ne3A_1322, %ne3A_1325 : i1
      %sub3A_1327 = arith.constant 1 : i32
      %sub3A_1328 = arith.subi %div3A_1307, %sub3A_1327 : i32
      %select_n3A_1329 = arith.select %and3A_1326, %sub3A_1328, %div3A_1307 : i32
      %jit3A_1330 = arith.constant 16 : i32
      %eq3A_1331 = arith.constant 0 : i32
      %eq3A_1332 = arith.cmpi eq, %jit3A_1330, %eq3A_1331 : i32
      %jit3A_1333 = arith.constant 1 : i32
      %select_n3A_1334 = arith.select %eq3A_1332, %jit3A_1333, %jit3A_1330 : i32
      %rem3A_1335 = arith.remsi %add3A_1305, %select_n3A_1334 : i32
      %ne3A_1336 = arith.constant 0 : i32
      %ne3A_1337 = arith.cmpi ne, %rem3A_1335, %ne3A_1336 : i32
      %lt3A_1338 = arith.constant 0 : i32
      %lt3A_1339 = arith.cmpi slt, %rem3A_1335, %lt3A_1338 : i32
      %lt3A_1340 = arith.constant 0 : i32
      %lt3A_1341 = arith.cmpi slt, %select_n3A_1334, %lt3A_1340 : i32
      %ne3A_1342 = arith.xori %lt3A_1339, %lt3A_1341 : i1
      %and3A_1343 = arith.andi %ne3A_1342, %ne3A_1337 : i1
      %add3A_1344 = arith.addi %rem3A_1335, %select_n3A_1334 : i32
      %select_n3A_1345 = arith.select %and3A_1343, %add3A_1344, %rem3A_1335 : i32
      %mul3A_1346 = arith.constant 32 : i32
      %mul3A_1347 = arith.muli %select_n3A_1345, %mul3A_1346 : i32
      %ge3A_1348 = arith.constant 16 : i32
      %ge3A_1349 = arith.cmpi sge, %add3A_1305, %ge3A_1348 : i32
      %convert_element_type3A_1350 = arith.extui %ge3A_1349 : i1 to i32
      %cond3A_1351 = arith.constant 0 : i32
      %cond3A_1352 = arith.cmpi ne, %convert_element_type3A_1350, %cond3A_1351 : i32
      scf.if %cond3A_1352 {
        %add3A_2221 = arith.addi %mul3A_2, %mul3A_1347 : i32
        %dma_wait3A_2222 = arith.constant 0 : i32
        %dma_wait3A_2223 = tpu.memref_slice %arg3[%select_n3A_1329, %add3A_2221, %dma_wait3A_2222] : memref<26x16384x128xf32, #tpu.memory_space<hbm>> -> memref<1x32x128xf32, #tpu.memory_space<hbm>>
        %dma_wait3A_2224 = tpu.memref_squeeze %dma_wait3A_2223 : memref<1x32x128xf32, #tpu.memory_space<hbm>> -> memref<32x128xf32, #tpu.memory_space<hbm>>
        %dma_wait3A_2225 = arith.constant 0 : i32
        %dma_wait3A_2226 = tpu.memref_slice %arg3[%select_n3A_1329, %add3A_2221, %dma_wait3A_2225] : memref<26x16384x128xf32, #tpu.memory_space<hbm>> -> memref<1x32x128xf32, #tpu.memory_space<hbm>>
        %dma_wait3A_2227 = tpu.memref_squeeze %dma_wait3A_2226 : memref<1x32x128xf32, #tpu.memory_space<hbm>> -> memref<32x128xf32, #tpu.memory_space<hbm>>
        tpu.wait_dma2 semaphore(%arg44 : memref<!tpu.dma_semaphore, #tpu.memory_space<semaphore_mem>>) src(%arg12 : memref<32x128xf32, #tpu.memory_space<vmem>>) dst(%dma_wait3A_2227 : memref<32x128xf32, #tpu.memory_space<hbm>>)
        %get3A_2228 = arith.constant 0 : index
        %get3A_2229 = tpu.vector_load %arg28[%get3A_2228] {strides = array<i32>} : memref<32xi32, #tpu.memory_space<vmem>>, vector<16xi32>,
        tpu.vector_store_idx %arg12[%add3A_241, %get3A_2229], %broadcast_in_dim3A_238 : memref<32x128xf32, #tpu.memory_space<vmem>>[vector<16xi32>, vector<16xi32>], vector<16xf32>,
        %get3A_2230 = arith.constant 16 : index
        %get3A_2231 = tpu.vector_load %arg28[%get3A_2230] {strides = array<i32>} : memref<32xi32, #tpu.memory_space<vmem>>, vector<16xi32>,
        tpu.vector_store_idx %arg12[%add3A_244, %get3A_2231], %broadcast_in_dim3A_238 : memref<32x128xf32, #tpu.memory_space<vmem>>[vector<16xi32>, vector<16xi32>], vector<16xf32>,
      } else {
      }
      %mul3A_1353 = arith.constant 512 : i32
      %mul3A_1354 = arith.muli %select_n3A_1329, %mul3A_1353 : i32
      %add3A_1355 = arith.addi %mul3A_1354, %mul3A_1347 : i32
      %add3A_1356 = arith.constant 0 : i32
      %add3A_1357 = arith.addi %add3A_1355, %add3A_1356 : i32
      %get3A_1358 = arith.index_cast %add3A_1357 : i32 to index
      %get3A_1359 = tpu.vector_load %arg4[%get3A_1358] {strides = array<i32>} : memref<13312xf32, #tpu.memory_space<vmem>>, vector<16xf32>,
      %sub3A_1360 = arith.constant 0.000000e+00 : f32
      %sub3A_1361 = vector.broadcast %sub3A_1360 : f32 to vector<16xf32>
      %sub3A_1362 = arith.subf %get3A_1359, %sub3A_1361 : vector<16xf32>
      %mul3A_1363 = arith.constant 1.270000e+02 : f32
      %mul3A_1364 = vector.broadcast %mul3A_1363 : f32 to vector<16xf32>
      %mul3A_1365 = arith.mulf %sub3A_1362, %mul3A_1364 : vector<16xf32>
      %jit3A_1366 = arith.constant 0.000000e+00 : f32
      %jit3A_1367 = arith.constant 1.270000e+02 : f32
      %max3A_1368 = vector.broadcast %jit3A_1366 : f32 to vector<16xf32>
      %max3A_1369 = arith.maximumf %max3A_1368, %mul3A_1365 : vector<16xf32>
      %min3A_1370 = vector.broadcast %jit3A_1367 : f32 to vector<16xf32>
      %min3A_1371 = arith.minimumf %min3A_1370, %max3A_1369 : vector<16xf32>
      %convert_element_type3A_1372 = arith.fptosi %min3A_1371 : vector<16xf32> to vector<16xi32>
      %swap3A_1373 = arith.constant 0 : index
      %swap3A_1374 = tpu.vector_load %arg28[%swap3A_1373] {strides = array<i32>} : memref<32xi32, #tpu.memory_space<vmem>>, vector<16xi32>,
      tpu.vector_store %arg28[%swap3A_1373], %convert_element_type3A_1372 {strides = array<i32>} : memref<32xi32, #tpu.memory_space<vmem>>, vector<16xi32>,
      tpu.vector_store_idx %arg12[%add3A_241, %convert_element_type3A_1372], %broadcast_in_dim3A_236 : memref<32x128xf32, #tpu.memory_space<vmem>>[vector<16xi32>, vector<16xi32>], vector<16xf32>,
      %mul3A_1375 = arith.constant 512 : i32
      %mul3A_1376 = arith.muli %select_n3A_1329, %mul3A_1375 : i32
      %add3A_1377 = arith.addi %mul3A_1376, %mul3A_1347 : i32
      %add3A_1378 = arith.constant 16 : i32
      %add3A_1379 = arith.addi %add3A_1377, %add3A_1378 : i32
      %get3A_1380 = arith.index_cast %add3A_1379 : i32 to index
      %get3A_1381 = tpu.vector_load %arg4[%get3A_1380] {strides = array<i32>} : memref<13312xf32, #tpu.memory_space<vmem>>, vector<16xf32>,
      %sub3A_1382 = arith.constant 0.000000e+00 : f32
      %sub3A_1383 = vector.broadcast %sub3A_1382 : f32 to vector<16xf32>
      %sub3A_1384 = arith.subf %get3A_1381, %sub3A_1383 : vector<16xf32>
      %mul3A_1385 = arith.constant 1.270000e+02 : f32
      %mul3A_1386 = vector.broadcast %mul3A_1385 : f32 to vector<16xf32>
      %mul3A_1387 = arith.mulf %sub3A_1384, %mul3A_1386 : vector<16xf32>
      %jit3A_1388 = arith.constant 0.000000e+00 : f32
      %jit3A_1389 = arith.constant 1.270000e+02 : f32
      %max3A_1390 = vector.broadcast %jit3A_1388 : f32 to vector<16xf32>
      %max3A_1391 = arith.maximumf %max3A_1390, %mul3A_1387 : vector<16xf32>
      %min3A_1392 = vector.broadcast %jit3A_1389 : f32 to vector<16xf32>
      %min3A_1393 = arith.minimumf %min3A_1392, %max3A_1391 : vector<16xf32>
      %convert_element_type3A_1394 = arith.fptosi %min3A_1393 : vector<16xf32> to vector<16xi32>
      %swap3A_1395 = arith.constant 16 : index
      %swap3A_1396 = tpu.vector_load %arg28[%swap3A_1395] {strides = array<i32>} : memref<32xi32, #tpu.memory_space<vmem>>, vector<16xi32>,
      tpu.vector_store %arg28[%swap3A_1395], %convert_element_type3A_1394 {strides = array<i32>} : memref<32xi32, #tpu.memory_space<vmem>>, vector<16xi32>,
      tpu.vector_store_idx %arg12[%add3A_244, %convert_element_type3A_1394], %broadcast_in_dim3A_236 : memref<32x128xf32, #tpu.memory_space<vmem>>[vector<16xi32>, vector<16xi32>], vector<16xf32>,
      %add3A_1397 = arith.addi %mul3A_2, %mul3A_1347 : i32
      %dma_start3A_1398 = arith.constant 0 : i32
      %dma_start3A_1399 = tpu.memref_slice %arg3[%select_n3A_1329, %add3A_1397, %dma_start3A_1398] : memref<26x16384x128xf32, #tpu.memory_space<hbm>> -> memref<1x32x128xf32, #tpu.memory_space<hbm>>
      %dma_start3A_1400 = tpu.memref_squeeze %dma_start3A_1399 : memref<1x32x128xf32, #tpu.memory_space<hbm>> -> memref<32x128xf32, #tpu.memory_space<hbm>>
      %dma_start3A_1401 = arith.constant 0 : i32
      %dma_start3A_1402 = tpu.memref_slice %arg3[%select_n3A_1329, %add3A_1397, %dma_start3A_1401] : memref<26x16384x128xf32, #tpu.memory_space<hbm>> -> memref<1x32x128xf32, #tpu.memory_space<hbm>>
      %dma_start3A_1403 = tpu.memref_squeeze %dma_start3A_1402 : memref<1x32x128xf32, #tpu.memory_space<hbm>> -> memref<32x128xf32, #tpu.memory_space<hbm>>
      tpu.enqueue_dma source(%arg12 : memref<32x128xf32, #tpu.memory_space<vmem>>) target(%dma_start3A_1403 : memref<32x128xf32, #tpu.memory_space<hbm>>) target_semaphore(%arg44 : memref<!tpu.dma_semaphore, #tpu.memory_space<semaphore_mem>>)
      %mul3A_1404 = arith.constant 16 : i32
      %mul3A_1405 = arith.muli %scan3A_603, %mul3A_1404 : i32
      %add3A_1406 = arith.constant 8 : i32
      %add3A_1407 = arith.addi %mul3A_1405, %add3A_1406 : i32
      %jit3A_1408 = arith.constant 16 : i32
      %div3A_1409 = arith.divsi %add3A_1407, %jit3A_1408 : i32
      %sign3A_1410 = arith.constant 0 : i32
      %sign3A_1411 = arith.cmpi sgt, %add3A_1407, %sign3A_1410 : i32
      %sign3A_1412 = arith.extui %sign3A_1411 : i1 to i32
      %sign3A_1413 = arith.constant 0 : i32
      %sign3A_1414 = arith.cmpi slt, %add3A_1407, %sign3A_1413 : i32
      %sign3A_1415 = arith.extui %sign3A_1414 : i1 to i32
      %sign3A_1416 = arith.subi %sign3A_1412, %sign3A_1415 : i32
      %sign3A_1417 = arith.constant 0 : i32
      %sign3A_1418 = arith.cmpi sgt, %jit3A_1408, %sign3A_1417 : i32
      %sign3A_1419 = arith.extui %sign3A_1418 : i1 to i32
      %sign3A_1420 = arith.constant 0 : i32
      %sign3A_1421 = arith.cmpi slt, %jit3A_1408, %sign3A_1420 : i32
      %sign3A_1422 = arith.extui %sign3A_1421 : i1 to i32
      %sign3A_1423 = arith.subi %sign3A_1419, %sign3A_1422 : i32
      %ne3A_1424 = arith.cmpi ne, %sign3A_1416, %sign3A_1423 : i32
      %rem3A_1425 = arith.remsi %add3A_1407, %jit3A_1408 : i32
      %ne3A_1426 = arith.constant 0 : i32
      %ne3A_1427 = arith.cmpi ne, %rem3A_1425, %ne3A_1426 : i32
      %and3A_1428 = arith.andi %ne3A_1424, %ne3A_1427 : i1
      %sub3A_1429 = arith.constant 1 : i32
      %sub3A_1430 = arith.subi %div3A_1409, %sub3A_1429 : i32
      %select_n3A_1431 = arith.select %and3A_1428, %sub3A_1430, %div3A_1409 : i32
      %jit3A_1432 = arith.constant 16 : i32
      %eq3A_1433 = arith.constant 0 : i32
      %eq3A_1434 = arith.cmpi eq, %jit3A_1432, %eq3A_1433 : i32
      %jit3A_1435 = arith.constant 1 : i32
      %select_n3A_1436 = arith.select %eq3A_1434, %jit3A_1435, %jit3A_1432 : i32
      %rem3A_1437 = arith.remsi %add3A_1407, %select_n3A_1436 : i32
      %ne3A_1438 = arith.constant 0 : i32
      %ne3A_1439 = arith.cmpi ne, %rem3A_1437, %ne3A_1438 : i32
      %lt3A_1440 = arith.constant 0 : i32
      %lt3A_1441 = arith.cmpi slt, %rem3A_1437, %lt3A_1440 : i32
      %lt3A_1442 = arith.constant 0 : i32
      %lt3A_1443 = arith.cmpi slt, %select_n3A_1436, %lt3A_1442 : i32
      %ne3A_1444 = arith.xori %lt3A_1441, %lt3A_1443 : i1
      %and3A_1445 = arith.andi %ne3A_1444, %ne3A_1439 : i1
      %add3A_1446 = arith.addi %rem3A_1437, %select_n3A_1436 : i32
      %select_n3A_1447 = arith.select %and3A_1445, %add3A_1446, %rem3A_1437 : i32
      %mul3A_1448 = arith.constant 32 : i32
      %mul3A_1449 = arith.muli %select_n3A_1447, %mul3A_1448 : i32
      %ge3A_1450 = arith.constant 16 : i32
      %ge3A_1451 = arith.cmpi sge, %add3A_1407, %ge3A_1450 : i32
      %convert_element_type3A_1452 = arith.extui %ge3A_1451 : i1 to i32
      %cond3A_1453 = arith.constant 0 : i32
      %cond3A_1454 = arith.cmpi ne, %convert_element_type3A_1452, %cond3A_1453 : i32
      scf.if %cond3A_1454 {
        %add3A_2221 = arith.addi %mul3A_2, %mul3A_1449 : i32
        %dma_wait3A_2222 = arith.constant 0 : i32
        %dma_wait3A_2223 = tpu.memref_slice %arg3[%select_n3A_1431, %add3A_2221, %dma_wait3A_2222] : memref<26x16384x128xf32, #tpu.memory_space<hbm>> -> memref<1x32x128xf32, #tpu.memory_space<hbm>>
        %dma_wait3A_2224 = tpu.memref_squeeze %dma_wait3A_2223 : memref<1x32x128xf32, #tpu.memory_space<hbm>> -> memref<32x128xf32, #tpu.memory_space<hbm>>
        %dma_wait3A_2225 = arith.constant 0 : i32
        %dma_wait3A_2226 = tpu.memref_slice %arg3[%select_n3A_1431, %add3A_2221, %dma_wait3A_2225] : memref<26x16384x128xf32, #tpu.memory_space<hbm>> -> memref<1x32x128xf32, #tpu.memory_space<hbm>>
        %dma_wait3A_2227 = tpu.memref_squeeze %dma_wait3A_2226 : memref<1x32x128xf32, #tpu.memory_space<hbm>> -> memref<32x128xf32, #tpu.memory_space<hbm>>
        tpu.wait_dma2 semaphore(%arg45 : memref<!tpu.dma_semaphore, #tpu.memory_space<semaphore_mem>>) src(%arg13 : memref<32x128xf32, #tpu.memory_space<vmem>>) dst(%dma_wait3A_2227 : memref<32x128xf32, #tpu.memory_space<hbm>>)
        %get3A_2228 = arith.constant 0 : index
        %get3A_2229 = tpu.vector_load %arg29[%get3A_2228] {strides = array<i32>} : memref<32xi32, #tpu.memory_space<vmem>>, vector<16xi32>,
        tpu.vector_store_idx %arg13[%add3A_241, %get3A_2229], %broadcast_in_dim3A_238 : memref<32x128xf32, #tpu.memory_space<vmem>>[vector<16xi32>, vector<16xi32>], vector<16xf32>,
        %get3A_2230 = arith.constant 16 : index
        %get3A_2231 = tpu.vector_load %arg29[%get3A_2230] {strides = array<i32>} : memref<32xi32, #tpu.memory_space<vmem>>, vector<16xi32>,
        tpu.vector_store_idx %arg13[%add3A_244, %get3A_2231], %broadcast_in_dim3A_238 : memref<32x128xf32, #tpu.memory_space<vmem>>[vector<16xi32>, vector<16xi32>], vector<16xf32>,
      } else {
      }
      %mul3A_1455 = arith.constant 512 : i32
      %mul3A_1456 = arith.muli %select_n3A_1431, %mul3A_1455 : i32
      %add3A_1457 = arith.addi %mul3A_1456, %mul3A_1449 : i32
      %add3A_1458 = arith.constant 0 : i32
      %add3A_1459 = arith.addi %add3A_1457, %add3A_1458 : i32
      %get3A_1460 = arith.index_cast %add3A_1459 : i32 to index
      %get3A_1461 = tpu.vector_load %arg4[%get3A_1460] {strides = array<i32>} : memref<13312xf32, #tpu.memory_space<vmem>>, vector<16xf32>,
      %sub3A_1462 = arith.constant 0.000000e+00 : f32
      %sub3A_1463 = vector.broadcast %sub3A_1462 : f32 to vector<16xf32>
      %sub3A_1464 = arith.subf %get3A_1461, %sub3A_1463 : vector<16xf32>
      %mul3A_1465 = arith.constant 1.270000e+02 : f32
      %mul3A_1466 = vector.broadcast %mul3A_1465 : f32 to vector<16xf32>
      %mul3A_1467 = arith.mulf %sub3A_1464, %mul3A_1466 : vector<16xf32>
      %jit3A_1468 = arith.constant 0.000000e+00 : f32
      %jit3A_1469 = arith.constant 1.270000e+02 : f32
      %max3A_1470 = vector.broadcast %jit3A_1468 : f32 to vector<16xf32>
      %max3A_1471 = arith.maximumf %max3A_1470, %mul3A_1467 : vector<16xf32>
      %min3A_1472 = vector.broadcast %jit3A_1469 : f32 to vector<16xf32>
      %min3A_1473 = arith.minimumf %min3A_1472, %max3A_1471 : vector<16xf32>
      %convert_element_type3A_1474 = arith.fptosi %min3A_1473 : vector<16xf32> to vector<16xi32>
      %swap3A_1475 = arith.constant 0 : index
      %swap3A_1476 = tpu.vector_load %arg29[%swap3A_1475] {strides = array<i32>} : memref<32xi32, #tpu.memory_space<vmem>>, vector<16xi32>,
      tpu.vector_store %arg29[%swap3A_1475], %convert_element_type3A_1474 {strides = array<i32>} : memref<32xi32, #tpu.memory_space<vmem>>, vector<16xi32>,
      tpu.vector_store_idx %arg13[%add3A_241, %convert_element_type3A_1474], %broadcast_in_dim3A_236 : memref<32x128xf32, #tpu.memory_space<vmem>>[vector<16xi32>, vector<16xi32>], vector<16xf32>,
      %mul3A_1477 = arith.constant 512 : i32
      %mul3A_1478 = arith.muli %select_n3A_1431, %mul3A_1477 : i32
      %add3A_1479 = arith.addi %mul3A_1478, %mul3A_1449 : i32
      %add3A_1480 = arith.constant 16 : i32
      %add3A_1481 = arith.addi %add3A_1479, %add3A_1480 : i32
      %get3A_1482 = arith.index_cast %add3A_1481 : i32 to index
      %get3A_1483 = tpu.vector_load %arg4[%get3A_1482] {strides = array<i32>} : memref<13312xf32, #tpu.memory_space<vmem>>, vector<16xf32>,
      %sub3A_1484 = arith.constant 0.000000e+00 : f32
      %sub3A_1485 = vector.broadcast %sub3A_1484 : f32 to vector<16xf32>
      %sub3A_1486 = arith.subf %get3A_1483, %sub3A_1485 : vector<16xf32>
      %mul3A_1487 = arith.constant 1.270000e+02 : f32
      %mul3A_1488 = vector.broadcast %mul3A_1487 : f32 to vector<16xf32>
      %mul3A_1489 = arith.mulf %sub3A_1486, %mul3A_1488 : vector<16xf32>
      %jit3A_1490 = arith.constant 0.000000e+00 : f32
      %jit3A_1491 = arith.constant 1.270000e+02 : f32
      %max3A_1492 = vector.broadcast %jit3A_1490 : f32 to vector<16xf32>
      %max3A_1493 = arith.maximumf %max3A_1492, %mul3A_1489 : vector<16xf32>
      %min3A_1494 = vector.broadcast %jit3A_1491 : f32 to vector<16xf32>
      %min3A_1495 = arith.minimumf %min3A_1494, %max3A_1493 : vector<16xf32>
      %convert_element_type3A_1496 = arith.fptosi %min3A_1495 : vector<16xf32> to vector<16xi32>
      %swap3A_1497 = arith.constant 16 : index
      %swap3A_1498 = tpu.vector_load %arg29[%swap3A_1497] {strides = array<i32>} : memref<32xi32, #tpu.memory_space<vmem>>, vector<16xi32>,
      tpu.vector_store %arg29[%swap3A_1497], %convert_element_type3A_1496 {strides = array<i32>} : memref<32xi32, #tpu.memory_space<vmem>>, vector<16xi32>,
      tpu.vector_store_idx %arg13[%add3A_244, %convert_element_type3A_1496], %broadcast_in_dim3A_236 : memref<32x128xf32, #tpu.memory_space<vmem>>[vector<16xi32>, vector<16xi32>], vector<16xf32>,
      %add3A_1499 = arith.addi %mul3A_2, %mul3A_1449 : i32
      %dma_start3A_1500 = arith.constant 0 : i32
      %dma_start3A_1501 = tpu.memref_slice %arg3[%select_n3A_1431, %add3A_1499, %dma_start3A_1500] : memref<26x16384x128xf32, #tpu.memory_space<hbm>> -> memref<1x32x128xf32, #tpu.memory_space<hbm>>
      %dma_start3A_1502 = tpu.memref_squeeze %dma_start3A_1501 : memref<1x32x128xf32, #tpu.memory_space<hbm>> -> memref<32x128xf32, #tpu.memory_space<hbm>>
      %dma_start3A_1503 = arith.constant 0 : i32
      %dma_start3A_1504 = tpu.memref_slice %arg3[%select_n3A_1431, %add3A_1499, %dma_start3A_1503] : memref<26x16384x128xf32, #tpu.memory_space<hbm>> -> memref<1x32x128xf32, #tpu.memory_space<hbm>>
      %dma_start3A_1505 = tpu.memref_squeeze %dma_start3A_1504 : memref<1x32x128xf32, #tpu.memory_space<hbm>> -> memref<32x128xf32, #tpu.memory_space<hbm>>
      tpu.enqueue_dma source(%arg13 : memref<32x128xf32, #tpu.memory_space<vmem>>) target(%dma_start3A_1505 : memref<32x128xf32, #tpu.memory_space<hbm>>) target_semaphore(%arg45 : memref<!tpu.dma_semaphore, #tpu.memory_space<semaphore_mem>>)
      %mul3A_1506 = arith.constant 16 : i32
      %mul3A_1507 = arith.muli %scan3A_603, %mul3A_1506 : i32
      %add3A_1508 = arith.constant 9 : i32
      %add3A_1509 = arith.addi %mul3A_1507, %add3A_1508 : i32
      %jit3A_1510 = arith.constant 16 : i32
      %div3A_1511 = arith.divsi %add3A_1509, %jit3A_1510 : i32
      %sign3A_1512 = arith.constant 0 : i32
      %sign3A_1513 = arith.cmpi sgt, %add3A_1509, %sign3A_1512 : i32
      %sign3A_1514 = arith.extui %sign3A_1513 : i1 to i32
      %sign3A_1515 = arith.constant 0 : i32
      %sign3A_1516 = arith.cmpi slt, %add3A_1509, %sign3A_1515 : i32
      %sign3A_1517 = arith.extui %sign3A_1516 : i1 to i32
      %sign3A_1518 = arith.subi %sign3A_1514, %sign3A_1517 : i32
      %sign3A_1519 = arith.constant 0 : i32
      %sign3A_1520 = arith.cmpi sgt, %jit3A_1510, %sign3A_1519 : i32
      %sign3A_1521 = arith.extui %sign3A_1520 : i1 to i32
      %sign3A_1522 = arith.constant 0 : i32
      %sign3A_1523 = arith.cmpi slt, %jit3A_1510, %sign3A_1522 : i32
      %sign3A_1524 = arith.extui %sign3A_1523 : i1 to i32
      %sign3A_1525 = arith.subi %sign3A_1521, %sign3A_1524 : i32
      %ne3A_1526 = arith.cmpi ne, %sign3A_1518, %sign3A_1525 : i32
      %rem3A_1527 = arith.remsi %add3A_1509, %jit3A_1510 : i32
      %ne3A_1528 = arith.constant 0 : i32
      %ne3A_1529 = arith.cmpi ne, %rem3A_1527, %ne3A_1528 : i32
      %and3A_1530 = arith.andi %ne3A_1526, %ne3A_1529 : i1
      %sub3A_1531 = arith.constant 1 : i32
      %sub3A_1532 = arith.subi %div3A_1511, %sub3A_1531 : i32
      %select_n3A_1533 = arith.select %and3A_1530, %sub3A_1532, %div3A_1511 : i32
      %jit3A_1534 = arith.constant 16 : i32
      %eq3A_1535 = arith.constant 0 : i32
      %eq3A_1536 = arith.cmpi eq, %jit3A_1534, %eq3A_1535 : i32
      %jit3A_1537 = arith.constant 1 : i32
      %select_n3A_1538 = arith.select %eq3A_1536, %jit3A_1537, %jit3A_1534 : i32
      %rem3A_1539 = arith.remsi %add3A_1509, %select_n3A_1538 : i32
      %ne3A_1540 = arith.constant 0 : i32
      %ne3A_1541 = arith.cmpi ne, %rem3A_1539, %ne3A_1540 : i32
      %lt3A_1542 = arith.constant 0 : i32
      %lt3A_1543 = arith.cmpi slt, %rem3A_1539, %lt3A_1542 : i32
      %lt3A_1544 = arith.constant 0 : i32
      %lt3A_1545 = arith.cmpi slt, %select_n3A_1538, %lt3A_1544 : i32
      %ne3A_1546 = arith.xori %lt3A_1543, %lt3A_1545 : i1
      %and3A_1547 = arith.andi %ne3A_1546, %ne3A_1541 : i1
      %add3A_1548 = arith.addi %rem3A_1539, %select_n3A_1538 : i32
      %select_n3A_1549 = arith.select %and3A_1547, %add3A_1548, %rem3A_1539 : i32
      %mul3A_1550 = arith.constant 32 : i32
      %mul3A_1551 = arith.muli %select_n3A_1549, %mul3A_1550 : i32
      %ge3A_1552 = arith.constant 16 : i32
      %ge3A_1553 = arith.cmpi sge, %add3A_1509, %ge3A_1552 : i32
      %convert_element_type3A_1554 = arith.extui %ge3A_1553 : i1 to i32
      %cond3A_1555 = arith.constant 0 : i32
      %cond3A_1556 = arith.cmpi ne, %convert_element_type3A_1554, %cond3A_1555 : i32
      scf.if %cond3A_1556 {
        %add3A_2221 = arith.addi %mul3A_2, %mul3A_1551 : i32
        %dma_wait3A_2222 = arith.constant 0 : i32
        %dma_wait3A_2223 = tpu.memref_slice %arg3[%select_n3A_1533, %add3A_2221, %dma_wait3A_2222] : memref<26x16384x128xf32, #tpu.memory_space<hbm>> -> memref<1x32x128xf32, #tpu.memory_space<hbm>>
        %dma_wait3A_2224 = tpu.memref_squeeze %dma_wait3A_2223 : memref<1x32x128xf32, #tpu.memory_space<hbm>> -> memref<32x128xf32, #tpu.memory_space<hbm>>
        %dma_wait3A_2225 = arith.constant 0 : i32
        %dma_wait3A_2226 = tpu.memref_slice %arg3[%select_n3A_1533, %add3A_2221, %dma_wait3A_2225] : memref<26x16384x128xf32, #tpu.memory_space<hbm>> -> memref<1x32x128xf32, #tpu.memory_space<hbm>>
        %dma_wait3A_2227 = tpu.memref_squeeze %dma_wait3A_2226 : memref<1x32x128xf32, #tpu.memory_space<hbm>> -> memref<32x128xf32, #tpu.memory_space<hbm>>
        tpu.wait_dma2 semaphore(%arg46 : memref<!tpu.dma_semaphore, #tpu.memory_space<semaphore_mem>>) src(%arg14 : memref<32x128xf32, #tpu.memory_space<vmem>>) dst(%dma_wait3A_2227 : memref<32x128xf32, #tpu.memory_space<hbm>>)
        %get3A_2228 = arith.constant 0 : index
        %get3A_2229 = tpu.vector_load %arg30[%get3A_2228] {strides = array<i32>} : memref<32xi32, #tpu.memory_space<vmem>>, vector<16xi32>,
        tpu.vector_store_idx %arg14[%add3A_241, %get3A_2229], %broadcast_in_dim3A_238 : memref<32x128xf32, #tpu.memory_space<vmem>>[vector<16xi32>, vector<16xi32>], vector<16xf32>,
        %get3A_2230 = arith.constant 16 : index
        %get3A_2231 = tpu.vector_load %arg30[%get3A_2230] {strides = array<i32>} : memref<32xi32, #tpu.memory_space<vmem>>, vector<16xi32>,
        tpu.vector_store_idx %arg14[%add3A_244, %get3A_2231], %broadcast_in_dim3A_238 : memref<32x128xf32, #tpu.memory_space<vmem>>[vector<16xi32>, vector<16xi32>], vector<16xf32>,
      } else {
      }
      %mul3A_1557 = arith.constant 512 : i32
      %mul3A_1558 = arith.muli %select_n3A_1533, %mul3A_1557 : i32
      %add3A_1559 = arith.addi %mul3A_1558, %mul3A_1551 : i32
      %add3A_1560 = arith.constant 0 : i32
      %add3A_1561 = arith.addi %add3A_1559, %add3A_1560 : i32
      %get3A_1562 = arith.index_cast %add3A_1561 : i32 to index
      %get3A_1563 = tpu.vector_load %arg4[%get3A_1562] {strides = array<i32>} : memref<13312xf32, #tpu.memory_space<vmem>>, vector<16xf32>,
      %sub3A_1564 = arith.constant 0.000000e+00 : f32
      %sub3A_1565 = vector.broadcast %sub3A_1564 : f32 to vector<16xf32>
      %sub3A_1566 = arith.subf %get3A_1563, %sub3A_1565 : vector<16xf32>
      %mul3A_1567 = arith.constant 1.270000e+02 : f32
      %mul3A_1568 = vector.broadcast %mul3A_1567 : f32 to vector<16xf32>
      %mul3A_1569 = arith.mulf %sub3A_1566, %mul3A_1568 : vector<16xf32>
      %jit3A_1570 = arith.constant 0.000000e+00 : f32
      %jit3A_1571 = arith.constant 1.270000e+02 : f32
      %max3A_1572 = vector.broadcast %jit3A_1570 : f32 to vector<16xf32>
      %max3A_1573 = arith.maximumf %max3A_1572, %mul3A_1569 : vector<16xf32>
      %min3A_1574 = vector.broadcast %jit3A_1571 : f32 to vector<16xf32>
      %min3A_1575 = arith.minimumf %min3A_1574, %max3A_1573 : vector<16xf32>
      %convert_element_type3A_1576 = arith.fptosi %min3A_1575 : vector<16xf32> to vector<16xi32>
      %swap3A_1577 = arith.constant 0 : index
      %swap3A_1578 = tpu.vector_load %arg30[%swap3A_1577] {strides = array<i32>} : memref<32xi32, #tpu.memory_space<vmem>>, vector<16xi32>,
      tpu.vector_store %arg30[%swap3A_1577], %convert_element_type3A_1576 {strides = array<i32>} : memref<32xi32, #tpu.memory_space<vmem>>, vector<16xi32>,
      tpu.vector_store_idx %arg14[%add3A_241, %convert_element_type3A_1576], %broadcast_in_dim3A_236 : memref<32x128xf32, #tpu.memory_space<vmem>>[vector<16xi32>, vector<16xi32>], vector<16xf32>,
      %mul3A_1579 = arith.constant 512 : i32
      %mul3A_1580 = arith.muli %select_n3A_1533, %mul3A_1579 : i32
      %add3A_1581 = arith.addi %mul3A_1580, %mul3A_1551 : i32
      %add3A_1582 = arith.constant 16 : i32
      %add3A_1583 = arith.addi %add3A_1581, %add3A_1582 : i32
      %get3A_1584 = arith.index_cast %add3A_1583 : i32 to index
      %get3A_1585 = tpu.vector_load %arg4[%get3A_1584] {strides = array<i32>} : memref<13312xf32, #tpu.memory_space<vmem>>, vector<16xf32>,
      %sub3A_1586 = arith.constant 0.000000e+00 : f32
      %sub3A_1587 = vector.broadcast %sub3A_1586 : f32 to vector<16xf32>
      %sub3A_1588 = arith.subf %get3A_1585, %sub3A_1587 : vector<16xf32>
      %mul3A_1589 = arith.constant 1.270000e+02 : f32
      %mul3A_1590 = vector.broadcast %mul3A_1589 : f32 to vector<16xf32>
      %mul3A_1591 = arith.mulf %sub3A_1588, %mul3A_1590 : vector<16xf32>
      %jit3A_1592 = arith.constant 0.000000e+00 : f32
      %jit3A_1593 = arith.constant 1.270000e+02 : f32
      %max3A_1594 = vector.broadcast %jit3A_1592 : f32 to vector<16xf32>
      %max3A_1595 = arith.maximumf %max3A_1594, %mul3A_1591 : vector<16xf32>
      %min3A_1596 = vector.broadcast %jit3A_1593 : f32 to vector<16xf32>
      %min3A_1597 = arith.minimumf %min3A_1596, %max3A_1595 : vector<16xf32>
      %convert_element_type3A_1598 = arith.fptosi %min3A_1597 : vector<16xf32> to vector<16xi32>
      %swap3A_1599 = arith.constant 16 : index
      %swap3A_1600 = tpu.vector_load %arg30[%swap3A_1599] {strides = array<i32>} : memref<32xi32, #tpu.memory_space<vmem>>, vector<16xi32>,
      tpu.vector_store %arg30[%swap3A_1599], %convert_element_type3A_1598 {strides = array<i32>} : memref<32xi32, #tpu.memory_space<vmem>>, vector<16xi32>,
      tpu.vector_store_idx %arg14[%add3A_244, %convert_element_type3A_1598], %broadcast_in_dim3A_236 : memref<32x128xf32, #tpu.memory_space<vmem>>[vector<16xi32>, vector<16xi32>], vector<16xf32>,
      %add3A_1601 = arith.addi %mul3A_2, %mul3A_1551 : i32
      %dma_start3A_1602 = arith.constant 0 : i32
      %dma_start3A_1603 = tpu.memref_slice %arg3[%select_n3A_1533, %add3A_1601, %dma_start3A_1602] : memref<26x16384x128xf32, #tpu.memory_space<hbm>> -> memref<1x32x128xf32, #tpu.memory_space<hbm>>
      %dma_start3A_1604 = tpu.memref_squeeze %dma_start3A_1603 : memref<1x32x128xf32, #tpu.memory_space<hbm>> -> memref<32x128xf32, #tpu.memory_space<hbm>>
      %dma_start3A_1605 = arith.constant 0 : i32
      %dma_start3A_1606 = tpu.memref_slice %arg3[%select_n3A_1533, %add3A_1601, %dma_start3A_1605] : memref<26x16384x128xf32, #tpu.memory_space<hbm>> -> memref<1x32x128xf32, #tpu.memory_space<hbm>>
      %dma_start3A_1607 = tpu.memref_squeeze %dma_start3A_1606 : memref<1x32x128xf32, #tpu.memory_space<hbm>> -> memref<32x128xf32, #tpu.memory_space<hbm>>
      tpu.enqueue_dma source(%arg14 : memref<32x128xf32, #tpu.memory_space<vmem>>) target(%dma_start3A_1607 : memref<32x128xf32, #tpu.memory_space<hbm>>) target_semaphore(%arg46 : memref<!tpu.dma_semaphore, #tpu.memory_space<semaphore_mem>>)
      %mul3A_1608 = arith.constant 16 : i32
      %mul3A_1609 = arith.muli %scan3A_603, %mul3A_1608 : i32
      %add3A_1610 = arith.constant 10 : i32
      %add3A_1611 = arith.addi %mul3A_1609, %add3A_1610 : i32
      %jit3A_1612 = arith.constant 16 : i32
      %div3A_1613 = arith.divsi %add3A_1611, %jit3A_1612 : i32
      %sign3A_1614 = arith.constant 0 : i32
      %sign3A_1615 = arith.cmpi sgt, %add3A_1611, %sign3A_1614 : i32
      %sign3A_1616 = arith.extui %sign3A_1615 : i1 to i32
      %sign3A_1617 = arith.constant 0 : i32
      %sign3A_1618 = arith.cmpi slt, %add3A_1611, %sign3A_1617 : i32
      %sign3A_1619 = arith.extui %sign3A_1618 : i1 to i32
      %sign3A_1620 = arith.subi %sign3A_1616, %sign3A_1619 : i32
      %sign3A_1621 = arith.constant 0 : i32
      %sign3A_1622 = arith.cmpi sgt, %jit3A_1612, %sign3A_1621 : i32
      %sign3A_1623 = arith.extui %sign3A_1622 : i1 to i32
      %sign3A_1624 = arith.constant 0 : i32
      %sign3A_1625 = arith.cmpi slt, %jit3A_1612, %sign3A_1624 : i32
      %sign3A_1626 = arith.extui %sign3A_1625 : i1 to i32
      %sign3A_1627 = arith.subi %sign3A_1623, %sign3A_1626 : i32
      %ne3A_1628 = arith.cmpi ne, %sign3A_1620, %sign3A_1627 : i32
      %rem3A_1629 = arith.remsi %add3A_1611, %jit3A_1612 : i32
      %ne3A_1630 = arith.constant 0 : i32
      %ne3A_1631 = arith.cmpi ne, %rem3A_1629, %ne3A_1630 : i32
      %and3A_1632 = arith.andi %ne3A_1628, %ne3A_1631 : i1
      %sub3A_1633 = arith.constant 1 : i32
      %sub3A_1634 = arith.subi %div3A_1613, %sub3A_1633 : i32
      %select_n3A_1635 = arith.select %and3A_1632, %sub3A_1634, %div3A_1613 : i32
      %jit3A_1636 = arith.constant 16 : i32
      %eq3A_1637 = arith.constant 0 : i32
      %eq3A_1638 = arith.cmpi eq, %jit3A_1636, %eq3A_1637 : i32
      %jit3A_1639 = arith.constant 1 : i32
      %select_n3A_1640 = arith.select %eq3A_1638, %jit3A_1639, %jit3A_1636 : i32
      %rem3A_1641 = arith.remsi %add3A_1611, %select_n3A_1640 : i32
      %ne3A_1642 = arith.constant 0 : i32
      %ne3A_1643 = arith.cmpi ne, %rem3A_1641, %ne3A_1642 : i32
      %lt3A_1644 = arith.constant 0 : i32
      %lt3A_1645 = arith.cmpi slt, %rem3A_1641, %lt3A_1644 : i32
      %lt3A_1646 = arith.constant 0 : i32
      %lt3A_1647 = arith.cmpi slt, %select_n3A_1640, %lt3A_1646 : i32
      %ne3A_1648 = arith.xori %lt3A_1645, %lt3A_1647 : i1
      %and3A_1649 = arith.andi %ne3A_1648, %ne3A_1643 : i1
      %add3A_1650 = arith.addi %rem3A_1641, %select_n3A_1640 : i32
      %select_n3A_1651 = arith.select %and3A_1649, %add3A_1650, %rem3A_1641 : i32
      %mul3A_1652 = arith.constant 32 : i32
      %mul3A_1653 = arith.muli %select_n3A_1651, %mul3A_1652 : i32
      %ge3A_1654 = arith.constant 16 : i32
      %ge3A_1655 = arith.cmpi sge, %add3A_1611, %ge3A_1654 : i32
      %convert_element_type3A_1656 = arith.extui %ge3A_1655 : i1 to i32
      %cond3A_1657 = arith.constant 0 : i32
      %cond3A_1658 = arith.cmpi ne, %convert_element_type3A_1656, %cond3A_1657 : i32
      scf.if %cond3A_1658 {
        %add3A_2221 = arith.addi %mul3A_2, %mul3A_1653 : i32
        %dma_wait3A_2222 = arith.constant 0 : i32
        %dma_wait3A_2223 = tpu.memref_slice %arg3[%select_n3A_1635, %add3A_2221, %dma_wait3A_2222] : memref<26x16384x128xf32, #tpu.memory_space<hbm>> -> memref<1x32x128xf32, #tpu.memory_space<hbm>>
        %dma_wait3A_2224 = tpu.memref_squeeze %dma_wait3A_2223 : memref<1x32x128xf32, #tpu.memory_space<hbm>> -> memref<32x128xf32, #tpu.memory_space<hbm>>
        %dma_wait3A_2225 = arith.constant 0 : i32
        %dma_wait3A_2226 = tpu.memref_slice %arg3[%select_n3A_1635, %add3A_2221, %dma_wait3A_2225] : memref<26x16384x128xf32, #tpu.memory_space<hbm>> -> memref<1x32x128xf32, #tpu.memory_space<hbm>>
        %dma_wait3A_2227 = tpu.memref_squeeze %dma_wait3A_2226 : memref<1x32x128xf32, #tpu.memory_space<hbm>> -> memref<32x128xf32, #tpu.memory_space<hbm>>
        tpu.wait_dma2 semaphore(%arg47 : memref<!tpu.dma_semaphore, #tpu.memory_space<semaphore_mem>>) src(%arg15 : memref<32x128xf32, #tpu.memory_space<vmem>>) dst(%dma_wait3A_2227 : memref<32x128xf32, #tpu.memory_space<hbm>>)
        %get3A_2228 = arith.constant 0 : index
        %get3A_2229 = tpu.vector_load %arg31[%get3A_2228] {strides = array<i32>} : memref<32xi32, #tpu.memory_space<vmem>>, vector<16xi32>,
        tpu.vector_store_idx %arg15[%add3A_241, %get3A_2229], %broadcast_in_dim3A_238 : memref<32x128xf32, #tpu.memory_space<vmem>>[vector<16xi32>, vector<16xi32>], vector<16xf32>,
        %get3A_2230 = arith.constant 16 : index
        %get3A_2231 = tpu.vector_load %arg31[%get3A_2230] {strides = array<i32>} : memref<32xi32, #tpu.memory_space<vmem>>, vector<16xi32>,
        tpu.vector_store_idx %arg15[%add3A_244, %get3A_2231], %broadcast_in_dim3A_238 : memref<32x128xf32, #tpu.memory_space<vmem>>[vector<16xi32>, vector<16xi32>], vector<16xf32>,
      } else {
      }
      %mul3A_1659 = arith.constant 512 : i32
      %mul3A_1660 = arith.muli %select_n3A_1635, %mul3A_1659 : i32
      %add3A_1661 = arith.addi %mul3A_1660, %mul3A_1653 : i32
      %add3A_1662 = arith.constant 0 : i32
      %add3A_1663 = arith.addi %add3A_1661, %add3A_1662 : i32
      %get3A_1664 = arith.index_cast %add3A_1663 : i32 to index
      %get3A_1665 = tpu.vector_load %arg4[%get3A_1664] {strides = array<i32>} : memref<13312xf32, #tpu.memory_space<vmem>>, vector<16xf32>,
      %sub3A_1666 = arith.constant 0.000000e+00 : f32
      %sub3A_1667 = vector.broadcast %sub3A_1666 : f32 to vector<16xf32>
      %sub3A_1668 = arith.subf %get3A_1665, %sub3A_1667 : vector<16xf32>
      %mul3A_1669 = arith.constant 1.270000e+02 : f32
      %mul3A_1670 = vector.broadcast %mul3A_1669 : f32 to vector<16xf32>
      %mul3A_1671 = arith.mulf %sub3A_1668, %mul3A_1670 : vector<16xf32>
      %jit3A_1672 = arith.constant 0.000000e+00 : f32
      %jit3A_1673 = arith.constant 1.270000e+02 : f32
      %max3A_1674 = vector.broadcast %jit3A_1672 : f32 to vector<16xf32>
      %max3A_1675 = arith.maximumf %max3A_1674, %mul3A_1671 : vector<16xf32>
      %min3A_1676 = vector.broadcast %jit3A_1673 : f32 to vector<16xf32>
      %min3A_1677 = arith.minimumf %min3A_1676, %max3A_1675 : vector<16xf32>
      %convert_element_type3A_1678 = arith.fptosi %min3A_1677 : vector<16xf32> to vector<16xi32>
      %swap3A_1679 = arith.constant 0 : index
      %swap3A_1680 = tpu.vector_load %arg31[%swap3A_1679] {strides = array<i32>} : memref<32xi32, #tpu.memory_space<vmem>>, vector<16xi32>,
      tpu.vector_store %arg31[%swap3A_1679], %convert_element_type3A_1678 {strides = array<i32>} : memref<32xi32, #tpu.memory_space<vmem>>, vector<16xi32>,
      tpu.vector_store_idx %arg15[%add3A_241, %convert_element_type3A_1678], %broadcast_in_dim3A_236 : memref<32x128xf32, #tpu.memory_space<vmem>>[vector<16xi32>, vector<16xi32>], vector<16xf32>,
      %mul3A_1681 = arith.constant 512 : i32
      %mul3A_1682 = arith.muli %select_n3A_1635, %mul3A_1681 : i32
      %add3A_1683 = arith.addi %mul3A_1682, %mul3A_1653 : i32
      %add3A_1684 = arith.constant 16 : i32
      %add3A_1685 = arith.addi %add3A_1683, %add3A_1684 : i32
      %get3A_1686 = arith.index_cast %add3A_1685 : i32 to index
      %get3A_1687 = tpu.vector_load %arg4[%get3A_1686] {strides = array<i32>} : memref<13312xf32, #tpu.memory_space<vmem>>, vector<16xf32>,
      %sub3A_1688 = arith.constant 0.000000e+00 : f32
      %sub3A_1689 = vector.broadcast %sub3A_1688 : f32 to vector<16xf32>
      %sub3A_1690 = arith.subf %get3A_1687, %sub3A_1689 : vector<16xf32>
      %mul3A_1691 = arith.constant 1.270000e+02 : f32
      %mul3A_1692 = vector.broadcast %mul3A_1691 : f32 to vector<16xf32>
      %mul3A_1693 = arith.mulf %sub3A_1690, %mul3A_1692 : vector<16xf32>
      %jit3A_1694 = arith.constant 0.000000e+00 : f32
      %jit3A_1695 = arith.constant 1.270000e+02 : f32
      %max3A_1696 = vector.broadcast %jit3A_1694 : f32 to vector<16xf32>
      %max3A_1697 = arith.maximumf %max3A_1696, %mul3A_1693 : vector<16xf32>
      %min3A_1698 = vector.broadcast %jit3A_1695 : f32 to vector<16xf32>
      %min3A_1699 = arith.minimumf %min3A_1698, %max3A_1697 : vector<16xf32>
      %convert_element_type3A_1700 = arith.fptosi %min3A_1699 : vector<16xf32> to vector<16xi32>
      %swap3A_1701 = arith.constant 16 : index
      %swap3A_1702 = tpu.vector_load %arg31[%swap3A_1701] {strides = array<i32>} : memref<32xi32, #tpu.memory_space<vmem>>, vector<16xi32>,
      tpu.vector_store %arg31[%swap3A_1701], %convert_element_type3A_1700 {strides = array<i32>} : memref<32xi32, #tpu.memory_space<vmem>>, vector<16xi32>,
      tpu.vector_store_idx %arg15[%add3A_244, %convert_element_type3A_1700], %broadcast_in_dim3A_236 : memref<32x128xf32, #tpu.memory_space<vmem>>[vector<16xi32>, vector<16xi32>], vector<16xf32>,
      %add3A_1703 = arith.addi %mul3A_2, %mul3A_1653 : i32
      %dma_start3A_1704 = arith.constant 0 : i32
      %dma_start3A_1705 = tpu.memref_slice %arg3[%select_n3A_1635, %add3A_1703, %dma_start3A_1704] : memref<26x16384x128xf32, #tpu.memory_space<hbm>> -> memref<1x32x128xf32, #tpu.memory_space<hbm>>
      %dma_start3A_1706 = tpu.memref_squeeze %dma_start3A_1705 : memref<1x32x128xf32, #tpu.memory_space<hbm>> -> memref<32x128xf32, #tpu.memory_space<hbm>>
      %dma_start3A_1707 = arith.constant 0 : i32
      %dma_start3A_1708 = tpu.memref_slice %arg3[%select_n3A_1635, %add3A_1703, %dma_start3A_1707] : memref<26x16384x128xf32, #tpu.memory_space<hbm>> -> memref<1x32x128xf32, #tpu.memory_space<hbm>>
      %dma_start3A_1709 = tpu.memref_squeeze %dma_start3A_1708 : memref<1x32x128xf32, #tpu.memory_space<hbm>> -> memref<32x128xf32, #tpu.memory_space<hbm>>
      tpu.enqueue_dma source(%arg15 : memref<32x128xf32, #tpu.memory_space<vmem>>) target(%dma_start3A_1709 : memref<32x128xf32, #tpu.memory_space<hbm>>) target_semaphore(%arg47 : memref<!tpu.dma_semaphore, #tpu.memory_space<semaphore_mem>>)
      %mul3A_1710 = arith.constant 16 : i32
      %mul3A_1711 = arith.muli %scan3A_603, %mul3A_1710 : i32
      %add3A_1712 = arith.constant 11 : i32
      %add3A_1713 = arith.addi %mul3A_1711, %add3A_1712 : i32
      %jit3A_1714 = arith.constant 16 : i32
      %div3A_1715 = arith.divsi %add3A_1713, %jit3A_1714 : i32
      %sign3A_1716 = arith.constant 0 : i32
      %sign3A_1717 = arith.cmpi sgt, %add3A_1713, %sign3A_1716 : i32
      %sign3A_1718 = arith.extui %sign3A_1717 : i1 to i32
      %sign3A_1719 = arith.constant 0 : i32
      %sign3A_1720 = arith.cmpi slt, %add3A_1713, %sign3A_1719 : i32
      %sign3A_1721 = arith.extui %sign3A_1720 : i1 to i32
      %sign3A_1722 = arith.subi %sign3A_1718, %sign3A_1721 : i32
      %sign3A_1723 = arith.constant 0 : i32
      %sign3A_1724 = arith.cmpi sgt, %jit3A_1714, %sign3A_1723 : i32
      %sign3A_1725 = arith.extui %sign3A_1724 : i1 to i32
      %sign3A_1726 = arith.constant 0 : i32
      %sign3A_1727 = arith.cmpi slt, %jit3A_1714, %sign3A_1726 : i32
      %sign3A_1728 = arith.extui %sign3A_1727 : i1 to i32
      %sign3A_1729 = arith.subi %sign3A_1725, %sign3A_1728 : i32
      %ne3A_1730 = arith.cmpi ne, %sign3A_1722, %sign3A_1729 : i32
      %rem3A_1731 = arith.remsi %add3A_1713, %jit3A_1714 : i32
      %ne3A_1732 = arith.constant 0 : i32
      %ne3A_1733 = arith.cmpi ne, %rem3A_1731, %ne3A_1732 : i32
      %and3A_1734 = arith.andi %ne3A_1730, %ne3A_1733 : i1
      %sub3A_1735 = arith.constant 1 : i32
      %sub3A_1736 = arith.subi %div3A_1715, %sub3A_1735 : i32
      %select_n3A_1737 = arith.select %and3A_1734, %sub3A_1736, %div3A_1715 : i32
      %jit3A_1738 = arith.constant 16 : i32
      %eq3A_1739 = arith.constant 0 : i32
      %eq3A_1740 = arith.cmpi eq, %jit3A_1738, %eq3A_1739 : i32
      %jit3A_1741 = arith.constant 1 : i32
      %select_n3A_1742 = arith.select %eq3A_1740, %jit3A_1741, %jit3A_1738 : i32
      %rem3A_1743 = arith.remsi %add3A_1713, %select_n3A_1742 : i32
      %ne3A_1744 = arith.constant 0 : i32
      %ne3A_1745 = arith.cmpi ne, %rem3A_1743, %ne3A_1744 : i32
      %lt3A_1746 = arith.constant 0 : i32
      %lt3A_1747 = arith.cmpi slt, %rem3A_1743, %lt3A_1746 : i32
      %lt3A_1748 = arith.constant 0 : i32
      %lt3A_1749 = arith.cmpi slt, %select_n3A_1742, %lt3A_1748 : i32
      %ne3A_1750 = arith.xori %lt3A_1747, %lt3A_1749 : i1
      %and3A_1751 = arith.andi %ne3A_1750, %ne3A_1745 : i1
      %add3A_1752 = arith.addi %rem3A_1743, %select_n3A_1742 : i32
      %select_n3A_1753 = arith.select %and3A_1751, %add3A_1752, %rem3A_1743 : i32
      %mul3A_1754 = arith.constant 32 : i32
      %mul3A_1755 = arith.muli %select_n3A_1753, %mul3A_1754 : i32
      %ge3A_1756 = arith.constant 16 : i32
      %ge3A_1757 = arith.cmpi sge, %add3A_1713, %ge3A_1756 : i32
      %convert_element_type3A_1758 = arith.extui %ge3A_1757 : i1 to i32
      %cond3A_1759 = arith.constant 0 : i32
      %cond3A_1760 = arith.cmpi ne, %convert_element_type3A_1758, %cond3A_1759 : i32
      scf.if %cond3A_1760 {
        %add3A_2221 = arith.addi %mul3A_2, %mul3A_1755 : i32
        %dma_wait3A_2222 = arith.constant 0 : i32
        %dma_wait3A_2223 = tpu.memref_slice %arg3[%select_n3A_1737, %add3A_2221, %dma_wait3A_2222] : memref<26x16384x128xf32, #tpu.memory_space<hbm>> -> memref<1x32x128xf32, #tpu.memory_space<hbm>>
        %dma_wait3A_2224 = tpu.memref_squeeze %dma_wait3A_2223 : memref<1x32x128xf32, #tpu.memory_space<hbm>> -> memref<32x128xf32, #tpu.memory_space<hbm>>
        %dma_wait3A_2225 = arith.constant 0 : i32
        %dma_wait3A_2226 = tpu.memref_slice %arg3[%select_n3A_1737, %add3A_2221, %dma_wait3A_2225] : memref<26x16384x128xf32, #tpu.memory_space<hbm>> -> memref<1x32x128xf32, #tpu.memory_space<hbm>>
        %dma_wait3A_2227 = tpu.memref_squeeze %dma_wait3A_2226 : memref<1x32x128xf32, #tpu.memory_space<hbm>> -> memref<32x128xf32, #tpu.memory_space<hbm>>
        tpu.wait_dma2 semaphore(%arg48 : memref<!tpu.dma_semaphore, #tpu.memory_space<semaphore_mem>>) src(%arg16 : memref<32x128xf32, #tpu.memory_space<vmem>>) dst(%dma_wait3A_2227 : memref<32x128xf32, #tpu.memory_space<hbm>>)
        %get3A_2228 = arith.constant 0 : index
        %get3A_2229 = tpu.vector_load %arg32[%get3A_2228] {strides = array<i32>} : memref<32xi32, #tpu.memory_space<vmem>>, vector<16xi32>,
        tpu.vector_store_idx %arg16[%add3A_241, %get3A_2229], %broadcast_in_dim3A_238 : memref<32x128xf32, #tpu.memory_space<vmem>>[vector<16xi32>, vector<16xi32>], vector<16xf32>,
        %get3A_2230 = arith.constant 16 : index
        %get3A_2231 = tpu.vector_load %arg32[%get3A_2230] {strides = array<i32>} : memref<32xi32, #tpu.memory_space<vmem>>, vector<16xi32>,
        tpu.vector_store_idx %arg16[%add3A_244, %get3A_2231], %broadcast_in_dim3A_238 : memref<32x128xf32, #tpu.memory_space<vmem>>[vector<16xi32>, vector<16xi32>], vector<16xf32>,
      } else {
      }
      %mul3A_1761 = arith.constant 512 : i32
      %mul3A_1762 = arith.muli %select_n3A_1737, %mul3A_1761 : i32
      %add3A_1763 = arith.addi %mul3A_1762, %mul3A_1755 : i32
      %add3A_1764 = arith.constant 0 : i32
      %add3A_1765 = arith.addi %add3A_1763, %add3A_1764 : i32
      %get3A_1766 = arith.index_cast %add3A_1765 : i32 to index
      %get3A_1767 = tpu.vector_load %arg4[%get3A_1766] {strides = array<i32>} : memref<13312xf32, #tpu.memory_space<vmem>>, vector<16xf32>,
      %sub3A_1768 = arith.constant 0.000000e+00 : f32
      %sub3A_1769 = vector.broadcast %sub3A_1768 : f32 to vector<16xf32>
      %sub3A_1770 = arith.subf %get3A_1767, %sub3A_1769 : vector<16xf32>
      %mul3A_1771 = arith.constant 1.270000e+02 : f32
      %mul3A_1772 = vector.broadcast %mul3A_1771 : f32 to vector<16xf32>
      %mul3A_1773 = arith.mulf %sub3A_1770, %mul3A_1772 : vector<16xf32>
      %jit3A_1774 = arith.constant 0.000000e+00 : f32
      %jit3A_1775 = arith.constant 1.270000e+02 : f32
      %max3A_1776 = vector.broadcast %jit3A_1774 : f32 to vector<16xf32>
      %max3A_1777 = arith.maximumf %max3A_1776, %mul3A_1773 : vector<16xf32>
      %min3A_1778 = vector.broadcast %jit3A_1775 : f32 to vector<16xf32>
      %min3A_1779 = arith.minimumf %min3A_1778, %max3A_1777 : vector<16xf32>
      %convert_element_type3A_1780 = arith.fptosi %min3A_1779 : vector<16xf32> to vector<16xi32>
      %swap3A_1781 = arith.constant 0 : index
      %swap3A_1782 = tpu.vector_load %arg32[%swap3A_1781] {strides = array<i32>} : memref<32xi32, #tpu.memory_space<vmem>>, vector<16xi32>,
      tpu.vector_store %arg32[%swap3A_1781], %convert_element_type3A_1780 {strides = array<i32>} : memref<32xi32, #tpu.memory_space<vmem>>, vector<16xi32>,
      tpu.vector_store_idx %arg16[%add3A_241, %convert_element_type3A_1780], %broadcast_in_dim3A_236 : memref<32x128xf32, #tpu.memory_space<vmem>>[vector<16xi32>, vector<16xi32>], vector<16xf32>,
      %mul3A_1783 = arith.constant 512 : i32
      %mul3A_1784 = arith.muli %select_n3A_1737, %mul3A_1783 : i32
      %add3A_1785 = arith.addi %mul3A_1784, %mul3A_1755 : i32
      %add3A_1786 = arith.constant 16 : i32
      %add3A_1787 = arith.addi %add3A_1785, %add3A_1786 : i32
      %get3A_1788 = arith.index_cast %add3A_1787 : i32 to index
      %get3A_1789 = tpu.vector_load %arg4[%get3A_1788] {strides = array<i32>} : memref<13312xf32, #tpu.memory_space<vmem>>, vector<16xf32>,
      %sub3A_1790 = arith.constant 0.000000e+00 : f32
      %sub3A_1791 = vector.broadcast %sub3A_1790 : f32 to vector<16xf32>
      %sub3A_1792 = arith.subf %get3A_1789, %sub3A_1791 : vector<16xf32>
      %mul3A_1793 = arith.constant 1.270000e+02 : f32
      %mul3A_1794 = vector.broadcast %mul3A_1793 : f32 to vector<16xf32>
      %mul3A_1795 = arith.mulf %sub3A_1792, %mul3A_1794 : vector<16xf32>
      %jit3A_1796 = arith.constant 0.000000e+00 : f32
      %jit3A_1797 = arith.constant 1.270000e+02 : f32
      %max3A_1798 = vector.broadcast %jit3A_1796 : f32 to vector<16xf32>
      %max3A_1799 = arith.maximumf %max3A_1798, %mul3A_1795 : vector<16xf32>
      %min3A_1800 = vector.broadcast %jit3A_1797 : f32 to vector<16xf32>
      %min3A_1801 = arith.minimumf %min3A_1800, %max3A_1799 : vector<16xf32>
      %convert_element_type3A_1802 = arith.fptosi %min3A_1801 : vector<16xf32> to vector<16xi32>
      %swap3A_1803 = arith.constant 16 : index
      %swap3A_1804 = tpu.vector_load %arg32[%swap3A_1803] {strides = array<i32>} : memref<32xi32, #tpu.memory_space<vmem>>, vector<16xi32>,
      tpu.vector_store %arg32[%swap3A_1803], %convert_element_type3A_1802 {strides = array<i32>} : memref<32xi32, #tpu.memory_space<vmem>>, vector<16xi32>,
      tpu.vector_store_idx %arg16[%add3A_244, %convert_element_type3A_1802], %broadcast_in_dim3A_236 : memref<32x128xf32, #tpu.memory_space<vmem>>[vector<16xi32>, vector<16xi32>], vector<16xf32>,
      %add3A_1805 = arith.addi %mul3A_2, %mul3A_1755 : i32
      %dma_start3A_1806 = arith.constant 0 : i32
      %dma_start3A_1807 = tpu.memref_slice %arg3[%select_n3A_1737, %add3A_1805, %dma_start3A_1806] : memref<26x16384x128xf32, #tpu.memory_space<hbm>> -> memref<1x32x128xf32, #tpu.memory_space<hbm>>
      %dma_start3A_1808 = tpu.memref_squeeze %dma_start3A_1807 : memref<1x32x128xf32, #tpu.memory_space<hbm>> -> memref<32x128xf32, #tpu.memory_space<hbm>>
      %dma_start3A_1809 = arith.constant 0 : i32
      %dma_start3A_1810 = tpu.memref_slice %arg3[%select_n3A_1737, %add3A_1805, %dma_start3A_1809] : memref<26x16384x128xf32, #tpu.memory_space<hbm>> -> memref<1x32x128xf32, #tpu.memory_space<hbm>>
      %dma_start3A_1811 = tpu.memref_squeeze %dma_start3A_1810 : memref<1x32x128xf32, #tpu.memory_space<hbm>> -> memref<32x128xf32, #tpu.memory_space<hbm>>
      tpu.enqueue_dma source(%arg16 : memref<32x128xf32, #tpu.memory_space<vmem>>) target(%dma_start3A_1811 : memref<32x128xf32, #tpu.memory_space<hbm>>) target_semaphore(%arg48 : memref<!tpu.dma_semaphore, #tpu.memory_space<semaphore_mem>>)
      %mul3A_1812 = arith.constant 16 : i32
      %mul3A_1813 = arith.muli %scan3A_603, %mul3A_1812 : i32
      %add3A_1814 = arith.constant 12 : i32
      %add3A_1815 = arith.addi %mul3A_1813, %add3A_1814 : i32
      %jit3A_1816 = arith.constant 16 : i32
      %div3A_1817 = arith.divsi %add3A_1815, %jit3A_1816 : i32
      %sign3A_1818 = arith.constant 0 : i32
      %sign3A_1819 = arith.cmpi sgt, %add3A_1815, %sign3A_1818 : i32
      %sign3A_1820 = arith.extui %sign3A_1819 : i1 to i32
      %sign3A_1821 = arith.constant 0 : i32
      %sign3A_1822 = arith.cmpi slt, %add3A_1815, %sign3A_1821 : i32
      %sign3A_1823 = arith.extui %sign3A_1822 : i1 to i32
      %sign3A_1824 = arith.subi %sign3A_1820, %sign3A_1823 : i32
      %sign3A_1825 = arith.constant 0 : i32
      %sign3A_1826 = arith.cmpi sgt, %jit3A_1816, %sign3A_1825 : i32
      %sign3A_1827 = arith.extui %sign3A_1826 : i1 to i32
      %sign3A_1828 = arith.constant 0 : i32
      %sign3A_1829 = arith.cmpi slt, %jit3A_1816, %sign3A_1828 : i32
      %sign3A_1830 = arith.extui %sign3A_1829 : i1 to i32
      %sign3A_1831 = arith.subi %sign3A_1827, %sign3A_1830 : i32
      %ne3A_1832 = arith.cmpi ne, %sign3A_1824, %sign3A_1831 : i32
      %rem3A_1833 = arith.remsi %add3A_1815, %jit3A_1816 : i32
      %ne3A_1834 = arith.constant 0 : i32
      %ne3A_1835 = arith.cmpi ne, %rem3A_1833, %ne3A_1834 : i32
      %and3A_1836 = arith.andi %ne3A_1832, %ne3A_1835 : i1
      %sub3A_1837 = arith.constant 1 : i32
      %sub3A_1838 = arith.subi %div3A_1817, %sub3A_1837 : i32
      %select_n3A_1839 = arith.select %and3A_1836, %sub3A_1838, %div3A_1817 : i32
      %jit3A_1840 = arith.constant 16 : i32
      %eq3A_1841 = arith.constant 0 : i32
      %eq3A_1842 = arith.cmpi eq, %jit3A_1840, %eq3A_1841 : i32
      %jit3A_1843 = arith.constant 1 : i32
      %select_n3A_1844 = arith.select %eq3A_1842, %jit3A_1843, %jit3A_1840 : i32
      %rem3A_1845 = arith.remsi %add3A_1815, %select_n3A_1844 : i32
      %ne3A_1846 = arith.constant 0 : i32
      %ne3A_1847 = arith.cmpi ne, %rem3A_1845, %ne3A_1846 : i32
      %lt3A_1848 = arith.constant 0 : i32
      %lt3A_1849 = arith.cmpi slt, %rem3A_1845, %lt3A_1848 : i32
      %lt3A_1850 = arith.constant 0 : i32
      %lt3A_1851 = arith.cmpi slt, %select_n3A_1844, %lt3A_1850 : i32
      %ne3A_1852 = arith.xori %lt3A_1849, %lt3A_1851 : i1
      %and3A_1853 = arith.andi %ne3A_1852, %ne3A_1847 : i1
      %add3A_1854 = arith.addi %rem3A_1845, %select_n3A_1844 : i32
      %select_n3A_1855 = arith.select %and3A_1853, %add3A_1854, %rem3A_1845 : i32
      %mul3A_1856 = arith.constant 32 : i32
      %mul3A_1857 = arith.muli %select_n3A_1855, %mul3A_1856 : i32
      %ge3A_1858 = arith.constant 16 : i32
      %ge3A_1859 = arith.cmpi sge, %add3A_1815, %ge3A_1858 : i32
      %convert_element_type3A_1860 = arith.extui %ge3A_1859 : i1 to i32
      %cond3A_1861 = arith.constant 0 : i32
      %cond3A_1862 = arith.cmpi ne, %convert_element_type3A_1860, %cond3A_1861 : i32
      scf.if %cond3A_1862 {
        %add3A_2221 = arith.addi %mul3A_2, %mul3A_1857 : i32
        %dma_wait3A_2222 = arith.constant 0 : i32
        %dma_wait3A_2223 = tpu.memref_slice %arg3[%select_n3A_1839, %add3A_2221, %dma_wait3A_2222] : memref<26x16384x128xf32, #tpu.memory_space<hbm>> -> memref<1x32x128xf32, #tpu.memory_space<hbm>>
        %dma_wait3A_2224 = tpu.memref_squeeze %dma_wait3A_2223 : memref<1x32x128xf32, #tpu.memory_space<hbm>> -> memref<32x128xf32, #tpu.memory_space<hbm>>
        %dma_wait3A_2225 = arith.constant 0 : i32
        %dma_wait3A_2226 = tpu.memref_slice %arg3[%select_n3A_1839, %add3A_2221, %dma_wait3A_2225] : memref<26x16384x128xf32, #tpu.memory_space<hbm>> -> memref<1x32x128xf32, #tpu.memory_space<hbm>>
        %dma_wait3A_2227 = tpu.memref_squeeze %dma_wait3A_2226 : memref<1x32x128xf32, #tpu.memory_space<hbm>> -> memref<32x128xf32, #tpu.memory_space<hbm>>
        tpu.wait_dma2 semaphore(%arg49 : memref<!tpu.dma_semaphore, #tpu.memory_space<semaphore_mem>>) src(%arg17 : memref<32x128xf32, #tpu.memory_space<vmem>>) dst(%dma_wait3A_2227 : memref<32x128xf32, #tpu.memory_space<hbm>>)
        %get3A_2228 = arith.constant 0 : index
        %get3A_2229 = tpu.vector_load %arg33[%get3A_2228] {strides = array<i32>} : memref<32xi32, #tpu.memory_space<vmem>>, vector<16xi32>,
        tpu.vector_store_idx %arg17[%add3A_241, %get3A_2229], %broadcast_in_dim3A_238 : memref<32x128xf32, #tpu.memory_space<vmem>>[vector<16xi32>, vector<16xi32>], vector<16xf32>,
        %get3A_2230 = arith.constant 16 : index
        %get3A_2231 = tpu.vector_load %arg33[%get3A_2230] {strides = array<i32>} : memref<32xi32, #tpu.memory_space<vmem>>, vector<16xi32>,
        tpu.vector_store_idx %arg17[%add3A_244, %get3A_2231], %broadcast_in_dim3A_238 : memref<32x128xf32, #tpu.memory_space<vmem>>[vector<16xi32>, vector<16xi32>], vector<16xf32>,
      } else {
      }
      %mul3A_1863 = arith.constant 512 : i32
      %mul3A_1864 = arith.muli %select_n3A_1839, %mul3A_1863 : i32
      %add3A_1865 = arith.addi %mul3A_1864, %mul3A_1857 : i32
      %add3A_1866 = arith.constant 0 : i32
      %add3A_1867 = arith.addi %add3A_1865, %add3A_1866 : i32
      %get3A_1868 = arith.index_cast %add3A_1867 : i32 to index
      %get3A_1869 = tpu.vector_load %arg4[%get3A_1868] {strides = array<i32>} : memref<13312xf32, #tpu.memory_space<vmem>>, vector<16xf32>,
      %sub3A_1870 = arith.constant 0.000000e+00 : f32
      %sub3A_1871 = vector.broadcast %sub3A_1870 : f32 to vector<16xf32>
      %sub3A_1872 = arith.subf %get3A_1869, %sub3A_1871 : vector<16xf32>
      %mul3A_1873 = arith.constant 1.270000e+02 : f32
      %mul3A_1874 = vector.broadcast %mul3A_1873 : f32 to vector<16xf32>
      %mul3A_1875 = arith.mulf %sub3A_1872, %mul3A_1874 : vector<16xf32>
      %jit3A_1876 = arith.constant 0.000000e+00 : f32
      %jit3A_1877 = arith.constant 1.270000e+02 : f32
      %max3A_1878 = vector.broadcast %jit3A_1876 : f32 to vector<16xf32>
      %max3A_1879 = arith.maximumf %max3A_1878, %mul3A_1875 : vector<16xf32>
      %min3A_1880 = vector.broadcast %jit3A_1877 : f32 to vector<16xf32>
      %min3A_1881 = arith.minimumf %min3A_1880, %max3A_1879 : vector<16xf32>
      %convert_element_type3A_1882 = arith.fptosi %min3A_1881 : vector<16xf32> to vector<16xi32>
      %swap3A_1883 = arith.constant 0 : index
      %swap3A_1884 = tpu.vector_load %arg33[%swap3A_1883] {strides = array<i32>} : memref<32xi32, #tpu.memory_space<vmem>>, vector<16xi32>,
      tpu.vector_store %arg33[%swap3A_1883], %convert_element_type3A_1882 {strides = array<i32>} : memref<32xi32, #tpu.memory_space<vmem>>, vector<16xi32>,
      tpu.vector_store_idx %arg17[%add3A_241, %convert_element_type3A_1882], %broadcast_in_dim3A_236 : memref<32x128xf32, #tpu.memory_space<vmem>>[vector<16xi32>, vector<16xi32>], vector<16xf32>,
      %mul3A_1885 = arith.constant 512 : i32
      %mul3A_1886 = arith.muli %select_n3A_1839, %mul3A_1885 : i32
      %add3A_1887 = arith.addi %mul3A_1886, %mul3A_1857 : i32
      %add3A_1888 = arith.constant 16 : i32
      %add3A_1889 = arith.addi %add3A_1887, %add3A_1888 : i32
      %get3A_1890 = arith.index_cast %add3A_1889 : i32 to index
      %get3A_1891 = tpu.vector_load %arg4[%get3A_1890] {strides = array<i32>} : memref<13312xf32, #tpu.memory_space<vmem>>, vector<16xf32>,
      %sub3A_1892 = arith.constant 0.000000e+00 : f32
      %sub3A_1893 = vector.broadcast %sub3A_1892 : f32 to vector<16xf32>
      %sub3A_1894 = arith.subf %get3A_1891, %sub3A_1893 : vector<16xf32>
      %mul3A_1895 = arith.constant 1.270000e+02 : f32
      %mul3A_1896 = vector.broadcast %mul3A_1895 : f32 to vector<16xf32>
      %mul3A_1897 = arith.mulf %sub3A_1894, %mul3A_1896 : vector<16xf32>
      %jit3A_1898 = arith.constant 0.000000e+00 : f32
      %jit3A_1899 = arith.constant 1.270000e+02 : f32
      %max3A_1900 = vector.broadcast %jit3A_1898 : f32 to vector<16xf32>
      %max3A_1901 = arith.maximumf %max3A_1900, %mul3A_1897 : vector<16xf32>
      %min3A_1902 = vector.broadcast %jit3A_1899 : f32 to vector<16xf32>
      %min3A_1903 = arith.minimumf %min3A_1902, %max3A_1901 : vector<16xf32>
      %convert_element_type3A_1904 = arith.fptosi %min3A_1903 : vector<16xf32> to vector<16xi32>
      %swap3A_1905 = arith.constant 16 : index
      %swap3A_1906 = tpu.vector_load %arg33[%swap3A_1905] {strides = array<i32>} : memref<32xi32, #tpu.memory_space<vmem>>, vector<16xi32>,
      tpu.vector_store %arg33[%swap3A_1905], %convert_element_type3A_1904 {strides = array<i32>} : memref<32xi32, #tpu.memory_space<vmem>>, vector<16xi32>,
      tpu.vector_store_idx %arg17[%add3A_244, %convert_element_type3A_1904], %broadcast_in_dim3A_236 : memref<32x128xf32, #tpu.memory_space<vmem>>[vector<16xi32>, vector<16xi32>], vector<16xf32>,
      %add3A_1907 = arith.addi %mul3A_2, %mul3A_1857 : i32
      %dma_start3A_1908 = arith.constant 0 : i32
      %dma_start3A_1909 = tpu.memref_slice %arg3[%select_n3A_1839, %add3A_1907, %dma_start3A_1908] : memref<26x16384x128xf32, #tpu.memory_space<hbm>> -> memref<1x32x128xf32, #tpu.memory_space<hbm>>
      %dma_start3A_1910 = tpu.memref_squeeze %dma_start3A_1909 : memref<1x32x128xf32, #tpu.memory_space<hbm>> -> memref<32x128xf32, #tpu.memory_space<hbm>>
      %dma_start3A_1911 = arith.constant 0 : i32
      %dma_start3A_1912 = tpu.memref_slice %arg3[%select_n3A_1839, %add3A_1907, %dma_start3A_1911] : memref<26x16384x128xf32, #tpu.memory_space<hbm>> -> memref<1x32x128xf32, #tpu.memory_space<hbm>>
      %dma_start3A_1913 = tpu.memref_squeeze %dma_start3A_1912 : memref<1x32x128xf32, #tpu.memory_space<hbm>> -> memref<32x128xf32, #tpu.memory_space<hbm>>
      tpu.enqueue_dma source(%arg17 : memref<32x128xf32, #tpu.memory_space<vmem>>) target(%dma_start3A_1913 : memref<32x128xf32, #tpu.memory_space<hbm>>) target_semaphore(%arg49 : memref<!tpu.dma_semaphore, #tpu.memory_space<semaphore_mem>>)
      %mul3A_1914 = arith.constant 16 : i32
      %mul3A_1915 = arith.muli %scan3A_603, %mul3A_1914 : i32
      %add3A_1916 = arith.constant 13 : i32
      %add3A_1917 = arith.addi %mul3A_1915, %add3A_1916 : i32
      %jit3A_1918 = arith.constant 16 : i32
      %div3A_1919 = arith.divsi %add3A_1917, %jit3A_1918 : i32
      %sign3A_1920 = arith.constant 0 : i32
      %sign3A_1921 = arith.cmpi sgt, %add3A_1917, %sign3A_1920 : i32
      %sign3A_1922 = arith.extui %sign3A_1921 : i1 to i32
      %sign3A_1923 = arith.constant 0 : i32
      %sign3A_1924 = arith.cmpi slt, %add3A_1917, %sign3A_1923 : i32
      %sign3A_1925 = arith.extui %sign3A_1924 : i1 to i32
      %sign3A_1926 = arith.subi %sign3A_1922, %sign3A_1925 : i32
      %sign3A_1927 = arith.constant 0 : i32
      %sign3A_1928 = arith.cmpi sgt, %jit3A_1918, %sign3A_1927 : i32
      %sign3A_1929 = arith.extui %sign3A_1928 : i1 to i32
      %sign3A_1930 = arith.constant 0 : i32
      %sign3A_1931 = arith.cmpi slt, %jit3A_1918, %sign3A_1930 : i32
      %sign3A_1932 = arith.extui %sign3A_1931 : i1 to i32
      %sign3A_1933 = arith.subi %sign3A_1929, %sign3A_1932 : i32
      %ne3A_1934 = arith.cmpi ne, %sign3A_1926, %sign3A_1933 : i32
      %rem3A_1935 = arith.remsi %add3A_1917, %jit3A_1918 : i32
      %ne3A_1936 = arith.constant 0 : i32
      %ne3A_1937 = arith.cmpi ne, %rem3A_1935, %ne3A_1936 : i32
      %and3A_1938 = arith.andi %ne3A_1934, %ne3A_1937 : i1
      %sub3A_1939 = arith.constant 1 : i32
      %sub3A_1940 = arith.subi %div3A_1919, %sub3A_1939 : i32
      %select_n3A_1941 = arith.select %and3A_1938, %sub3A_1940, %div3A_1919 : i32
      %jit3A_1942 = arith.constant 16 : i32
      %eq3A_1943 = arith.constant 0 : i32
      %eq3A_1944 = arith.cmpi eq, %jit3A_1942, %eq3A_1943 : i32
      %jit3A_1945 = arith.constant 1 : i32
      %select_n3A_1946 = arith.select %eq3A_1944, %jit3A_1945, %jit3A_1942 : i32
      %rem3A_1947 = arith.remsi %add3A_1917, %select_n3A_1946 : i32
      %ne3A_1948 = arith.constant 0 : i32
      %ne3A_1949 = arith.cmpi ne, %rem3A_1947, %ne3A_1948 : i32
      %lt3A_1950 = arith.constant 0 : i32
      %lt3A_1951 = arith.cmpi slt, %rem3A_1947, %lt3A_1950 : i32
      %lt3A_1952 = arith.constant 0 : i32
      %lt3A_1953 = arith.cmpi slt, %select_n3A_1946, %lt3A_1952 : i32
      %ne3A_1954 = arith.xori %lt3A_1951, %lt3A_1953 : i1
      %and3A_1955 = arith.andi %ne3A_1954, %ne3A_1949 : i1
      %add3A_1956 = arith.addi %rem3A_1947, %select_n3A_1946 : i32
      %select_n3A_1957 = arith.select %and3A_1955, %add3A_1956, %rem3A_1947 : i32
      %mul3A_1958 = arith.constant 32 : i32
      %mul3A_1959 = arith.muli %select_n3A_1957, %mul3A_1958 : i32
      %ge3A_1960 = arith.constant 16 : i32
      %ge3A_1961 = arith.cmpi sge, %add3A_1917, %ge3A_1960 : i32
      %convert_element_type3A_1962 = arith.extui %ge3A_1961 : i1 to i32
      %cond3A_1963 = arith.constant 0 : i32
      %cond3A_1964 = arith.cmpi ne, %convert_element_type3A_1962, %cond3A_1963 : i32
      scf.if %cond3A_1964 {
        %add3A_2221 = arith.addi %mul3A_2, %mul3A_1959 : i32
        %dma_wait3A_2222 = arith.constant 0 : i32
        %dma_wait3A_2223 = tpu.memref_slice %arg3[%select_n3A_1941, %add3A_2221, %dma_wait3A_2222] : memref<26x16384x128xf32, #tpu.memory_space<hbm>> -> memref<1x32x128xf32, #tpu.memory_space<hbm>>
        %dma_wait3A_2224 = tpu.memref_squeeze %dma_wait3A_2223 : memref<1x32x128xf32, #tpu.memory_space<hbm>> -> memref<32x128xf32, #tpu.memory_space<hbm>>
        %dma_wait3A_2225 = arith.constant 0 : i32
        %dma_wait3A_2226 = tpu.memref_slice %arg3[%select_n3A_1941, %add3A_2221, %dma_wait3A_2225] : memref<26x16384x128xf32, #tpu.memory_space<hbm>> -> memref<1x32x128xf32, #tpu.memory_space<hbm>>
        %dma_wait3A_2227 = tpu.memref_squeeze %dma_wait3A_2226 : memref<1x32x128xf32, #tpu.memory_space<hbm>> -> memref<32x128xf32, #tpu.memory_space<hbm>>
        tpu.wait_dma2 semaphore(%arg50 : memref<!tpu.dma_semaphore, #tpu.memory_space<semaphore_mem>>) src(%arg18 : memref<32x128xf32, #tpu.memory_space<vmem>>) dst(%dma_wait3A_2227 : memref<32x128xf32, #tpu.memory_space<hbm>>)
        %get3A_2228 = arith.constant 0 : index
        %get3A_2229 = tpu.vector_load %arg34[%get3A_2228] {strides = array<i32>} : memref<32xi32, #tpu.memory_space<vmem>>, vector<16xi32>,
        tpu.vector_store_idx %arg18[%add3A_241, %get3A_2229], %broadcast_in_dim3A_238 : memref<32x128xf32, #tpu.memory_space<vmem>>[vector<16xi32>, vector<16xi32>], vector<16xf32>,
        %get3A_2230 = arith.constant 16 : index
        %get3A_2231 = tpu.vector_load %arg34[%get3A_2230] {strides = array<i32>} : memref<32xi32, #tpu.memory_space<vmem>>, vector<16xi32>,
        tpu.vector_store_idx %arg18[%add3A_244, %get3A_2231], %broadcast_in_dim3A_238 : memref<32x128xf32, #tpu.memory_space<vmem>>[vector<16xi32>, vector<16xi32>], vector<16xf32>,
      } else {
      }
      %mul3A_1965 = arith.constant 512 : i32
      %mul3A_1966 = arith.muli %select_n3A_1941, %mul3A_1965 : i32
      %add3A_1967 = arith.addi %mul3A_1966, %mul3A_1959 : i32
      %add3A_1968 = arith.constant 0 : i32
      %add3A_1969 = arith.addi %add3A_1967, %add3A_1968 : i32
      %get3A_1970 = arith.index_cast %add3A_1969 : i32 to index
      %get3A_1971 = tpu.vector_load %arg4[%get3A_1970] {strides = array<i32>} : memref<13312xf32, #tpu.memory_space<vmem>>, vector<16xf32>,
      %sub3A_1972 = arith.constant 0.000000e+00 : f32
      %sub3A_1973 = vector.broadcast %sub3A_1972 : f32 to vector<16xf32>
      %sub3A_1974 = arith.subf %get3A_1971, %sub3A_1973 : vector<16xf32>
      %mul3A_1975 = arith.constant 1.270000e+02 : f32
      %mul3A_1976 = vector.broadcast %mul3A_1975 : f32 to vector<16xf32>
      %mul3A_1977 = arith.mulf %sub3A_1974, %mul3A_1976 : vector<16xf32>
      %jit3A_1978 = arith.constant 0.000000e+00 : f32
      %jit3A_1979 = arith.constant 1.270000e+02 : f32
      %max3A_1980 = vector.broadcast %jit3A_1978 : f32 to vector<16xf32>
      %max3A_1981 = arith.maximumf %max3A_1980, %mul3A_1977 : vector<16xf32>
      %min3A_1982 = vector.broadcast %jit3A_1979 : f32 to vector<16xf32>
      %min3A_1983 = arith.minimumf %min3A_1982, %max3A_1981 : vector<16xf32>
      %convert_element_type3A_1984 = arith.fptosi %min3A_1983 : vector<16xf32> to vector<16xi32>
      %swap3A_1985 = arith.constant 0 : index
      %swap3A_1986 = tpu.vector_load %arg34[%swap3A_1985] {strides = array<i32>} : memref<32xi32, #tpu.memory_space<vmem>>, vector<16xi32>,
      tpu.vector_store %arg34[%swap3A_1985], %convert_element_type3A_1984 {strides = array<i32>} : memref<32xi32, #tpu.memory_space<vmem>>, vector<16xi32>,
      tpu.vector_store_idx %arg18[%add3A_241, %convert_element_type3A_1984], %broadcast_in_dim3A_236 : memref<32x128xf32, #tpu.memory_space<vmem>>[vector<16xi32>, vector<16xi32>], vector<16xf32>,
      %mul3A_1987 = arith.constant 512 : i32
      %mul3A_1988 = arith.muli %select_n3A_1941, %mul3A_1987 : i32
      %add3A_1989 = arith.addi %mul3A_1988, %mul3A_1959 : i32
      %add3A_1990 = arith.constant 16 : i32
      %add3A_1991 = arith.addi %add3A_1989, %add3A_1990 : i32
      %get3A_1992 = arith.index_cast %add3A_1991 : i32 to index
      %get3A_1993 = tpu.vector_load %arg4[%get3A_1992] {strides = array<i32>} : memref<13312xf32, #tpu.memory_space<vmem>>, vector<16xf32>,
      %sub3A_1994 = arith.constant 0.000000e+00 : f32
      %sub3A_1995 = vector.broadcast %sub3A_1994 : f32 to vector<16xf32>
      %sub3A_1996 = arith.subf %get3A_1993, %sub3A_1995 : vector<16xf32>
      %mul3A_1997 = arith.constant 1.270000e+02 : f32
      %mul3A_1998 = vector.broadcast %mul3A_1997 : f32 to vector<16xf32>
      %mul3A_1999 = arith.mulf %sub3A_1996, %mul3A_1998 : vector<16xf32>
      %jit3A_2000 = arith.constant 0.000000e+00 : f32
      %jit3A_2001 = arith.constant 1.270000e+02 : f32
      %max3A_2002 = vector.broadcast %jit3A_2000 : f32 to vector<16xf32>
      %max3A_2003 = arith.maximumf %max3A_2002, %mul3A_1999 : vector<16xf32>
      %min3A_2004 = vector.broadcast %jit3A_2001 : f32 to vector<16xf32>
      %min3A_2005 = arith.minimumf %min3A_2004, %max3A_2003 : vector<16xf32>
      %convert_element_type3A_2006 = arith.fptosi %min3A_2005 : vector<16xf32> to vector<16xi32>
      %swap3A_2007 = arith.constant 16 : index
      %swap3A_2008 = tpu.vector_load %arg34[%swap3A_2007] {strides = array<i32>} : memref<32xi32, #tpu.memory_space<vmem>>, vector<16xi32>,
      tpu.vector_store %arg34[%swap3A_2007], %convert_element_type3A_2006 {strides = array<i32>} : memref<32xi32, #tpu.memory_space<vmem>>, vector<16xi32>,
      tpu.vector_store_idx %arg18[%add3A_244, %convert_element_type3A_2006], %broadcast_in_dim3A_236 : memref<32x128xf32, #tpu.memory_space<vmem>>[vector<16xi32>, vector<16xi32>], vector<16xf32>,
      %add3A_2009 = arith.addi %mul3A_2, %mul3A_1959 : i32
      %dma_start3A_2010 = arith.constant 0 : i32
      %dma_start3A_2011 = tpu.memref_slice %arg3[%select_n3A_1941, %add3A_2009, %dma_start3A_2010] : memref<26x16384x128xf32, #tpu.memory_space<hbm>> -> memref<1x32x128xf32, #tpu.memory_space<hbm>>
      %dma_start3A_2012 = tpu.memref_squeeze %dma_start3A_2011 : memref<1x32x128xf32, #tpu.memory_space<hbm>> -> memref<32x128xf32, #tpu.memory_space<hbm>>
      %dma_start3A_2013 = arith.constant 0 : i32
      %dma_start3A_2014 = tpu.memref_slice %arg3[%select_n3A_1941, %add3A_2009, %dma_start3A_2013] : memref<26x16384x128xf32, #tpu.memory_space<hbm>> -> memref<1x32x128xf32, #tpu.memory_space<hbm>>
      %dma_start3A_2015 = tpu.memref_squeeze %dma_start3A_2014 : memref<1x32x128xf32, #tpu.memory_space<hbm>> -> memref<32x128xf32, #tpu.memory_space<hbm>>
      tpu.enqueue_dma source(%arg18 : memref<32x128xf32, #tpu.memory_space<vmem>>) target(%dma_start3A_2015 : memref<32x128xf32, #tpu.memory_space<hbm>>) target_semaphore(%arg50 : memref<!tpu.dma_semaphore, #tpu.memory_space<semaphore_mem>>)
      %mul3A_2016 = arith.constant 16 : i32
      %mul3A_2017 = arith.muli %scan3A_603, %mul3A_2016 : i32
      %add3A_2018 = arith.constant 14 : i32
      %add3A_2019 = arith.addi %mul3A_2017, %add3A_2018 : i32
      %jit3A_2020 = arith.constant 16 : i32
      %div3A_2021 = arith.divsi %add3A_2019, %jit3A_2020 : i32
      %sign3A_2022 = arith.constant 0 : i32
      %sign3A_2023 = arith.cmpi sgt, %add3A_2019, %sign3A_2022 : i32
      %sign3A_2024 = arith.extui %sign3A_2023 : i1 to i32
      %sign3A_2025 = arith.constant 0 : i32
      %sign3A_2026 = arith.cmpi slt, %add3A_2019, %sign3A_2025 : i32
      %sign3A_2027 = arith.extui %sign3A_2026 : i1 to i32
      %sign3A_2028 = arith.subi %sign3A_2024, %sign3A_2027 : i32
      %sign3A_2029 = arith.constant 0 : i32
      %sign3A_2030 = arith.cmpi sgt, %jit3A_2020, %sign3A_2029 : i32
      %sign3A_2031 = arith.extui %sign3A_2030 : i1 to i32
      %sign3A_2032 = arith.constant 0 : i32
      %sign3A_2033 = arith.cmpi slt, %jit3A_2020, %sign3A_2032 : i32
      %sign3A_2034 = arith.extui %sign3A_2033 : i1 to i32
      %sign3A_2035 = arith.subi %sign3A_2031, %sign3A_2034 : i32
      %ne3A_2036 = arith.cmpi ne, %sign3A_2028, %sign3A_2035 : i32
      %rem3A_2037 = arith.remsi %add3A_2019, %jit3A_2020 : i32
      %ne3A_2038 = arith.constant 0 : i32
      %ne3A_2039 = arith.cmpi ne, %rem3A_2037, %ne3A_2038 : i32
      %and3A_2040 = arith.andi %ne3A_2036, %ne3A_2039 : i1
      %sub3A_2041 = arith.constant 1 : i32
      %sub3A_2042 = arith.subi %div3A_2021, %sub3A_2041 : i32
      %select_n3A_2043 = arith.select %and3A_2040, %sub3A_2042, %div3A_2021 : i32
      %jit3A_2044 = arith.constant 16 : i32
      %eq3A_2045 = arith.constant 0 : i32
      %eq3A_2046 = arith.cmpi eq, %jit3A_2044, %eq3A_2045 : i32
      %jit3A_2047 = arith.constant 1 : i32
      %select_n3A_2048 = arith.select %eq3A_2046, %jit3A_2047, %jit3A_2044 : i32
      %rem3A_2049 = arith.remsi %add3A_2019, %select_n3A_2048 : i32
      %ne3A_2050 = arith.constant 0 : i32
      %ne3A_2051 = arith.cmpi ne, %rem3A_2049, %ne3A_2050 : i32
      %lt3A_2052 = arith.constant 0 : i32
      %lt3A_2053 = arith.cmpi slt, %rem3A_2049, %lt3A_2052 : i32
      %lt3A_2054 = arith.constant 0 : i32
      %lt3A_2055 = arith.cmpi slt, %select_n3A_2048, %lt3A_2054 : i32
      %ne3A_2056 = arith.xori %lt3A_2053, %lt3A_2055 : i1
      %and3A_2057 = arith.andi %ne3A_2056, %ne3A_2051 : i1
      %add3A_2058 = arith.addi %rem3A_2049, %select_n3A_2048 : i32
      %select_n3A_2059 = arith.select %and3A_2057, %add3A_2058, %rem3A_2049 : i32
      %mul3A_2060 = arith.constant 32 : i32
      %mul3A_2061 = arith.muli %select_n3A_2059, %mul3A_2060 : i32
      %ge3A_2062 = arith.constant 16 : i32
      %ge3A_2063 = arith.cmpi sge, %add3A_2019, %ge3A_2062 : i32
      %convert_element_type3A_2064 = arith.extui %ge3A_2063 : i1 to i32
      %cond3A_2065 = arith.constant 0 : i32
      %cond3A_2066 = arith.cmpi ne, %convert_element_type3A_2064, %cond3A_2065 : i32
      scf.if %cond3A_2066 {
        %add3A_2221 = arith.addi %mul3A_2, %mul3A_2061 : i32
        %dma_wait3A_2222 = arith.constant 0 : i32
        %dma_wait3A_2223 = tpu.memref_slice %arg3[%select_n3A_2043, %add3A_2221, %dma_wait3A_2222] : memref<26x16384x128xf32, #tpu.memory_space<hbm>> -> memref<1x32x128xf32, #tpu.memory_space<hbm>>
        %dma_wait3A_2224 = tpu.memref_squeeze %dma_wait3A_2223 : memref<1x32x128xf32, #tpu.memory_space<hbm>> -> memref<32x128xf32, #tpu.memory_space<hbm>>
        %dma_wait3A_2225 = arith.constant 0 : i32
        %dma_wait3A_2226 = tpu.memref_slice %arg3[%select_n3A_2043, %add3A_2221, %dma_wait3A_2225] : memref<26x16384x128xf32, #tpu.memory_space<hbm>> -> memref<1x32x128xf32, #tpu.memory_space<hbm>>
        %dma_wait3A_2227 = tpu.memref_squeeze %dma_wait3A_2226 : memref<1x32x128xf32, #tpu.memory_space<hbm>> -> memref<32x128xf32, #tpu.memory_space<hbm>>
        tpu.wait_dma2 semaphore(%arg51 : memref<!tpu.dma_semaphore, #tpu.memory_space<semaphore_mem>>) src(%arg19 : memref<32x128xf32, #tpu.memory_space<vmem>>) dst(%dma_wait3A_2227 : memref<32x128xf32, #tpu.memory_space<hbm>>)
        %get3A_2228 = arith.constant 0 : index
        %get3A_2229 = tpu.vector_load %arg35[%get3A_2228] {strides = array<i32>} : memref<32xi32, #tpu.memory_space<vmem>>, vector<16xi32>,
        tpu.vector_store_idx %arg19[%add3A_241, %get3A_2229], %broadcast_in_dim3A_238 : memref<32x128xf32, #tpu.memory_space<vmem>>[vector<16xi32>, vector<16xi32>], vector<16xf32>,
        %get3A_2230 = arith.constant 16 : index
        %get3A_2231 = tpu.vector_load %arg35[%get3A_2230] {strides = array<i32>} : memref<32xi32, #tpu.memory_space<vmem>>, vector<16xi32>,
        tpu.vector_store_idx %arg19[%add3A_244, %get3A_2231], %broadcast_in_dim3A_238 : memref<32x128xf32, #tpu.memory_space<vmem>>[vector<16xi32>, vector<16xi32>], vector<16xf32>,
      } else {
      }
      %mul3A_2067 = arith.constant 512 : i32
      %mul3A_2068 = arith.muli %select_n3A_2043, %mul3A_2067 : i32
      %add3A_2069 = arith.addi %mul3A_2068, %mul3A_2061 : i32
      %add3A_2070 = arith.constant 0 : i32
      %add3A_2071 = arith.addi %add3A_2069, %add3A_2070 : i32
      %get3A_2072 = arith.index_cast %add3A_2071 : i32 to index
      %get3A_2073 = tpu.vector_load %arg4[%get3A_2072] {strides = array<i32>} : memref<13312xf32, #tpu.memory_space<vmem>>, vector<16xf32>,
      %sub3A_2074 = arith.constant 0.000000e+00 : f32
      %sub3A_2075 = vector.broadcast %sub3A_2074 : f32 to vector<16xf32>
      %sub3A_2076 = arith.subf %get3A_2073, %sub3A_2075 : vector<16xf32>
      %mul3A_2077 = arith.constant 1.270000e+02 : f32
      %mul3A_2078 = vector.broadcast %mul3A_2077 : f32 to vector<16xf32>
      %mul3A_2079 = arith.mulf %sub3A_2076, %mul3A_2078 : vector<16xf32>
      %jit3A_2080 = arith.constant 0.000000e+00 : f32
      %jit3A_2081 = arith.constant 1.270000e+02 : f32
      %max3A_2082 = vector.broadcast %jit3A_2080 : f32 to vector<16xf32>
      %max3A_2083 = arith.maximumf %max3A_2082, %mul3A_2079 : vector<16xf32>
      %min3A_2084 = vector.broadcast %jit3A_2081 : f32 to vector<16xf32>
      %min3A_2085 = arith.minimumf %min3A_2084, %max3A_2083 : vector<16xf32>
      %convert_element_type3A_2086 = arith.fptosi %min3A_2085 : vector<16xf32> to vector<16xi32>
      %swap3A_2087 = arith.constant 0 : index
      %swap3A_2088 = tpu.vector_load %arg35[%swap3A_2087] {strides = array<i32>} : memref<32xi32, #tpu.memory_space<vmem>>, vector<16xi32>,
      tpu.vector_store %arg35[%swap3A_2087], %convert_element_type3A_2086 {strides = array<i32>} : memref<32xi32, #tpu.memory_space<vmem>>, vector<16xi32>,
      tpu.vector_store_idx %arg19[%add3A_241, %convert_element_type3A_2086], %broadcast_in_dim3A_236 : memref<32x128xf32, #tpu.memory_space<vmem>>[vector<16xi32>, vector<16xi32>], vector<16xf32>,
      %mul3A_2089 = arith.constant 512 : i32
      %mul3A_2090 = arith.muli %select_n3A_2043, %mul3A_2089 : i32
      %add3A_2091 = arith.addi %mul3A_2090, %mul3A_2061 : i32
      %add3A_2092 = arith.constant 16 : i32
      %add3A_2093 = arith.addi %add3A_2091, %add3A_2092 : i32
      %get3A_2094 = arith.index_cast %add3A_2093 : i32 to index
      %get3A_2095 = tpu.vector_load %arg4[%get3A_2094] {strides = array<i32>} : memref<13312xf32, #tpu.memory_space<vmem>>, vector<16xf32>,
      %sub3A_2096 = arith.constant 0.000000e+00 : f32
      %sub3A_2097 = vector.broadcast %sub3A_2096 : f32 to vector<16xf32>
      %sub3A_2098 = arith.subf %get3A_2095, %sub3A_2097 : vector<16xf32>
      %mul3A_2099 = arith.constant 1.270000e+02 : f32
      %mul3A_2100 = vector.broadcast %mul3A_2099 : f32 to vector<16xf32>
      %mul3A_2101 = arith.mulf %sub3A_2098, %mul3A_2100 : vector<16xf32>
      %jit3A_2102 = arith.constant 0.000000e+00 : f32
      %jit3A_2103 = arith.constant 1.270000e+02 : f32
      %max3A_2104 = vector.broadcast %jit3A_2102 : f32 to vector<16xf32>
      %max3A_2105 = arith.maximumf %max3A_2104, %mul3A_2101 : vector<16xf32>
      %min3A_2106 = vector.broadcast %jit3A_2103 : f32 to vector<16xf32>
      %min3A_2107 = arith.minimumf %min3A_2106, %max3A_2105 : vector<16xf32>
      %convert_element_type3A_2108 = arith.fptosi %min3A_2107 : vector<16xf32> to vector<16xi32>
      %swap3A_2109 = arith.constant 16 : index
      %swap3A_2110 = tpu.vector_load %arg35[%swap3A_2109] {strides = array<i32>} : memref<32xi32, #tpu.memory_space<vmem>>, vector<16xi32>,
      tpu.vector_store %arg35[%swap3A_2109], %convert_element_type3A_2108 {strides = array<i32>} : memref<32xi32, #tpu.memory_space<vmem>>, vector<16xi32>,
      tpu.vector_store_idx %arg19[%add3A_244, %convert_element_type3A_2108], %broadcast_in_dim3A_236 : memref<32x128xf32, #tpu.memory_space<vmem>>[vector<16xi32>, vector<16xi32>], vector<16xf32>,
      %add3A_2111 = arith.addi %mul3A_2, %mul3A_2061 : i32
      %dma_start3A_2112 = arith.constant 0 : i32
      %dma_start3A_2113 = tpu.memref_slice %arg3[%select_n3A_2043, %add3A_2111, %dma_start3A_2112] : memref<26x16384x128xf32, #tpu.memory_space<hbm>> -> memref<1x32x128xf32, #tpu.memory_space<hbm>>
      %dma_start3A_2114 = tpu.memref_squeeze %dma_start3A_2113 : memref<1x32x128xf32, #tpu.memory_space<hbm>> -> memref<32x128xf32, #tpu.memory_space<hbm>>
      %dma_start3A_2115 = arith.constant 0 : i32
      %dma_start3A_2116 = tpu.memref_slice %arg3[%select_n3A_2043, %add3A_2111, %dma_start3A_2115] : memref<26x16384x128xf32, #tpu.memory_space<hbm>> -> memref<1x32x128xf32, #tpu.memory_space<hbm>>
      %dma_start3A_2117 = tpu.memref_squeeze %dma_start3A_2116 : memref<1x32x128xf32, #tpu.memory_space<hbm>> -> memref<32x128xf32, #tpu.memory_space<hbm>>
      tpu.enqueue_dma source(%arg19 : memref<32x128xf32, #tpu.memory_space<vmem>>) target(%dma_start3A_2117 : memref<32x128xf32, #tpu.memory_space<hbm>>) target_semaphore(%arg51 : memref<!tpu.dma_semaphore, #tpu.memory_space<semaphore_mem>>)
      %mul3A_2118 = arith.constant 16 : i32
      %mul3A_2119 = arith.muli %scan3A_603, %mul3A_2118 : i32
      %add3A_2120 = arith.constant 15 : i32
      %add3A_2121 = arith.addi %mul3A_2119, %add3A_2120 : i32
      %jit3A_2122 = arith.constant 16 : i32
      %div3A_2123 = arith.divsi %add3A_2121, %jit3A_2122 : i32
      %sign3A_2124 = arith.constant 0 : i32
      %sign3A_2125 = arith.cmpi sgt, %add3A_2121, %sign3A_2124 : i32
      %sign3A_2126 = arith.extui %sign3A_2125 : i1 to i32
      %sign3A_2127 = arith.constant 0 : i32
      %sign3A_2128 = arith.cmpi slt, %add3A_2121, %sign3A_2127 : i32
      %sign3A_2129 = arith.extui %sign3A_2128 : i1 to i32
      %sign3A_2130 = arith.subi %sign3A_2126, %sign3A_2129 : i32
      %sign3A_2131 = arith.constant 0 : i32
      %sign3A_2132 = arith.cmpi sgt, %jit3A_2122, %sign3A_2131 : i32
      %sign3A_2133 = arith.extui %sign3A_2132 : i1 to i32
      %sign3A_2134 = arith.constant 0 : i32
      %sign3A_2135 = arith.cmpi slt, %jit3A_2122, %sign3A_2134 : i32
      %sign3A_2136 = arith.extui %sign3A_2135 : i1 to i32
      %sign3A_2137 = arith.subi %sign3A_2133, %sign3A_2136 : i32
      %ne3A_2138 = arith.cmpi ne, %sign3A_2130, %sign3A_2137 : i32
      %rem3A_2139 = arith.remsi %add3A_2121, %jit3A_2122 : i32
      %ne3A_2140 = arith.constant 0 : i32
      %ne3A_2141 = arith.cmpi ne, %rem3A_2139, %ne3A_2140 : i32
      %and3A_2142 = arith.andi %ne3A_2138, %ne3A_2141 : i1
      %sub3A_2143 = arith.constant 1 : i32
      %sub3A_2144 = arith.subi %div3A_2123, %sub3A_2143 : i32
      %select_n3A_2145 = arith.select %and3A_2142, %sub3A_2144, %div3A_2123 : i32
      %jit3A_2146 = arith.constant 16 : i32
      %eq3A_2147 = arith.constant 0 : i32
      %eq3A_2148 = arith.cmpi eq, %jit3A_2146, %eq3A_2147 : i32
      %jit3A_2149 = arith.constant 1 : i32
      %select_n3A_2150 = arith.select %eq3A_2148, %jit3A_2149, %jit3A_2146 : i32
      %rem3A_2151 = arith.remsi %add3A_2121, %select_n3A_2150 : i32
      %ne3A_2152 = arith.constant 0 : i32
      %ne3A_2153 = arith.cmpi ne, %rem3A_2151, %ne3A_2152 : i32
      %lt3A_2154 = arith.constant 0 : i32
      %lt3A_2155 = arith.cmpi slt, %rem3A_2151, %lt3A_2154 : i32
      %lt3A_2156 = arith.constant 0 : i32
      %lt3A_2157 = arith.cmpi slt, %select_n3A_2150, %lt3A_2156 : i32
      %ne3A_2158 = arith.xori %lt3A_2155, %lt3A_2157 : i1
      %and3A_2159 = arith.andi %ne3A_2158, %ne3A_2153 : i1
      %add3A_2160 = arith.addi %rem3A_2151, %select_n3A_2150 : i32
      %select_n3A_2161 = arith.select %and3A_2159, %add3A_2160, %rem3A_2151 : i32
      %mul3A_2162 = arith.constant 32 : i32
      %mul3A_2163 = arith.muli %select_n3A_2161, %mul3A_2162 : i32
      %ge3A_2164 = arith.constant 16 : i32
      %ge3A_2165 = arith.cmpi sge, %add3A_2121, %ge3A_2164 : i32
      %convert_element_type3A_2166 = arith.extui %ge3A_2165 : i1 to i32
      %cond3A_2167 = arith.constant 0 : i32
      %cond3A_2168 = arith.cmpi ne, %convert_element_type3A_2166, %cond3A_2167 : i32
      scf.if %cond3A_2168 {
        %add3A_2221 = arith.addi %mul3A_2, %mul3A_2163 : i32
        %dma_wait3A_2222 = arith.constant 0 : i32
        %dma_wait3A_2223 = tpu.memref_slice %arg3[%select_n3A_2145, %add3A_2221, %dma_wait3A_2222] : memref<26x16384x128xf32, #tpu.memory_space<hbm>> -> memref<1x32x128xf32, #tpu.memory_space<hbm>>
        %dma_wait3A_2224 = tpu.memref_squeeze %dma_wait3A_2223 : memref<1x32x128xf32, #tpu.memory_space<hbm>> -> memref<32x128xf32, #tpu.memory_space<hbm>>
        %dma_wait3A_2225 = arith.constant 0 : i32
        %dma_wait3A_2226 = tpu.memref_slice %arg3[%select_n3A_2145, %add3A_2221, %dma_wait3A_2225] : memref<26x16384x128xf32, #tpu.memory_space<hbm>> -> memref<1x32x128xf32, #tpu.memory_space<hbm>>
        %dma_wait3A_2227 = tpu.memref_squeeze %dma_wait3A_2226 : memref<1x32x128xf32, #tpu.memory_space<hbm>> -> memref<32x128xf32, #tpu.memory_space<hbm>>
        tpu.wait_dma2 semaphore(%arg52 : memref<!tpu.dma_semaphore, #tpu.memory_space<semaphore_mem>>) src(%arg20 : memref<32x128xf32, #tpu.memory_space<vmem>>) dst(%dma_wait3A_2227 : memref<32x128xf32, #tpu.memory_space<hbm>>)
        %get3A_2228 = arith.constant 0 : index
        %get3A_2229 = tpu.vector_load %arg36[%get3A_2228] {strides = array<i32>} : memref<32xi32, #tpu.memory_space<vmem>>, vector<16xi32>,
        tpu.vector_store_idx %arg20[%add3A_241, %get3A_2229], %broadcast_in_dim3A_238 : memref<32x128xf32, #tpu.memory_space<vmem>>[vector<16xi32>, vector<16xi32>], vector<16xf32>,
        %get3A_2230 = arith.constant 16 : index
        %get3A_2231 = tpu.vector_load %arg36[%get3A_2230] {strides = array<i32>} : memref<32xi32, #tpu.memory_space<vmem>>, vector<16xi32>,
        tpu.vector_store_idx %arg20[%add3A_244, %get3A_2231], %broadcast_in_dim3A_238 : memref<32x128xf32, #tpu.memory_space<vmem>>[vector<16xi32>, vector<16xi32>], vector<16xf32>,
      } else {
      }
      %mul3A_2169 = arith.constant 512 : i32
      %mul3A_2170 = arith.muli %select_n3A_2145, %mul3A_2169 : i32
      %add3A_2171 = arith.addi %mul3A_2170, %mul3A_2163 : i32
      %add3A_2172 = arith.constant 0 : i32
      %add3A_2173 = arith.addi %add3A_2171, %add3A_2172 : i32
      %get3A_2174 = arith.index_cast %add3A_2173 : i32 to index
      %get3A_2175 = tpu.vector_load %arg4[%get3A_2174] {strides = array<i32>} : memref<13312xf32, #tpu.memory_space<vmem>>, vector<16xf32>,
      %sub3A_2176 = arith.constant 0.000000e+00 : f32
      %sub3A_2177 = vector.broadcast %sub3A_2176 : f32 to vector<16xf32>
      %sub3A_2178 = arith.subf %get3A_2175, %sub3A_2177 : vector<16xf32>
      %mul3A_2179 = arith.constant 1.270000e+02 : f32
      %mul3A_2180 = vector.broadcast %mul3A_2179 : f32 to vector<16xf32>
      %mul3A_2181 = arith.mulf %sub3A_2178, %mul3A_2180 : vector<16xf32>
      %jit3A_2182 = arith.constant 0.000000e+00 : f32
      %jit3A_2183 = arith.constant 1.270000e+02 : f32
      %max3A_2184 = vector.broadcast %jit3A_2182 : f32 to vector<16xf32>
      %max3A_2185 = arith.maximumf %max3A_2184, %mul3A_2181 : vector<16xf32>
      %min3A_2186 = vector.broadcast %jit3A_2183 : f32 to vector<16xf32>
      %min3A_2187 = arith.minimumf %min3A_2186, %max3A_2185 : vector<16xf32>
      %convert_element_type3A_2188 = arith.fptosi %min3A_2187 : vector<16xf32> to vector<16xi32>
      %swap3A_2189 = arith.constant 0 : index
      %swap3A_2190 = tpu.vector_load %arg36[%swap3A_2189] {strides = array<i32>} : memref<32xi32, #tpu.memory_space<vmem>>, vector<16xi32>,
      tpu.vector_store %arg36[%swap3A_2189], %convert_element_type3A_2188 {strides = array<i32>} : memref<32xi32, #tpu.memory_space<vmem>>, vector<16xi32>,
      tpu.vector_store_idx %arg20[%add3A_241, %convert_element_type3A_2188], %broadcast_in_dim3A_236 : memref<32x128xf32, #tpu.memory_space<vmem>>[vector<16xi32>, vector<16xi32>], vector<16xf32>,
      %mul3A_2191 = arith.constant 512 : i32
      %mul3A_2192 = arith.muli %select_n3A_2145, %mul3A_2191 : i32
      %add3A_2193 = arith.addi %mul3A_2192, %mul3A_2163 : i32
      %add3A_2194 = arith.constant 16 : i32
      %add3A_2195 = arith.addi %add3A_2193, %add3A_2194 : i32
      %get3A_2196 = arith.index_cast %add3A_2195 : i32 to index
      %get3A_2197 = tpu.vector_load %arg4[%get3A_2196] {strides = array<i32>} : memref<13312xf32, #tpu.memory_space<vmem>>, vector<16xf32>,
      %sub3A_2198 = arith.constant 0.000000e+00 : f32
      %sub3A_2199 = vector.broadcast %sub3A_2198 : f32 to vector<16xf32>
      %sub3A_2200 = arith.subf %get3A_2197, %sub3A_2199 : vector<16xf32>
      %mul3A_2201 = arith.constant 1.270000e+02 : f32
      %mul3A_2202 = vector.broadcast %mul3A_2201 : f32 to vector<16xf32>
      %mul3A_2203 = arith.mulf %sub3A_2200, %mul3A_2202 : vector<16xf32>
      %jit3A_2204 = arith.constant 0.000000e+00 : f32
      %jit3A_2205 = arith.constant 1.270000e+02 : f32
      %max3A_2206 = vector.broadcast %jit3A_2204 : f32 to vector<16xf32>
      %max3A_2207 = arith.maximumf %max3A_2206, %mul3A_2203 : vector<16xf32>
      %min3A_2208 = vector.broadcast %jit3A_2205 : f32 to vector<16xf32>
      %min3A_2209 = arith.minimumf %min3A_2208, %max3A_2207 : vector<16xf32>
      %convert_element_type3A_2210 = arith.fptosi %min3A_2209 : vector<16xf32> to vector<16xi32>
      %swap3A_2211 = arith.constant 16 : index
      %swap3A_2212 = tpu.vector_load %arg36[%swap3A_2211] {strides = array<i32>} : memref<32xi32, #tpu.memory_space<vmem>>, vector<16xi32>,
      tpu.vector_store %arg36[%swap3A_2211], %convert_element_type3A_2210 {strides = array<i32>} : memref<32xi32, #tpu.memory_space<vmem>>, vector<16xi32>,
      tpu.vector_store_idx %arg20[%add3A_244, %convert_element_type3A_2210], %broadcast_in_dim3A_236 : memref<32x128xf32, #tpu.memory_space<vmem>>[vector<16xi32>, vector<16xi32>], vector<16xf32>,
      %add3A_2213 = arith.addi %mul3A_2, %mul3A_2163 : i32
      %dma_start3A_2214 = arith.constant 0 : i32
      %dma_start3A_2215 = tpu.memref_slice %arg3[%select_n3A_2145, %add3A_2213, %dma_start3A_2214] : memref<26x16384x128xf32, #tpu.memory_space<hbm>> -> memref<1x32x128xf32, #tpu.memory_space<hbm>>
      %dma_start3A_2216 = tpu.memref_squeeze %dma_start3A_2215 : memref<1x32x128xf32, #tpu.memory_space<hbm>> -> memref<32x128xf32, #tpu.memory_space<hbm>>
      %dma_start3A_2217 = arith.constant 0 : i32
      %dma_start3A_2218 = tpu.memref_slice %arg3[%select_n3A_2145, %add3A_2213, %dma_start3A_2217] : memref<26x16384x128xf32, #tpu.memory_space<hbm>> -> memref<1x32x128xf32, #tpu.memory_space<hbm>>
      %dma_start3A_2219 = tpu.memref_squeeze %dma_start3A_2218 : memref<1x32x128xf32, #tpu.memory_space<hbm>> -> memref<32x128xf32, #tpu.memory_space<hbm>>
      tpu.enqueue_dma source(%arg20 : memref<32x128xf32, #tpu.memory_space<vmem>>) target(%dma_start3A_2219 : memref<32x128xf32, #tpu.memory_space<hbm>>) target_semaphore(%arg52 : memref<!tpu.dma_semaphore, #tpu.memory_space<semaphore_mem>>)
      %scan3A_2220 = arith.constant 0 : i32
      scf.yield %scan3A_2220 : i32
    }
    %scan3A_490 = arith.constant 26 : i32
    %dma_wait3A_491 = arith.constant 0 : i32
    %dma_wait3A_492 = arith.constant 0 : i32
    %dma_wait3A_493 = tpu.memref_slice %arg3[%dma_wait3A_491, %mul3A_2, %dma_wait3A_492] : memref<26x16384x128xf32, #tpu.memory_space<hbm>> -> memref<1x32x128xf32, #tpu.memory_space<hbm>>
    %dma_wait3A_494 = tpu.memref_squeeze %dma_wait3A_493 : memref<1x32x128xf32, #tpu.memory_space<hbm>> -> memref<32x128xf32, #tpu.memory_space<hbm>>
    %dma_wait3A_495 = arith.constant 0 : i32
    %dma_wait3A_496 = tpu.memref_slice %arg3[%dma_wait3A_491, %mul3A_2, %dma_wait3A_495] : memref<26x16384x128xf32, #tpu.memory_space<hbm>> -> memref<1x32x128xf32, #tpu.memory_space<hbm>>
    %dma_wait3A_497 = tpu.memref_squeeze %dma_wait3A_496 : memref<1x32x128xf32, #tpu.memory_space<hbm>> -> memref<32x128xf32, #tpu.memory_space<hbm>>
    tpu.wait_dma2 semaphore(%arg37 : memref<!tpu.dma_semaphore, #tpu.memory_space<semaphore_mem>>) src(%arg5 : memref<32x128xf32, #tpu.memory_space<vmem>>) dst(%dma_wait3A_497 : memref<32x128xf32, #tpu.memory_space<hbm>>)
    %dma_wait3A_498 = arith.constant 0 : i32
    %dma_wait3A_499 = arith.constant 0 : i32
    %dma_wait3A_500 = tpu.memref_slice %arg3[%dma_wait3A_498, %mul3A_2, %dma_wait3A_499] : memref<26x16384x128xf32, #tpu.memory_space<hbm>> -> memref<1x32x128xf32, #tpu.memory_space<hbm>>
    %dma_wait3A_501 = tpu.memref_squeeze %dma_wait3A_500 : memref<1x32x128xf32, #tpu.memory_space<hbm>> -> memref<32x128xf32, #tpu.memory_space<hbm>>
    %dma_wait3A_502 = arith.constant 0 : i32
    %dma_wait3A_503 = tpu.memref_slice %arg3[%dma_wait3A_498, %mul3A_2, %dma_wait3A_502] : memref<26x16384x128xf32, #tpu.memory_space<hbm>> -> memref<1x32x128xf32, #tpu.memory_space<hbm>>
    %dma_wait3A_504 = tpu.memref_squeeze %dma_wait3A_503 : memref<1x32x128xf32, #tpu.memory_space<hbm>> -> memref<32x128xf32, #tpu.memory_space<hbm>>
    tpu.wait_dma2 semaphore(%arg38 : memref<!tpu.dma_semaphore, #tpu.memory_space<semaphore_mem>>) src(%arg6 : memref<32x128xf32, #tpu.memory_space<vmem>>) dst(%dma_wait3A_504 : memref<32x128xf32, #tpu.memory_space<hbm>>)
    %dma_wait3A_505 = arith.constant 0 : i32
    %dma_wait3A_506 = arith.constant 0 : i32
    %dma_wait3A_507 = tpu.memref_slice %arg3[%dma_wait3A_505, %mul3A_2, %dma_wait3A_506] : memref<26x16384x128xf32, #tpu.memory_space<hbm>> -> memref<1x32x128xf32, #tpu.memory_space<hbm>>
    %dma_wait3A_508 = tpu.memref_squeeze %dma_wait3A_507 : memref<1x32x128xf32, #tpu.memory_space<hbm>> -> memref<32x128xf32, #tpu.memory_space<hbm>>
    %dma_wait3A_509 = arith.constant 0 : i32
    %dma_wait3A_510 = tpu.memref_slice %arg3[%dma_wait3A_505, %mul3A_2, %dma_wait3A_509] : memref<26x16384x128xf32, #tpu.memory_space<hbm>> -> memref<1x32x128xf32, #tpu.memory_space<hbm>>
    %dma_wait3A_511 = tpu.memref_squeeze %dma_wait3A_510 : memref<1x32x128xf32, #tpu.memory_space<hbm>> -> memref<32x128xf32, #tpu.memory_space<hbm>>
    tpu.wait_dma2 semaphore(%arg39 : memref<!tpu.dma_semaphore, #tpu.memory_space<semaphore_mem>>) src(%arg7 : memref<32x128xf32, #tpu.memory_space<vmem>>) dst(%dma_wait3A_511 : memref<32x128xf32, #tpu.memory_space<hbm>>)
    %dma_wait3A_512 = arith.constant 0 : i32
    %dma_wait3A_513 = arith.constant 0 : i32
    %dma_wait3A_514 = tpu.memref_slice %arg3[%dma_wait3A_512, %mul3A_2, %dma_wait3A_513] : memref<26x16384x128xf32, #tpu.memory_space<hbm>> -> memref<1x32x128xf32, #tpu.memory_space<hbm>>
    %dma_wait3A_515 = tpu.memref_squeeze %dma_wait3A_514 : memref<1x32x128xf32, #tpu.memory_space<hbm>> -> memref<32x128xf32, #tpu.memory_space<hbm>>
    %dma_wait3A_516 = arith.constant 0 : i32
    %dma_wait3A_517 = tpu.memref_slice %arg3[%dma_wait3A_512, %mul3A_2, %dma_wait3A_516] : memref<26x16384x128xf32, #tpu.memory_space<hbm>> -> memref<1x32x128xf32, #tpu.memory_space<hbm>>
    %dma_wait3A_518 = tpu.memref_squeeze %dma_wait3A_517 : memref<1x32x128xf32, #tpu.memory_space<hbm>> -> memref<32x128xf32, #tpu.memory_space<hbm>>
    tpu.wait_dma2 semaphore(%arg40 : memref<!tpu.dma_semaphore, #tpu.memory_space<semaphore_mem>>) src(%arg8 : memref<32x128xf32, #tpu.memory_space<vmem>>) dst(%dma_wait3A_518 : memref<32x128xf32, #tpu.memory_space<hbm>>)
    %dma_wait3A_519 = arith.constant 0 : i32
    %dma_wait3A_520 = arith.constant 0 : i32
    %dma_wait3A_521 = tpu.memref_slice %arg3[%dma_wait3A_519, %mul3A_2, %dma_wait3A_520] : memref<26x16384x128xf32, #tpu.memory_space<hbm>> -> memref<1x32x128xf32, #tpu.memory_space<hbm>>
    %dma_wait3A_522 = tpu.memref_squeeze %dma_wait3A_521 : memref<1x32x128xf32, #tpu.memory_space<hbm>> -> memref<32x128xf32, #tpu.memory_space<hbm>>
    %dma_wait3A_523 = arith.constant 0 : i32
    %dma_wait3A_524 = tpu.memref_slice %arg3[%dma_wait3A_519, %mul3A_2, %dma_wait3A_523] : memref<26x16384x128xf32, #tpu.memory_space<hbm>> -> memref<1x32x128xf32, #tpu.memory_space<hbm>>
    %dma_wait3A_525 = tpu.memref_squeeze %dma_wait3A_524 : memref<1x32x128xf32, #tpu.memory_space<hbm>> -> memref<32x128xf32, #tpu.memory_space<hbm>>
    tpu.wait_dma2 semaphore(%arg41 : memref<!tpu.dma_semaphore, #tpu.memory_space<semaphore_mem>>) src(%arg9 : memref<32x128xf32, #tpu.memory_space<vmem>>) dst(%dma_wait3A_525 : memref<32x128xf32, #tpu.memory_space<hbm>>)
    %dma_wait3A_526 = arith.constant 0 : i32
    %dma_wait3A_527 = arith.constant 0 : i32
    %dma_wait3A_528 = tpu.memref_slice %arg3[%dma_wait3A_526, %mul3A_2, %dma_wait3A_527] : memref<26x16384x128xf32, #tpu.memory_space<hbm>> -> memref<1x32x128xf32, #tpu.memory_space<hbm>>
    %dma_wait3A_529 = tpu.memref_squeeze %dma_wait3A_528 : memref<1x32x128xf32, #tpu.memory_space<hbm>> -> memref<32x128xf32, #tpu.memory_space<hbm>>
    %dma_wait3A_530 = arith.constant 0 : i32
    %dma_wait3A_531 = tpu.memref_slice %arg3[%dma_wait3A_526, %mul3A_2, %dma_wait3A_530] : memref<26x16384x128xf32, #tpu.memory_space<hbm>> -> memref<1x32x128xf32, #tpu.memory_space<hbm>>
    %dma_wait3A_532 = tpu.memref_squeeze %dma_wait3A_531 : memref<1x32x128xf32, #tpu.memory_space<hbm>> -> memref<32x128xf32, #tpu.memory_space<hbm>>
    tpu.wait_dma2 semaphore(%arg42 : memref<!tpu.dma_semaphore, #tpu.memory_space<semaphore_mem>>) src(%arg10 : memref<32x128xf32, #tpu.memory_space<vmem>>) dst(%dma_wait3A_532 : memref<32x128xf32, #tpu.memory_space<hbm>>)
    %dma_wait3A_533 = arith.constant 0 : i32
    %dma_wait3A_534 = arith.constant 0 : i32
    %dma_wait3A_535 = tpu.memref_slice %arg3[%dma_wait3A_533, %mul3A_2, %dma_wait3A_534] : memref<26x16384x128xf32, #tpu.memory_space<hbm>> -> memref<1x32x128xf32, #tpu.memory_space<hbm>>
    %dma_wait3A_536 = tpu.memref_squeeze %dma_wait3A_535 : memref<1x32x128xf32, #tpu.memory_space<hbm>> -> memref<32x128xf32, #tpu.memory_space<hbm>>
    %dma_wait3A_537 = arith.constant 0 : i32
    %dma_wait3A_538 = tpu.memref_slice %arg3[%dma_wait3A_533, %mul3A_2, %dma_wait3A_537] : memref<26x16384x128xf32, #tpu.memory_space<hbm>> -> memref<1x32x128xf32, #tpu.memory_space<hbm>>
    %dma_wait3A_539 = tpu.memref_squeeze %dma_wait3A_538 : memref<1x32x128xf32, #tpu.memory_space<hbm>> -> memref<32x128xf32, #tpu.memory_space<hbm>>
    tpu.wait_dma2 semaphore(%arg43 : memref<!tpu.dma_semaphore, #tpu.memory_space<semaphore_mem>>) src(%arg11 : memref<32x128xf32, #tpu.memory_space<vmem>>) dst(%dma_wait3A_539 : memref<32x128xf32, #tpu.memory_space<hbm>>)
    %dma_wait3A_540 = arith.constant 0 : i32
    %dma_wait3A_541 = arith.constant 0 : i32
    %dma_wait3A_542 = tpu.memref_slice %arg3[%dma_wait3A_540, %mul3A_2, %dma_wait3A_541] : memref<26x16384x128xf32, #tpu.memory_space<hbm>> -> memref<1x32x128xf32, #tpu.memory_space<hbm>>
    %dma_wait3A_543 = tpu.memref_squeeze %dma_wait3A_542 : memref<1x32x128xf32, #tpu.memory_space<hbm>> -> memref<32x128xf32, #tpu.memory_space<hbm>>
    %dma_wait3A_544 = arith.constant 0 : i32
    %dma_wait3A_545 = tpu.memref_slice %arg3[%dma_wait3A_540, %mul3A_2, %dma_wait3A_544] : memref<26x16384x128xf32, #tpu.memory_space<hbm>> -> memref<1x32x128xf32, #tpu.memory_space<hbm>>
    %dma_wait3A_546 = tpu.memref_squeeze %dma_wait3A_545 : memref<1x32x128xf32, #tpu.memory_space<hbm>> -> memref<32x128xf32, #tpu.memory_space<hbm>>
    tpu.wait_dma2 semaphore(%arg44 : memref<!tpu.dma_semaphore, #tpu.memory_space<semaphore_mem>>) src(%arg12 : memref<32x128xf32, #tpu.memory_space<vmem>>) dst(%dma_wait3A_546 : memref<32x128xf32, #tpu.memory_space<hbm>>)
    %dma_wait3A_547 = arith.constant 0 : i32
    %dma_wait3A_548 = arith.constant 0 : i32
    %dma_wait3A_549 = tpu.memref_slice %arg3[%dma_wait3A_547, %mul3A_2, %dma_wait3A_548] : memref<26x16384x128xf32, #tpu.memory_space<hbm>> -> memref<1x32x128xf32, #tpu.memory_space<hbm>>
    %dma_wait3A_550 = tpu.memref_squeeze %dma_wait3A_549 : memref<1x32x128xf32, #tpu.memory_space<hbm>> -> memref<32x128xf32, #tpu.memory_space<hbm>>
    %dma_wait3A_551 = arith.constant 0 : i32
    %dma_wait3A_552 = tpu.memref_slice %arg3[%dma_wait3A_547, %mul3A_2, %dma_wait3A_551] : memref<26x16384x128xf32, #tpu.memory_space<hbm>> -> memref<1x32x128xf32, #tpu.memory_space<hbm>>
    %dma_wait3A_553 = tpu.memref_squeeze %dma_wait3A_552 : memref<1x32x128xf32, #tpu.memory_space<hbm>> -> memref<32x128xf32, #tpu.memory_space<hbm>>
    tpu.wait_dma2 semaphore(%arg45 : memref<!tpu.dma_semaphore, #tpu.memory_space<semaphore_mem>>) src(%arg13 : memref<32x128xf32, #tpu.memory_space<vmem>>) dst(%dma_wait3A_553 : memref<32x128xf32, #tpu.memory_space<hbm>>)
    %dma_wait3A_554 = arith.constant 0 : i32
    %dma_wait3A_555 = arith.constant 0 : i32
    %dma_wait3A_556 = tpu.memref_slice %arg3[%dma_wait3A_554, %mul3A_2, %dma_wait3A_555] : memref<26x16384x128xf32, #tpu.memory_space<hbm>> -> memref<1x32x128xf32, #tpu.memory_space<hbm>>
    %dma_wait3A_557 = tpu.memref_squeeze %dma_wait3A_556 : memref<1x32x128xf32, #tpu.memory_space<hbm>> -> memref<32x128xf32, #tpu.memory_space<hbm>>
    %dma_wait3A_558 = arith.constant 0 : i32
    %dma_wait3A_559 = tpu.memref_slice %arg3[%dma_wait3A_554, %mul3A_2, %dma_wait3A_558] : memref<26x16384x128xf32, #tpu.memory_space<hbm>> -> memref<1x32x128xf32, #tpu.memory_space<hbm>>
    %dma_wait3A_560 = tpu.memref_squeeze %dma_wait3A_559 : memref<1x32x128xf32, #tpu.memory_space<hbm>> -> memref<32x128xf32, #tpu.memory_space<hbm>>
    tpu.wait_dma2 semaphore(%arg46 : memref<!tpu.dma_semaphore, #tpu.memory_space<semaphore_mem>>) src(%arg14 : memref<32x128xf32, #tpu.memory_space<vmem>>) dst(%dma_wait3A_560 : memref<32x128xf32, #tpu.memory_space<hbm>>)
    %dma_wait3A_561 = arith.constant 0 : i32
    %dma_wait3A_562 = arith.constant 0 : i32
    %dma_wait3A_563 = tpu.memref_slice %arg3[%dma_wait3A_561, %mul3A_2, %dma_wait3A_562] : memref<26x16384x128xf32, #tpu.memory_space<hbm>> -> memref<1x32x128xf32, #tpu.memory_space<hbm>>
    %dma_wait3A_564 = tpu.memref_squeeze %dma_wait3A_563 : memref<1x32x128xf32, #tpu.memory_space<hbm>> -> memref<32x128xf32, #tpu.memory_space<hbm>>
    %dma_wait3A_565 = arith.constant 0 : i32
    %dma_wait3A_566 = tpu.memref_slice %arg3[%dma_wait3A_561, %mul3A_2, %dma_wait3A_565] : memref<26x16384x128xf32, #tpu.memory_space<hbm>> -> memref<1x32x128xf32, #tpu.memory_space<hbm>>
    %dma_wait3A_567 = tpu.memref_squeeze %dma_wait3A_566 : memref<1x32x128xf32, #tpu.memory_space<hbm>> -> memref<32x128xf32, #tpu.memory_space<hbm>>
    tpu.wait_dma2 semaphore(%arg47 : memref<!tpu.dma_semaphore, #tpu.memory_space<semaphore_mem>>) src(%arg15 : memref<32x128xf32, #tpu.memory_space<vmem>>) dst(%dma_wait3A_567 : memref<32x128xf32, #tpu.memory_space<hbm>>)
    %dma_wait3A_568 = arith.constant 0 : i32
    %dma_wait3A_569 = arith.constant 0 : i32
    %dma_wait3A_570 = tpu.memref_slice %arg3[%dma_wait3A_568, %mul3A_2, %dma_wait3A_569] : memref<26x16384x128xf32, #tpu.memory_space<hbm>> -> memref<1x32x128xf32, #tpu.memory_space<hbm>>
    %dma_wait3A_571 = tpu.memref_squeeze %dma_wait3A_570 : memref<1x32x128xf32, #tpu.memory_space<hbm>> -> memref<32x128xf32, #tpu.memory_space<hbm>>
    %dma_wait3A_572 = arith.constant 0 : i32
    %dma_wait3A_573 = tpu.memref_slice %arg3[%dma_wait3A_568, %mul3A_2, %dma_wait3A_572] : memref<26x16384x128xf32, #tpu.memory_space<hbm>> -> memref<1x32x128xf32, #tpu.memory_space<hbm>>
    %dma_wait3A_574 = tpu.memref_squeeze %dma_wait3A_573 : memref<1x32x128xf32, #tpu.memory_space<hbm>> -> memref<32x128xf32, #tpu.memory_space<hbm>>
    tpu.wait_dma2 semaphore(%arg48 : memref<!tpu.dma_semaphore, #tpu.memory_space<semaphore_mem>>) src(%arg16 : memref<32x128xf32, #tpu.memory_space<vmem>>) dst(%dma_wait3A_574 : memref<32x128xf32, #tpu.memory_space<hbm>>)
    %dma_wait3A_575 = arith.constant 0 : i32
    %dma_wait3A_576 = arith.constant 0 : i32
    %dma_wait3A_577 = tpu.memref_slice %arg3[%dma_wait3A_575, %mul3A_2, %dma_wait3A_576] : memref<26x16384x128xf32, #tpu.memory_space<hbm>> -> memref<1x32x128xf32, #tpu.memory_space<hbm>>
    %dma_wait3A_578 = tpu.memref_squeeze %dma_wait3A_577 : memref<1x32x128xf32, #tpu.memory_space<hbm>> -> memref<32x128xf32, #tpu.memory_space<hbm>>
    %dma_wait3A_579 = arith.constant 0 : i32
    %dma_wait3A_580 = tpu.memref_slice %arg3[%dma_wait3A_575, %mul3A_2, %dma_wait3A_579] : memref<26x16384x128xf32, #tpu.memory_space<hbm>> -> memref<1x32x128xf32, #tpu.memory_space<hbm>>
    %dma_wait3A_581 = tpu.memref_squeeze %dma_wait3A_580 : memref<1x32x128xf32, #tpu.memory_space<hbm>> -> memref<32x128xf32, #tpu.memory_space<hbm>>
    tpu.wait_dma2 semaphore(%arg49 : memref<!tpu.dma_semaphore, #tpu.memory_space<semaphore_mem>>) src(%arg17 : memref<32x128xf32, #tpu.memory_space<vmem>>) dst(%dma_wait3A_581 : memref<32x128xf32, #tpu.memory_space<hbm>>)
    %dma_wait3A_582 = arith.constant 0 : i32
    %dma_wait3A_583 = arith.constant 0 : i32
    %dma_wait3A_584 = tpu.memref_slice %arg3[%dma_wait3A_582, %mul3A_2, %dma_wait3A_583] : memref<26x16384x128xf32, #tpu.memory_space<hbm>> -> memref<1x32x128xf32, #tpu.memory_space<hbm>>
    %dma_wait3A_585 = tpu.memref_squeeze %dma_wait3A_584 : memref<1x32x128xf32, #tpu.memory_space<hbm>> -> memref<32x128xf32, #tpu.memory_space<hbm>>
    %dma_wait3A_586 = arith.constant 0 : i32
    %dma_wait3A_587 = tpu.memref_slice %arg3[%dma_wait3A_582, %mul3A_2, %dma_wait3A_586] : memref<26x16384x128xf32, #tpu.memory_space<hbm>> -> memref<1x32x128xf32, #tpu.memory_space<hbm>>
    %dma_wait3A_588 = tpu.memref_squeeze %dma_wait3A_587 : memref<1x32x128xf32, #tpu.memory_space<hbm>> -> memref<32x128xf32, #tpu.memory_space<hbm>>
    tpu.wait_dma2 semaphore(%arg50 : memref<!tpu.dma_semaphore, #tpu.memory_space<semaphore_mem>>) src(%arg18 : memref<32x128xf32, #tpu.memory_space<vmem>>) dst(%dma_wait3A_588 : memref<32x128xf32, #tpu.memory_space<hbm>>)
    %dma_wait3A_589 = arith.constant 0 : i32
    %dma_wait3A_590 = arith.constant 0 : i32
    %dma_wait3A_591 = tpu.memref_slice %arg3[%dma_wait3A_589, %mul3A_2, %dma_wait3A_590] : memref<26x16384x128xf32, #tpu.memory_space<hbm>> -> memref<1x32x128xf32, #tpu.memory_space<hbm>>
    %dma_wait3A_592 = tpu.memref_squeeze %dma_wait3A_591 : memref<1x32x128xf32, #tpu.memory_space<hbm>> -> memref<32x128xf32, #tpu.memory_space<hbm>>
    %dma_wait3A_593 = arith.constant 0 : i32
    %dma_wait3A_594 = tpu.memref_slice %arg3[%dma_wait3A_589, %mul3A_2, %dma_wait3A_593] : memref<26x16384x128xf32, #tpu.memory_space<hbm>> -> memref<1x32x128xf32, #tpu.memory_space<hbm>>
    %dma_wait3A_595 = tpu.memref_squeeze %dma_wait3A_594 : memref<1x32x128xf32, #tpu.memory_space<hbm>> -> memref<32x128xf32, #tpu.memory_space<hbm>>
    tpu.wait_dma2 semaphore(%arg51 : memref<!tpu.dma_semaphore, #tpu.memory_space<semaphore_mem>>) src(%arg19 : memref<32x128xf32, #tpu.memory_space<vmem>>) dst(%dma_wait3A_595 : memref<32x128xf32, #tpu.memory_space<hbm>>)
    %dma_wait3A_596 = arith.constant 0 : i32
    %dma_wait3A_597 = arith.constant 0 : i32
    %dma_wait3A_598 = tpu.memref_slice %arg3[%dma_wait3A_596, %mul3A_2, %dma_wait3A_597] : memref<26x16384x128xf32, #tpu.memory_space<hbm>> -> memref<1x32x128xf32, #tpu.memory_space<hbm>>
    %dma_wait3A_599 = tpu.memref_squeeze %dma_wait3A_598 : memref<1x32x128xf32, #tpu.memory_space<hbm>> -> memref<32x128xf32, #tpu.memory_space<hbm>>
    %dma_wait3A_600 = arith.constant 0 : i32
    %dma_wait3A_601 = tpu.memref_slice %arg3[%dma_wait3A_596, %mul3A_2, %dma_wait3A_600] : memref<26x16384x128xf32, #tpu.memory_space<hbm>> -> memref<1x32x128xf32, #tpu.memory_space<hbm>>
    %dma_wait3A_602 = tpu.memref_squeeze %dma_wait3A_601 : memref<1x32x128xf32, #tpu.memory_space<hbm>> -> memref<32x128xf32, #tpu.memory_space<hbm>>
    tpu.wait_dma2 semaphore(%arg52 : memref<!tpu.dma_semaphore, #tpu.memory_space<semaphore_mem>>) src(%arg20 : memref<32x128xf32, #tpu.memory_space<vmem>>) dst(%dma_wait3A_602 : memref<32x128xf32, #tpu.memory_space<hbm>>)
    return
  }
}

</mosaic_0001>

<sc_bundles>
// kernel: kernel.3.cloned.1.call-start
scs
__scs_entry_jumppad:
0x0: {  	(pc) =	sbr.rel $0x88, $3  }
0x1: {  	(tag) =	ssettag $0x0;
	lr =	simm.s32 $0x1  }
0x2: {  	[smem:$0x3FA0] =	sst lr;
	_ =	strace $0xD0000000  }
0x3: {  	_ = 	snop  }
0x4: {  	_ = 	snop  }
0x5: {  	_ = 	snop  }
0x6: {  	_ = 	snop  }
0x7: {  	_ = 	snop  }
__scs_overlays_trampoline_lowered:
0x8: {  	[smem:$0x3FAF] =	sst s0  }
0x9: {  	[smem:$0x3FB0] =	sst s1  }
0xa: {  	[smem:$0x3FB1] =	sst s2  }
0xb: {  	[smem:$0x3FB2] =	sst s3  }
0xc: {  	[smem:$0x3FB3] =	sst s4  }
0xd: {  	[smem:$0x3FB4] =	sst s5  }
0xe: {  	[smem:$0x3FB5] =	sst s6  }
0xf: {  	[smem:$0x3FB6] =	sst s7  }
0x10: {  	[smem:$0x3FB7] =	sst s8  }
0x11: {  	[smem:$0x3FB8] =	sst s9;
	s0 =	simm.s32 @!p0 $0x0  }
0x12: {  	s1 =	sld [smem:$0x3F9E];
	s0 =	simm.s32 @p0 $0x1  }
0x13: {  	[smem:$0x3FB9] =	sst s0;
	s0 =	simm.s32 @!p1 $0x0  }
0x14: {  	s2 =	sld [smem:$0x3F9D];
	s0 =	simm.s32 @p1 $0x1  }
0x15: {  	[smem:$0x3FBA] =	sst s0;
	s0 =	simm.s32 @!p2 $0x0  }
0x16: {  	s3 =	sld [smem:$0x3FDB];
	s0 =	simm.s32 @p2 $0x1  }
0x17: {  	s4 =	simm.s32 $0x1BF5;
	[smem:$0x3FBC] =	sst s0  }
0x18: {  	s0 =	sld [smem:$0x3F9F];
	_ =	swait.ge [sflag:s4], $0x0  }
0x19: {  	s7 =	sld [smem:$0x3FA0]  }
0x1a: {  	s8 =	sadd.s32 $0xFFFFE003, lr  }
0x1b: {  	s9 =	sadd.s32 $0xFFFFFEF7, lr;
	s5 =	simm.s32 $0xFFFFFFFF;
	p2 =	slt.u32 s8, $0xFFFFF086  }
0x1c: {  	p1 =	slt.u32 s9, $0xF7A;
	s5 =	simm.s32 @!p2 $0x0  }
0x1d: {  	s5 =	simm.s32 @p1 $0x1;
	p0 =	seq.s32 s7, s2  }
0x1e: {  	s7 =	smul.u32 @!p0 $0xF7A, s2;
	p2 =	seq.s32 @!p0 s5, $0x0  }
0x1f: {  	s9 =	smul.u32 $0xF7A, s1;
	s8 =	simm.s32 @!p0 $0x1BF5;
	p2 =	por !p2, p0  }
0x20: {  	[sflag:s8] =	ssyncset.s32 @!p0 $0xFFFFF086;
	s6 =	sadd.s32 @!p0 s3, s7;
	s7 =	simm.s32 @!p0 $0x108  }
0x21: {  	s3 =	sadd.s32 s3, s9;
	s6 =	sadd.s32 @!p0 $0x88, s6;
	s7 =	simm.s32 @p2 $0x1082  }
0x22: {  	[simem:s7], [sflag:s8] =	dma.local @!p0 [hbm:s6], $0xF7A  }
0x23: {  	s9 =	sor.u32 $0xD0000000, s2;
	s6 =	simm.s32 $0x108;
	_ =	swait.ge @!p0 [sflag:s8], $0x0  }
0x24: {  	s3 =	sadd.s32 $0x88, s3;
	s6 =	simm.s32 @!p1 $0x1082;
	[sflag:s4] =	ssyncset.s32 $0xFFFFF086  }
0x25: {  	[simem:s6], [sflag:s4] =	dma.local [hbm:s3], $0xF7A  }
0x26: {  	[smem:$0x3FA0] =	sst s1;
	(tag) =	ssettag s2;
	_ =	strace s9  }
0x27: {  	s1 =	sld [smem:$0x3FB0]  }
0x28: {  	s2 =	sld [smem:$0x3FB1]  }
0x29: {  	s4 =	sld [smem:$0x3FB3]  }
0x2a: {  	p0 =	seq.s32 s5, $0x0;
	s5 =	sld [smem:$0x3FB4]  }
0x2b: {  	s6 =	sld [smem:$0x3FB5]  }
0x2c: {  	s7 =	sld [smem:$0x3FB6]  }
0x2d: {  	s3 =	simm.s32 $0x108;
	s8 =	sld [smem:$0x3FB7]  }
0x2e: {  	s3 =	simm.s32 @!p0 $0x1082;
	s9 =	sld [smem:$0x3FB8]  }
0x2f: {  	lr =	sadd.s32 s0, s3;
	s0 =	sld [smem:$0x3FAF]  }
0x30: {  	s3 =	sld [smem:$0x3FB2]  }
0x31: {  	[smem:$0x3FBB] =	sst s10  }
0x32: {  	s10 =	sld [smem:$0x3FB9];
	_ =	sdelay $0x3  }
0x33: {  	p0 =	seq.s32 s10, $0x1;
	s10 =	sld [smem:$0x3FBB];
	_ =	sdelay $0x3  }
0x34: {  	[smem:$0x3FBB] =	sst s10  }
0x35: {  	s10 =	sld [smem:$0x3FBA];
	_ =	sdelay $0x3  }
0x36: {  	p1 =	seq.s32 s10, $0x1;
	s10 =	sld [smem:$0x3FBB];
	_ =	sdelay $0x3  }
0x37: {  	[smem:$0x3FBB] =	sst s10  }
0x38: {  	s10 =	sld [smem:$0x3FBC]  }
0x39: {  	_ = 	snop;
	(pc) =	sbr.ind lr, $3  }
0x3a: {  	_ = 	snop  }
0x3b: {  	_ = 	snop  }
0x3c: {  	p2 =	seq.s32 s10, $0x1;
	s10 =	sld [smem:$0x3FBB]  }
0x3d: {  	_ =	shalt  }
0x3e: {  	_ =	shalt  }
0x3f: {  	_ =	shalt  }
0x40: {  	_ =	shalt  }
0x41: {  	_ =	shalt  }
0x42: {  	_ =	shalt  }
0x43: {  	_ =	shalt  }
0x44: {  	_ =	shalt  }
0x45: {  	_ =	shalt  }
0x46: {  	_ =	shalt  }
0x47: {  	_ =	shalt  }
0x48: {  	_ =	shalt  }
0x49: {  	_ =	shalt  }
0x4a: {  	_ =	shalt  }
0x4b: {  	_ =	shalt  }
0x4c: {  	_ =	shalt  }
0x4d: {  	_ =	shalt  }
0x4e: {  	_ =	shalt  }
0x4f: {  	_ =	shalt  }
0x50: {  	_ =	shalt  }
0x51: {  	_ =	shalt  }
0x52: {  	_ =	shalt  }
0x53: {  	_ =	shalt  }
0x54: {  	_ =	shalt  }
0x55: {  	_ =	shalt  }
0x56: {  	_ =	shalt  }
0x57: {  	_ =	shalt  }
0x58: {  	_ =	shalt  }
0x59: {  	_ =	shalt  }
0x5a: {  	_ =	shalt  }
0x5b: {  	_ =	shalt  }
0x5c: {  	_ =	shalt  }
0x5d: {  	_ =	shalt  }
0x5e: {  	_ =	shalt  }
0x5f: {  	_ =	shalt  }
0x60: {  	_ =	shalt  }
0x61: {  	_ =	shalt  }
0x62: {  	_ =	shalt  }
0x63: {  	_ =	shalt  }
0x64: {  	_ =	shalt  }
0x65: {  	_ =	shalt  }
0x66: {  	_ =	shalt  }
0x67: {  	_ =	shalt  }
0x68: {  	_ =	shalt  }
0x69: {  	_ =	shalt  }
0x6a: {  	_ =	shalt  }
0x6b: {  	_ =	shalt  }
0x6c: {  	_ =	shalt  }
0x6d: {  	_ =	shalt  }
0x6e: {  	_ =	shalt  }
0x6f: {  	_ =	shalt  }
0x70: {  	_ =	shalt  }
0x71: {  	_ =	shalt  }
0x72: {  	_ =	shalt  }
0x73: {  	_ =	shalt  }
0x74: {  	_ =	shalt  }
0x75: {  	_ =	shalt  }
0x76: {  	_ =	shalt  }
0x77: {  	_ =	shalt  }
0x78: {  	_ =	shalt  }
0x79: {  	_ =	shalt  }
0x7a: {  	_ =	shalt  }
0x7b: {  	_ =	shalt  }
0x7c: {  	_ =	shalt  }
0x7d: {  	_ =	shalt  }
0x7e: {  	_ =	shalt  }
0x7f: {  	_ =	shalt  }
0x80: {  	_ =	shalt  }
0x81: {  	_ =	shalt  }
0x82: {  	_ =	shalt  }
0x83: {  	_ =	shalt  }
0x84: {  	_ =	shalt  }
0x85: {  	_ =	shalt  }
0x86: {  	_ =	shalt  }
0x87: {  	_ =	shalt  }
.Lfunc_end0:
.L_simem_size_0:
called_computation_lowered:
.L_overlay_start_0:
0x88: {  	s2 =	sld [smem:$0x3FD9]  }
0x89: {  	s3 =	sld [smem:$0x3FFE];
	_ =	sdelay $0x1  }
0x8a: {  	s1 =	srdreg.scid  }
0x8b: {  	s0 =	sand.u32 $0x1, s1  }
0x8c: {  	s18 =	sshll.u32 s0, $0xA;
	s2 =	sadd.s32 s3, s2  }
0x8d: {  	s2 =	sadd.s32 s2, s18  }
0x8e: {  	[smem:$0x3FC7] =	sst s2  }
0x8f: {  	_ = 	snop  }
0x90: {  	s2 =	sld [smem:$0x3FC9]  }
0x91: {  	s19 =	sld [smem:$0x3FD0];
	(tm) =	ssettm $0x1  }
0x92: {  	s4 =	sld [smem:$0x3FFB];
	_ =	sdelay $0x3  }
0x93: {  	_ =	strace s4  }
0x94: {  	s4 =	sld [smem:$0x3FFC];
	_ =	sdelay $0x3  }
0x95: {  	_ =	strace s4  }
0x96: {  	s4 =	sld [smem:$0x3FFD];
	_ =	sdelay $0x3  }
0x97: {  	_ =	strace s4  }
0x98: {  	_ =	strace $0x8FFFFFFF  }
0x99: {  	s20 =	sld [smem:$0x3FDB];
	_ =	sdelay $0x1  }
0x9a: {  	s5 =	simm.s32 $_scs_section_size  }
0x9b: {  	s6 =	simm.s32 $_size__tile_overlayer_lowered;
	s7 =	simm.s32 $_tile_overlayer_lowered  }
0x9c: {  	s23 =	simm.s32 $0x1BFF;
	s22 =	sshll.u32 s7, $0x1;
	s4 =	sadd.s32 s5, s20  }
0x9d: {  	s8 =	simm.s32 $0x0;
	s21 =	sshll.u32 s6, $0x1;
	s6 =	sadd.s32 s22, s4  }
0x9e: {  	[timem:s8], [sflag:s23] =	dma.local [hbm:s6], s21  }
0x9f: {  	_ =	swait.ge [sflag:s23], s21  }
0xa0: {  	s5 =	ssub.s32 $0x0, s21;
	[sflag:s23] =	ssyncset.done $0x0  }
0xa1: {  	[sflag:s23] =	ssyncadd.s32 s5;
	_ =	sdelay $0x1  }
0xa2: {  	s24 =	simm.s32 $0x1B8B  }
0xa3: {  	_ =	swait.ge [sflag:s24], $0x1  }
0xa4: {  	[sflag:s24] =	ssyncset.done $0x0  }
0xa5: {  	s25 =	simm.s32 $0x1B8E;
	[sflag:s24] =	ssyncadd.s32 $0xFFFFFFFF  }
0xa6: {  	s26 =	simm.s32 $execute0_lowered;
	[smem:$0x3FD2] =	sst s25  }
0xa7: {  	s5 =	sshll.u32 s26, $0x1;
	_ =	strace $0x80000046;
	[dreg:$0x1] =	wrdreg $0xFFFFFFFF  }
0xa8: {  	s28 =	simm.s32 $_size_execute0_lowered;
	s4 =	sadd.s32 s4, s5;
	[dreg:$0x0] =	wrdreg $0x0  }
0xa9: {  	s5 =	sshll.u32 s28, $0x1;
	[dreg:$0x2] =	wrdreg s4  }
0xaa: {  	[dreg:$0x3] =	wrdreg s5  }
0xab: {  	[dreg:$0x4] =	wrdreg $0xC0  }
0xac: {  	_ =	task [dreg:s8], $0x5FFFF  }
0xad: {  	[dreg:$0x1] =	wrdreg $0xFFFFFFFF  }
0xae: {  	[dreg:$0x0] =	wrdreg $0x60  }
0xaf: {  	[dreg:$0x2] =	wrdreg s2  }
0xb0: {  	[dreg:$0x3] =	wrdreg s19  }
0xb1: {  	[dreg:$0x4] =	wrdreg $0x9  }
0xb2: {  	_ =	task.clear_ibuf [dreg:s8], $0x5FFFF;
	_ =	strace $0x90000046  }
0xb3: {  	s29 =	simm.s32 $0x9;
	_ =	strace $0x80000048  }
0xb4: {  	_ =	swait.ge [sflag:s29], $0x1  }
0xb5: {  	[sflag:s29] =	ssyncadd.s32 $0xFFFFFFFF  }
0xb6: {  	_ =	strace $0x90000048  }
0xb7: {  	_ =	sfence  }
0xb8: {  	s30 =	sld [smem:$0x0];
	_ =	sdelay $0x2  }
0xb9: {  	s31 =	sshll.u32 s1, $0xD;
	s1 =	sshrl.u32 s1, $0x2  }
0xba: {  	s3 =	sand.u32 $0x4000, s31;
	s1 =	sadd.s32 s1, s30  }
0xbb: {  	s0 =	sor.u32 s3, s0;
	s1 =	sshll.u32 s1, $0x11  }
0xbc: {  	s0 =	sor.u32 s1, s0  }
0xbd: {  	s0 =	sadd.s32 $0x8F2B, s0  }
0xbe: {  	[sflag:s0] =	ssyncadd.remote.s32 $0x1  }
0xbf: {  	_ =	sfence.sel $0xFFFF  }
0xc0: {  	[dreg:$0x0] =	wrdreg $0xFFFFFFFF;
	(pc) =	sbr.abs _section_cstart, $3  }
0xc1: {  	[dreg:$0x1] =	wrdreg $0xFFFFFFFF  }
0xc2: {  	_ =	task.clear_ibuf [dreg:s8], $0x2FFFF;
	_ =	strace $0x9FFFFFFF  }
0xc3: {  	(tm) =	ssettm $0x7FFFFFFF  }
tec
execute0_lowered:
.L_overlay_start_1:
0x0: {  	(tag) =	ssettag $0x1  }
0x1: {  	s0 =	rddreg [dreg:$0x0];
	s1 =	srdreg.scid  }
0x2: {  	s4 =	rddreg [dreg:$0x1];
	s7 =	stileid.u32  }
0x3: {  	s2 =	simm.s32 $0x0;
	s1 =	sand.u32 $0x1, s1;
	s3 =	sshll.u32 s7, $0xA  }
0x4: {  	s19 =	sshll.u32 s7, $0xE;
	s5 =	sshll.u32 s1, $0x9;
	s6 =	ssub.s32 $0x2, s1  }
0x5: {  	s4 =	sadd.s32 s19, s4;
	s1 =	sshll.u32 s1, $0xD;
	s3 =	sor.u32 s5, s3  }
0x6: {  	[smem:$0x7FF] =	sst s2;
	s1 =	sadd.s32 s1, s4;
	s3 =	sadd.s32 s0, s3  }
0x7: {  	_ =	strace $0x80000047;
	[dreg:$0x3] =	wrdreg s1;
	s28 =	sadd.s32 $0x10, s3  }
0x8: {  	s29 =	sadd.s32 $0x20, s3;
	[dreg:$0x4] =	wrdreg s28  }
0x9: {  	s25 =	sshrl.u32 s6, $0x1;
	s30 =	sadd.s32 $0x30, s3;
	[dreg:$0x5] =	wrdreg s29  }
0xa: {  	s26 =	ssub.s32 s6, s25;
	s6 =	sadd.s32 $0x40, s3;
	[dreg:$0x6] =	wrdreg s30  }
0xb: {  	s8 =	sadd.s32 $0x50, s3;
	[dreg:$0x7] =	wrdreg s6  }
0xc: {  	s9 =	sadd.s32 $0x60, s3;
	[dreg:$0x8] =	wrdreg s8  }
0xd: {  	s10 =	sadd.s32 $0x70, s3;
	[dreg:$0x9] =	wrdreg s9  }
0xe: {  	s11 =	sadd.s32 $0x4000, s3;
	[dreg:$0xa] =	wrdreg s10  }
0xf: {  	s12 =	sadd.s32 $0x4010, s3;
	[dreg:$0xb] =	wrdreg s11  }
0x10: {  	s13 =	sadd.s32 $0x4020, s3;
	[dreg:$0xc] =	wrdreg s12  }
0x11: {  	s14 =	sadd.s32 $0x4030, s3;
	[dreg:$0xd] =	wrdreg s13  }
0x12: {  	s15 =	sadd.s32 $0x4040, s3;
	[dreg:$0xe] =	wrdreg s14  }
0x13: {  	s16 =	sadd.s32 $0x4050, s3;
	[dreg:$0xf] =	wrdreg s15  }
0x14: {  	s17 =	sadd.s32 $0x4060, s3;
	[dreg:$0x10] =	wrdreg s16  }
0x15: {  	s18 =	sadd.s32 $0x4070, s3;
	[dreg:$0x11] =	wrdreg s17  }
0x16: {  	s20 =	sadd.s32 $0x8000, s3;
	[dreg:$0x12] =	wrdreg s18  }
0x17: {  	s21 =	sadd.s32 $0x8010, s3;
	[dreg:$0x13] =	wrdreg s20  }
0x18: {  	s22 =	sadd.s32 $0x8020, s3;
	[dreg:$0x14] =	wrdreg s21  }
0x19: {  	s23 =	sadd.s32 $0x8030, s3;
	[dreg:$0x15] =	wrdreg s22  }
0x1a: {  	s31 =	simm.s32 $0x80;
	s24 =	sadd.s32 $0x8040, s3;
	[dreg:$0x16] =	wrdreg s23  }
0x1b: {  	s7 =	simm.s32 $0x7400;
	s25 =	sadd.s32 $0x8050, s3;
	[dreg:$0x17] =	wrdreg s24  }
0x1c: {  	s19 =	simm.s32 $0x11;
	s0 =	smax.u32 s26, $0x1;
	[dreg:$0x18] =	wrdreg s25  }
0x1d: {  	s4 =	simm.s32 $0x4400;
	s26 =	sadd.s32 $0x8060, s3;
	[dreg:$0x19] =	wrdreg s0  }
0x1e: {  	s5 =	simm.s32 $0x5400;
	s1 =	simm.s32 $0x3400;
	[dreg:$0x1a] =	wrdreg s26  }
0x1f: {  	s28 =	sadd.s32 $0x8070, s3;
	s29 =	sadd.s32 $0xC000, s3;
	s30 =	sadd.s32 $0xC010, s3  }
0x20: {  	s0 =	simm.s32 $0x400;
	s6 =	simm.s32 $0x6400;
	s8 =	simm.s32 $0x8400  }
0x21: {  	s9 =	simm.s32 $0x9400;
	s10 =	simm.s32 $0xA400;
	s11 =	simm.s32 $0xB400  }
0x22: {  	s12 =	simm.s32 $0xC400;
	s13 =	simm.s32 $0xD400;
	s14 =	simm.s32 $0xE400  }
0x23: {  	v0 =	vlaneseq.u32;
	s15 =	simm.s32 $0xF400;
	s16 =	simm.s32 $0x10400;
	s17 =	simm.s32 $0x11400  }
0x24: {  	v1 =	vmul.u32 $0x80, v0;
	s18 =	simm.s32 $0x12400;
	s22 =	simm.s32 $0xD;
	[dreg:$0x1b] =	wrdreg s28  }
0x25: {  	s23 =	simm.s32 $0xE;
	s24 =	simm.s32 $0xF;
	[dreg:$0x1c] =	wrdreg s29  }
0x26: {  	v2 =	vimm.f32 $0.0e+00;
	v3 =	vimm.f32 $1.000000000e+00;
	v4 =	vor.u32 $0x800, v1;
	s25 =	simm.s32 $0x10;
	s26 =	simm.s32 $0x0;
	[dreg:$0x1d] =	wrdreg s30  }
.LBB2_1:
0x27: {  	[tilespmem:s2], [sflag:$0x11] =	stream.strided.gather [hbm4b:s3+s31], $0x200, s0, s31, $0x38;
	[tilespmem:$0x13C00] =	vst v63  }
0x28: {  	s20 =	rddreg [dreg:$0x4];
	s21 =	simm.s32 $0x200  }
0x29: {  	[tilespmem:s21], [sflag:$0x11] =	stream.strided.gather [hbm4b:s20+s31], $0x200, s0, s31, $0x38;
	[tilespmem:$0x13C00] =	vst v63  }
0x2a: {  	s30 =	rddreg [dreg:$0x5]  }
0x2b: {  	[tilespmem:s0], [sflag:$0x11] =	stream.strided.gather [hbm4b:s30+s31], $0x200, s0, s31, $0x38;
	[tilespmem:$0x13C00] =	vst v63  }
0x2c: {  	s21 =	rddreg [dreg:$0x6];
	s30 =	simm.s32 $0x600  }
0x2d: {  	[tilespmem:s30], [sflag:$0x11] =	stream.strided.gather [hbm4b:s21+s31], $0x200, s0, s31, $0x38;
	[tilespmem:$0x13C00] =	vst v63  }
0x2e: {  	s21 =	rddreg [dreg:$0x7];
	s30 =	simm.s32 $0x800  }
0x2f: {  	[tilespmem:s30], [sflag:$0x11] =	stream.strided.gather [hbm4b:s21+s31], $0x200, s0, s31, $0x38;
	[tilespmem:$0x13C00] =	vst v63  }
0x30: {  	s21 =	rddreg [dreg:$0x8];
	s30 =	simm.s32 $0xA00  }
0x31: {  	[tilespmem:s30], [sflag:$0x11] =	stream.strided.gather [hbm4b:s21+s31], $0x200, s0, s31, $0x38;
	[tilespmem:$0x13C00] =	vst v63  }
0x32: {  	s21 =	rddreg [dreg:$0x9];
	s30 =	simm.s32 $0xC00  }
0x33: {  	[tilespmem:s30], [sflag:$0x11] =	stream.strided.gather [hbm4b:s21+s31], $0x200, s0, s31, $0x38;
	[tilespmem:$0x13C00] =	vst v63  }
0x34: {  	s21 =	rddreg [dreg:$0xa];
	s30 =	simm.s32 $0xE00  }
0x35: {  	[tilespmem:s30], [sflag:$0x11] =	stream.strided.gather [hbm4b:s21+s31], $0x200, s0, s31, $0x38;
	[tilespmem:$0x13C00] =	vst v63  }
0x36: {  	s21 =	rddreg [dreg:$0xb];
	s30 =	simm.s32 $0x1000  }
0x37: {  	[tilespmem:s30], [sflag:$0x11] =	stream.strided.gather [hbm4b:s21+s31], $0x200, s0, s31, $0x38;
	[tilespmem:$0x13C00] =	vst v63  }
0x38: {  	s21 =	rddreg [dreg:$0xc];
	s30 =	simm.s32 $0x1200  }
0x39: {  	[tilespmem:s30], [sflag:$0x11] =	stream.strided.gather [hbm4b:s21+s31], $0x200, s0, s31, $0x38;
	[tilespmem:$0x13C00] =	vst v63  }
0x3a: {  	s21 =	rddreg [dreg:$0xd];
	s30 =	simm.s32 $0x1400  }
0x3b: {  	[tilespmem:s30], [sflag:$0x11] =	stream.strided.gather [hbm4b:s21+s31], $0x200, s0, s31, $0x38;
	[tilespmem:$0x13C00] =	vst v63  }
0x3c: {  	s21 =	rddreg [dreg:$0xe];
	s30 =	simm.s32 $0x1600  }
0x3d: {  	[tilespmem:s30], [sflag:$0x11] =	stream.strided.gather [hbm4b:s21+s31], $0x200, s0, s31, $0x38;
	[tilespmem:$0x13C00] =	vst v63  }
0x3e: {  	s21 =	rddreg [dreg:$0xf];
	s30 =	simm.s32 $0x1800  }
0x3f: {  	[tilespmem:s30], [sflag:$0x11] =	stream.strided.gather [hbm4b:s21+s31], $0x200, s0, s31, $0x38;
	[tilespmem:$0x13C00] =	vst v63  }
0x40: {  	s21 =	rddreg [dreg:$0x10];
	s30 =	simm.s32 $0x1A00  }
0x41: {  	[tilespmem:s30], [sflag:$0x11] =	stream.strided.gather [hbm4b:s21+s31], $0x200, s0, s31, $0x38;
	[tilespmem:$0x13C00] =	vst v63  }
0x42: {  	s21 =	rddreg [dreg:$0x11];
	s30 =	simm.s32 $0x1C00  }
0x43: {  	[tilespmem:s30], [sflag:$0x11] =	stream.strided.gather [hbm4b:s21+s31], $0x200, s0, s31, $0x38;
	[tilespmem:$0x13C00] =	vst v63  }
0x44: {  	s21 =	rddreg [dreg:$0x12];
	s30 =	simm.s32 $0x1E00  }
0x45: {  	[tilespmem:s30], [sflag:$0x11] =	stream.strided.gather [hbm4b:s21+s31], $0x200, s0, s31, $0x38;
	[tilespmem:$0x13C00] =	vst v63  }
0x46: {  	s21 =	rddreg [dreg:$0x13];
	s30 =	simm.s32 $0x2000  }
0x47: {  	[tilespmem:s30], [sflag:$0x11] =	stream.strided.gather [hbm4b:s21+s31], $0x200, s0, s31, $0x38;
	[tilespmem:$0x13C00] =	vst v63  }
0x48: {  	s21 =	rddreg [dreg:$0x14];
	s30 =	simm.s32 $0x2200  }
0x49: {  	[tilespmem:s30], [sflag:$0x11] =	stream.strided.gather [hbm4b:s21+s31], $0x200, s0, s31, $0x38;
	[tilespmem:$0x13C00] =	vst v63  }
0x4a: {  	s21 =	rddreg [dreg:$0x15];
	s30 =	simm.s32 $0x2400  }
0x4b: {  	[tilespmem:s30], [sflag:$0x11] =	stream.strided.gather [hbm4b:s21+s31], $0x200, s0, s31, $0x38;
	[tilespmem:$0x13C00] =	vst v63  }
0x4c: {  	s21 =	rddreg [dreg:$0x16];
	s30 =	simm.s32 $0x2600  }
0x4d: {  	[tilespmem:s30], [sflag:$0x11] =	stream.strided.gather [hbm4b:s21+s31], $0x200, s0, s31, $0x38;
	[tilespmem:$0x13C00] =	vst v63  }
0x4e: {  	s28 =	simm.s32 $0x0;
	s21 =	rddreg [dreg:$0x17];
	s30 =	simm.s32 $0x2800  }
0x4f: {  	[tilespmem:s30], [sflag:$0x11] =	stream.strided.gather [hbm4b:s21+s31], $0x200, s0, s31, $0x38;
	[tilespmem:$0x13C00] =	vst v63  }
0x50: {  	s29 =	sand.u32 $0x70, s2;
	s21 =	rddreg [dreg:$0x18];
	s30 =	simm.s32 $0x2A00  }
0x51: {  	[tilespmem:s30], [sflag:$0x11] =	stream.strided.gather [hbm4b:s21+s31], $0x200, s0, s31, $0x38;
	[tilespmem:$0x13C00] =	vst v63  }
0x52: {  	s28 =	sand.u32 $0xFFFFFF80, s28;
	s21 =	rddreg [dreg:$0x1a];
	s30 =	simm.s32 $0x2C00  }
0x53: {  	[tilespmem:s30], [sflag:$0x11] =	stream.strided.gather [hbm4b:s21+s31], $0x200, s0, s31, $0x38;
	[tilespmem:$0x13C00] =	vst v63  }
0x54: {  	s28 =	sor.u32 s29, s28;
	s21 =	rddreg [dreg:$0x1b];
	s30 =	simm.s32 $0x2E00  }
0x55: {  	v5 =	vor.u32 s28, v0;
	[tilespmem:s30], [sflag:$0x11] =	stream.strided.gather [hbm4b:s21+s31], $0x200, s0, s31, $0x38;
	[tilespmem:$0x13C00] =	vst v63  }
0x56: {  	s21 =	rddreg [dreg:$0x1c];
	s30 =	simm.s32 $0x3000  }
0x57: {  	[tilespmem:s30], [sflag:$0x11] =	stream.strided.gather [hbm4b:s21+s31], $0x200, s0, s31, $0x38;
	[tilespmem:$0x13C00] =	vst v63  }
0x58: {  	s21 =	rddreg [dreg:$0x1d];
	s30 =	simm.s32 $0x3200  }
0x59: {  	[tilespmem:s30], [sflag:$0x11] =	stream.strided.gather [hbm4b:s21+s31], $0x200, s0, s31, $0x38;
	[tilespmem:$0x13C00] =	vst v63  }
0x5a: {  	[tilespmem:v5+s1+$0x0] =	vst.idx.msk $0xffff, v2  }
0x5b: {  	[tilespmem:v5+s4+$0x0] =	vst.idx.msk $0xffff, v2  }
0x5c: {  	[tilespmem:v5+s5+$0x0] =	vst.idx.msk $0xffff, v2  }
0x5d: {  	[tilespmem:v5+s6+$0x0] =	vst.idx.msk $0xffff, v2  }
0x5e: {  	[tilespmem:v5+s7+$0x0] =	vst.idx.msk $0xffff, v2  }
0x5f: {  	[tilespmem:v5+s8+$0x0] =	vst.idx.msk $0xffff, v2  }
0x60: {  	[tilespmem:v5+s9+$0x0] =	vst.idx.msk $0xffff, v2  }
0x61: {  	s29 =	simm.s32 $0x1;
	s28 =	simm.s32 $0x0;
	[tilespmem:v5+s10+$0x0] =	vst.idx.msk $0xffff, v2  }
.LBB2_2:
0x62: {  	s20 =	smov.u32 s29  }
0x63: {  	s30 =	sshll.u32 s29, $0x4;
	[tilespmem:v5+s11+$0x0] =	vst.idx.msk $0xffff, v2;
	s28 =	sadd.s32 $0x10, s28;
	s20 =	sadd.s32 $0x1, s29  }
0x64: {  	p0 =	sne.s32 s29, $0xFF;
	s21 =	sand.u32 $0x70, s28;
	s30 =	sand.u32 $0xFFFFFF80, s30;
	[tilespmem:v5+s12+$0x0] =	vst.idx.msk $0xffff, v2  }
0x65: {  	s21 =	sor.u32 s21, s30;
	[tilespmem:v5+s13+$0x0] =	vst.idx.msk $0xffff, v2  }
0x66: {  	v6 =	vor.u32 s21, v0;
	[tilespmem:v5+s14+$0x0] =	vst.idx.msk $0xffff, v2  }
0x67: {  	[tilespmem:v5+s15+$0x0] =	vst.idx.msk $0xffff, v2  }
0x68: {  	[tilespmem:v5+s16+$0x0] =	vst.idx.msk $0xffff, v2  }
0x69: {  	[tilespmem:v5+s17+$0x0] =	vst.idx.msk $0xffff, v2  }
0x6a: {  	[tilespmem:v5+s18+$0x0] =	vst.idx.msk $0xffff, v2;
	v5 =	vmov v6  }
0x6b: {  	[tilespmem:v6+s1+$0x0] =	vst.idx.msk $0xffff, v2  }
0x6c: {  	[tilespmem:v6+s4+$0x0] =	vst.idx.msk $0xffff, v2  }
0x6d: {  	[tilespmem:v6+s5+$0x0] =	vst.idx.msk $0xffff, v2  }
.Ltmp0:
0x6e: {  	[tilespmem:v6+s6+$0x0] =	vst.idx.msk $0xffff, v2;
	(pc) =	sbr.rel @p0 .LBB2_2-.Ltmp0, $4  }
0x6f: {  	[tilespmem:v6+s7+$0x0] =	vst.idx.msk $0xffff, v2  }
0x70: {  	[tilespmem:v6+s8+$0x0] =	vst.idx.msk $0xffff, v2  }
0x71: {  	[tilespmem:v6+s9+$0x0] =	vst.idx.msk $0xffff, v2  }
0x72: {  	s29 =	smov.u32 s20;
	[tilespmem:v6+s10+$0x0] =	vst.idx.msk $0xffff, v2  }
0x73: {  	_ =	sdelay $0x3  }
0x74: {  	[tilespmem:v5+s11+$0x0] =	vst.idx.msk $0xffff, v2  }
0x75: {  	[tilespmem:v5+s12+$0x0] =	vst.idx.msk $0xffff, v2  }
0x76: {  	[tilespmem:v5+s13+$0x0] =	vst.idx.msk $0xffff, v2  }
0x77: {  	[tilespmem:v5+s14+$0x0] =	vst.idx.msk $0xffff, v2  }
0x78: {  	[tilespmem:v5+s15+$0x0] =	vst.idx.msk $0xffff, v2  }
0x79: {  	[tilespmem:v5+s16+$0x0] =	vst.idx.msk $0xffff, v2  }
0x7a: {  	[tilespmem:v5+s17+$0x0] =	vst.idx.msk $0xffff, v2  }
0x7b: {  	[tilespmem:v5+s18+$0x0] =	vst.idx.msk $0xffff, v2  }
0x7c: {  	_ =	swait.ge [sflag:s19], $0x200  }
0x7d: {  	[sflag:s19] =	ssyncset.done $0x0  }
0x7e: {  	[sflag:s19] =	ssyncadd.s32 $0xFFFFFE00  }
0x7f: {  	_ =	swait.ge [sflag:s19], $0x200  }
0x80: {  	[sflag:s19] =	ssyncset.done $0x0  }
0x81: {  	[sflag:s19] =	ssyncadd.s32 $0xFFFFFE00  }
0x82: {  	_ =	swait.ge [sflag:s19], $0x200  }
0x83: {  	[sflag:s19] =	ssyncset.done $0x0  }
0x84: {  	[sflag:s19] =	ssyncadd.s32 $0xFFFFFE00  }
0x85: {  	_ =	swait.ge [sflag:s19], $0x200  }
0x86: {  	[sflag:s19] =	ssyncset.done $0x0  }
0x87: {  	[sflag:s19] =	ssyncadd.s32 $0xFFFFFE00  }
0x88: {  	_ =	swait.ge [sflag:s19], $0x200  }
0x89: {  	[sflag:s19] =	ssyncset.done $0x0  }
0x8a: {  	[sflag:s19] =	ssyncadd.s32 $0xFFFFFE00  }
0x8b: {  	_ =	swait.ge [sflag:s19], $0x200  }
0x8c: {  	[sflag:s19] =	ssyncset.done $0x0  }
0x8d: {  	[sflag:s19] =	ssyncadd.s32 $0xFFFFFE00  }
0x8e: {  	_ =	swait.ge [sflag:s19], $0x200  }
0x8f: {  	[sflag:s19] =	ssyncset.done $0x0  }
0x90: {  	[sflag:s19] =	ssyncadd.s32 $0xFFFFFE00  }
0x91: {  	_ =	swait.ge [sflag:s19], $0x200  }
0x92: {  	[sflag:s19] =	ssyncset.done $0x0  }
0x93: {  	[sflag:s19] =	ssyncadd.s32 $0xFFFFFE00  }
0x94: {  	_ =	swait.ge [sflag:s19], $0x200  }
0x95: {  	[sflag:s19] =	ssyncset.done $0x0  }
0x96: {  	[sflag:s19] =	ssyncadd.s32 $0xFFFFFE00  }
0x97: {  	_ =	swait.ge [sflag:s19], $0x200  }
0x98: {  	[sflag:s19] =	ssyncset.done $0x0  }
0x99: {  	[sflag:s19] =	ssyncadd.s32 $0xFFFFFE00  }
0x9a: {  	_ =	swait.ge [sflag:s19], $0x200  }
0x9b: {  	[sflag:s19] =	ssyncset.done $0x0  }
0x9c: {  	[sflag:s19] =	ssyncadd.s32 $0xFFFFFE00  }
0x9d: {  	_ =	swait.ge [sflag:s19], $0x200  }
0x9e: {  	[sflag:s19] =	ssyncset.done $0x0  }
0x9f: {  	[sflag:s19] =	ssyncadd.s32 $0xFFFFFE00  }
0xa0: {  	_ =	swait.ge [sflag:s19], $0x200  }
0xa1: {  	[sflag:s19] =	ssyncset.done $0x0  }
0xa2: {  	[sflag:s19] =	ssyncadd.s32 $0xFFFFFE00  }
0xa3: {  	_ =	swait.ge [sflag:s19], $0x200  }
0xa4: {  	[sflag:s19] =	ssyncset.done $0x0  }
0xa5: {  	[sflag:s19] =	ssyncadd.s32 $0xFFFFFE00  }
0xa6: {  	_ =	swait.ge [sflag:s19], $0x200  }
0xa7: {  	[sflag:s19] =	ssyncset.done $0x0  }
0xa8: {  	[sflag:s19] =	ssyncadd.s32 $0xFFFFFE00  }
0xa9: {  	_ =	swait.ge [sflag:s19], $0x200  }
0xaa: {  	[sflag:s19] =	ssyncset.done $0x0  }
0xab: {  	[sflag:s19] =	ssyncadd.s32 $0xFFFFFE00  }
0xac: {  	_ =	swait.ge [sflag:s19], $0x200  }
0xad: {  	[sflag:s19] =	ssyncset.done $0x0  }
0xae: {  	[sflag:s19] =	ssyncadd.s32 $0xFFFFFE00  }
0xaf: {  	_ =	swait.ge [sflag:s19], $0x200  }
0xb0: {  	[sflag:s19] =	ssyncset.done $0x0  }
0xb1: {  	[sflag:s19] =	ssyncadd.s32 $0xFFFFFE00  }
0xb2: {  	_ =	swait.ge [sflag:s19], $0x200  }
0xb3: {  	[sflag:s19] =	ssyncset.done $0x0  }
0xb4: {  	[sflag:s19] =	ssyncadd.s32 $0xFFFFFE00  }
0xb5: {  	_ =	swait.ge [sflag:s19], $0x200  }
0xb6: {  	[sflag:s19] =	ssyncset.done $0x0  }
0xb7: {  	[sflag:s19] =	ssyncadd.s32 $0xFFFFFE00  }
0xb8: {  	_ =	swait.ge [sflag:s19], $0x200  }
0xb9: {  	[sflag:s19] =	ssyncset.done $0x0  }
0xba: {  	[sflag:s19] =	ssyncadd.s32 $0xFFFFFE00  }
0xbb: {  	_ =	swait.ge [sflag:s19], $0x200  }
0xbc: {  	[sflag:s19] =	ssyncset.done $0x0  }
0xbd: {  	[sflag:s19] =	ssyncadd.s32 $0xFFFFFE00  }
0xbe: {  	_ =	swait.ge [sflag:s19], $0x200  }
0xbf: {  	[sflag:s19] =	ssyncset.done $0x0  }
0xc0: {  	[sflag:s19] =	ssyncadd.s32 $0xFFFFFE00  }
0xc1: {  	_ =	swait.ge [sflag:s19], $0x200  }
0xc2: {  	[sflag:s19] =	ssyncset.done $0x0  }
0xc3: {  	[sflag:s19] =	ssyncadd.s32 $0xFFFFFE00  }
0xc4: {  	_ =	swait.ge [sflag:s19], $0x200  }
0xc5: {  	[sflag:s19] =	ssyncset.done $0x0  }
0xc6: {  	[sflag:s19] =	ssyncadd.s32 $0xFFFFFE00  }
0xc7: {  	_ =	swait.ge [sflag:s19], $0x200  }
0xc8: {  	[sflag:s19] =	ssyncset.done $0x0  }
0xc9: {  	s28 =	simm.s32 $0x0;
	s29 =	simm.s32 $0x100;
	[sflag:s19] =	ssyncadd.s32 $0xFFFFFE00  }
.LBB2_4:
0xca: {  	p0 =	seq.s32 s28, $0x0  }
0xcb: {  	s20 =	simm.s32 @!p0 $0x1  }
0xcc: {  	_ =	swait.ge @!p0 [sflag:s20], $0x1000  }
0xcd: {  	[sflag:s20] =	ssyncset.done @!p0 $0x0  }
0xce: {  	[sflag:s20] =	ssyncadd.s32 @!p0 $0xFFFFF000  }
0xcf: {  	v5 =	vld @!p0 [tilespmem:$0x13400];
	_ =	sdelay $0x1  }
0xd0: {  	v6 =	vlaneseq.u32 @!p0  }
0xd1: {  	v6 =	vmul.u32 @!p0 $0x80, v6;
	_ =	sdelay $0x1  }
0xd2: {  	v7 =	vadd.s32 @!p0 v6, v5;
	_ =	sdelay $0x3  }
0xd3: {  	s20 =	simm.s32 @!p0 $0x3400;
	v5 =	vimm.f32 @!p0 $0.0e+00  }
0xd4: {  	[tilespmem:v7+s20+$0x0] =	vst.idx.msk @!p0 $0xffff, v5  }
0xd5: {  	v8 =	vld @!p0 [tilespmem:$0x13410];
	_ =	sdelay $0x3  }
0xd6: {  	v7 =	vor.u32 @!p0 $0x800, v6  }
0xd7: {  	v8 =	vadd.s32 @!p0 v7, v8;
	_ =	sdelay $0x4  }
0xd8: {  	[tilespmem:v8+s20+$0x0] =	vst.idx.msk @!p0 $0xffff, v5  }
0xd9: {  	v8 =	vld [tilespmem:s29+$0xFFFFFF00];
	_ =	sdelay $0x4  }
0xda: {  	v8 =	vmul.f32 $1.270000000e+02, v8;
	_ =	sdelay $0x1  }
0xdb: {  	v8 =	vmax.f32 v8, $0.0e+00  }
0xdc: {  	v8 =	vmin.f32 v8, $1.270000000e+02  }
0xdd: {  	v8 =	vtrunc.f32 v8  }
0xde: {  	v8 =	vcvt.f32.s32 v8;
	_ =	sdelay $0x1  }
0xdf: {  	v9 =	vadd.s32 v1, v8;
	_ =	sdelay $0x3  }
0xe0: {  	[tilespmem:$0x13400] =	vst v8  }
0xe1: {  	[tilespmem:v9+s1+$0x0] =	vst.idx.msk $0xffff, v3  }
0xe2: {  	v8 =	vld [tilespmem:s29+$0xFFFFFF10];
	_ =	sdelay $0x4  }
0xe3: {  	v8 =	vmul.f32 $1.270000000e+02, v8;
	_ =	sdelay $0x1  }
0xe4: {  	v8 =	vmax.f32 v8, $0.0e+00  }
0xe5: {  	v8 =	vmin.f32 v8, $1.270000000e+02  }
0xe6: {  	v8 =	vtrunc.f32 v8  }
0xe7: {  	v8 =	vcvt.f32.s32 v8;
	_ =	sdelay $0x1  }
0xe8: {  	v35 =	vadd.s32 v4, v8;
	_ =	sdelay $0x3  }
0xe9: {  	s30 =	rddreg [dreg:$0x3];
	[tilespmem:$0x13410] =	vst v8  }
0xea: {  	s30 =	sadd.s32 s28, s30;
	s20 =	simm.s32 @!p0 $0x2;
	[tilespmem:v35+s1+$0x0] =	vst.idx.msk $0xffff, v3  }
0xeb: {  	[hbm4b:s30+s2] =	stream.linear.scatter [tilespmem:s1], [sflag:$0x1], $0x1000, $0x38;
	[tilespmem:$0x13C00] =	vst v63  }
0xec: {  	_ =	swait.ge @!p0 [sflag:s20], $0x1000  }
0xed: {  	[sflag:s20] =	ssyncset.done @!p0 $0x0  }
0xee: {  	[sflag:s20] =	ssyncadd.s32 @!p0 $0xFFFFF000  }
0xef: {  	v8 =	vld @!p0 [tilespmem:$0x13480];
	_ =	sdelay $0x4  }
0xf0: {  	v8 =	vadd.s32 @!p0 v6, v8;
	_ =	sdelay $0x3  }
0xf1: {  	s20 =	simm.s32 @!p0 $0x4400  }
0xf2: {  	[tilespmem:v8+s20+$0x0] =	vst.idx.msk @!p0 $0xffff, v5  }
0xf3: {  	v8 =	vld @!p0 [tilespmem:$0x13490];
	_ =	sdelay $0x4  }
0xf4: {  	v8 =	vadd.s32 @!p0 v7, v8;
	_ =	sdelay $0x4  }
0xf5: {  	[tilespmem:v8+s20+$0x0] =	vst.idx.msk @!p0 $0xffff, v5  }
0xf6: {  	v8 =	vld [tilespmem:s29+$0xFFFFFF20];
	_ =	sdelay $0x4  }
0xf7: {  	v8 =	vmul.f32 $1.270000000e+02, v8;
	_ =	sdelay $0x1  }
0xf8: {  	v8 =	vmax.f32 v8, $0.0e+00  }
0xf9: {  	v8 =	vmin.f32 v8, $1.270000000e+02  }
0xfa: {  	v8 =	vtrunc.f32 v8  }
0xfb: {  	v8 =	vcvt.f32.s32 v8;
	_ =	sdelay $0x1  }
0xfc: {  	v36 =	vadd.s32 v1, v8;
	_ =	sdelay $0x3  }
0xfd: {  	[tilespmem:$0x13480] =	vst v8  }
0xfe: {  	[tilespmem:v36+s4+$0x0] =	vst.idx.msk $0xffff, v3  }
0xff: {  	v8 =	vld [tilespmem:s29+$0xFFFFFF30];
	_ =	sdelay $0x4  }
0x100: {  	v8 =	vmul.f32 $1.270000000e+02, v8;
	_ =	sdelay $0x1  }
0x101: {  	v8 =	vmax.f32 v8, $0.0e+00  }
0x102: {  	v8 =	vmin.f32 v8, $1.270000000e+02  }
0x103: {  	v8 =	vtrunc.f32 v8  }
0x104: {  	v8 =	vcvt.f32.s32 v8;
	_ =	sdelay $0x1  }
0x105: {  	v37 =	vadd.s32 v4, v8;
	_ =	sdelay $0x3  }
0x106: {  	[tilespmem:$0x13490] =	vst v8  }
0x107: {  	s21 =	sadd.s32 $0x200, s30;
	s20 =	simm.s32 @!p0 $0x3;
	[tilespmem:v37+s4+$0x0] =	vst.idx.msk $0xffff, v3  }
0x108: {  	[hbm4b:s21+s2] =	stream.linear.scatter [tilespmem:s4], [sflag:$0x2], $0x1000, $0x38;
	[tilespmem:$0x13C00] =	vst v63  }
0x109: {  	_ =	swait.ge @!p0 [sflag:s20], $0x1000  }
0x10a: {  	[sflag:s20] =	ssyncset.done @!p0 $0x0  }
0x10b: {  	[sflag:s20] =	ssyncadd.s32 @!p0 $0xFFFFF000  }
0x10c: {  	v8 =	vld @!p0 [tilespmem:$0x13500];
	_ =	sdelay $0x4  }
0x10d: {  	v8 =	vadd.s32 @!p0 v6, v8;
	_ =	sdelay $0x3  }
0x10e: {  	s20 =	simm.s32 @!p0 $0x5400  }
0x10f: {  	[tilespmem:v8+s20+$0x0] =	vst.idx.msk @!p0 $0xffff, v5  }
0x110: {  	v8 =	vld @!p0 [tilespmem:$0x13510];
	_ =	sdelay $0x4  }
0x111: {  	v8 =	vadd.s32 @!p0 v7, v8;
	_ =	sdelay $0x4  }
0x112: {  	[tilespmem:v8+s20+$0x0] =	vst.idx.msk @!p0 $0xffff, v5  }
0x113: {  	v8 =	vld [tilespmem:s29+$0xFFFFFF40];
	_ =	sdelay $0x4  }
0x114: {  	v8 =	vmul.f32 $1.270000000e+02, v8;
	_ =	sdelay $0x1  }
0x115: {  	v8 =	vmax.f32 v8, $0.0e+00  }
0x116: {  	v8 =	vmin.f32 v8, $1.270000000e+02  }
0x117: {  	v8 =	vtrunc.f32 v8  }
0x118: {  	v8 =	vcvt.f32.s32 v8;
	_ =	sdelay $0x1  }
0x119: {  	v38 =	vadd.s32 v1, v8;
	_ =	sdelay $0x3  }
0x11a: {  	[tilespmem:$0x13500] =	vst v8  }
0x11b: {  	[tilespmem:v38+s5+$0x0] =	vst.idx.msk $0xffff, v3  }
0x11c: {  	v8 =	vld [tilespmem:s29+$0xFFFFFF50];
	_ =	sdelay $0x4  }
0x11d: {  	v8 =	vmul.f32 $1.270000000e+02, v8;
	_ =	sdelay $0x1  }
0x11e: {  	v8 =	vmax.f32 v8, $0.0e+00  }
0x11f: {  	v8 =	vmin.f32 v8, $1.270000000e+02  }
0x120: {  	v8 =	vtrunc.f32 v8  }
0x121: {  	v8 =	vcvt.f32.s32 v8;
	_ =	sdelay $0x1  }
0x122: {  	v39 =	vadd.s32 v4, v8;
	_ =	sdelay $0x3  }
0x123: {  	[tilespmem:$0x13510] =	vst v8  }
0x124: {  	s21 =	sadd.s32 $0x400, s30;
	s20 =	simm.s32 @!p0 $0x4;
	[tilespmem:v39+s5+$0x0] =	vst.idx.msk $0xffff, v3  }
0x125: {  	[hbm4b:s21+s2] =	stream.linear.scatter [tilespmem:s5], [sflag:$0x3], $0x1000, $0x38;
	[tilespmem:$0x13C00] =	vst v63  }
0x126: {  	_ =	swait.ge @!p0 [sflag:s20], $0x1000  }
0x127: {  	[sflag:s20] =	ssyncset.done @!p0 $0x0  }
0x128: {  	[sflag:s20] =	ssyncadd.s32 @!p0 $0xFFFFF000  }
0x129: {  	v8 =	vld @!p0 [tilespmem:$0x13580];
	_ =	sdelay $0x4  }
0x12a: {  	v8 =	vadd.s32 @!p0 v6, v8;
	_ =	sdelay $0x3  }
0x12b: {  	s20 =	simm.s32 @!p0 $0x6400  }
0x12c: {  	[tilespmem:v8+s20+$0x0] =	vst.idx.msk @!p0 $0xffff, v5  }
0x12d: {  	v8 =	vld @!p0 [tilespmem:$0x13590];
	_ =	sdelay $0x4  }
0x12e: {  	v8 =	vadd.s32 @!p0 v7, v8;
	_ =	sdelay $0x4  }
0x12f: {  	[tilespmem:v8+s20+$0x0] =	vst.idx.msk @!p0 $0xffff, v5  }
0x130: {  	v8 =	vld [tilespmem:s29+$0xFFFFFF60];
	_ =	sdelay $0x4  }
0x131: {  	v8 =	vmul.f32 $1.270000000e+02, v8;
	_ =	sdelay $0x1  }
0x132: {  	v8 =	vmax.f32 v8, $0.0e+00  }
0x133: {  	v8 =	vmin.f32 v8, $1.270000000e+02  }
0x134: {  	v8 =	vtrunc.f32 v8  }
0x135: {  	v8 =	vcvt.f32.s32 v8;
	_ =	sdelay $0x1  }
0x136: {  	v40 =	vadd.s32 v1, v8;
	_ =	sdelay $0x3  }
0x137: {  	[tilespmem:$0x13580] =	vst v8  }
0x138: {  	[tilespmem:v40+s6+$0x0] =	vst.idx.msk $0xffff, v3  }
0x139: {  	v8 =	vld [tilespmem:s29+$0xFFFFFF70];
	_ =	sdelay $0x4  }
0x13a: {  	v8 =	vmul.f32 $1.270000000e+02, v8;
	_ =	sdelay $0x1  }
0x13b: {  	v8 =	vmax.f32 v8, $0.0e+00  }
0x13c: {  	v8 =	vmin.f32 v8, $1.270000000e+02  }
0x13d: {  	v8 =	vtrunc.f32 v8  }
0x13e: {  	v8 =	vcvt.f32.s32 v8;
	_ =	sdelay $0x1  }
0x13f: {  	v41 =	vadd.s32 v4, v8;
	_ =	sdelay $0x3  }
0x140: {  	[tilespmem:$0x13590] =	vst v8  }
0x141: {  	s21 =	sadd.s32 $0x600, s30;
	s20 =	simm.s32 @!p0 $0x5;
	[tilespmem:v41+s6+$0x0] =	vst.idx.msk $0xffff, v3  }
0x142: {  	[hbm4b:s21+s2] =	stream.linear.scatter [tilespmem:s6], [sflag:$0x4], $0x1000, $0x38;
	[tilespmem:$0x13C00] =	vst v63  }
0x143: {  	_ =	swait.ge @!p0 [sflag:s20], $0x1000  }
0x144: {  	[sflag:s20] =	ssyncset.done @!p0 $0x0  }
0x145: {  	[sflag:s20] =	ssyncadd.s32 @!p0 $0xFFFFF000  }
0x146: {  	v8 =	vld @!p0 [tilespmem:$0x13600];
	_ =	sdelay $0x4  }
0x147: {  	v8 =	vadd.s32 @!p0 v6, v8;
	_ =	sdelay $0x3  }
0x148: {  	s20 =	simm.s32 @!p0 $0x7400  }
0x149: {  	[tilespmem:v8+s20+$0x0] =	vst.idx.msk @!p0 $0xffff, v5  }
0x14a: {  	v8 =	vld @!p0 [tilespmem:$0x13610];
	_ =	sdelay $0x4  }
0x14b: {  	v8 =	vadd.s32 @!p0 v7, v8;
	_ =	sdelay $0x4  }
0x14c: {  	[tilespmem:v8+s20+$0x0] =	vst.idx.msk @!p0 $0xffff, v5  }
0x14d: {  	v8 =	vld [tilespmem:s29+$0xFFFFFF80];
	_ =	sdelay $0x4  }
0x14e: {  	v8 =	vmul.f32 $1.270000000e+02, v8;
	_ =	sdelay $0x1  }
0x14f: {  	v8 =	vmax.f32 v8, $0.0e+00  }
0x150: {  	v8 =	vmin.f32 v8, $1.270000000e+02  }
0x151: {  	v8 =	vtrunc.f32 v8  }
0x152: {  	v8 =	vcvt.f32.s32 v8;
	_ =	sdelay $0x1  }
0x153: {  	v42 =	vadd.s32 v1, v8;
	_ =	sdelay $0x3  }
0x154: {  	[tilespmem:$0x13600] =	vst v8  }
0x155: {  	[tilespmem:v42+s7+$0x0] =	vst.idx.msk $0xffff, v3  }
0x156: {  	v8 =	vld [tilespmem:s29+$0xFFFFFF90];
	_ =	sdelay $0x4  }
0x157: {  	v8 =	vmul.f32 $1.270000000e+02, v8;
	_ =	sdelay $0x1  }
0x158: {  	v8 =	vmax.f32 v8, $0.0e+00  }
0x159: {  	v8 =	vmin.f32 v8, $1.270000000e+02  }
0x15a: {  	v8 =	vtrunc.f32 v8  }
0x15b: {  	v8 =	vcvt.f32.s32 v8;
	_ =	sdelay $0x1  }
0x15c: {  	v43 =	vadd.s32 v4, v8;
	_ =	sdelay $0x3  }
0x15d: {  	[tilespmem:$0x13610] =	vst v8  }
0x15e: {  	s21 =	sadd.s32 $0x800, s30;
	s20 =	simm.s32 @!p0 $0x6;
	[tilespmem:v43+s7+$0x0] =	vst.idx.msk $0xffff, v3  }
0x15f: {  	[hbm4b:s21+s2] =	stream.linear.scatter [tilespmem:s7], [sflag:$0x5], $0x1000, $0x38;
	[tilespmem:$0x13C00] =	vst v63  }
0x160: {  	_ =	swait.ge @!p0 [sflag:s20], $0x1000  }
0x161: {  	[sflag:s20] =	ssyncset.done @!p0 $0x0  }
0x162: {  	[sflag:s20] =	ssyncadd.s32 @!p0 $0xFFFFF000  }
0x163: {  	v8 =	vld @!p0 [tilespmem:$0x13680];
	_ =	sdelay $0x4  }
0x164: {  	v8 =	vadd.s32 @!p0 v6, v8;
	_ =	sdelay $0x3  }
0x165: {  	s20 =	simm.s32 @!p0 $0x8400  }
0x166: {  	[tilespmem:v8+s20+$0x0] =	vst.idx.msk @!p0 $0xffff, v5  }
0x167: {  	v8 =	vld @!p0 [tilespmem:$0x13690];
	_ =	sdelay $0x4  }
0x168: {  	v8 =	vadd.s32 @!p0 v7, v8;
	_ =	sdelay $0x4  }
0x169: {  	[tilespmem:v8+s20+$0x0] =	vst.idx.msk @!p0 $0xffff, v5  }
0x16a: {  	v8 =	vld [tilespmem:s29+$0xFFFFFFA0];
	_ =	sdelay $0x4  }
0x16b: {  	v8 =	vmul.f32 $1.270000000e+02, v8;
	_ =	sdelay $0x1  }
0x16c: {  	v8 =	vmax.f32 v8, $0.0e+00  }
0x16d: {  	v8 =	vmin.f32 v8, $1.270000000e+02  }
0x16e: {  	v8 =	vtrunc.f32 v8  }
0x16f: {  	v8 =	vcvt.f32.s32 v8;
	_ =	sdelay $0x1  }
0x170: {  	v44 =	vadd.s32 v1, v8;
	_ =	sdelay $0x3  }
0x171: {  	[tilespmem:$0x13680] =	vst v8  }
0x172: {  	[tilespmem:v44+s8+$0x0] =	vst.idx.msk $0xffff, v3  }
0x173: {  	v8 =	vld [tilespmem:s29+$0xFFFFFFB0];
	_ =	sdelay $0x4  }
0x174: {  	v8 =	vmul.f32 $1.270000000e+02, v8;
	_ =	sdelay $0x1  }
0x175: {  	v8 =	vmax.f32 v8, $0.0e+00  }
0x176: {  	v8 =	vmin.f32 v8, $1.270000000e+02  }
0x177: {  	v8 =	vtrunc.f32 v8  }
0x178: {  	v8 =	vcvt.f32.s32 v8;
	_ =	sdelay $0x1  }
0x179: {  	v45 =	vadd.s32 v4, v8;
	_ =	sdelay $0x3  }
0x17a: {  	[tilespmem:$0x13690] =	vst v8  }
0x17b: {  	s21 =	sadd.s32 $0xA00, s30;
	s20 =	simm.s32 @!p0 $0x7;
	[tilespmem:v45+s8+$0x0] =	vst.idx.msk $0xffff, v3  }
0x17c: {  	[hbm4b:s21+s2] =	stream.linear.scatter [tilespmem:s8], [sflag:$0x6], $0x1000, $0x38;
	[tilespmem:$0x13C00] =	vst v63  }
0x17d: {  	_ =	swait.ge @!p0 [sflag:s20], $0x1000  }
0x17e: {  	[sflag:s20] =	ssyncset.done @!p0 $0x0  }
0x17f: {  	[sflag:s20] =	ssyncadd.s32 @!p0 $0xFFFFF000  }
0x180: {  	v8 =	vld @!p0 [tilespmem:$0x13700];
	_ =	sdelay $0x4  }
0x181: {  	v8 =	vadd.s32 @!p0 v6, v8;
	_ =	sdelay $0x3  }
0x182: {  	s20 =	simm.s32 @!p0 $0x9400  }
0x183: {  	[tilespmem:v8+s20+$0x0] =	vst.idx.msk @!p0 $0xffff, v5  }
0x184: {  	v8 =	vld @!p0 [tilespmem:$0x13710];
	_ =	sdelay $0x4  }
0x185: {  	v8 =	vadd.s32 @!p0 v7, v8;
	_ =	sdelay $0x4  }
0x186: {  	[tilespmem:v8+s20+$0x0] =	vst.idx.msk @!p0 $0xffff, v5  }
0x187: {  	v8 =	vld [tilespmem:s29+$0xFFFFFFC0];
	_ =	sdelay $0x4  }
0x188: {  	v8 =	vmul.f32 $1.270000000e+02, v8;
	_ =	sdelay $0x1  }
0x189: {  	v8 =	vmax.f32 v8, $0.0e+00  }
0x18a: {  	v8 =	vmin.f32 v8, $1.270000000e+02  }
0x18b: {  	v8 =	vtrunc.f32 v8  }
0x18c: {  	v8 =	vcvt.f32.s32 v8;
	_ =	sdelay $0x1  }
0x18d: {  	v46 =	vadd.s32 v1, v8;
	_ =	sdelay $0x3  }
0x18e: {  	[tilespmem:$0x13700] =	vst v8  }
0x18f: {  	[tilespmem:v46+s9+$0x0] =	vst.idx.msk $0xffff, v3  }
0x190: {  	v8 =	vld [tilespmem:s29+$0xFFFFFFD0];
	_ =	sdelay $0x4  }
0x191: {  	v8 =	vmul.f32 $1.270000000e+02, v8;
	_ =	sdelay $0x1  }
0x192: {  	v8 =	vmax.f32 v8, $0.0e+00  }
0x193: {  	v8 =	vmin.f32 v8, $1.270000000e+02  }
0x194: {  	v8 =	vtrunc.f32 v8  }
0x195: {  	v8 =	vcvt.f32.s32 v8;
	_ =	sdelay $0x1  }
0x196: {  	v47 =	vadd.s32 v4, v8;
	_ =	sdelay $0x3  }
0x197: {  	[tilespmem:$0x13710] =	vst v8  }
0x198: {  	s21 =	sadd.s32 $0xC00, s30;
	s20 =	simm.s32 @!p0 $0x8;
	[tilespmem:v47+s9+$0x0] =	vst.idx.msk $0xffff, v3  }
0x199: {  	[hbm4b:s21+s2] =	stream.linear.scatter [tilespmem:s9], [sflag:$0x7], $0x1000, $0x38;
	[tilespmem:$0x13C00] =	vst v63  }
0x19a: {  	_ =	swait.ge @!p0 [sflag:s20], $0x1000  }
0x19b: {  	[sflag:s20] =	ssyncset.done @!p0 $0x0  }
0x19c: {  	[sflag:s20] =	ssyncadd.s32 @!p0 $0xFFFFF000  }
0x19d: {  	v8 =	vld @!p0 [tilespmem:$0x13780];
	_ =	sdelay $0x4  }
0x19e: {  	v8 =	vadd.s32 @!p0 v6, v8;
	_ =	sdelay $0x3  }
0x19f: {  	s20 =	simm.s32 @!p0 $0xA400  }
0x1a0: {  	[tilespmem:v8+s20+$0x0] =	vst.idx.msk @!p0 $0xffff, v5  }
0x1a1: {  	v8 =	vld @!p0 [tilespmem:$0x13790];
	_ =	sdelay $0x4  }
0x1a2: {  	v8 =	vadd.s32 @!p0 v7, v8;
	_ =	sdelay $0x4  }
0x1a3: {  	[tilespmem:v8+s20+$0x0] =	vst.idx.msk @!p0 $0xffff, v5  }
0x1a4: {  	v8 =	vld [tilespmem:s29+$0xFFFFFFE0];
	_ =	sdelay $0x4  }
0x1a5: {  	v8 =	vmul.f32 $1.270000000e+02, v8;
	_ =	sdelay $0x1  }
0x1a6: {  	v8 =	vmax.f32 v8, $0.0e+00  }
0x1a7: {  	v8 =	vmin.f32 v8, $1.270000000e+02  }
0x1a8: {  	v8 =	vtrunc.f32 v8  }
0x1a9: {  	v8 =	vcvt.f32.s32 v8;
	_ =	sdelay $0x1  }
0x1aa: {  	v48 =	vadd.s32 v1, v8;
	_ =	sdelay $0x3  }
0x1ab: {  	[tilespmem:$0x13780] =	vst v8  }
0x1ac: {  	[tilespmem:v48+s10+$0x0] =	vst.idx.msk $0xffff, v3  }
0x1ad: {  	v8 =	vld [tilespmem:s29+$0xFFFFFFF0];
	_ =	sdelay $0x4  }
0x1ae: {  	v8 =	vmul.f32 $1.270000000e+02, v8;
	_ =	sdelay $0x1  }
0x1af: {  	v8 =	vmax.f32 v8, $0.0e+00  }
0x1b0: {  	v8 =	vmin.f32 v8, $1.270000000e+02  }
0x1b1: {  	v8 =	vtrunc.f32 v8  }
0x1b2: {  	v8 =	vcvt.f32.s32 v8;
	_ =	sdelay $0x1  }
0x1b3: {  	v49 =	vadd.s32 v4, v8;
	_ =	sdelay $0x3  }
0x1b4: {  	[tilespmem:$0x13790] =	vst v8  }
0x1b5: {  	s21 =	sadd.s32 $0xE00, s30;
	s20 =	simm.s32 @!p0 $0x9;
	[tilespmem:v49+s10+$0x0] =	vst.idx.msk $0xffff, v3  }
0x1b6: {  	[hbm4b:s21+s2] =	stream.linear.scatter [tilespmem:s10], [sflag:$0x8], $0x1000, $0x38;
	[tilespmem:$0x13C00] =	vst v63  }
0x1b7: {  	_ =	swait.ge @!p0 [sflag:s20], $0x1000  }
0x1b8: {  	[sflag:s20] =	ssyncset.done @!p0 $0x0  }
0x1b9: {  	[sflag:s20] =	ssyncadd.s32 @!p0 $0xFFFFF000  }
0x1ba: {  	v8 =	vld @!p0 [tilespmem:$0x13800];
	_ =	sdelay $0x4  }
0x1bb: {  	v8 =	vadd.s32 @!p0 v6, v8;
	_ =	sdelay $0x3  }
0x1bc: {  	s20 =	simm.s32 @!p0 $0xB400  }
0x1bd: {  	[tilespmem:v8+s20+$0x0] =	vst.idx.msk @!p0 $0xffff, v5  }
0x1be: {  	v8 =	vld @!p0 [tilespmem:$0x13810];
	_ =	sdelay $0x4  }
0x1bf: {  	v8 =	vadd.s32 @!p0 v7, v8;
	_ =	sdelay $0x4  }
0x1c0: {  	[tilespmem:v8+s20+$0x0] =	vst.idx.msk @!p0 $0xffff, v5  }
0x1c1: {  	v8 =	vld [tilespmem:s29+$0x0];
	_ =	sdelay $0x4  }
0x1c2: {  	v8 =	vmul.f32 $1.270000000e+02, v8;
	_ =	sdelay $0x1  }
0x1c3: {  	v8 =	vmax.f32 v8, $0.0e+00  }
0x1c4: {  	v8 =	vmin.f32 v8, $1.270000000e+02  }
0x1c5: {  	v8 =	vtrunc.f32 v8  }
0x1c6: {  	v8 =	vcvt.f32.s32 v8;
	_ =	sdelay $0x1  }
0x1c7: {  	v50 =	vadd.s32 v1, v8;
	_ =	sdelay $0x3  }
0x1c8: {  	[tilespmem:$0x13800] =	vst v8  }
0x1c9: {  	[tilespmem:v50+s11+$0x0] =	vst.idx.msk $0xffff, v3  }
0x1ca: {  	v8 =	vld [tilespmem:s29+$0x10];
	_ =	sdelay $0x4  }
0x1cb: {  	v8 =	vmul.f32 $1.270000000e+02, v8;
	_ =	sdelay $0x1  }
0x1cc: {  	v8 =	vmax.f32 v8, $0.0e+00  }
0x1cd: {  	v8 =	vmin.f32 v8, $1.270000000e+02  }
0x1ce: {  	v8 =	vtrunc.f32 v8  }
0x1cf: {  	v8 =	vcvt.f32.s32 v8;
	_ =	sdelay $0x1  }
0x1d0: {  	v51 =	vadd.s32 v4, v8;
	_ =	sdelay $0x3  }
0x1d1: {  	[tilespmem:$0x13810] =	vst v8  }
0x1d2: {  	s21 =	sadd.s32 $0x1000, s30;
	s20 =	simm.s32 @!p0 $0xA;
	[tilespmem:v51+s11+$0x0] =	vst.idx.msk $0xffff, v3  }
0x1d3: {  	[hbm4b:s21+s2] =	stream.linear.scatter [tilespmem:s11], [sflag:$0x9], $0x1000, $0x38;
	[tilespmem:$0x13C00] =	vst v63  }
0x1d4: {  	_ =	swait.ge @!p0 [sflag:s20], $0x1000  }
0x1d5: {  	[sflag:s20] =	ssyncset.done @!p0 $0x0  }
0x1d6: {  	[sflag:s20] =	ssyncadd.s32 @!p0 $0xFFFFF000  }
0x1d7: {  	v8 =	vld @!p0 [tilespmem:$0x13880];
	_ =	sdelay $0x4  }
0x1d8: {  	v8 =	vadd.s32 @!p0 v6, v8;
	_ =	sdelay $0x3  }
0x1d9: {  	s20 =	simm.s32 @!p0 $0xC400  }
0x1da: {  	[tilespmem:v8+s20+$0x0] =	vst.idx.msk @!p0 $0xffff, v5  }
0x1db: {  	v8 =	vld @!p0 [tilespmem:$0x13890];
	_ =	sdelay $0x4  }
0x1dc: {  	v8 =	vadd.s32 @!p0 v7, v8;
	_ =	sdelay $0x4  }
0x1dd: {  	[tilespmem:v8+s20+$0x0] =	vst.idx.msk @!p0 $0xffff, v5  }
0x1de: {  	v8 =	vld [tilespmem:s29+$0x20];
	_ =	sdelay $0x4  }
0x1df: {  	v8 =	vmul.f32 $1.270000000e+02, v8;
	_ =	sdelay $0x1  }
0x1e0: {  	v8 =	vmax.f32 v8, $0.0e+00  }
0x1e1: {  	v8 =	vmin.f32 v8, $1.270000000e+02  }
0x1e2: {  	v8 =	vtrunc.f32 v8  }
0x1e3: {  	v8 =	vcvt.f32.s32 v8;
	_ =	sdelay $0x1  }
0x1e4: {  	v52 =	vadd.s32 v1, v8;
	_ =	sdelay $0x3  }
0x1e5: {  	[tilespmem:$0x13880] =	vst v8  }
0x1e6: {  	[tilespmem:v52+s12+$0x0] =	vst.idx.msk $0xffff, v3  }
0x1e7: {  	v8 =	vld [tilespmem:s29+$0x30];
	_ =	sdelay $0x4  }
0x1e8: {  	v8 =	vmul.f32 $1.270000000e+02, v8;
	_ =	sdelay $0x1  }
0x1e9: {  	v8 =	vmax.f32 v8, $0.0e+00  }
0x1ea: {  	v8 =	vmin.f32 v8, $1.270000000e+02  }
0x1eb: {  	v8 =	vtrunc.f32 v8  }
0x1ec: {  	v8 =	vcvt.f32.s32 v8;
	_ =	sdelay $0x1  }
0x1ed: {  	v53 =	vadd.s32 v4, v8;
	_ =	sdelay $0x3  }
0x1ee: {  	[tilespmem:$0x13890] =	vst v8  }
0x1ef: {  	s21 =	sadd.s32 $0x1200, s30;
	s20 =	simm.s32 @!p0 $0xB;
	[tilespmem:v53+s12+$0x0] =	vst.idx.msk $0xffff, v3  }
0x1f0: {  	[hbm4b:s21+s2] =	stream.linear.scatter [tilespmem:s12], [sflag:$0xA], $0x1000, $0x38;
	[tilespmem:$0x13C00] =	vst v63  }
0x1f1: {  	_ =	swait.ge @!p0 [sflag:s20], $0x1000  }
0x1f2: {  	[sflag:s20] =	ssyncset.done @!p0 $0x0  }
0x1f3: {  	[sflag:s20] =	ssyncadd.s32 @!p0 $0xFFFFF000  }
0x1f4: {  	v8 =	vld @!p0 [tilespmem:$0x13900];
	_ =	sdelay $0x4  }
0x1f5: {  	v8 =	vadd.s32 @!p0 v6, v8;
	_ =	sdelay $0x3  }
0x1f6: {  	s20 =	simm.s32 @!p0 $0xD400  }
0x1f7: {  	[tilespmem:v8+s20+$0x0] =	vst.idx.msk @!p0 $0xffff, v5  }
0x1f8: {  	v8 =	vld @!p0 [tilespmem:$0x13910];
	_ =	sdelay $0x4  }
0x1f9: {  	v8 =	vadd.s32 @!p0 v7, v8;
	_ =	sdelay $0x4  }
0x1fa: {  	[tilespmem:v8+s20+$0x0] =	vst.idx.msk @!p0 $0xffff, v5  }
0x1fb: {  	v8 =	vld [tilespmem:s29+$0x40];
	_ =	sdelay $0x4  }
0x1fc: {  	v8 =	vmul.f32 $1.270000000e+02, v8;
	_ =	sdelay $0x1  }
0x1fd: {  	v8 =	vmax.f32 v8, $0.0e+00  }
0x1fe: {  	v8 =	vmin.f32 v8, $1.270000000e+02  }
0x1ff: {  	v8 =	vtrunc.f32 v8  }
0x200: {  	v8 =	vcvt.f32.s32 v8;
	_ =	sdelay $0x1  }
0x201: {  	v54 =	vadd.s32 v1, v8;
	_ =	sdelay $0x3  }
0x202: {  	[tilespmem:$0x13900] =	vst v8  }
0x203: {  	[tilespmem:v54+s13+$0x0] =	vst.idx.msk $0xffff, v3  }
0x204: {  	v8 =	vld [tilespmem:s29+$0x50];
	_ =	sdelay $0x4  }
0x205: {  	v8 =	vmul.f32 $1.270000000e+02, v8;
	_ =	sdelay $0x1  }
0x206: {  	v8 =	vmax.f32 v8, $0.0e+00  }
0x207: {  	v8 =	vmin.f32 v8, $1.270000000e+02  }
0x208: {  	v8 =	vtrunc.f32 v8  }
0x209: {  	v8 =	vcvt.f32.s32 v8;
	_ =	sdelay $0x1  }
0x20a: {  	v55 =	vadd.s32 v4, v8;
	_ =	sdelay $0x3  }
0x20b: {  	[tilespmem:$0x13910] =	vst v8  }
0x20c: {  	s21 =	sadd.s32 $0x1400, s30;
	s20 =	simm.s32 @!p0 $0xC;
	[tilespmem:v55+s13+$0x0] =	vst.idx.msk $0xffff, v3  }
0x20d: {  	[hbm4b:s21+s2] =	stream.linear.scatter [tilespmem:s13], [sflag:$0xB], $0x1000, $0x38;
	[tilespmem:$0x13C00] =	vst v63  }
0x20e: {  	_ =	swait.ge @!p0 [sflag:s20], $0x1000  }
0x20f: {  	[sflag:s20] =	ssyncset.done @!p0 $0x0  }
0x210: {  	[sflag:s20] =	ssyncadd.s32 @!p0 $0xFFFFF000  }
0x211: {  	v8 =	vld @!p0 [tilespmem:$0x13980];
	_ =	sdelay $0x4  }
0x212: {  	v8 =	vadd.s32 @!p0 v6, v8;
	_ =	sdelay $0x3  }
0x213: {  	s20 =	simm.s32 @!p0 $0xE400  }
0x214: {  	[tilespmem:v8+s20+$0x0] =	vst.idx.msk @!p0 $0xffff, v5  }
0x215: {  	v8 =	vld @!p0 [tilespmem:$0x13990];
	_ =	sdelay $0x4  }
0x216: {  	v8 =	vadd.s32 @!p0 v7, v8;
	_ =	sdelay $0x4  }
0x217: {  	[tilespmem:v8+s20+$0x0] =	vst.idx.msk @!p0 $0xffff, v5  }
0x218: {  	v8 =	vld [tilespmem:s29+$0x60];
	_ =	sdelay $0x4  }
0x219: {  	v8 =	vmul.f32 $1.270000000e+02, v8;
	_ =	sdelay $0x1  }
0x21a: {  	v8 =	vmax.f32 v8, $0.0e+00  }
0x21b: {  	v8 =	vmin.f32 v8, $1.270000000e+02  }
0x21c: {  	v8 =	vtrunc.f32 v8  }
0x21d: {  	v8 =	vcvt.f32.s32 v8;
	_ =	sdelay $0x1  }
0x21e: {  	v56 =	vadd.s32 v1, v8;
	_ =	sdelay $0x3  }
0x21f: {  	[tilespmem:$0x13980] =	vst v8  }
0x220: {  	[tilespmem:v56+s14+$0x0] =	vst.idx.msk $0xffff, v3  }
0x221: {  	v8 =	vld [tilespmem:s29+$0x70];
	_ =	sdelay $0x4  }
0x222: {  	v8 =	vmul.f32 $1.270000000e+02, v8;
	_ =	sdelay $0x1  }
0x223: {  	v8 =	vmax.f32 v8, $0.0e+00  }
0x224: {  	v8 =	vmin.f32 v8, $1.270000000e+02  }
0x225: {  	v8 =	vtrunc.f32 v8  }
0x226: {  	v8 =	vcvt.f32.s32 v8;
	_ =	sdelay $0x1  }
0x227: {  	v57 =	vadd.s32 v4, v8;
	_ =	sdelay $0x3  }
0x228: {  	[tilespmem:$0x13990] =	vst v8  }
0x229: {  	s21 =	sadd.s32 $0x1600, s30;
	s20 =	simm.s32 @!p0 $0xD;
	[tilespmem:v57+s14+$0x0] =	vst.idx.msk $0xffff, v3  }
0x22a: {  	[hbm4b:s21+s2] =	stream.linear.scatter [tilespmem:s14], [sflag:$0xC], $0x1000, $0x38;
	[tilespmem:$0x13C00] =	vst v63  }
0x22b: {  	_ =	swait.ge @!p0 [sflag:s20], $0x1000  }
0x22c: {  	[sflag:s20] =	ssyncset.done @!p0 $0x0  }
0x22d: {  	[sflag:s20] =	ssyncadd.s32 @!p0 $0xFFFFF000  }
0x22e: {  	v8 =	vld @!p0 [tilespmem:$0x13A00];
	_ =	sdelay $0x4  }
0x22f: {  	v8 =	vadd.s32 @!p0 v6, v8;
	_ =	sdelay $0x3  }
0x230: {  	s20 =	simm.s32 @!p0 $0xF400  }
0x231: {  	[tilespmem:v8+s20+$0x0] =	vst.idx.msk @!p0 $0xffff, v5  }
0x232: {  	v8 =	vld @!p0 [tilespmem:$0x13A10];
	_ =	sdelay $0x4  }
0x233: {  	v8 =	vadd.s32 @!p0 v7, v8;
	_ =	sdelay $0x4  }
0x234: {  	[tilespmem:v8+s20+$0x0] =	vst.idx.msk @!p0 $0xffff, v5  }
0x235: {  	v8 =	vld [tilespmem:s29+$0x80];
	_ =	sdelay $0x4  }
0x236: {  	v8 =	vmul.f32 $1.270000000e+02, v8;
	_ =	sdelay $0x1  }
0x237: {  	v8 =	vmax.f32 v8, $0.0e+00  }
0x238: {  	v8 =	vmin.f32 v8, $1.270000000e+02  }
0x239: {  	v8 =	vtrunc.f32 v8  }
0x23a: {  	v8 =	vcvt.f32.s32 v8;
	_ =	sdelay $0x1  }
0x23b: {  	v58 =	vadd.s32 v1, v8;
	_ =	sdelay $0x3  }
0x23c: {  	[tilespmem:$0x13A00] =	vst v8  }
0x23d: {  	[tilespmem:v58+s15+$0x0] =	vst.idx.msk $0xffff, v3  }
0x23e: {  	v8 =	vld [tilespmem:s29+$0x90];
	_ =	sdelay $0x4  }
0x23f: {  	v8 =	vmul.f32 $1.270000000e+02, v8;
	_ =	sdelay $0x1  }
0x240: {  	v8 =	vmax.f32 v8, $0.0e+00  }
0x241: {  	v8 =	vmin.f32 v8, $1.270000000e+02  }
0x242: {  	v8 =	vtrunc.f32 v8  }
0x243: {  	v8 =	vcvt.f32.s32 v8;
	_ =	sdelay $0x1  }
0x244: {  	v59 =	vadd.s32 v4, v8;
	_ =	sdelay $0x3  }
0x245: {  	[tilespmem:$0x13A10] =	vst v8  }
0x246: {  	s21 =	sadd.s32 $0x1800, s30;
	s20 =	simm.s32 @!p0 $0xE;
	[tilespmem:v59+s15+$0x0] =	vst.idx.msk $0xffff, v3  }
0x247: {  	[hbm4b:s21+s2] =	stream.linear.scatter [tilespmem:s15], [sflag:$0xD], $0x1000, $0x38;
	[tilespmem:$0x13C00] =	vst v63  }
0x248: {  	_ =	swait.ge @!p0 [sflag:s20], $0x1000  }
0x249: {  	[sflag:s20] =	ssyncset.done @!p0 $0x0  }
0x24a: {  	[sflag:s20] =	ssyncadd.s32 @!p0 $0xFFFFF000  }
0x24b: {  	v8 =	vld @!p0 [tilespmem:$0x13A80];
	_ =	sdelay $0x4  }
0x24c: {  	v8 =	vadd.s32 @!p0 v6, v8;
	_ =	sdelay $0x3  }
0x24d: {  	s20 =	simm.s32 @!p0 $0x10400  }
0x24e: {  	[tilespmem:v8+s20+$0x0] =	vst.idx.msk @!p0 $0xffff, v5  }
0x24f: {  	v8 =	vld @!p0 [tilespmem:$0x13A90];
	_ =	sdelay $0x4  }
0x250: {  	v8 =	vadd.s32 @!p0 v7, v8;
	_ =	sdelay $0x4  }
0x251: {  	[tilespmem:v8+s20+$0x0] =	vst.idx.msk @!p0 $0xffff, v5  }
0x252: {  	v8 =	vld [tilespmem:s29+$0xA0];
	_ =	sdelay $0x4  }
0x253: {  	v8 =	vmul.f32 $1.270000000e+02, v8;
	_ =	sdelay $0x1  }
0x254: {  	v8 =	vmax.f32 v8, $0.0e+00  }
0x255: {  	v8 =	vmin.f32 v8, $1.270000000e+02  }
0x256: {  	v8 =	vtrunc.f32 v8  }
0x257: {  	v8 =	vcvt.f32.s32 v8;
	_ =	sdelay $0x1  }
0x258: {  	v60 =	vadd.s32 v1, v8;
	_ =	sdelay $0x3  }
0x259: {  	[tilespmem:$0x13A80] =	vst v8  }
0x25a: {  	[tilespmem:v60+s16+$0x0] =	vst.idx.msk $0xffff, v3  }
0x25b: {  	v8 =	vld [tilespmem:s29+$0xB0];
	_ =	sdelay $0x4  }
0x25c: {  	v8 =	vmul.f32 $1.270000000e+02, v8;
	_ =	sdelay $0x1  }
0x25d: {  	v8 =	vmax.f32 v8, $0.0e+00  }
0x25e: {  	v8 =	vmin.f32 v8, $1.270000000e+02  }
0x25f: {  	v8 =	vtrunc.f32 v8  }
0x260: {  	v8 =	vcvt.f32.s32 v8;
	_ =	sdelay $0x1  }
0x261: {  	v61 =	vadd.s32 v4, v8;
	_ =	sdelay $0x3  }
0x262: {  	[tilespmem:$0x13A90] =	vst v8  }
0x263: {  	s21 =	sadd.s32 $0x1A00, s30;
	s20 =	simm.s32 @!p0 $0xF;
	[tilespmem:v61+s16+$0x0] =	vst.idx.msk $0xffff, v3  }
0x264: {  	[hbm4b:s21+s2] =	stream.linear.scatter [tilespmem:s16], [sflag:$0xE], $0x1000, $0x38;
	[tilespmem:$0x13C00] =	vst v63  }
0x265: {  	_ =	swait.ge @!p0 [sflag:s20], $0x1000  }
0x266: {  	[sflag:s20] =	ssyncset.done @!p0 $0x0  }
0x267: {  	[sflag:s20] =	ssyncadd.s32 @!p0 $0xFFFFF000  }
0x268: {  	v8 =	vld @!p0 [tilespmem:$0x13B00];
	_ =	sdelay $0x4  }
0x269: {  	v8 =	vadd.s32 @!p0 v6, v8;
	_ =	sdelay $0x3  }
0x26a: {  	s20 =	simm.s32 @!p0 $0x11400  }
0x26b: {  	[tilespmem:v8+s20+$0x0] =	vst.idx.msk @!p0 $0xffff, v5  }
0x26c: {  	v8 =	vld @!p0 [tilespmem:$0x13B10];
	_ =	sdelay $0x4  }
0x26d: {  	v8 =	vadd.s32 @!p0 v7, v8;
	_ =	sdelay $0x4  }
0x26e: {  	[tilespmem:v8+s20+$0x0] =	vst.idx.msk @!p0 $0xffff, v5  }
0x26f: {  	v8 =	vld [tilespmem:s29+$0xC0];
	_ =	sdelay $0x4  }
0x270: {  	v8 =	vmul.f32 $1.270000000e+02, v8;
	_ =	sdelay $0x1  }
0x271: {  	v8 =	vmax.f32 v8, $0.0e+00  }
0x272: {  	v8 =	vmin.f32 v8, $1.270000000e+02  }
0x273: {  	v8 =	vtrunc.f32 v8  }
0x274: {  	v8 =	vcvt.f32.s32 v8;
	_ =	sdelay $0x1  }
0x275: {  	v62 =	vadd.s32 v1, v8;
	_ =	sdelay $0x3  }
0x276: {  	[tilespmem:$0x13B00] =	vst v8  }
0x277: {  	[tilespmem:v62+s17+$0x0] =	vst.idx.msk $0xffff, v3  }
0x278: {  	v8 =	vld [tilespmem:s29+$0xD0];
	_ =	sdelay $0x4  }
0x279: {  	v8 =	vmul.f32 $1.270000000e+02, v8;
	_ =	sdelay $0x1  }
0x27a: {  	v8 =	vmax.f32 v8, $0.0e+00  }
0x27b: {  	v8 =	vmin.f32 v8, $1.270000000e+02  }
0x27c: {  	v8 =	vtrunc.f32 v8  }
0x27d: {  	v8 =	vcvt.f32.s32 v8;
	_ =	sdelay $0x1  }
0x27e: {  	v63 =	vadd.s32 v4, v8;
	_ =	sdelay $0x3  }
0x27f: {  	[tilespmem:$0x13B10] =	vst v8  }
0x280: {  	s21 =	sadd.s32 $0x1C00, s30;
	s20 =	simm.s32 @!p0 $0x10;
	[tilespmem:v63+s17+$0x0] =	vst.idx.msk $0xffff, v3  }
0x281: {  	[hbm4b:s21+s2] =	stream.linear.scatter [tilespmem:s17], [sflag:$0xF], $0x1000, $0x38;
	[tilespmem:$0x13C00] =	vst v63  }
0x282: {  	_ =	swait.ge @!p0 [sflag:s20], $0x1000  }
0x283: {  	[sflag:s20] =	ssyncset.done @!p0 $0x0  }
0x284: {  	[sflag:s20] =	ssyncadd.s32 @!p0 $0xFFFFF000  }
0x285: {  	v8 =	vld @!p0 [tilespmem:$0x13B80];
	_ =	sdelay $0x4  }
0x286: {  	v6 =	vadd.s32 @!p0 v6, v8;
	_ =	sdelay $0x3  }
0x287: {  	s20 =	simm.s32 @!p0 $0x12400  }
0x288: {  	[tilespmem:v6+s20+$0x0] =	vst.idx.msk @!p0 $0xffff, v5  }
0x289: {  	v6 =	vld @!p0 [tilespmem:$0x13B90];
	_ =	sdelay $0x4  }
0x28a: {  	v6 =	vadd.s32 @!p0 v7, v6;
	_ =	sdelay $0x4  }
0x28b: {  	[tilespmem:v6+s20+$0x0] =	vst.idx.msk @!p0 $0xffff, v5  }
0x28c: {  	v5 =	vld [tilespmem:s29+$0xE0];
	_ =	sdelay $0x4  }
0x28d: {  	v5 =	vmul.f32 $1.270000000e+02, v5;
	_ =	sdelay $0x1  }
0x28e: {  	v5 =	vmax.f32 v5, $0.0e+00  }
0x28f: {  	v5 =	vmin.f32 v5, $1.270000000e+02  }
0x290: {  	v5 =	vtrunc.f32 v5  }
0x291: {  	v5 =	vcvt.f32.s32 v5;
	_ =	sdelay $0x1  }
0x292: {  	v6 =	vadd.s32 v1, v5;
	_ =	sdelay $0x3  }
0x293: {  	[tilespmem:$0x13B80] =	vst v5  }
0x294: {  	[tilespmem:v6+s18+$0x0] =	vst.idx.msk $0xffff, v3  }
0x295: {  	v5 =	vld [tilespmem:s29+$0xF0];
	_ =	sdelay $0x4  }
0x296: {  	v5 =	vmul.f32 $1.270000000e+02, v5;
	_ =	sdelay $0x1  }
0x297: {  	v5 =	vmax.f32 v5, $0.0e+00  }
0x298: {  	v5 =	vmin.f32 v5, $1.270000000e+02  }
0x299: {  	v5 =	vtrunc.f32 v5  }
0x29a: {  	v5 =	vcvt.f32.s32 v5;
	_ =	sdelay $0x1  }
0x29b: {  	s28 =	sadd.s32 $0x40000, s28;
	v6 =	vadd.s32 v4, v5  }
0x29c: {  	p0 =	sne.s32 s28, $0x680000  }
.Ltmp1:
0x29d: {  	_ = 	snop;
	(pc) =	sbr.rel @p0 .LBB2_4-.Ltmp1, $4  }
0x29e: {  	_ = 	snop  }
0x29f: {  	[tilespmem:$0x13B90] =	vst v5  }
0x2a0: {  	s30 =	sadd.s32 $0x1E00, s30;
	s29 =	sadd.s32 $0x200, s29;
	[tilespmem:v6+s18+$0x0] =	vst.idx.msk $0xffff, v3  }
0x2a1: {  	[hbm4b:s30+s2] =	stream.linear.scatter [tilespmem:s18], [sflag:$0x10], $0x1000, $0x38;
	[tilespmem:$0x13C00] =	vst v63  }
0x2a2: {  	s20 =	simm.s32 $0x1  }
0x2a3: {  	_ =	swait.ge [sflag:s20], $0x1000  }
0x2a4: {  	[sflag:s20] =	ssyncset.done $0x0  }
0x2a5: {  	s21 =	simm.s32 $0x2;
	[sflag:s20] =	ssyncadd.s32 $0xFFFFF000  }
0x2a6: {  	_ =	swait.ge [sflag:s21], $0x1000  }
0x2a7: {  	[sflag:s21] =	ssyncset.done $0x0  }
0x2a8: {  	s28 =	simm.s32 $0x3;
	[sflag:s21] =	ssyncadd.s32 $0xFFFFF000  }
0x2a9: {  	_ =	swait.ge [sflag:s28], $0x1000  }
0x2aa: {  	[sflag:s28] =	ssyncset.done $0x0  }
0x2ab: {  	s29 =	simm.s32 $0x4;
	[sflag:s28] =	ssyncadd.s32 $0xFFFFF000  }
0x2ac: {  	_ =	swait.ge [sflag:s29], $0x1000  }
0x2ad: {  	[sflag:s29] =	ssyncset.done $0x0  }
0x2ae: {  	s30 =	simm.s32 $0x5;
	[sflag:s29] =	ssyncadd.s32 $0xFFFFF000  }
0x2af: {  	_ =	swait.ge [sflag:s30], $0x1000  }
0x2b0: {  	[sflag:s30] =	ssyncset.done $0x0  }
0x2b1: {  	s21 =	simm.s32 $0x6;
	[sflag:s30] =	ssyncadd.s32 $0xFFFFF000  }
0x2b2: {  	_ =	swait.ge [sflag:s21], $0x1000  }
0x2b3: {  	[sflag:s21] =	ssyncset.done $0x0  }
0x2b4: {  	s28 =	simm.s32 $0x7;
	[sflag:s21] =	ssyncadd.s32 $0xFFFFF000  }
0x2b5: {  	_ =	swait.ge [sflag:s28], $0x1000  }
0x2b6: {  	[sflag:s28] =	ssyncset.done $0x0  }
0x2b7: {  	s29 =	simm.s32 $0x8;
	[sflag:s28] =	ssyncadd.s32 $0xFFFFF000  }
0x2b8: {  	_ =	swait.ge [sflag:s29], $0x1000  }
0x2b9: {  	[sflag:s29] =	ssyncset.done $0x0  }
0x2ba: {  	s30 =	simm.s32 $0x9;
	[sflag:s29] =	ssyncadd.s32 $0xFFFFF000  }
0x2bb: {  	_ =	swait.ge [sflag:s30], $0x1000  }
0x2bc: {  	[sflag:s30] =	ssyncset.done $0x0  }
0x2bd: {  	s21 =	simm.s32 $0xA;
	[sflag:s30] =	ssyncadd.s32 $0xFFFFF000  }
0x2be: {  	_ =	swait.ge [sflag:s21], $0x1000  }
0x2bf: {  	[sflag:s21] =	ssyncset.done $0x0  }
0x2c0: {  	s28 =	simm.s32 $0xB;
	[sflag:s21] =	ssyncadd.s32 $0xFFFFF000  }
0x2c1: {  	_ =	swait.ge [sflag:s28], $0x1000  }
0x2c2: {  	[sflag:s28] =	ssyncset.done $0x0  }
0x2c3: {  	s29 =	simm.s32 $0xC;
	[sflag:s28] =	ssyncadd.s32 $0xFFFFF000  }
0x2c4: {  	_ =	swait.ge [sflag:s29], $0x1000  }
0x2c5: {  	[sflag:s29] =	ssyncset.done $0x0  }
0x2c6: {  	[sflag:s29] =	ssyncadd.s32 $0xFFFFF000  }
0x2c7: {  	_ =	swait.ge [sflag:s22], $0x1000  }
0x2c8: {  	[sflag:s22] =	ssyncset.done $0x0  }
0x2c9: {  	[sflag:s22] =	ssyncadd.s32 $0xFFFFF000  }
0x2ca: {  	_ =	swait.ge [sflag:s23], $0x1000  }
0x2cb: {  	[sflag:s23] =	ssyncset.done $0x0  }
0x2cc: {  	[sflag:s23] =	ssyncadd.s32 $0xFFFFF000  }
0x2cd: {  	_ =	swait.ge [sflag:s24], $0x1000  }
0x2ce: {  	[sflag:s24] =	ssyncset.done $0x0  }
0x2cf: {  	[sflag:s24] =	ssyncadd.s32 $0xFFFFF000  }
0x2d0: {  	_ =	swait.ge [sflag:s25], $0x1000  }
0x2d1: {  	s26 =	sadd.s32 $0x1, s26;
	s30 =	rddreg [dreg:$0x19]  }
0x2d2: {  	p0 =	sne.s32 s26, s30  }
.Ltmp2:
0x2d3: {  	_ = 	snop;
	(pc) =	sbr.rel @p0 .LBB2_1-.Ltmp2, $3  }
0x2d4: {  	_ =	sdelay $0x1  }
0x2d5: {  	[sflag:s25] =	ssyncset.done $0x0  }
0x2d6: {  	[sflag:s25] =	ssyncadd.s32 $0xFFFFF000  }
0x2d7: {  	_ =	sfence.sel $0x180000  }
0x2d8: {  	[bflag:$0x0] =	sbarrier.arrive $0xFFFF  }
0x2d9: {  	_ =	strace $0x90000047  }
0x2da: {  	s0 =	stileid.u32;
	[bflag:$0x2] =	sbarrier.arrive $0xFFFF  }
0x2db: {  	p0 =	sne.s32 s0, $0x0;
	s0 =	rddreg [dreg:$0x2]  }
0x2dc: {  	s0 =	sadd.s32 @!p0 $0x100000, s0  }
0x2dd: {  	[sflag:s0] =	ssyncadd.tile.s32 @!p0 $0x1;
	_ =	shalt  }
.Lfunc_end2:
_tile_overlayer_lowered:
.L_overlay_start_2:
0x2de: {  	(tag) =	ssettag $0x2  }
0x2df: {  	s0 =	rddreg [dreg:$0x0];
	s2 =	stileid.u32  }
0x2e0: {  	s1 =	rddreg [dreg:$0x1];
	p0 =	sne.s32 s2, $0x0  }
0x2e1: {  	s3 =	rddreg [dreg:$0x2];
	[bflag:$0x3] =	sbarrier.arrive $0xFFFF;
	s2 =	simm.s32 @!p0 $0x1C12  }
0x2e2: {  	[timem:s3], [sflag:s2] =	dma.local @!p0 [hbm:s0], s1  }
0x2e3: {  	s0 =	simm.s32 @!p0 $0x12  }
0x2e4: {  	_ =	swait.ge @!p0 [sflag:s0], s1  }
0x2e5: {  	s1 =	ssub.s32 @!p0 $0x0, s1;
	[sflag:s0] =	ssyncset.done @!p0 $0x0  }
0x2e6: {  	[sflag:s0] =	ssyncadd.s32 @!p0 s1  }
0x2e7: {  	[bflag:$0x3] =	sbarrier.arrive $0xFFFF  }
0x2e8: {  	_ =	shalt  }

</sc_bundles>
